<compile_context>
chip_gen: v7x
topology: tpu7x:2x2x1
jax: 0.10.2.dev20260603
libtpu: 0.0.44.dev20260713+nightly
codegen_flags: <defaults>
</compile_context>

<pallas_src>
import jax
import jax.numpy as jnp
from jax import lax
from jax.experimental import pallas as pl
from jax.experimental.pallas import tpu as pltpu
from jax.experimental.pallas import tpu_sc as plsc

N = 10000
E = 320000
D = 128

NC, NS = 2, 16
NW = NC * NS
CHUNK = 128
NPAD = 10240
ROWS_PER_TILE = NPAD // NS

BLK = 2000
GRID = N // BLK



_MESH = plsc.VectorSubcoreMesh(core_axis_name="c", subcore_axis_name="s")


DH = D // 2


NBUF = 5
AHEAD = 2

C0 = 130
C1 = 30
C_FAST = max(C0, C1)
CH_TOTAL = NS * (C0 + C1)
E_PAD = CH_TOTAL * CHUNK
CPW_DEG = CH_TOTAL // NW


def _ring_pipeline(table, src_v, dst_v, rows, gsems, ssems, acc_sh, cpw_c):
    for b in range(AHEAD):
        pltpu.async_copy(table.at[src_v.at[b]], rows.at[b], gsems.at[b])

    def group(g, carry):
        j0 = g * NBUF
        for b in range(NBUF):
            j = j0 + b
            ja = j + AHEAD
            ba = (b + AHEAD) % NBUF
            pltpu.make_async_copy(table.at[src_v.at[j]], rows.at[b],
                                  gsems.at[b]).wait()
            pltpu.async_copy(rows.at[b], acc_sh.at[dst_v.at[j]],
                             ssems.at[b], add=True)

            @pl.when(ja < cpw_c)
            def _(ja=ja, ba=ba):
                @pl.when(ja >= NBUF)
                def _():
                    pltpu.make_async_copy(
                        rows.at[ba], acc_sh.at[dst_v.at[ja]],
                        ssems.at[ba]).wait()
                pltpu.async_copy(table.at[src_v.at[ja]], rows.at[ba],
                                 gsems.at[ba])
        return carry

    lax.fori_loop(0, cpw_c // NBUF, group, 0)
    for b in range(NBUF):
        pltpu.make_async_copy(rows.at[b], acc_sh.at[dst_v.at[0]],
                              ssems.at[b]).wait()


def _sc_aggregate_body(table, src2d, dst2d, zeros_h,
                       out, src_v, dst_v, rows, gsems, ssems, acc_sh):
    cid = lax.axis_index("c")
    sid = lax.axis_index("s")
    zbase = sid * ROWS_PER_TILE

    @pl.when(cid == 0)
    def _():
        pltpu.sync_copy(src2d.at[pl.ds(sid * C0, C0)],
                        src_v.at[pl.ds(0, C0)])
        pltpu.sync_copy(dst2d.at[pl.ds(sid * C0, C0)],
                        dst_v.at[pl.ds(0, C0)])

    @pl.when(cid == 1)
    def _():
        base = NS * C0 + sid * C1
        pltpu.sync_copy(src2d.at[pl.ds(base, C1)],
                        src_v.at[pl.ds(0, C1)])
        pltpu.sync_copy(dst2d.at[pl.ds(base, C1)],
                        dst_v.at[pl.ds(0, C1)])

    pltpu.sync_copy(zeros_h.at[pl.ds(zbase, ROWS_PER_TILE)],
                    acc_sh.at[pl.ds(zbase, ROWS_PER_TILE)])
    plsc.subcore_barrier()

    @pl.when(cid == 0)
    def _():
        _ring_pipeline(table, src_v, dst_v, rows, gsems, ssems, acc_sh, C0)

    @pl.when(cid == 1)
    def _():
        _ring_pipeline(table, src_v, dst_v, rows, gsems, ssems, acc_sh, C1)

    plsc.subcore_barrier()

    pltpu.sync_copy(acc_sh.at[pl.ds(zbase, ROWS_PER_TILE)],
                    out.at[cid, pl.ds(zbase, ROWS_PER_TILE)])


_sc_aggregate = pl.kernel(
    _sc_aggregate_body,
    jax.ShapeDtypeStruct((NC, NPAD, D), jnp.bfloat16),
    mesh=_MESH,
    scratch_types=[
        pltpu.VMEM((C_FAST, CHUNK), jnp.int32),
        pltpu.VMEM((C_FAST, CHUNK), jnp.int32),
        pltpu.VMEM((NBUF, CHUNK, D), jnp.bfloat16),
        pltpu.SemaphoreType.DMA((NBUF,)),
        pltpu.SemaphoreType.DMA((NBUF,)),
        pltpu.VMEM_SHARED((NPAD, D), jnp.bfloat16),
    ],
    compiler_params=pltpu.CompilerParams(use_tc_tiling_on_sc=False),
)


def _sc_degree_body(dst2d, zeros_8, ones_8,
                    deg_out, dst_v, ones_v, deg_sh):
    cid = lax.axis_index("c")
    sid = lax.axis_index("s")
    wid = sid * NC + cid

    zbase = sid * ROWS_PER_TILE
    pltpu.sync_copy(zeros_8.at[pl.ds(zbase, ROWS_PER_TILE)],
                    deg_sh.at[pl.ds(zbase, ROWS_PER_TILE)])
    pltpu.sync_copy(dst2d.at[pl.ds(wid * CPW_DEG, CPW_DEG)], dst_v)
    pltpu.sync_copy(ones_8, ones_v)
    plsc.subcore_barrier()

    def step(j, carry):
        pltpu.sync_copy(ones_v, deg_sh.at[dst_v.at[j]], add=True)
        return carry

    lax.fori_loop(0, CPW_DEG, step, 0)
    plsc.subcore_barrier()

    pltpu.sync_copy(deg_sh.at[pl.ds(zbase, ROWS_PER_TILE)],
                    deg_out.at[cid, pl.ds(zbase, ROWS_PER_TILE)])


_sc_degree = pl.kernel(
    _sc_degree_body,
    jax.ShapeDtypeStruct((NC, NPAD, 16), jnp.float32),
    mesh=_MESH,
    scratch_types=[
        pltpu.VMEM((CPW_DEG, CHUNK), jnp.int32),
        pltpu.VMEM((CHUNK, 16), jnp.float32),
        pltpu.VMEM_SHARED((NPAD, 16), jnp.float32),
    ],
    compiler_params=pltpu.CompilerParams(use_tc_tiling_on_sc=False),
)



def _tc_prep_body(x_ref, wl_ref, wr_ref, b_ref, tl_ref, tr_ref):
    h = x_ref[...]
    tl_ref[...] = jnp.dot(h, wl_ref[...],
                          preferred_element_type=jnp.float32
                          ).astype(jnp.bfloat16)
    tr_ref[...] = (jnp.dot(h, wr_ref[...], preferred_element_type=jnp.float32)
                   + b_ref[...])


_W_SPEC = pl.BlockSpec((D, D), lambda i: (0, 0))
_B_SPEC = pl.BlockSpec((1, D), lambda i: (0, 0))
_H_SPEC = pl.BlockSpec((BLK, D), lambda i: (i, 0))
_AGG_SPEC = pl.BlockSpec((NC, BLK, D), lambda i: (0, i, 0))
_DEG_SPEC = pl.BlockSpec((NC, BLK, 16), lambda i: (0, i, 0))

_TL_SHAPE = jax.ShapeDtypeStruct((N, D), jnp.bfloat16)

_tc_prep = pl.pallas_call(
    _tc_prep_body,
    grid=(GRID,),
    in_specs=[_H_SPEC, _W_SPEC, _W_SPEC, _B_SPEC],
    out_specs=[_H_SPEC, _H_SPEC],
    out_shape=[_TL_SHAPE, jax.ShapeDtypeStruct((N, D), jnp.float32)],
)


def _mean_plus_tr(agg_ref, deg_ref, tr_ref):
    dsum = deg_ref[0] + deg_ref[1]
    inv = 1.0 / jnp.maximum(dsum[:, 0:1], 1.0)
    aggr = (agg_ref[0].astype(jnp.float32)
            + agg_ref[1].astype(jnp.float32))
    return aggr * inv + tr_ref[...]


def _tc_combine_body(agg_ref, deg_ref, tr_ref, wl_ref, wr_ref, b_ref,
                     tl_ref, tr_o):
    h = jnp.maximum(_mean_plus_tr(agg_ref, deg_ref, tr_ref), 0.0)
    tl_ref[...] = jnp.dot(h, wl_ref[...],
                          preferred_element_type=jnp.float32
                          ).astype(jnp.bfloat16)
    tr_o[...] = (jnp.dot(h, wr_ref[...], preferred_element_type=jnp.float32)
                 + b_ref[...])


_tc_combine = pl.pallas_call(
    _tc_combine_body,
    grid=(GRID,),
    in_specs=[_AGG_SPEC, _DEG_SPEC, _H_SPEC, _W_SPEC, _W_SPEC, _B_SPEC],
    out_specs=[_H_SPEC, _H_SPEC],
    out_shape=[_TL_SHAPE, jax.ShapeDtypeStruct((N, D), jnp.float32)],
)


def _tc_final_body(agg_ref, deg_ref, tr_ref, out_ref):
    o = _mean_plus_tr(agg_ref, deg_ref, tr_ref)
    m = jnp.max(o, axis=1, keepdims=True)
    e = jnp.exp(o - m)
    lse = jnp.log(jnp.sum(e, axis=1, keepdims=True)) + m
    out_ref[...] = o - lse


_tc_final = pl.pallas_call(
    _tc_final_body,
    grid=(GRID,),
    in_specs=[_AGG_SPEC, _DEG_SPEC, _H_SPEC],
    out_specs=_H_SPEC,
    out_shape=jax.ShapeDtypeStruct((N, D), jnp.float32),
)



def kernel(x, edge_index, W1l, W1r, b1, W2l, W2r, b2, W3l, W3r, b3):
    src = edge_index[0].astype(jnp.int32)
    dst = edge_index[1].astype(jnp.int32)
    pad = E_PAD - E
    src2d = jnp.concatenate([src, jnp.zeros((pad,), jnp.int32)]
                            ).reshape(CH_TOTAL, CHUNK)
    dst2d = jnp.concatenate([dst, jnp.full((pad,), N, jnp.int32)]
                            ).reshape(CH_TOTAL, CHUNK)

    zeros_d = jnp.zeros((NPAD, D), jnp.bfloat16)
    zeros_16 = jnp.zeros((NPAD, 16), jnp.float32)
    ones_16 = jnp.ones((CHUNK, 16), jnp.float32)

    b1r = b1.reshape(1, D)
    b2r = b2.reshape(1, D)
    b3r = b3.reshape(1, D)

    deg = _sc_degree(dst2d, zeros_16, ones_16)
    t1l, t1r = _tc_prep(x, W1l, W1r, b1r)
    agg1 = _sc_aggregate(t1l, src2d, dst2d, zeros_d)
    t2l, t2r = _tc_combine(agg1, deg, t1r, W2l, W2r, b2r)
    agg2 = _sc_aggregate(t2l, src2d, dst2d, zeros_d)
    t3l, t3r = _tc_combine(agg2, deg, t2r, W3l, W3r, b3r)
    agg3 = _sc_aggregate(t3l, src2d, dst2d, zeros_d)
    return _tc_final(agg3, deg, t3r)

# --- scband reference (transcript-rebuilt; emitter-appended) ---
"""Pipeline reference for scband-graph-sage-74251394613579 (READ-ONLY COPY).

The authoritative reference and input builder live on the scoring server;
editing this copy changes nothing except your own understanding.
"""

import jax, jax.numpy as jnp
import numpy as np

N = 10000
E = 320000
D_IN = 128
D_HID = 128
D_OUT = 128


def setup_inputs(seed: int = 0) -> dict:
    key = jax.random.key(seed)
    ks = jax.random.split(key, 12)
    x = jax.random.normal(ks[0], (N, D_IN), dtype=jnp.float32)
    edge_index = jax.random.randint(ks[1], (2, E), 0, N)
    s = 0.02
    W1l = jax.random.normal(ks[2], (D_IN, D_HID), dtype=jnp.float32) * s
    W1r = jax.random.normal(ks[3], (D_IN, D_HID), dtype=jnp.float32) * s
    b1 = jnp.zeros((D_HID,), dtype=jnp.float32)
    W2l = jax.random.normal(ks[4], (D_HID, D_HID), dtype=jnp.float32) * s
    W2r = jax.random.normal(ks[5], (D_HID, D_HID), dtype=jnp.float32) * s
    b2 = jnp.zeros((D_HID,), dtype=jnp.float32)
    W3l = jax.random.normal(ks[6], (D_HID, D_OUT), dtype=jnp.float32) * s
    W3r = jax.random.normal(ks[7], (D_HID, D_OUT), dtype=jnp.float32) * s
    b3 = jnp.zeros((D_OUT,), dtype=jnp.float32)
    return {"x": x, "edge_index": edge_index, "W1l": W1l, "W1r": W1r, "b1": b1,
            "W2l": W2l, "W2r": W2r, "b2": b2, "W3l": W3l, "W3r": W3r, "b3": b3}


def _sage_conv(h, edge_index, Wl, Wr, b):
    # PyG SAGEConv with mean aggregation: out = lin_l(mean_{j in N(i)} x_j) + lin_r(x_i)
    src = edge_index[0]
    dst = edge_index[1]
    msg = h[src]  # gather over source nodes
    aggr = jax.ops.segment_sum(msg, dst, num_segments=N)  # scatter-add to dst
    deg = jax.ops.segment_sum(jnp.ones((edge_index.shape[1], 1), h.dtype), dst, num_segments=N)
    mean = aggr / jnp.clip(deg, 1.0, None)
    return mean @ Wl + h @ Wr + b


def reference(x, edge_index, W1l, W1r, b1, W2l, W2r, b2, W3l, W3r, b3):
    h = _sage_conv(x, edge_index, W1l, W1r, b1)
    h = jax.nn.relu(h)
    # dropout p=0.5 is identity in eval mode
    h = _sage_conv(h, edge_index, W2l, W2r, b2)
    h = jax.nn.relu(h)
    h = _sage_conv(h, edge_index, W3l, W3r, b3)
    return jax.nn.log_softmax(h, axis=1)

if __name__ == "__main__":
    import jax
    _d = setup_inputs()
    print(jax.jit(kernel)(*tuple(_d.values())))

</pallas_src>

<mosaic_0001>
#map = affine_map<(d0, d1) -> (0, 0)>
#map1 = affine_map<(d0, d1) -> (0, 0, 0)>
module attributes {stable_mosaic.version = 14 : i64} {
  func.func @_sc_degree_body(%arg0: i32, %arg1: i32, %arg2: memref<2560x128xi32, #tpu.memory_space<hbm>>, %arg3: memref<10240x16xf32, #tpu.memory_space<hbm>>, %arg4: memref<128x16xf32, #tpu.memory_space<hbm>>, %arg5: memref<2x10240x16xf32, #tpu.memory_space<hbm>>, %arg6: memref<80x128xi32, #tpu.memory_space<vmem>>, %arg7: memref<128x16xf32, #tpu.memory_space<vmem>>, %arg8: memref<10240x16xf32, #tpu.memory_space<vmem_shared>>) attributes {dimension_semantics = [#tpu.dimension_semantics<core_parallel>, #tpu.dimension_semantics<subcore_parallel>], iteration_bounds = array<i64: 2, 16>, scalar_prefetch = 0 : i64, scratch_operands = 3 : i64, tpu.core_type = #tpu.core_type<sc_vector_subcore>, window_params = [{transform_indices = #map}, {transform_indices = #map}, {transform_indices = #map}, {transform_indices = #map1}]} {
    %mul3A = arith.constant 2 : i32
    %mul3A_0 = arith.muli %arg1, %mul3A : i32
    %add3A = arith.addi %mul3A_0, %arg0 : i32
    %mul3A_1 = arith.constant 640 : i32
    %mul3A_2 = arith.muli %arg1, %mul3A_1 : i32
    "tpu.region"() ({
      %run_scoped3A = tpu.sem_alloc : memref<!tpu.dma_semaphore, #tpu.memory_space<semaphore_mem>>
      %dma_start3A = arith.constant 0 : i32
      %dma_start3A_11 = tpu.memref_slice %arg8[%mul3A_2, %dma_start3A] : memref<10240x16xf32, #tpu.memory_space<vmem_shared>> -> memref<640x16xf32, #tpu.memory_space<vmem_shared>>
      %dma_start3A_12 = arith.constant 0 : i32
      %dma_start3A_13 = tpu.memref_slice %arg3[%mul3A_2, %dma_start3A_12] : memref<10240x16xf32, #tpu.memory_space<hbm>> -> memref<640x16xf32, #tpu.memory_space<hbm>>
      tpu.enqueue_dma source(%dma_start3A_13 : memref<640x16xf32, #tpu.memory_space<hbm>>) target(%dma_start3A_11 : memref<640x16xf32, #tpu.memory_space<vmem_shared>>) target_semaphore(%run_scoped3A : memref<!tpu.dma_semaphore, #tpu.memory_space<semaphore_mem>>)
      %dma_wait3A = arith.constant 0 : i32
      %dma_wait3A_14 = tpu.memref_slice %arg8[%mul3A_2, %dma_wait3A] : memref<10240x16xf32, #tpu.memory_space<vmem_shared>> -> memref<640x16xf32, #tpu.memory_space<vmem_shared>>
      %dma_wait3A_15 = arith.constant 0 : i32
      %dma_wait3A_16 = tpu.memref_slice %arg3[%mul3A_2, %dma_wait3A_15] : memref<10240x16xf32, #tpu.memory_space<hbm>> -> memref<640x16xf32, #tpu.memory_space<hbm>>
      tpu.wait_dma2 semaphore(%run_scoped3A : memref<!tpu.dma_semaphore, #tpu.memory_space<semaphore_mem>>) src(%dma_wait3A_16 : memref<640x16xf32, #tpu.memory_space<hbm>>) dst(%dma_wait3A_14 : memref<640x16xf32, #tpu.memory_space<vmem_shared>>)
      tpu.yield
    }) : () -> ()
    %mul3A_3 = arith.constant 80 : i32
    %mul3A_4 = arith.muli %add3A, %mul3A_3 : i32
    "tpu.region"() ({
      %run_scoped3A = tpu.sem_alloc : memref<!tpu.dma_semaphore, #tpu.memory_space<semaphore_mem>>
      %dma_start3A = arith.constant 0 : i32
      %dma_start3A_11 = tpu.memref_slice %arg2[%mul3A_4, %dma_start3A] : memref<2560x128xi32, #tpu.memory_space<hbm>> -> memref<80x128xi32, #tpu.memory_space<hbm>>
      %dma_start3A_12 = arith.constant 0 : i32
      %dma_start3A_13 = tpu.memref_slice %arg2[%mul3A_4, %dma_start3A_12] : memref<2560x128xi32, #tpu.memory_space<hbm>> -> memref<80x128xi32, #tpu.memory_space<hbm>>
      tpu.enqueue_dma source(%dma_start3A_13 : memref<80x128xi32, #tpu.memory_space<hbm>>) target(%arg6 : memref<80x128xi32, #tpu.memory_space<vmem>>) target_semaphore(%run_scoped3A : memref<!tpu.dma_semaphore, #tpu.memory_space<semaphore_mem>>)
      %dma_wait3A = arith.constant 0 : i32
      %dma_wait3A_14 = tpu.memref_slice %arg2[%mul3A_4, %dma_wait3A] : memref<2560x128xi32, #tpu.memory_space<hbm>> -> memref<80x128xi32, #tpu.memory_space<hbm>>
      %dma_wait3A_15 = arith.constant 0 : i32
      %dma_wait3A_16 = tpu.memref_slice %arg2[%mul3A_4, %dma_wait3A_15] : memref<2560x128xi32, #tpu.memory_space<hbm>> -> memref<80x128xi32, #tpu.memory_space<hbm>>
      tpu.wait_dma2 semaphore(%run_scoped3A : memref<!tpu.dma_semaphore, #tpu.memory_space<semaphore_mem>>) src(%dma_wait3A_16 : memref<80x128xi32, #tpu.memory_space<hbm>>) dst(%arg6 : memref<80x128xi32, #tpu.memory_space<vmem>>)
      tpu.yield
    }) : () -> ()
    "tpu.region"() ({
      %run_scoped3A = tpu.sem_alloc : memref<!tpu.dma_semaphore, #tpu.memory_space<semaphore_mem>>
      tpu.enqueue_dma source(%arg4 : memref<128x16xf32, #tpu.memory_space<hbm>>) target(%arg7 : memref<128x16xf32, #tpu.memory_space<vmem>>) target_semaphore(%run_scoped3A : memref<!tpu.dma_semaphore, #tpu.memory_space<semaphore_mem>>)
      tpu.wait_dma2 semaphore(%run_scoped3A : memref<!tpu.dma_semaphore, #tpu.memory_space<semaphore_mem>>) src(%arg4 : memref<128x16xf32, #tpu.memory_space<hbm>>) dst(%arg7 : memref<128x16xf32, #tpu.memory_space<vmem>>)
      tpu.yield
    }) : () -> ()
    %barrier3A = arith.constant 0 : index
    tpu.barrier barrier_id(%barrier3A)
    %scan3A = arith.constant 0 : i32
    %scan3A_5 = arith.constant 0 : i32
    %scan3A_6 = arith.constant 80 : i32
    %scan3A_7 = arith.addi %scan3A_5, %scan3A_6 : i32
    %scan3A_8 = arith.constant 1 : i32
    scf.for %scan3A_11 = %scan3A_5 to %scan3A_7 step %scan3A_8  : i32 {
      "tpu.region"() ({
        %run_scoped3A = tpu.sem_alloc : memref<!tpu.dma_semaphore, #tpu.memory_space<semaphore_mem>>
        %dma_start3A = arith.constant 0 : i32
        %dma_start3A_12 = tpu.memref_slice %arg6[%scan3A_11, %dma_start3A] : memref<80x128xi32, #tpu.memory_space<vmem>> -> memref<1x128xi32, #tpu.memory_space<vmem>>
        %dma_start3A_13 = tpu.memref_squeeze %dma_start3A_12 : memref<1x128xi32, #tpu.memory_space<vmem>> -> memref<128xi32, #tpu.memory_space<vmem>>
        %dma_start3A_14 = arith.constant 0 : i32
        %dma_start3A_15 = arith.constant 0 : i32
        %dma_start3A_16 = tpu.memref_slice %arg8[%dma_start3A_14, %dma_start3A_15] : memref<10240x16xf32, #tpu.memory_space<vmem_shared>> -> memref<10240x16xf32, #tpu.memory_space<vmem_shared>>
        tpu.enqueue_indirect_dma source(%arg7 : memref<128x16xf32, #tpu.memory_space<vmem>>) target(%dma_start3A_16 : memref<10240x16xf32, #tpu.memory_space<vmem_shared>>) offsets(%dma_start3A_13 : memref<128xi32, #tpu.memory_space<vmem>>) semaphore(%run_scoped3A : memref<!tpu.dma_semaphore, #tpu.memory_space<semaphore_mem>>) {add = true}
        %dma_wait3A = arith.constant 0 : i32
        %dma_wait3A_17 = tpu.memref_slice %arg6[%scan3A_11, %dma_wait3A] : memref<80x128xi32, #tpu.memory_space<vmem>> -> memref<1x128xi32, #tpu.memory_space<vmem>>
        %dma_wait3A_18 = tpu.memref_squeeze %dma_wait3A_17 : memref<1x128xi32, #tpu.memory_space<vmem>> -> memref<128xi32, #tpu.memory_space<vmem>>
        %dma_wait3A_19 = arith.constant 0 : i32
        %dma_wait3A_20 = arith.constant 0 : i32
        %dma_wait3A_21 = tpu.memref_slice %arg8[%dma_wait3A_19, %dma_wait3A_20] : memref<10240x16xf32, #tpu.memory_space<vmem_shared>> -> memref<10240x16xf32, #tpu.memory_space<vmem_shared>>
        tpu.wait_indirect_dma semaphore(%run_scoped3A : memref<!tpu.dma_semaphore, #tpu.memory_space<semaphore_mem>>) src(%arg7 : memref<128x16xf32, #tpu.memory_space<vmem>>) dst(%dma_wait3A_21 : memref<10240x16xf32, #tpu.memory_space<vmem_shared>>)
        tpu.yield
      }) : () -> ()
    }
    %scan3A_9 = arith.constant 80 : i32
    %barrier3A_10 = arith.constant 0 : index
    tpu.barrier barrier_id(%barrier3A_10)
    "tpu.region"() ({
      %run_scoped3A = tpu.sem_alloc : memref<!tpu.dma_semaphore, #tpu.memory_space<semaphore_mem>>
      %dma_start3A = arith.constant 0 : i32
      %dma_start3A_11 = tpu.memref_slice %arg5[%arg0, %mul3A_2, %dma_start3A] : memref<2x10240x16xf32, #tpu.memory_space<hbm>> -> memref<1x640x16xf32, #tpu.memory_space<hbm>>
      %dma_start3A_12 = tpu.memref_squeeze %dma_start3A_11 : memref<1x640x16xf32, #tpu.memory_space<hbm>> -> memref<640x16xf32, #tpu.memory_space<hbm>>
      %dma_start3A_13 = arith.constant 0 : i32
      %dma_start3A_14 = tpu.memref_slice %arg8[%mul3A_2, %dma_start3A_13] : memref<10240x16xf32, #tpu.memory_space<vmem_shared>> -> memref<640x16xf32, #tpu.memory_space<vmem_shared>>
      tpu.enqueue_dma source(%dma_start3A_14 : memref<640x16xf32, #tpu.memory_space<vmem_shared>>) target(%dma_start3A_12 : memref<640x16xf32, #tpu.memory_space<hbm>>) target_semaphore(%run_scoped3A : memref<!tpu.dma_semaphore, #tpu.memory_space<semaphore_mem>>)
      %dma_wait3A = arith.constant 0 : i32
      %dma_wait3A_15 = tpu.memref_slice %arg5[%arg0, %mul3A_2, %dma_wait3A] : memref<2x10240x16xf32, #tpu.memory_space<hbm>> -> memref<1x640x16xf32, #tpu.memory_space<hbm>>
      %dma_wait3A_16 = tpu.memref_squeeze %dma_wait3A_15 : memref<1x640x16xf32, #tpu.memory_space<hbm>> -> memref<640x16xf32, #tpu.memory_space<hbm>>
      %dma_wait3A_17 = arith.constant 0 : i32
      %dma_wait3A_18 = tpu.memref_slice %arg8[%mul3A_2, %dma_wait3A_17] : memref<10240x16xf32, #tpu.memory_space<vmem_shared>> -> memref<640x16xf32, #tpu.memory_space<vmem_shared>>
      tpu.wait_dma2 semaphore(%run_scoped3A : memref<!tpu.dma_semaphore, #tpu.memory_space<semaphore_mem>>) src(%dma_wait3A_18 : memref<640x16xf32, #tpu.memory_space<vmem_shared>>) dst(%dma_wait3A_16 : memref<640x16xf32, #tpu.memory_space<hbm>>)
      tpu.yield
    }) : () -> ()
    return
  }
}

#map = affine_map<(d0, d1) -> (0, 0)>
#map1 = affine_map<(d0, d1) -> (0, 0, 0)>
module attributes {stable_mosaic.version = 14 : i64} {
  func.func @_sc_aggregate_body(%arg0: i32, %arg1: i32, %arg2: memref<10000x128xbf16, #tpu.memory_space<hbm>>, %arg3: memref<2560x128xi32, #tpu.memory_space<hbm>>, %arg4: memref<2560x128xi32, #tpu.memory_space<hbm>>, %arg5: memref<10240x128xbf16, #tpu.memory_space<hbm>>, %arg6: memref<2x10240x128xbf16, #tpu.memory_space<hbm>>, %arg7: memref<130x128xi32, #tpu.memory_space<vmem>>, %arg8: memref<130x128xi32, #tpu.memory_space<vmem>>, %arg9: memref<5x128x128xbf16, #tpu.memory_space<vmem>>, %arg10: memref<5x!tpu.dma_semaphore, #tpu.memory_space<semaphore_mem>>, %arg11: memref<5x!tpu.dma_semaphore, #tpu.memory_space<semaphore_mem>>, %arg12: memref<10240x128xbf16, #tpu.memory_space<vmem_shared>>) attributes {dimension_semantics = [#tpu.dimension_semantics<core_parallel>, #tpu.dimension_semantics<subcore_parallel>], iteration_bounds = array<i64: 2, 16>, scalar_prefetch = 0 : i64, scratch_operands = 6 : i64, tpu.core_type = #tpu.core_type<sc_vector_subcore>, window_params = [{transform_indices = #map}, {transform_indices = #map}, {transform_indices = #map}, {transform_indices = #map}, {transform_indices = #map1}]} {
    %mul3A = arith.constant 640 : i32
    %mul3A_0 = arith.muli %arg1, %mul3A : i32
    %eq3A = arith.constant 0 : i32
    %eq3A_1 = arith.cmpi eq, %arg0, %eq3A : i32
    %convert_element_type3A = arith.extui %eq3A_1 : i1 to i32
    %cond3A = arith.constant 0 : i32
    %cond3A_2 = arith.cmpi ne, %convert_element_type3A, %cond3A : i32
    scf.if %cond3A_2 {
      %mul3A_19 = arith.constant 130 : i32
      %mul3A_20 = arith.muli %arg1, %mul3A_19 : i32
      "tpu.region"() ({
        %run_scoped3A = tpu.sem_alloc : memref<!tpu.dma_semaphore, #tpu.memory_space<semaphore_mem>>
        %dma_start3A = arith.constant 0 : i32
        %dma_start3A_23 = arith.constant 0 : i32
        %dma_start3A_24 = tpu.memref_slice %arg7[%dma_start3A, %dma_start3A_23] : memref<130x128xi32, #tpu.memory_space<vmem>> -> memref<130x128xi32, #tpu.memory_space<vmem>>
        %dma_start3A_25 = arith.constant 0 : i32
        %dma_start3A_26 = tpu.memref_slice %arg3[%mul3A_20, %dma_start3A_25] : memref<2560x128xi32, #tpu.memory_space<hbm>> -> memref<130x128xi32, #tpu.memory_space<hbm>>
        %dma_start3A_27 = arith.constant 0 : i32
        %dma_start3A_28 = arith.constant 0 : i32
        %dma_start3A_29 = tpu.memref_slice %arg7[%dma_start3A_27, %dma_start3A_28] : memref<130x128xi32, #tpu.memory_space<vmem>> -> memref<130x128xi32, #tpu.memory_space<vmem>>
        %dma_start3A_30 = arith.constant 0 : i32
        %dma_start3A_31 = tpu.memref_slice %arg3[%mul3A_20, %dma_start3A_30] : memref<2560x128xi32, #tpu.memory_space<hbm>> -> memref<130x128xi32, #tpu.memory_space<hbm>>
        tpu.enqueue_dma source(%dma_start3A_31 : memref<130x128xi32, #tpu.memory_space<hbm>>) target(%dma_start3A_29 : memref<130x128xi32, #tpu.memory_space<vmem>>) target_semaphore(%run_scoped3A : memref<!tpu.dma_semaphore, #tpu.memory_space<semaphore_mem>>)
        %dma_wait3A = arith.constant 0 : i32
        %dma_wait3A_32 = arith.constant 0 : i32
        %dma_wait3A_33 = tpu.memref_slice %arg7[%dma_wait3A, %dma_wait3A_32] : memref<130x128xi32, #tpu.memory_space<vmem>> -> memref<130x128xi32, #tpu.memory_space<vmem>>
        %dma_wait3A_34 = arith.constant 0 : i32
        %dma_wait3A_35 = tpu.memref_slice %arg3[%mul3A_20, %dma_wait3A_34] : memref<2560x128xi32, #tpu.memory_space<hbm>> -> memref<130x128xi32, #tpu.memory_space<hbm>>
        %dma_wait3A_36 = arith.constant 0 : i32
        %dma_wait3A_37 = arith.constant 0 : i32
        %dma_wait3A_38 = tpu.memref_slice %arg7[%dma_wait3A_36, %dma_wait3A_37] : memref<130x128xi32, #tpu.memory_space<vmem>> -> memref<130x128xi32, #tpu.memory_space<vmem>>
        %dma_wait3A_39 = arith.constant 0 : i32
        %dma_wait3A_40 = tpu.memref_slice %arg3[%mul3A_20, %dma_wait3A_39] : memref<2560x128xi32, #tpu.memory_space<hbm>> -> memref<130x128xi32, #tpu.memory_space<hbm>>
        tpu.wait_dma2 semaphore(%run_scoped3A : memref<!tpu.dma_semaphore, #tpu.memory_space<semaphore_mem>>) src(%dma_wait3A_40 : memref<130x128xi32, #tpu.memory_space<hbm>>) dst(%dma_wait3A_38 : memref<130x128xi32, #tpu.memory_space<vmem>>)
        tpu.yield
      }) : () -> ()
      %mul3A_21 = arith.constant 130 : i32
      %mul3A_22 = arith.muli %arg1, %mul3A_21 : i32
      "tpu.region"() ({
        %run_scoped3A = tpu.sem_alloc : memref<!tpu.dma_semaphore, #tpu.memory_space<semaphore_mem>>
        %dma_start3A = arith.constant 0 : i32
        %dma_start3A_23 = arith.constant 0 : i32
        %dma_start3A_24 = tpu.memref_slice %arg8[%dma_start3A, %dma_start3A_23] : memref<130x128xi32, #tpu.memory_space<vmem>> -> memref<130x128xi32, #tpu.memory_space<vmem>>
        %dma_start3A_25 = arith.constant 0 : i32
        %dma_start3A_26 = tpu.memref_slice %arg4[%mul3A_22, %dma_start3A_25] : memref<2560x128xi32, #tpu.memory_space<hbm>> -> memref<130x128xi32, #tpu.memory_space<hbm>>
        %dma_start3A_27 = arith.constant 0 : i32
        %dma_start3A_28 = arith.constant 0 : i32
        %dma_start3A_29 = tpu.memref_slice %arg8[%dma_start3A_27, %dma_start3A_28] : memref<130x128xi32, #tpu.memory_space<vmem>> -> memref<130x128xi32, #tpu.memory_space<vmem>>
        %dma_start3A_30 = arith.constant 0 : i32
        %dma_start3A_31 = tpu.memref_slice %arg4[%mul3A_22, %dma_start3A_30] : memref<2560x128xi32, #tpu.memory_space<hbm>> -> memref<130x128xi32, #tpu.memory_space<hbm>>
        tpu.enqueue_dma source(%dma_start3A_31 : memref<130x128xi32, #tpu.memory_space<hbm>>) target(%dma_start3A_29 : memref<130x128xi32, #tpu.memory_space<vmem>>) target_semaphore(%run_scoped3A : memref<!tpu.dma_semaphore, #tpu.memory_space<semaphore_mem>>)
        %dma_wait3A = arith.constant 0 : i32
        %dma_wait3A_32 = arith.constant 0 : i32
        %dma_wait3A_33 = tpu.memref_slice %arg8[%dma_wait3A, %dma_wait3A_32] : memref<130x128xi32, #tpu.memory_space<vmem>> -> memref<130x128xi32, #tpu.memory_space<vmem>>
        %dma_wait3A_34 = arith.constant 0 : i32
        %dma_wait3A_35 = tpu.memref_slice %arg4[%mul3A_22, %dma_wait3A_34] : memref<2560x128xi32, #tpu.memory_space<hbm>> -> memref<130x128xi32, #tpu.memory_space<hbm>>
        %dma_wait3A_36 = arith.constant 0 : i32
        %dma_wait3A_37 = arith.constant 0 : i32
        %dma_wait3A_38 = tpu.memref_slice %arg8[%dma_wait3A_36, %dma_wait3A_37] : memref<130x128xi32, #tpu.memory_space<vmem>> -> memref<130x128xi32, #tpu.memory_space<vmem>>
        %dma_wait3A_39 = arith.constant 0 : i32
        %dma_wait3A_40 = tpu.memref_slice %arg4[%mul3A_22, %dma_wait3A_39] : memref<2560x128xi32, #tpu.memory_space<hbm>> -> memref<130x128xi32, #tpu.memory_space<hbm>>
        tpu.wait_dma2 semaphore(%run_scoped3A : memref<!tpu.dma_semaphore, #tpu.memory_space<semaphore_mem>>) src(%dma_wait3A_40 : memref<130x128xi32, #tpu.memory_space<hbm>>) dst(%dma_wait3A_38 : memref<130x128xi32, #tpu.memory_space<vmem>>)
        tpu.yield
      }) : () -> ()
    } else {
    }
    %eq3A_3 = arith.constant 1 : i32
    %eq3A_4 = arith.cmpi eq, %arg0, %eq3A_3 : i32
    %convert_element_type3A_5 = arith.extui %eq3A_4 : i1 to i32
    %cond3A_6 = arith.constant 0 : i32
    %cond3A_7 = arith.cmpi ne, %convert_element_type3A_5, %cond3A_6 : i32
    scf.if %cond3A_7 {
      %mul3A_19 = arith.constant 30 : i32
      %mul3A_20 = arith.muli %arg1, %mul3A_19 : i32
      %add3A = arith.constant 2080 : i32
      %add3A_21 = arith.addi %add3A, %mul3A_20 : i32
      "tpu.region"() ({
        %run_scoped3A = tpu.sem_alloc : memref<!tpu.dma_semaphore, #tpu.memory_space<semaphore_mem>>
        %dma_start3A = arith.constant 0 : i32
        %dma_start3A_22 = arith.constant 0 : i32
        %dma_start3A_23 = tpu.memref_slice %arg7[%dma_start3A, %dma_start3A_22] : memref<130x128xi32, #tpu.memory_space<vmem>> -> memref<30x128xi32, #tpu.memory_space<vmem>>
        %dma_start3A_24 = arith.constant 0 : i32
        %dma_start3A_25 = tpu.memref_slice %arg3[%add3A_21, %dma_start3A_24] : memref<2560x128xi32, #tpu.memory_space<hbm>> -> memref<30x128xi32, #tpu.memory_space<hbm>>
        %dma_start3A_26 = arith.constant 0 : i32
        %dma_start3A_27 = arith.constant 0 : i32
        %dma_start3A_28 = tpu.memref_slice %arg7[%dma_start3A_26, %dma_start3A_27] : memref<130x128xi32, #tpu.memory_space<vmem>> -> memref<30x128xi32, #tpu.memory_space<vmem>>
        %dma_start3A_29 = arith.constant 0 : i32
        %dma_start3A_30 = tpu.memref_slice %arg3[%add3A_21, %dma_start3A_29] : memref<2560x128xi32, #tpu.memory_space<hbm>> -> memref<30x128xi32, #tpu.memory_space<hbm>>
        tpu.enqueue_dma source(%dma_start3A_30 : memref<30x128xi32, #tpu.memory_space<hbm>>) target(%dma_start3A_28 : memref<30x128xi32, #tpu.memory_space<vmem>>) target_semaphore(%run_scoped3A : memref<!tpu.dma_semaphore, #tpu.memory_space<semaphore_mem>>)
        %dma_wait3A = arith.constant 0 : i32
        %dma_wait3A_31 = arith.constant 0 : i32
        %dma_wait3A_32 = tpu.memref_slice %arg7[%dma_wait3A, %dma_wait3A_31] : memref<130x128xi32, #tpu.memory_space<vmem>> -> memref<30x128xi32, #tpu.memory_space<vmem>>
        %dma_wait3A_33 = arith.constant 0 : i32
        %dma_wait3A_34 = tpu.memref_slice %arg3[%add3A_21, %dma_wait3A_33] : memref<2560x128xi32, #tpu.memory_space<hbm>> -> memref<30x128xi32, #tpu.memory_space<hbm>>
        %dma_wait3A_35 = arith.constant 0 : i32
        %dma_wait3A_36 = arith.constant 0 : i32
        %dma_wait3A_37 = tpu.memref_slice %arg7[%dma_wait3A_35, %dma_wait3A_36] : memref<130x128xi32, #tpu.memory_space<vmem>> -> memref<30x128xi32, #tpu.memory_space<vmem>>
        %dma_wait3A_38 = arith.constant 0 : i32
        %dma_wait3A_39 = tpu.memref_slice %arg3[%add3A_21, %dma_wait3A_38] : memref<2560x128xi32, #tpu.memory_space<hbm>> -> memref<30x128xi32, #tpu.memory_space<hbm>>
        tpu.wait_dma2 semaphore(%run_scoped3A : memref<!tpu.dma_semaphore, #tpu.memory_space<semaphore_mem>>) src(%dma_wait3A_39 : memref<30x128xi32, #tpu.memory_space<hbm>>) dst(%dma_wait3A_37 : memref<30x128xi32, #tpu.memory_space<vmem>>)
        tpu.yield
      }) : () -> ()
      "tpu.region"() ({
        %run_scoped3A = tpu.sem_alloc : memref<!tpu.dma_semaphore, #tpu.memory_space<semaphore_mem>>
        %dma_start3A = arith.constant 0 : i32
        %dma_start3A_22 = arith.constant 0 : i32
        %dma_start3A_23 = tpu.memref_slice %arg8[%dma_start3A, %dma_start3A_22] : memref<130x128xi32, #tpu.memory_space<vmem>> -> memref<30x128xi32, #tpu.memory_space<vmem>>
        %dma_start3A_24 = arith.constant 0 : i32
        %dma_start3A_25 = tpu.memref_slice %arg4[%add3A_21, %dma_start3A_24] : memref<2560x128xi32, #tpu.memory_space<hbm>> -> memref<30x128xi32, #tpu.memory_space<hbm>>
        %dma_start3A_26 = arith.constant 0 : i32
        %dma_start3A_27 = arith.constant 0 : i32
        %dma_start3A_28 = tpu.memref_slice %arg8[%dma_start3A_26, %dma_start3A_27] : memref<130x128xi32, #tpu.memory_space<vmem>> -> memref<30x128xi32, #tpu.memory_space<vmem>>
        %dma_start3A_29 = arith.constant 0 : i32
        %dma_start3A_30 = tpu.memref_slice %arg4[%add3A_21, %dma_start3A_29] : memref<2560x128xi32, #tpu.memory_space<hbm>> -> memref<30x128xi32, #tpu.memory_space<hbm>>
        tpu.enqueue_dma source(%dma_start3A_30 : memref<30x128xi32, #tpu.memory_space<hbm>>) target(%dma_start3A_28 : memref<30x128xi32, #tpu.memory_space<vmem>>) target_semaphore(%run_scoped3A : memref<!tpu.dma_semaphore, #tpu.memory_space<semaphore_mem>>)
        %dma_wait3A = arith.constant 0 : i32
        %dma_wait3A_31 = arith.constant 0 : i32
        %dma_wait3A_32 = tpu.memref_slice %arg8[%dma_wait3A, %dma_wait3A_31] : memref<130x128xi32, #tpu.memory_space<vmem>> -> memref<30x128xi32, #tpu.memory_space<vmem>>
        %dma_wait3A_33 = arith.constant 0 : i32
        %dma_wait3A_34 = tpu.memref_slice %arg4[%add3A_21, %dma_wait3A_33] : memref<2560x128xi32, #tpu.memory_space<hbm>> -> memref<30x128xi32, #tpu.memory_space<hbm>>
        %dma_wait3A_35 = arith.constant 0 : i32
        %dma_wait3A_36 = arith.constant 0 : i32
        %dma_wait3A_37 = tpu.memref_slice %arg8[%dma_wait3A_35, %dma_wait3A_36] : memref<130x128xi32, #tpu.memory_space<vmem>> -> memref<30x128xi32, #tpu.memory_space<vmem>>
        %dma_wait3A_38 = arith.constant 0 : i32
        %dma_wait3A_39 = tpu.memref_slice %arg4[%add3A_21, %dma_wait3A_38] : memref<2560x128xi32, #tpu.memory_space<hbm>> -> memref<30x128xi32, #tpu.memory_space<hbm>>
        tpu.wait_dma2 semaphore(%run_scoped3A : memref<!tpu.dma_semaphore, #tpu.memory_space<semaphore_mem>>) src(%dma_wait3A_39 : memref<30x128xi32, #tpu.memory_space<hbm>>) dst(%dma_wait3A_37 : memref<30x128xi32, #tpu.memory_space<vmem>>)
        tpu.yield
      }) : () -> ()
    } else {
    }
    "tpu.region"() ({
      %run_scoped3A = tpu.sem_alloc : memref<!tpu.dma_semaphore, #tpu.memory_space<semaphore_mem>>
      %dma_start3A = arith.constant 0 : i32
      %dma_start3A_19 = tpu.memref_slice %arg12[%mul3A_0, %dma_start3A] : memref<10240x128xbf16, #tpu.memory_space<vmem_shared>> -> memref<640x128xbf16, #tpu.memory_space<vmem_shared>>
      %dma_start3A_20 = arith.constant 0 : i32
      %dma_start3A_21 = tpu.memref_slice %arg5[%mul3A_0, %dma_start3A_20] : memref<10240x128xbf16, #tpu.memory_space<hbm>> -> memref<640x128xbf16, #tpu.memory_space<hbm>>
      tpu.enqueue_dma source(%dma_start3A_21 : memref<640x128xbf16, #tpu.memory_space<hbm>>) target(%dma_start3A_19 : memref<640x128xbf16, #tpu.memory_space<vmem_shared>>) target_semaphore(%run_scoped3A : memref<!tpu.dma_semaphore, #tpu.memory_space<semaphore_mem>>)
      %dma_wait3A = arith.constant 0 : i32
      %dma_wait3A_22 = tpu.memref_slice %arg12[%mul3A_0, %dma_wait3A] : memref<10240x128xbf16, #tpu.memory_space<vmem_shared>> -> memref<640x128xbf16, #tpu.memory_space<vmem_shared>>
      %dma_wait3A_23 = arith.constant 0 : i32
      %dma_wait3A_24 = tpu.memref_slice %arg5[%mul3A_0, %dma_wait3A_23] : memref<10240x128xbf16, #tpu.memory_space<hbm>> -> memref<640x128xbf16, #tpu.memory_space<hbm>>
      tpu.wait_dma2 semaphore(%run_scoped3A : memref<!tpu.dma_semaphore, #tpu.memory_space<semaphore_mem>>) src(%dma_wait3A_24 : memref<640x128xbf16, #tpu.memory_space<hbm>>) dst(%dma_wait3A_22 : memref<640x128xbf16, #tpu.memory_space<vmem_shared>>)
      tpu.yield
    }) : () -> ()
    %barrier3A = arith.constant 0 : index
    tpu.barrier barrier_id(%barrier3A)
    %eq3A_8 = arith.constant 0 : i32
    %eq3A_9 = arith.cmpi eq, %arg0, %eq3A_8 : i32
    %convert_element_type3A_10 = arith.extui %eq3A_9 : i1 to i32
    %cond3A_11 = arith.constant 0 : i32
    %cond3A_12 = arith.cmpi ne, %convert_element_type3A_10, %cond3A_11 : i32
    scf.if %cond3A_12 {
      %dma_start3A = arith.constant 0 : i32
      %dma_start3A_19 = arith.constant 0 : i32
      %dma_start3A_20 = arith.constant 0 : i32
      %dma_start3A_21 = arith.constant 0 : i32
      %dma_start3A_22 = arith.constant 0 : i32
      %dma_start3A_23 = tpu.memref_slice %arg9[%dma_start3A_19, %dma_start3A_21, %dma_start3A_22] : memref<5x128x128xbf16, #tpu.memory_space<vmem>> -> memref<1x128x128xbf16, #tpu.memory_space<vmem>>
      %dma_start3A_24 = tpu.memref_squeeze %dma_start3A_23 : memref<1x128x128xbf16, #tpu.memory_space<vmem>> -> memref<128x128xbf16, #tpu.memory_space<vmem>>
      %dma_start3A_25 = arith.constant 0 : i32
      %dma_start3A_26 = tpu.memref_slice %arg7[%dma_start3A, %dma_start3A_25] : memref<130x128xi32, #tpu.memory_space<vmem>> -> memref<1x128xi32, #tpu.memory_space<vmem>>
      %dma_start3A_27 = tpu.memref_squeeze %dma_start3A_26 : memref<1x128xi32, #tpu.memory_space<vmem>> -> memref<128xi32, #tpu.memory_space<vmem>>
      %dma_start3A_28 = arith.constant 0 : i32
      %dma_start3A_29 = arith.constant 0 : i32
      %dma_start3A_30 = tpu.memref_slice %arg2[%dma_start3A_28, %dma_start3A_29] : memref<10000x128xbf16, #tpu.memory_space<hbm>> -> memref<10000x128xbf16, #tpu.memory_space<hbm>>
      %dma_start3A_31 = tpu.memref_slice %arg10[%dma_start3A_20] : memref<5x!tpu.dma_semaphore, #tpu.memory_space<semaphore_mem>> -> memref<1x!tpu.dma_semaphore, #tpu.memory_space<semaphore_mem>>
      %dma_start3A_32 = tpu.memref_squeeze %dma_start3A_31 : memref<1x!tpu.dma_semaphore, #tpu.memory_space<semaphore_mem>> -> memref<!tpu.dma_semaphore, #tpu.memory_space<semaphore_mem>>
      tpu.enqueue_indirect_dma source(%dma_start3A_30 : memref<10000x128xbf16, #tpu.memory_space<hbm>>) target(%dma_start3A_24 : memref<128x128xbf16, #tpu.memory_space<vmem>>) offsets(%dma_start3A_27 : memref<128xi32, #tpu.memory_space<vmem>>) semaphore(%dma_start3A_32 : memref<!tpu.dma_semaphore, #tpu.memory_space<semaphore_mem>>)
      %dma_start3A_33 = arith.constant 1 : i32
      %dma_start3A_34 = arith.constant 1 : i32
      %dma_start3A_35 = arith.constant 1 : i32
      %dma_start3A_36 = arith.constant 0 : i32
      %dma_start3A_37 = arith.constant 0 : i32
      %dma_start3A_38 = tpu.memref_slice %arg9[%dma_start3A_34, %dma_start3A_36, %dma_start3A_37] : memref<5x128x128xbf16, #tpu.memory_space<vmem>> -> memref<1x128x128xbf16, #tpu.memory_space<vmem>>
      %dma_start3A_39 = tpu.memref_squeeze %dma_start3A_38 : memref<1x128x128xbf16, #tpu.memory_space<vmem>> -> memref<128x128xbf16, #tpu.memory_space<vmem>>
      %dma_start3A_40 = arith.constant 0 : i32
      %dma_start3A_41 = tpu.memref_slice %arg7[%dma_start3A_33, %dma_start3A_40] : memref<130x128xi32, #tpu.memory_space<vmem>> -> memref<1x128xi32, #tpu.memory_space<vmem>>
      %dma_start3A_42 = tpu.memref_squeeze %dma_start3A_41 : memref<1x128xi32, #tpu.memory_space<vmem>> -> memref<128xi32, #tpu.memory_space<vmem>>
      %dma_start3A_43 = arith.constant 0 : i32
      %dma_start3A_44 = arith.constant 0 : i32
      %dma_start3A_45 = tpu.memref_slice %arg2[%dma_start3A_43, %dma_start3A_44] : memref<10000x128xbf16, #tpu.memory_space<hbm>> -> memref<10000x128xbf16, #tpu.memory_space<hbm>>
      %dma_start3A_46 = tpu.memref_slice %arg10[%dma_start3A_35] : memref<5x!tpu.dma_semaphore, #tpu.memory_space<semaphore_mem>> -> memref<1x!tpu.dma_semaphore, #tpu.memory_space<semaphore_mem>>
      %dma_start3A_47 = tpu.memref_squeeze %dma_start3A_46 : memref<1x!tpu.dma_semaphore, #tpu.memory_space<semaphore_mem>> -> memref<!tpu.dma_semaphore, #tpu.memory_space<semaphore_mem>>
      tpu.enqueue_indirect_dma source(%dma_start3A_45 : memref<10000x128xbf16, #tpu.memory_space<hbm>>) target(%dma_start3A_39 : memref<128x128xbf16, #tpu.memory_space<vmem>>) offsets(%dma_start3A_42 : memref<128xi32, #tpu.memory_space<vmem>>) semaphore(%dma_start3A_47 : memref<!tpu.dma_semaphore, #tpu.memory_space<semaphore_mem>>)
      %scan3A = arith.constant 0 : i32
      %scan3A_48 = arith.constant 0 : i32
      %scan3A_49 = arith.constant 26 : i32
      %scan3A_50 = arith.addi %scan3A_48, %scan3A_49 : i32
      %scan3A_51 = arith.constant 1 : i32
      scf.for %scan3A_127 = %scan3A_48 to %scan3A_50 step %scan3A_51  : i32 {
        %mul3A_128 = arith.constant 5 : i32
        %mul3A_129 = arith.muli %scan3A_127, %mul3A_128 : i32
        %add3A = arith.constant 0 : i32
        %add3A_130 = arith.addi %mul3A_129, %add3A : i32
        %add3A_131 = arith.constant 2 : i32
        %add3A_132 = arith.addi %add3A_130, %add3A_131 : i32
        %dma_wait3A_133 = arith.constant 0 : i32
        %dma_wait3A_134 = arith.constant 0 : i32
        %dma_wait3A_135 = arith.constant 0 : i32
        %dma_wait3A_136 = arith.constant 0 : i32
        %dma_wait3A_137 = tpu.memref_slice %arg9[%dma_wait3A_133, %dma_wait3A_135, %dma_wait3A_136] : memref<5x128x128xbf16, #tpu.memory_space<vmem>> -> memref<1x128x128xbf16, #tpu.memory_space<vmem>>
        %dma_wait3A_138 = tpu.memref_squeeze %dma_wait3A_137 : memref<1x128x128xbf16, #tpu.memory_space<vmem>> -> memref<128x128xbf16, #tpu.memory_space<vmem>>
        %dma_wait3A_139 = arith.constant 0 : i32
        %dma_wait3A_140 = tpu.memref_slice %arg7[%add3A_130, %dma_wait3A_139] : memref<130x128xi32, #tpu.memory_space<vmem>> -> memref<1x128xi32, #tpu.memory_space<vmem>>
        %dma_wait3A_141 = tpu.memref_squeeze %dma_wait3A_140 : memref<1x128xi32, #tpu.memory_space<vmem>> -> memref<128xi32, #tpu.memory_space<vmem>>
        %dma_wait3A_142 = arith.constant 0 : i32
        %dma_wait3A_143 = arith.constant 0 : i32
        %dma_wait3A_144 = tpu.memref_slice %arg2[%dma_wait3A_142, %dma_wait3A_143] : memref<10000x128xbf16, #tpu.memory_space<hbm>> -> memref<10000x128xbf16, #tpu.memory_space<hbm>>
        %dma_wait3A_145 = tpu.memref_slice %arg10[%dma_wait3A_134] : memref<5x!tpu.dma_semaphore, #tpu.memory_space<semaphore_mem>> -> memref<1x!tpu.dma_semaphore, #tpu.memory_space<semaphore_mem>>
        %dma_wait3A_146 = tpu.memref_squeeze %dma_wait3A_145 : memref<1x!tpu.dma_semaphore, #tpu.memory_space<semaphore_mem>> -> memref<!tpu.dma_semaphore, #tpu.memory_space<semaphore_mem>>
        tpu.wait_indirect_dma semaphore(%dma_wait3A_146 : memref<!tpu.dma_semaphore, #tpu.memory_space<semaphore_mem>>) src(%dma_wait3A_144 : memref<10000x128xbf16, #tpu.memory_space<hbm>>) dst(%dma_wait3A_138 : memref<128x128xbf16, #tpu.memory_space<vmem>>)
        %dma_start3A_147 = arith.constant 0 : i32
        %dma_start3A_148 = arith.constant 0 : i32
        %dma_start3A_149 = arith.constant 0 : i32
        %dma_start3A_150 = arith.constant 0 : i32
        %dma_start3A_151 = tpu.memref_slice %arg9[%dma_start3A_147, %dma_start3A_149, %dma_start3A_150] : memref<5x128x128xbf16, #tpu.memory_space<vmem>> -> memref<1x128x128xbf16, #tpu.memory_space<vmem>>
        %dma_start3A_152 = tpu.memref_squeeze %dma_start3A_151 : memref<1x128x128xbf16, #tpu.memory_space<vmem>> -> memref<128x128xbf16, #tpu.memory_space<vmem>>
        %dma_start3A_153 = arith.constant 0 : i32
        %dma_start3A_154 = tpu.memref_slice %arg8[%add3A_130, %dma_start3A_153] : memref<130x128xi32, #tpu.memory_space<vmem>> -> memref<1x128xi32, #tpu.memory_space<vmem>>
        %dma_start3A_155 = tpu.memref_squeeze %dma_start3A_154 : memref<1x128xi32, #tpu.memory_space<vmem>> -> memref<128xi32, #tpu.memory_space<vmem>>
        %dma_start3A_156 = arith.constant 0 : i32
        %dma_start3A_157 = arith.constant 0 : i32
        %dma_start3A_158 = tpu.memref_slice %arg12[%dma_start3A_156, %dma_start3A_157] : memref<10240x128xbf16, #tpu.memory_space<vmem_shared>> -> memref<10240x128xbf16, #tpu.memory_space<vmem_shared>>
        %dma_start3A_159 = tpu.memref_slice %arg11[%dma_start3A_148] : memref<5x!tpu.dma_semaphore, #tpu.memory_space<semaphore_mem>> -> memref<1x!tpu.dma_semaphore, #tpu.memory_space<semaphore_mem>>
        %dma_start3A_160 = tpu.memref_squeeze %dma_start3A_159 : memref<1x!tpu.dma_semaphore, #tpu.memory_space<semaphore_mem>> -> memref<!tpu.dma_semaphore, #tpu.memory_space<semaphore_mem>>
        tpu.enqueue_indirect_dma source(%dma_start3A_152 : memref<128x128xbf16, #tpu.memory_space<vmem>>) target(%dma_start3A_158 : memref<10240x128xbf16, #tpu.memory_space<vmem_shared>>) offsets(%dma_start3A_155 : memref<128xi32, #tpu.memory_space<vmem>>) semaphore(%dma_start3A_160 : memref<!tpu.dma_semaphore, #tpu.memory_space<semaphore_mem>>) {add = true}
        %lt3A = arith.constant 130 : i32
        %lt3A_161 = arith.cmpi slt, %add3A_132, %lt3A : i32
        %convert_element_type3A_162 = arith.extui %lt3A_161 : i1 to i32
        %cond3A_163 = arith.constant 0 : i32
        %cond3A_164 = arith.cmpi ne, %convert_element_type3A_162, %cond3A_163 : i32
        scf.if %cond3A_164 {
          %ge3A = arith.constant 5 : i32
          %ge3A_313 = arith.cmpi sge, %add3A_132, %ge3A : i32
          %convert_element_type3A_314 = arith.extui %ge3A_313 : i1 to i32
          %cond3A_315 = arith.constant 0 : i32
          %cond3A_316 = arith.cmpi ne, %convert_element_type3A_314, %cond3A_315 : i32
          scf.if %cond3A_316 {
            %dma_wait3A_331 = arith.constant 2 : i32
            %dma_wait3A_332 = arith.constant 2 : i32
            %dma_wait3A_333 = arith.constant 0 : i32
            %dma_wait3A_334 = arith.constant 0 : i32
            %dma_wait3A_335 = tpu.memref_slice %arg9[%dma_wait3A_331, %dma_wait3A_333, %dma_wait3A_334] : memref<5x128x128xbf16, #tpu.memory_space<vmem>> -> memref<1x128x128xbf16, #tpu.memory_space<vmem>>
            %dma_wait3A_336 = tpu.memref_squeeze %dma_wait3A_335 : memref<1x128x128xbf16, #tpu.memory_space<vmem>> -> memref<128x128xbf16, #tpu.memory_space<vmem>>
            %dma_wait3A_337 = arith.constant 0 : i32
            %dma_wait3A_338 = tpu.memref_slice %arg8[%add3A_132, %dma_wait3A_337] : memref<130x128xi32, #tpu.memory_space<vmem>> -> memref<1x128xi32, #tpu.memory_space<vmem>>
            %dma_wait3A_339 = tpu.memref_squeeze %dma_wait3A_338 : memref<1x128xi32, #tpu.memory_space<vmem>> -> memref<128xi32, #tpu.memory_space<vmem>>
            %dma_wait3A_340 = arith.constant 0 : i32
            %dma_wait3A_341 = arith.constant 0 : i32
            %dma_wait3A_342 = tpu.memref_slice %arg12[%dma_wait3A_340, %dma_wait3A_341] : memref<10240x128xbf16, #tpu.memory_space<vmem_shared>> -> memref<10240x128xbf16, #tpu.memory_space<vmem_shared>>
            %dma_wait3A_343 = tpu.memref_slice %arg11[%dma_wait3A_332] : memref<5x!tpu.dma_semaphore, #tpu.memory_space<semaphore_mem>> -> memref<1x!tpu.dma_semaphore, #tpu.memory_space<semaphore_mem>>
            %dma_wait3A_344 = tpu.memref_squeeze %dma_wait3A_343 : memref<1x!tpu.dma_semaphore, #tpu.memory_space<semaphore_mem>> -> memref<!tpu.dma_semaphore, #tpu.memory_space<semaphore_mem>>
            tpu.wait_indirect_dma semaphore(%dma_wait3A_344 : memref<!tpu.dma_semaphore, #tpu.memory_space<semaphore_mem>>) src(%dma_wait3A_336 : memref<128x128xbf16, #tpu.memory_space<vmem>>) dst(%dma_wait3A_342 : memref<10240x128xbf16, #tpu.memory_space<vmem_shared>>)
          } else {
          }
          %dma_start3A_317 = arith.constant 2 : i32
          %dma_start3A_318 = arith.constant 2 : i32
          %dma_start3A_319 = arith.constant 0 : i32
          %dma_start3A_320 = arith.constant 0 : i32
          %dma_start3A_321 = tpu.memref_slice %arg9[%dma_start3A_317, %dma_start3A_319, %dma_start3A_320] : memref<5x128x128xbf16, #tpu.memory_space<vmem>> -> memref<1x128x128xbf16, #tpu.memory_space<vmem>>
          %dma_start3A_322 = tpu.memref_squeeze %dma_start3A_321 : memref<1x128x128xbf16, #tpu.memory_space<vmem>> -> memref<128x128xbf16, #tpu.memory_space<vmem>>
          %dma_start3A_323 = arith.constant 0 : i32
          %dma_start3A_324 = tpu.memref_slice %arg7[%add3A_132, %dma_start3A_323] : memref<130x128xi32, #tpu.memory_space<vmem>> -> memref<1x128xi32, #tpu.memory_space<vmem>>
          %dma_start3A_325 = tpu.memref_squeeze %dma_start3A_324 : memref<1x128xi32, #tpu.memory_space<vmem>> -> memref<128xi32, #tpu.memory_space<vmem>>
          %dma_start3A_326 = arith.constant 0 : i32
          %dma_start3A_327 = arith.constant 0 : i32
          %dma_start3A_328 = tpu.memref_slice %arg2[%dma_start3A_326, %dma_start3A_327] : memref<10000x128xbf16, #tpu.memory_space<hbm>> -> memref<10000x128xbf16, #tpu.memory_space<hbm>>
          %dma_start3A_329 = tpu.memref_slice %arg10[%dma_start3A_318] : memref<5x!tpu.dma_semaphore, #tpu.memory_space<semaphore_mem>> -> memref<1x!tpu.dma_semaphore, #tpu.memory_space<semaphore_mem>>
          %dma_start3A_330 = tpu.memref_squeeze %dma_start3A_329 : memref<1x!tpu.dma_semaphore, #tpu.memory_space<semaphore_mem>> -> memref<!tpu.dma_semaphore, #tpu.memory_space<semaphore_mem>>
          tpu.enqueue_indirect_dma source(%dma_start3A_328 : memref<10000x128xbf16, #tpu.memory_space<hbm>>) target(%dma_start3A_322 : memref<128x128xbf16, #tpu.memory_space<vmem>>) offsets(%dma_start3A_325 : memref<128xi32, #tpu.memory_space<vmem>>) semaphore(%dma_start3A_330 : memref<!tpu.dma_semaphore, #tpu.memory_space<semaphore_mem>>)
        } else {
        }
        %add3A_165 = arith.constant 1 : i32
        %add3A_166 = arith.addi %mul3A_129, %add3A_165 : i32
        %add3A_167 = arith.constant 2 : i32
        %add3A_168 = arith.addi %add3A_166, %add3A_167 : i32
        %dma_wait3A_169 = arith.constant 1 : i32
        %dma_wait3A_170 = arith.constant 1 : i32
        %dma_wait3A_171 = arith.constant 0 : i32
        %dma_wait3A_172 = arith.constant 0 : i32
        %dma_wait3A_173 = tpu.memref_slice %arg9[%dma_wait3A_169, %dma_wait3A_171, %dma_wait3A_172] : memref<5x128x128xbf16, #tpu.memory_space<vmem>> -> memref<1x128x128xbf16, #tpu.memory_space<vmem>>
        %dma_wait3A_174 = tpu.memref_squeeze %dma_wait3A_173 : memref<1x128x128xbf16, #tpu.memory_space<vmem>> -> memref<128x128xbf16, #tpu.memory_space<vmem>>
        %dma_wait3A_175 = arith.constant 0 : i32
        %dma_wait3A_176 = tpu.memref_slice %arg7[%add3A_166, %dma_wait3A_175] : memref<130x128xi32, #tpu.memory_space<vmem>> -> memref<1x128xi32, #tpu.memory_space<vmem>>
        %dma_wait3A_177 = tpu.memref_squeeze %dma_wait3A_176 : memref<1x128xi32, #tpu.memory_space<vmem>> -> memref<128xi32, #tpu.memory_space<vmem>>
        %dma_wait3A_178 = arith.constant 0 : i32
        %dma_wait3A_179 = arith.constant 0 : i32
        %dma_wait3A_180 = tpu.memref_slice %arg2[%dma_wait3A_178, %dma_wait3A_179] : memref<10000x128xbf16, #tpu.memory_space<hbm>> -> memref<10000x128xbf16, #tpu.memory_space<hbm>>
        %dma_wait3A_181 = tpu.memref_slice %arg10[%dma_wait3A_170] : memref<5x!tpu.dma_semaphore, #tpu.memory_space<semaphore_mem>> -> memref<1x!tpu.dma_semaphore, #tpu.memory_space<semaphore_mem>>
        %dma_wait3A_182 = tpu.memref_squeeze %dma_wait3A_181 : memref<1x!tpu.dma_semaphore, #tpu.memory_space<semaphore_mem>> -> memref<!tpu.dma_semaphore, #tpu.memory_space<semaphore_mem>>
        tpu.wait_indirect_dma semaphore(%dma_wait3A_182 : memref<!tpu.dma_semaphore, #tpu.memory_space<semaphore_mem>>) src(%dma_wait3A_180 : memref<10000x128xbf16, #tpu.memory_space<hbm>>) dst(%dma_wait3A_174 : memref<128x128xbf16, #tpu.memory_space<vmem>>)
        %dma_start3A_183 = arith.constant 1 : i32
        %dma_start3A_184 = arith.constant 1 : i32
        %dma_start3A_185 = arith.constant 0 : i32
        %dma_start3A_186 = arith.constant 0 : i32
        %dma_start3A_187 = tpu.memref_slice %arg9[%dma_start3A_183, %dma_start3A_185, %dma_start3A_186] : memref<5x128x128xbf16, #tpu.memory_space<vmem>> -> memref<1x128x128xbf16, #tpu.memory_space<vmem>>
        %dma_start3A_188 = tpu.memref_squeeze %dma_start3A_187 : memref<1x128x128xbf16, #tpu.memory_space<vmem>> -> memref<128x128xbf16, #tpu.memory_space<vmem>>
        %dma_start3A_189 = arith.constant 0 : i32
        %dma_start3A_190 = tpu.memref_slice %arg8[%add3A_166, %dma_start3A_189] : memref<130x128xi32, #tpu.memory_space<vmem>> -> memref<1x128xi32, #tpu.memory_space<vmem>>
        %dma_start3A_191 = tpu.memref_squeeze %dma_start3A_190 : memref<1x128xi32, #tpu.memory_space<vmem>> -> memref<128xi32, #tpu.memory_space<vmem>>
        %dma_start3A_192 = arith.constant 0 : i32
        %dma_start3A_193 = arith.constant 0 : i32
        %dma_start3A_194 = tpu.memref_slice %arg12[%dma_start3A_192, %dma_start3A_193] : memref<10240x128xbf16, #tpu.memory_space<vmem_shared>> -> memref<10240x128xbf16, #tpu.memory_space<vmem_shared>>
        %dma_start3A_195 = tpu.memref_slice %arg11[%dma_start3A_184] : memref<5x!tpu.dma_semaphore, #tpu.memory_space<semaphore_mem>> -> memref<1x!tpu.dma_semaphore, #tpu.memory_space<semaphore_mem>>
        %dma_start3A_196 = tpu.memref_squeeze %dma_start3A_195 : memref<1x!tpu.dma_semaphore, #tpu.memory_space<semaphore_mem>> -> memref<!tpu.dma_semaphore, #tpu.memory_space<semaphore_mem>>
        tpu.enqueue_indirect_dma source(%dma_start3A_188 : memref<128x128xbf16, #tpu.memory_space<vmem>>) target(%dma_start3A_194 : memref<10240x128xbf16, #tpu.memory_space<vmem_shared>>) offsets(%dma_start3A_191 : memref<128xi32, #tpu.memory_space<vmem>>) semaphore(%dma_start3A_196 : memref<!tpu.dma_semaphore, #tpu.memory_space<semaphore_mem>>) {add = true}
        %lt3A_197 = arith.constant 130 : i32
        %lt3A_198 = arith.cmpi slt, %add3A_168, %lt3A_197 : i32
        %convert_element_type3A_199 = arith.extui %lt3A_198 : i1 to i32
        %cond3A_200 = arith.constant 0 : i32
        %cond3A_201 = arith.cmpi ne, %convert_element_type3A_199, %cond3A_200 : i32
        scf.if %cond3A_201 {
          %ge3A = arith.constant 5 : i32
          %ge3A_313 = arith.cmpi sge, %add3A_168, %ge3A : i32
          %convert_element_type3A_314 = arith.extui %ge3A_313 : i1 to i32
          %cond3A_315 = arith.constant 0 : i32
          %cond3A_316 = arith.cmpi ne, %convert_element_type3A_314, %cond3A_315 : i32
          scf.if %cond3A_316 {
            %dma_wait3A_331 = arith.constant 3 : i32
            %dma_wait3A_332 = arith.constant 3 : i32
            %dma_wait3A_333 = arith.constant 0 : i32
            %dma_wait3A_334 = arith.constant 0 : i32
            %dma_wait3A_335 = tpu.memref_slice %arg9[%dma_wait3A_331, %dma_wait3A_333, %dma_wait3A_334] : memref<5x128x128xbf16, #tpu.memory_space<vmem>> -> memref<1x128x128xbf16, #tpu.memory_space<vmem>>
            %dma_wait3A_336 = tpu.memref_squeeze %dma_wait3A_335 : memref<1x128x128xbf16, #tpu.memory_space<vmem>> -> memref<128x128xbf16, #tpu.memory_space<vmem>>
            %dma_wait3A_337 = arith.constant 0 : i32
            %dma_wait3A_338 = tpu.memref_slice %arg8[%add3A_168, %dma_wait3A_337] : memref<130x128xi32, #tpu.memory_space<vmem>> -> memref<1x128xi32, #tpu.memory_space<vmem>>
            %dma_wait3A_339 = tpu.memref_squeeze %dma_wait3A_338 : memref<1x128xi32, #tpu.memory_space<vmem>> -> memref<128xi32, #tpu.memory_space<vmem>>
            %dma_wait3A_340 = arith.constant 0 : i32
            %dma_wait3A_341 = arith.constant 0 : i32
            %dma_wait3A_342 = tpu.memref_slice %arg12[%dma_wait3A_340, %dma_wait3A_341] : memref<10240x128xbf16, #tpu.memory_space<vmem_shared>> -> memref<10240x128xbf16, #tpu.memory_space<vmem_shared>>
            %dma_wait3A_343 = tpu.memref_slice %arg11[%dma_wait3A_332] : memref<5x!tpu.dma_semaphore, #tpu.memory_space<semaphore_mem>> -> memref<1x!tpu.dma_semaphore, #tpu.memory_space<semaphore_mem>>
            %dma_wait3A_344 = tpu.memref_squeeze %dma_wait3A_343 : memref<1x!tpu.dma_semaphore, #tpu.memory_space<semaphore_mem>> -> memref<!tpu.dma_semaphore, #tpu.memory_space<semaphore_mem>>
            tpu.wait_indirect_dma semaphore(%dma_wait3A_344 : memref<!tpu.dma_semaphore, #tpu.memory_space<semaphore_mem>>) src(%dma_wait3A_336 : memref<128x128xbf16, #tpu.memory_space<vmem>>) dst(%dma_wait3A_342 : memref<10240x128xbf16, #tpu.memory_space<vmem_shared>>)
          } else {
          }
          %dma_start3A_317 = arith.constant 3 : i32
          %dma_start3A_318 = arith.constant 3 : i32
          %dma_start3A_319 = arith.constant 0 : i32
          %dma_start3A_320 = arith.constant 0 : i32
          %dma_start3A_321 = tpu.memref_slice %arg9[%dma_start3A_317, %dma_start3A_319, %dma_start3A_320] : memref<5x128x128xbf16, #tpu.memory_space<vmem>> -> memref<1x128x128xbf16, #tpu.memory_space<vmem>>
          %dma_start3A_322 = tpu.memref_squeeze %dma_start3A_321 : memref<1x128x128xbf16, #tpu.memory_space<vmem>> -> memref<128x128xbf16, #tpu.memory_space<vmem>>
          %dma_start3A_323 = arith.constant 0 : i32
          %dma_start3A_324 = tpu.memref_slice %arg7[%add3A_168, %dma_start3A_323] : memref<130x128xi32, #tpu.memory_space<vmem>> -> memref<1x128xi32, #tpu.memory_space<vmem>>
          %dma_start3A_325 = tpu.memref_squeeze %dma_start3A_324 : memref<1x128xi32, #tpu.memory_space<vmem>> -> memref<128xi32, #tpu.memory_space<vmem>>
          %dma_start3A_326 = arith.constant 0 : i32
          %dma_start3A_327 = arith.constant 0 : i32
          %dma_start3A_328 = tpu.memref_slice %arg2[%dma_start3A_326, %dma_start3A_327] : memref<10000x128xbf16, #tpu.memory_space<hbm>> -> memref<10000x128xbf16, #tpu.memory_space<hbm>>
          %dma_start3A_329 = tpu.memref_slice %arg10[%dma_start3A_318] : memref<5x!tpu.dma_semaphore, #tpu.memory_space<semaphore_mem>> -> memref<1x!tpu.dma_semaphore, #tpu.memory_space<semaphore_mem>>
          %dma_start3A_330 = tpu.memref_squeeze %dma_start3A_329 : memref<1x!tpu.dma_semaphore, #tpu.memory_space<semaphore_mem>> -> memref<!tpu.dma_semaphore, #tpu.memory_space<semaphore_mem>>
          tpu.enqueue_indirect_dma source(%dma_start3A_328 : memref<10000x128xbf16, #tpu.memory_space<hbm>>) target(%dma_start3A_322 : memref<128x128xbf16, #tpu.memory_space<vmem>>) offsets(%dma_start3A_325 : memref<128xi32, #tpu.memory_space<vmem>>) semaphore(%dma_start3A_330 : memref<!tpu.dma_semaphore, #tpu.memory_space<semaphore_mem>>)
        } else {
        }
        %add3A_202 = arith.constant 2 : i32
        %add3A_203 = arith.addi %mul3A_129, %add3A_202 : i32
        %add3A_204 = arith.constant 2 : i32
        %add3A_205 = arith.addi %add3A_203, %add3A_204 : i32
        %dma_wait3A_206 = arith.constant 2 : i32
        %dma_wait3A_207 = arith.constant 2 : i32
        %dma_wait3A_208 = arith.constant 0 : i32
        %dma_wait3A_209 = arith.constant 0 : i32
        %dma_wait3A_210 = tpu.memref_slice %arg9[%dma_wait3A_206, %dma_wait3A_208, %dma_wait3A_209] : memref<5x128x128xbf16, #tpu.memory_space<vmem>> -> memref<1x128x128xbf16, #tpu.memory_space<vmem>>
        %dma_wait3A_211 = tpu.memref_squeeze %dma_wait3A_210 : memref<1x128x128xbf16, #tpu.memory_space<vmem>> -> memref<128x128xbf16, #tpu.memory_space<vmem>>
        %dma_wait3A_212 = arith.constant 0 : i32
        %dma_wait3A_213 = tpu.memref_slice %arg7[%add3A_203, %dma_wait3A_212] : memref<130x128xi32, #tpu.memory_space<vmem>> -> memref<1x128xi32, #tpu.memory_space<vmem>>
        %dma_wait3A_214 = tpu.memref_squeeze %dma_wait3A_213 : memref<1x128xi32, #tpu.memory_space<vmem>> -> memref<128xi32, #tpu.memory_space<vmem>>
        %dma_wait3A_215 = arith.constant 0 : i32
        %dma_wait3A_216 = arith.constant 0 : i32
        %dma_wait3A_217 = tpu.memref_slice %arg2[%dma_wait3A_215, %dma_wait3A_216] : memref<10000x128xbf16, #tpu.memory_space<hbm>> -> memref<10000x128xbf16, #tpu.memory_space<hbm>>
        %dma_wait3A_218 = tpu.memref_slice %arg10[%dma_wait3A_207] : memref<5x!tpu.dma_semaphore, #tpu.memory_space<semaphore_mem>> -> memref<1x!tpu.dma_semaphore, #tpu.memory_space<semaphore_mem>>
        %dma_wait3A_219 = tpu.memref_squeeze %dma_wait3A_218 : memref<1x!tpu.dma_semaphore, #tpu.memory_space<semaphore_mem>> -> memref<!tpu.dma_semaphore, #tpu.memory_space<semaphore_mem>>
        tpu.wait_indirect_dma semaphore(%dma_wait3A_219 : memref<!tpu.dma_semaphore, #tpu.memory_space<semaphore_mem>>) src(%dma_wait3A_217 : memref<10000x128xbf16, #tpu.memory_space<hbm>>) dst(%dma_wait3A_211 : memref<128x128xbf16, #tpu.memory_space<vmem>>)
        %dma_start3A_220 = arith.constant 2 : i32
        %dma_start3A_221 = arith.constant 2 : i32
        %dma_start3A_222 = arith.constant 0 : i32
        %dma_start3A_223 = arith.constant 0 : i32
        %dma_start3A_224 = tpu.memref_slice %arg9[%dma_start3A_220, %dma_start3A_222, %dma_start3A_223] : memref<5x128x128xbf16, #tpu.memory_space<vmem>> -> memref<1x128x128xbf16, #tpu.memory_space<vmem>>
        %dma_start3A_225 = tpu.memref_squeeze %dma_start3A_224 : memref<1x128x128xbf16, #tpu.memory_space<vmem>> -> memref<128x128xbf16, #tpu.memory_space<vmem>>
        %dma_start3A_226 = arith.constant 0 : i32
        %dma_start3A_227 = tpu.memref_slice %arg8[%add3A_203, %dma_start3A_226] : memref<130x128xi32, #tpu.memory_space<vmem>> -> memref<1x128xi32, #tpu.memory_space<vmem>>
        %dma_start3A_228 = tpu.memref_squeeze %dma_start3A_227 : memref<1x128xi32, #tpu.memory_space<vmem>> -> memref<128xi32, #tpu.memory_space<vmem>>
        %dma_start3A_229 = arith.constant 0 : i32
        %dma_start3A_230 = arith.constant 0 : i32
        %dma_start3A_231 = tpu.memref_slice %arg12[%dma_start3A_229, %dma_start3A_230] : memref<10240x128xbf16, #tpu.memory_space<vmem_shared>> -> memref<10240x128xbf16, #tpu.memory_space<vmem_shared>>
        %dma_start3A_232 = tpu.memref_slice %arg11[%dma_start3A_221] : memref<5x!tpu.dma_semaphore, #tpu.memory_space<semaphore_mem>> -> memref<1x!tpu.dma_semaphore, #tpu.memory_space<semaphore_mem>>
        %dma_start3A_233 = tpu.memref_squeeze %dma_start3A_232 : memref<1x!tpu.dma_semaphore, #tpu.memory_space<semaphore_mem>> -> memref<!tpu.dma_semaphore, #tpu.memory_space<semaphore_mem>>
        tpu.enqueue_indirect_dma source(%dma_start3A_225 : memref<128x128xbf16, #tpu.memory_space<vmem>>) target(%dma_start3A_231 : memref<10240x128xbf16, #tpu.memory_space<vmem_shared>>) offsets(%dma_start3A_228 : memref<128xi32, #tpu.memory_space<vmem>>) semaphore(%dma_start3A_233 : memref<!tpu.dma_semaphore, #tpu.memory_space<semaphore_mem>>) {add = true}
        %lt3A_234 = arith.constant 130 : i32
        %lt3A_235 = arith.cmpi slt, %add3A_205, %lt3A_234 : i32
        %convert_element_type3A_236 = arith.extui %lt3A_235 : i1 to i32
        %cond3A_237 = arith.constant 0 : i32
        %cond3A_238 = arith.cmpi ne, %convert_element_type3A_236, %cond3A_237 : i32
        scf.if %cond3A_238 {
          %ge3A = arith.constant 5 : i32
          %ge3A_313 = arith.cmpi sge, %add3A_205, %ge3A : i32
          %convert_element_type3A_314 = arith.extui %ge3A_313 : i1 to i32
          %cond3A_315 = arith.constant 0 : i32
          %cond3A_316 = arith.cmpi ne, %convert_element_type3A_314, %cond3A_315 : i32
          scf.if %cond3A_316 {
            %dma_wait3A_331 = arith.constant 4 : i32
            %dma_wait3A_332 = arith.constant 4 : i32
            %dma_wait3A_333 = arith.constant 0 : i32
            %dma_wait3A_334 = arith.constant 0 : i32
            %dma_wait3A_335 = tpu.memref_slice %arg9[%dma_wait3A_331, %dma_wait3A_333, %dma_wait3A_334] : memref<5x128x128xbf16, #tpu.memory_space<vmem>> -> memref<1x128x128xbf16, #tpu.memory_space<vmem>>
            %dma_wait3A_336 = tpu.memref_squeeze %dma_wait3A_335 : memref<1x128x128xbf16, #tpu.memory_space<vmem>> -> memref<128x128xbf16, #tpu.memory_space<vmem>>
            %dma_wait3A_337 = arith.constant 0 : i32
            %dma_wait3A_338 = tpu.memref_slice %arg8[%add3A_205, %dma_wait3A_337] : memref<130x128xi32, #tpu.memory_space<vmem>> -> memref<1x128xi32, #tpu.memory_space<vmem>>
            %dma_wait3A_339 = tpu.memref_squeeze %dma_wait3A_338 : memref<1x128xi32, #tpu.memory_space<vmem>> -> memref<128xi32, #tpu.memory_space<vmem>>
            %dma_wait3A_340 = arith.constant 0 : i32
            %dma_wait3A_341 = arith.constant 0 : i32
            %dma_wait3A_342 = tpu.memref_slice %arg12[%dma_wait3A_340, %dma_wait3A_341] : memref<10240x128xbf16, #tpu.memory_space<vmem_shared>> -> memref<10240x128xbf16, #tpu.memory_space<vmem_shared>>
            %dma_wait3A_343 = tpu.memref_slice %arg11[%dma_wait3A_332] : memref<5x!tpu.dma_semaphore, #tpu.memory_space<semaphore_mem>> -> memref<1x!tpu.dma_semaphore, #tpu.memory_space<semaphore_mem>>
            %dma_wait3A_344 = tpu.memref_squeeze %dma_wait3A_343 : memref<1x!tpu.dma_semaphore, #tpu.memory_space<semaphore_mem>> -> memref<!tpu.dma_semaphore, #tpu.memory_space<semaphore_mem>>
            tpu.wait_indirect_dma semaphore(%dma_wait3A_344 : memref<!tpu.dma_semaphore, #tpu.memory_space<semaphore_mem>>) src(%dma_wait3A_336 : memref<128x128xbf16, #tpu.memory_space<vmem>>) dst(%dma_wait3A_342 : memref<10240x128xbf16, #tpu.memory_space<vmem_shared>>)
          } else {
          }
          %dma_start3A_317 = arith.constant 4 : i32
          %dma_start3A_318 = arith.constant 4 : i32
          %dma_start3A_319 = arith.constant 0 : i32
          %dma_start3A_320 = arith.constant 0 : i32
          %dma_start3A_321 = tpu.memref_slice %arg9[%dma_start3A_317, %dma_start3A_319, %dma_start3A_320] : memref<5x128x128xbf16, #tpu.memory_space<vmem>> -> memref<1x128x128xbf16, #tpu.memory_space<vmem>>
          %dma_start3A_322 = tpu.memref_squeeze %dma_start3A_321 : memref<1x128x128xbf16, #tpu.memory_space<vmem>> -> memref<128x128xbf16, #tpu.memory_space<vmem>>
          %dma_start3A_323 = arith.constant 0 : i32
          %dma_start3A_324 = tpu.memref_slice %arg7[%add3A_205, %dma_start3A_323] : memref<130x128xi32, #tpu.memory_space<vmem>> -> memref<1x128xi32, #tpu.memory_space<vmem>>
          %dma_start3A_325 = tpu.memref_squeeze %dma_start3A_324 : memref<1x128xi32, #tpu.memory_space<vmem>> -> memref<128xi32, #tpu.memory_space<vmem>>
          %dma_start3A_326 = arith.constant 0 : i32
          %dma_start3A_327 = arith.constant 0 : i32
          %dma_start3A_328 = tpu.memref_slice %arg2[%dma_start3A_326, %dma_start3A_327] : memref<10000x128xbf16, #tpu.memory_space<hbm>> -> memref<10000x128xbf16, #tpu.memory_space<hbm>>
          %dma_start3A_329 = tpu.memref_slice %arg10[%dma_start3A_318] : memref<5x!tpu.dma_semaphore, #tpu.memory_space<semaphore_mem>> -> memref<1x!tpu.dma_semaphore, #tpu.memory_space<semaphore_mem>>
          %dma_start3A_330 = tpu.memref_squeeze %dma_start3A_329 : memref<1x!tpu.dma_semaphore, #tpu.memory_space<semaphore_mem>> -> memref<!tpu.dma_semaphore, #tpu.memory_space<semaphore_mem>>
          tpu.enqueue_indirect_dma source(%dma_start3A_328 : memref<10000x128xbf16, #tpu.memory_space<hbm>>) target(%dma_start3A_322 : memref<128x128xbf16, #tpu.memory_space<vmem>>) offsets(%dma_start3A_325 : memref<128xi32, #tpu.memory_space<vmem>>) semaphore(%dma_start3A_330 : memref<!tpu.dma_semaphore, #tpu.memory_space<semaphore_mem>>)
        } else {
        }
        %add3A_239 = arith.constant 3 : i32
        %add3A_240 = arith.addi %mul3A_129, %add3A_239 : i32
        %add3A_241 = arith.constant 2 : i32
        %add3A_242 = arith.addi %add3A_240, %add3A_241 : i32
        %dma_wait3A_243 = arith.constant 3 : i32
        %dma_wait3A_244 = arith.constant 3 : i32
        %dma_wait3A_245 = arith.constant 0 : i32
        %dma_wait3A_246 = arith.constant 0 : i32
        %dma_wait3A_247 = tpu.memref_slice %arg9[%dma_wait3A_243, %dma_wait3A_245, %dma_wait3A_246] : memref<5x128x128xbf16, #tpu.memory_space<vmem>> -> memref<1x128x128xbf16, #tpu.memory_space<vmem>>
        %dma_wait3A_248 = tpu.memref_squeeze %dma_wait3A_247 : memref<1x128x128xbf16, #tpu.memory_space<vmem>> -> memref<128x128xbf16, #tpu.memory_space<vmem>>
        %dma_wait3A_249 = arith.constant 0 : i32
        %dma_wait3A_250 = tpu.memref_slice %arg7[%add3A_240, %dma_wait3A_249] : memref<130x128xi32, #tpu.memory_space<vmem>> -> memref<1x128xi32, #tpu.memory_space<vmem>>
        %dma_wait3A_251 = tpu.memref_squeeze %dma_wait3A_250 : memref<1x128xi32, #tpu.memory_space<vmem>> -> memref<128xi32, #tpu.memory_space<vmem>>
        %dma_wait3A_252 = arith.constant 0 : i32
        %dma_wait3A_253 = arith.constant 0 : i32
        %dma_wait3A_254 = tpu.memref_slice %arg2[%dma_wait3A_252, %dma_wait3A_253] : memref<10000x128xbf16, #tpu.memory_space<hbm>> -> memref<10000x128xbf16, #tpu.memory_space<hbm>>
        %dma_wait3A_255 = tpu.memref_slice %arg10[%dma_wait3A_244] : memref<5x!tpu.dma_semaphore, #tpu.memory_space<semaphore_mem>> -> memref<1x!tpu.dma_semaphore, #tpu.memory_space<semaphore_mem>>
        %dma_wait3A_256 = tpu.memref_squeeze %dma_wait3A_255 : memref<1x!tpu.dma_semaphore, #tpu.memory_space<semaphore_mem>> -> memref<!tpu.dma_semaphore, #tpu.memory_space<semaphore_mem>>
        tpu.wait_indirect_dma semaphore(%dma_wait3A_256 : memref<!tpu.dma_semaphore, #tpu.memory_space<semaphore_mem>>) src(%dma_wait3A_254 : memref<10000x128xbf16, #tpu.memory_space<hbm>>) dst(%dma_wait3A_248 : memref<128x128xbf16, #tpu.memory_space<vmem>>)
        %dma_start3A_257 = arith.constant 3 : i32
        %dma_start3A_258 = arith.constant 3 : i32
        %dma_start3A_259 = arith.constant 0 : i32
        %dma_start3A_260 = arith.constant 0 : i32
        %dma_start3A_261 = tpu.memref_slice %arg9[%dma_start3A_257, %dma_start3A_259, %dma_start3A_260] : memref<5x128x128xbf16, #tpu.memory_space<vmem>> -> memref<1x128x128xbf16, #tpu.memory_space<vmem>>
        %dma_start3A_262 = tpu.memref_squeeze %dma_start3A_261 : memref<1x128x128xbf16, #tpu.memory_space<vmem>> -> memref<128x128xbf16, #tpu.memory_space<vmem>>
        %dma_start3A_263 = arith.constant 0 : i32
        %dma_start3A_264 = tpu.memref_slice %arg8[%add3A_240, %dma_start3A_263] : memref<130x128xi32, #tpu.memory_space<vmem>> -> memref<1x128xi32, #tpu.memory_space<vmem>>
        %dma_start3A_265 = tpu.memref_squeeze %dma_start3A_264 : memref<1x128xi32, #tpu.memory_space<vmem>> -> memref<128xi32, #tpu.memory_space<vmem>>
        %dma_start3A_266 = arith.constant 0 : i32
        %dma_start3A_267 = arith.constant 0 : i32
        %dma_start3A_268 = tpu.memref_slice %arg12[%dma_start3A_266, %dma_start3A_267] : memref<10240x128xbf16, #tpu.memory_space<vmem_shared>> -> memref<10240x128xbf16, #tpu.memory_space<vmem_shared>>
        %dma_start3A_269 = tpu.memref_slice %arg11[%dma_start3A_258] : memref<5x!tpu.dma_semaphore, #tpu.memory_space<semaphore_mem>> -> memref<1x!tpu.dma_semaphore, #tpu.memory_space<semaphore_mem>>
        %dma_start3A_270 = tpu.memref_squeeze %dma_start3A_269 : memref<1x!tpu.dma_semaphore, #tpu.memory_space<semaphore_mem>> -> memref<!tpu.dma_semaphore, #tpu.memory_space<semaphore_mem>>
        tpu.enqueue_indirect_dma source(%dma_start3A_262 : memref<128x128xbf16, #tpu.memory_space<vmem>>) target(%dma_start3A_268 : memref<10240x128xbf16, #tpu.memory_space<vmem_shared>>) offsets(%dma_start3A_265 : memref<128xi32, #tpu.memory_space<vmem>>) semaphore(%dma_start3A_270 : memref<!tpu.dma_semaphore, #tpu.memory_space<semaphore_mem>>) {add = true}
        %lt3A_271 = arith.constant 130 : i32
        %lt3A_272 = arith.cmpi slt, %add3A_242, %lt3A_271 : i32
        %convert_element_type3A_273 = arith.extui %lt3A_272 : i1 to i32
        %cond3A_274 = arith.constant 0 : i32
        %cond3A_275 = arith.cmpi ne, %convert_element_type3A_273, %cond3A_274 : i32
        scf.if %cond3A_275 {
          %ge3A = arith.constant 5 : i32
          %ge3A_313 = arith.cmpi sge, %add3A_242, %ge3A : i32
          %convert_element_type3A_314 = arith.extui %ge3A_313 : i1 to i32
          %cond3A_315 = arith.constant 0 : i32
          %cond3A_316 = arith.cmpi ne, %convert_element_type3A_314, %cond3A_315 : i32
          scf.if %cond3A_316 {
            %dma_wait3A_331 = arith.constant 0 : i32
            %dma_wait3A_332 = arith.constant 0 : i32
            %dma_wait3A_333 = arith.constant 0 : i32
            %dma_wait3A_334 = arith.constant 0 : i32
            %dma_wait3A_335 = tpu.memref_slice %arg9[%dma_wait3A_331, %dma_wait3A_333, %dma_wait3A_334] : memref<5x128x128xbf16, #tpu.memory_space<vmem>> -> memref<1x128x128xbf16, #tpu.memory_space<vmem>>
            %dma_wait3A_336 = tpu.memref_squeeze %dma_wait3A_335 : memref<1x128x128xbf16, #tpu.memory_space<vmem>> -> memref<128x128xbf16, #tpu.memory_space<vmem>>
            %dma_wait3A_337 = arith.constant 0 : i32
            %dma_wait3A_338 = tpu.memref_slice %arg8[%add3A_242, %dma_wait3A_337] : memref<130x128xi32, #tpu.memory_space<vmem>> -> memref<1x128xi32, #tpu.memory_space<vmem>>
            %dma_wait3A_339 = tpu.memref_squeeze %dma_wait3A_338 : memref<1x128xi32, #tpu.memory_space<vmem>> -> memref<128xi32, #tpu.memory_space<vmem>>
            %dma_wait3A_340 = arith.constant 0 : i32
            %dma_wait3A_341 = arith.constant 0 : i32
            %dma_wait3A_342 = tpu.memref_slice %arg12[%dma_wait3A_340, %dma_wait3A_341] : memref<10240x128xbf16, #tpu.memory_space<vmem_shared>> -> memref<10240x128xbf16, #tpu.memory_space<vmem_shared>>
            %dma_wait3A_343 = tpu.memref_slice %arg11[%dma_wait3A_332] : memref<5x!tpu.dma_semaphore, #tpu.memory_space<semaphore_mem>> -> memref<1x!tpu.dma_semaphore, #tpu.memory_space<semaphore_mem>>
            %dma_wait3A_344 = tpu.memref_squeeze %dma_wait3A_343 : memref<1x!tpu.dma_semaphore, #tpu.memory_space<semaphore_mem>> -> memref<!tpu.dma_semaphore, #tpu.memory_space<semaphore_mem>>
            tpu.wait_indirect_dma semaphore(%dma_wait3A_344 : memref<!tpu.dma_semaphore, #tpu.memory_space<semaphore_mem>>) src(%dma_wait3A_336 : memref<128x128xbf16, #tpu.memory_space<vmem>>) dst(%dma_wait3A_342 : memref<10240x128xbf16, #tpu.memory_space<vmem_shared>>)
          } else {
          }
          %dma_start3A_317 = arith.constant 0 : i32
          %dma_start3A_318 = arith.constant 0 : i32
          %dma_start3A_319 = arith.constant 0 : i32
          %dma_start3A_320 = arith.constant 0 : i32
          %dma_start3A_321 = tpu.memref_slice %arg9[%dma_start3A_317, %dma_start3A_319, %dma_start3A_320] : memref<5x128x128xbf16, #tpu.memory_space<vmem>> -> memref<1x128x128xbf16, #tpu.memory_space<vmem>>
          %dma_start3A_322 = tpu.memref_squeeze %dma_start3A_321 : memref<1x128x128xbf16, #tpu.memory_space<vmem>> -> memref<128x128xbf16, #tpu.memory_space<vmem>>
          %dma_start3A_323 = arith.constant 0 : i32
          %dma_start3A_324 = tpu.memref_slice %arg7[%add3A_242, %dma_start3A_323] : memref<130x128xi32, #tpu.memory_space<vmem>> -> memref<1x128xi32, #tpu.memory_space<vmem>>
          %dma_start3A_325 = tpu.memref_squeeze %dma_start3A_324 : memref<1x128xi32, #tpu.memory_space<vmem>> -> memref<128xi32, #tpu.memory_space<vmem>>
          %dma_start3A_326 = arith.constant 0 : i32
          %dma_start3A_327 = arith.constant 0 : i32
          %dma_start3A_328 = tpu.memref_slice %arg2[%dma_start3A_326, %dma_start3A_327] : memref<10000x128xbf16, #tpu.memory_space<hbm>> -> memref<10000x128xbf16, #tpu.memory_space<hbm>>
          %dma_start3A_329 = tpu.memref_slice %arg10[%dma_start3A_318] : memref<5x!tpu.dma_semaphore, #tpu.memory_space<semaphore_mem>> -> memref<1x!tpu.dma_semaphore, #tpu.memory_space<semaphore_mem>>
          %dma_start3A_330 = tpu.memref_squeeze %dma_start3A_329 : memref<1x!tpu.dma_semaphore, #tpu.memory_space<semaphore_mem>> -> memref<!tpu.dma_semaphore, #tpu.memory_space<semaphore_mem>>
          tpu.enqueue_indirect_dma source(%dma_start3A_328 : memref<10000x128xbf16, #tpu.memory_space<hbm>>) target(%dma_start3A_322 : memref<128x128xbf16, #tpu.memory_space<vmem>>) offsets(%dma_start3A_325 : memref<128xi32, #tpu.memory_space<vmem>>) semaphore(%dma_start3A_330 : memref<!tpu.dma_semaphore, #tpu.memory_space<semaphore_mem>>)
        } else {
        }
        %add3A_276 = arith.constant 4 : i32
        %add3A_277 = arith.addi %mul3A_129, %add3A_276 : i32
        %add3A_278 = arith.constant 2 : i32
        %add3A_279 = arith.addi %add3A_277, %add3A_278 : i32
        %dma_wait3A_280 = arith.constant 4 : i32
        %dma_wait3A_281 = arith.constant 4 : i32
        %dma_wait3A_282 = arith.constant 0 : i32
        %dma_wait3A_283 = arith.constant 0 : i32
        %dma_wait3A_284 = tpu.memref_slice %arg9[%dma_wait3A_280, %dma_wait3A_282, %dma_wait3A_283] : memref<5x128x128xbf16, #tpu.memory_space<vmem>> -> memref<1x128x128xbf16, #tpu.memory_space<vmem>>
        %dma_wait3A_285 = tpu.memref_squeeze %dma_wait3A_284 : memref<1x128x128xbf16, #tpu.memory_space<vmem>> -> memref<128x128xbf16, #tpu.memory_space<vmem>>
        %dma_wait3A_286 = arith.constant 0 : i32
        %dma_wait3A_287 = tpu.memref_slice %arg7[%add3A_277, %dma_wait3A_286] : memref<130x128xi32, #tpu.memory_space<vmem>> -> memref<1x128xi32, #tpu.memory_space<vmem>>
        %dma_wait3A_288 = tpu.memref_squeeze %dma_wait3A_287 : memref<1x128xi32, #tpu.memory_space<vmem>> -> memref<128xi32, #tpu.memory_space<vmem>>
        %dma_wait3A_289 = arith.constant 0 : i32
        %dma_wait3A_290 = arith.constant 0 : i32
        %dma_wait3A_291 = tpu.memref_slice %arg2[%dma_wait3A_289, %dma_wait3A_290] : memref<10000x128xbf16, #tpu.memory_space<hbm>> -> memref<10000x128xbf16, #tpu.memory_space<hbm>>
        %dma_wait3A_292 = tpu.memref_slice %arg10[%dma_wait3A_281] : memref<5x!tpu.dma_semaphore, #tpu.memory_space<semaphore_mem>> -> memref<1x!tpu.dma_semaphore, #tpu.memory_space<semaphore_mem>>
        %dma_wait3A_293 = tpu.memref_squeeze %dma_wait3A_292 : memref<1x!tpu.dma_semaphore, #tpu.memory_space<semaphore_mem>> -> memref<!tpu.dma_semaphore, #tpu.memory_space<semaphore_mem>>
        tpu.wait_indirect_dma semaphore(%dma_wait3A_293 : memref<!tpu.dma_semaphore, #tpu.memory_space<semaphore_mem>>) src(%dma_wait3A_291 : memref<10000x128xbf16, #tpu.memory_space<hbm>>) dst(%dma_wait3A_285 : memref<128x128xbf16, #tpu.memory_space<vmem>>)
        %dma_start3A_294 = arith.constant 4 : i32
        %dma_start3A_295 = arith.constant 4 : i32
        %dma_start3A_296 = arith.constant 0 : i32
        %dma_start3A_297 = arith.constant 0 : i32
        %dma_start3A_298 = tpu.memref_slice %arg9[%dma_start3A_294, %dma_start3A_296, %dma_start3A_297] : memref<5x128x128xbf16, #tpu.memory_space<vmem>> -> memref<1x128x128xbf16, #tpu.memory_space<vmem>>
        %dma_start3A_299 = tpu.memref_squeeze %dma_start3A_298 : memref<1x128x128xbf16, #tpu.memory_space<vmem>> -> memref<128x128xbf16, #tpu.memory_space<vmem>>
        %dma_start3A_300 = arith.constant 0 : i32
        %dma_start3A_301 = tpu.memref_slice %arg8[%add3A_277, %dma_start3A_300] : memref<130x128xi32, #tpu.memory_space<vmem>> -> memref<1x128xi32, #tpu.memory_space<vmem>>
        %dma_start3A_302 = tpu.memref_squeeze %dma_start3A_301 : memref<1x128xi32, #tpu.memory_space<vmem>> -> memref<128xi32, #tpu.memory_space<vmem>>
        %dma_start3A_303 = arith.constant 0 : i32
        %dma_start3A_304 = arith.constant 0 : i32
        %dma_start3A_305 = tpu.memref_slice %arg12[%dma_start3A_303, %dma_start3A_304] : memref<10240x128xbf16, #tpu.memory_space<vmem_shared>> -> memref<10240x128xbf16, #tpu.memory_space<vmem_shared>>
        %dma_start3A_306 = tpu.memref_slice %arg11[%dma_start3A_295] : memref<5x!tpu.dma_semaphore, #tpu.memory_space<semaphore_mem>> -> memref<1x!tpu.dma_semaphore, #tpu.memory_space<semaphore_mem>>
        %dma_start3A_307 = tpu.memref_squeeze %dma_start3A_306 : memref<1x!tpu.dma_semaphore, #tpu.memory_space<semaphore_mem>> -> memref<!tpu.dma_semaphore, #tpu.memory_space<semaphore_mem>>
        tpu.enqueue_indirect_dma source(%dma_start3A_299 : memref<128x128xbf16, #tpu.memory_space<vmem>>) target(%dma_start3A_305 : memref<10240x128xbf16, #tpu.memory_space<vmem_shared>>) offsets(%dma_start3A_302 : memref<128xi32, #tpu.memory_space<vmem>>) semaphore(%dma_start3A_307 : memref<!tpu.dma_semaphore, #tpu.memory_space<semaphore_mem>>) {add = true}
        %lt3A_308 = arith.constant 130 : i32
        %lt3A_309 = arith.cmpi slt, %add3A_279, %lt3A_308 : i32
        %convert_element_type3A_310 = arith.extui %lt3A_309 : i1 to i32
        %cond3A_311 = arith.constant 0 : i32
        %cond3A_312 = arith.cmpi ne, %convert_element_type3A_310, %cond3A_311 : i32
        scf.if %cond3A_312 {
          %ge3A = arith.constant 5 : i32
          %ge3A_313 = arith.cmpi sge, %add3A_279, %ge3A : i32
          %convert_element_type3A_314 = arith.extui %ge3A_313 : i1 to i32
          %cond3A_315 = arith.constant 0 : i32
          %cond3A_316 = arith.cmpi ne, %convert_element_type3A_314, %cond3A_315 : i32
          scf.if %cond3A_316 {
            %dma_wait3A_331 = arith.constant 1 : i32
            %dma_wait3A_332 = arith.constant 1 : i32
            %dma_wait3A_333 = arith.constant 0 : i32
            %dma_wait3A_334 = arith.constant 0 : i32
            %dma_wait3A_335 = tpu.memref_slice %arg9[%dma_wait3A_331, %dma_wait3A_333, %dma_wait3A_334] : memref<5x128x128xbf16, #tpu.memory_space<vmem>> -> memref<1x128x128xbf16, #tpu.memory_space<vmem>>
            %dma_wait3A_336 = tpu.memref_squeeze %dma_wait3A_335 : memref<1x128x128xbf16, #tpu.memory_space<vmem>> -> memref<128x128xbf16, #tpu.memory_space<vmem>>
            %dma_wait3A_337 = arith.constant 0 : i32
            %dma_wait3A_338 = tpu.memref_slice %arg8[%add3A_279, %dma_wait3A_337] : memref<130x128xi32, #tpu.memory_space<vmem>> -> memref<1x128xi32, #tpu.memory_space<vmem>>
            %dma_wait3A_339 = tpu.memref_squeeze %dma_wait3A_338 : memref<1x128xi32, #tpu.memory_space<vmem>> -> memref<128xi32, #tpu.memory_space<vmem>>
            %dma_wait3A_340 = arith.constant 0 : i32
            %dma_wait3A_341 = arith.constant 0 : i32
            %dma_wait3A_342 = tpu.memref_slice %arg12[%dma_wait3A_340, %dma_wait3A_341] : memref<10240x128xbf16, #tpu.memory_space<vmem_shared>> -> memref<10240x128xbf16, #tpu.memory_space<vmem_shared>>
            %dma_wait3A_343 = tpu.memref_slice %arg11[%dma_wait3A_332] : memref<5x!tpu.dma_semaphore, #tpu.memory_space<semaphore_mem>> -> memref<1x!tpu.dma_semaphore, #tpu.memory_space<semaphore_mem>>
            %dma_wait3A_344 = tpu.memref_squeeze %dma_wait3A_343 : memref<1x!tpu.dma_semaphore, #tpu.memory_space<semaphore_mem>> -> memref<!tpu.dma_semaphore, #tpu.memory_space<semaphore_mem>>
            tpu.wait_indirect_dma semaphore(%dma_wait3A_344 : memref<!tpu.dma_semaphore, #tpu.memory_space<semaphore_mem>>) src(%dma_wait3A_336 : memref<128x128xbf16, #tpu.memory_space<vmem>>) dst(%dma_wait3A_342 : memref<10240x128xbf16, #tpu.memory_space<vmem_shared>>)
          } else {
          }
          %dma_start3A_317 = arith.constant 1 : i32
          %dma_start3A_318 = arith.constant 1 : i32
          %dma_start3A_319 = arith.constant 0 : i32
          %dma_start3A_320 = arith.constant 0 : i32
          %dma_start3A_321 = tpu.memref_slice %arg9[%dma_start3A_317, %dma_start3A_319, %dma_start3A_320] : memref<5x128x128xbf16, #tpu.memory_space<vmem>> -> memref<1x128x128xbf16, #tpu.memory_space<vmem>>
          %dma_start3A_322 = tpu.memref_squeeze %dma_start3A_321 : memref<1x128x128xbf16, #tpu.memory_space<vmem>> -> memref<128x128xbf16, #tpu.memory_space<vmem>>
          %dma_start3A_323 = arith.constant 0 : i32
          %dma_start3A_324 = tpu.memref_slice %arg7[%add3A_279, %dma_start3A_323] : memref<130x128xi32, #tpu.memory_space<vmem>> -> memref<1x128xi32, #tpu.memory_space<vmem>>
          %dma_start3A_325 = tpu.memref_squeeze %dma_start3A_324 : memref<1x128xi32, #tpu.memory_space<vmem>> -> memref<128xi32, #tpu.memory_space<vmem>>
          %dma_start3A_326 = arith.constant 0 : i32
          %dma_start3A_327 = arith.constant 0 : i32
          %dma_start3A_328 = tpu.memref_slice %arg2[%dma_start3A_326, %dma_start3A_327] : memref<10000x128xbf16, #tpu.memory_space<hbm>> -> memref<10000x128xbf16, #tpu.memory_space<hbm>>
          %dma_start3A_329 = tpu.memref_slice %arg10[%dma_start3A_318] : memref<5x!tpu.dma_semaphore, #tpu.memory_space<semaphore_mem>> -> memref<1x!tpu.dma_semaphore, #tpu.memory_space<semaphore_mem>>
          %dma_start3A_330 = tpu.memref_squeeze %dma_start3A_329 : memref<1x!tpu.dma_semaphore, #tpu.memory_space<semaphore_mem>> -> memref<!tpu.dma_semaphore, #tpu.memory_space<semaphore_mem>>
          tpu.enqueue_indirect_dma source(%dma_start3A_328 : memref<10000x128xbf16, #tpu.memory_space<hbm>>) target(%dma_start3A_322 : memref<128x128xbf16, #tpu.memory_space<vmem>>) offsets(%dma_start3A_325 : memref<128xi32, #tpu.memory_space<vmem>>) semaphore(%dma_start3A_330 : memref<!tpu.dma_semaphore, #tpu.memory_space<semaphore_mem>>)
        } else {
        }
      }
      %scan3A_52 = arith.constant 26 : i32
      %dma_wait3A = arith.constant 0 : i32
      %dma_wait3A_53 = arith.constant 0 : i32
      %dma_wait3A_54 = arith.constant 0 : i32
      %dma_wait3A_55 = arith.constant 0 : i32
      %dma_wait3A_56 = arith.constant 0 : i32
      %dma_wait3A_57 = tpu.memref_slice %arg9[%dma_wait3A, %dma_wait3A_55, %dma_wait3A_56] : memref<5x128x128xbf16, #tpu.memory_space<vmem>> -> memref<1x128x128xbf16, #tpu.memory_space<vmem>>
      %dma_wait3A_58 = tpu.memref_squeeze %dma_wait3A_57 : memref<1x128x128xbf16, #tpu.memory_space<vmem>> -> memref<128x128xbf16, #tpu.memory_space<vmem>>
      %dma_wait3A_59 = arith.constant 0 : i32
      %dma_wait3A_60 = tpu.memref_slice %arg8[%dma_wait3A_53, %dma_wait3A_59] : memref<130x128xi32, #tpu.memory_space<vmem>> -> memref<1x128xi32, #tpu.memory_space<vmem>>
      %dma_wait3A_61 = tpu.memref_squeeze %dma_wait3A_60 : memref<1x128xi32, #tpu.memory_space<vmem>> -> memref<128xi32, #tpu.memory_space<vmem>>
      %dma_wait3A_62 = arith.constant 0 : i32
      %dma_wait3A_63 = arith.constant 0 : i32
      %dma_wait3A_64 = tpu.memref_slice %arg12[%dma_wait3A_62, %dma_wait3A_63] : memref<10240x128xbf16, #tpu.memory_space<vmem_shared>> -> memref<10240x128xbf16, #tpu.memory_space<vmem_shared>>
      %dma_wait3A_65 = tpu.memref_slice %arg11[%dma_wait3A_54] : memref<5x!tpu.dma_semaphore, #tpu.memory_space<semaphore_mem>> -> memref<1x!tpu.dma_semaphore, #tpu.memory_space<semaphore_mem>>
      %dma_wait3A_66 = tpu.memref_squeeze %dma_wait3A_65 : memref<1x!tpu.dma_semaphore, #tpu.memory_space<semaphore_mem>> -> memref<!tpu.dma_semaphore, #tpu.memory_space<semaphore_mem>>
      tpu.wait_indirect_dma semaphore(%dma_wait3A_66 : memref<!tpu.dma_semaphore, #tpu.memory_space<semaphore_mem>>) src(%dma_wait3A_58 : memref<128x128xbf16, #tpu.memory_space<vmem>>) dst(%dma_wait3A_64 : memref<10240x128xbf16, #tpu.memory_space<vmem_shared>>)
      %dma_wait3A_67 = arith.constant 1 : i32
      %dma_wait3A_68 = arith.constant 0 : i32
      %dma_wait3A_69 = arith.constant 1 : i32
      %dma_wait3A_70 = arith.constant 0 : i32
      %dma_wait3A_71 = arith.constant 0 : i32
      %dma_wait3A_72 = tpu.memref_slice %arg9[%dma_wait3A_67, %dma_wait3A_70, %dma_wait3A_71] : memref<5x128x128xbf16, #tpu.memory_space<vmem>> -> memref<1x128x128xbf16, #tpu.memory_space<vmem>>
      %dma_wait3A_73 = tpu.memref_squeeze %dma_wait3A_72 : memref<1x128x128xbf16, #tpu.memory_space<vmem>> -> memref<128x128xbf16, #tpu.memory_space<vmem>>
      %dma_wait3A_74 = arith.constant 0 : i32
      %dma_wait3A_75 = tpu.memref_slice %arg8[%dma_wait3A_68, %dma_wait3A_74] : memref<130x128xi32, #tpu.memory_space<vmem>> -> memref<1x128xi32, #tpu.memory_space<vmem>>
      %dma_wait3A_76 = tpu.memref_squeeze %dma_wait3A_75 : memref<1x128xi32, #tpu.memory_space<vmem>> -> memref<128xi32, #tpu.memory_space<vmem>>
      %dma_wait3A_77 = arith.constant 0 : i32
      %dma_wait3A_78 = arith.constant 0 : i32
      %dma_wait3A_79 = tpu.memref_slice %arg12[%dma_wait3A_77, %dma_wait3A_78] : memref<10240x128xbf16, #tpu.memory_space<vmem_shared>> -> memref<10240x128xbf16, #tpu.memory_space<vmem_shared>>
      %dma_wait3A_80 = tpu.memref_slice %arg11[%dma_wait3A_69] : memref<5x!tpu.dma_semaphore, #tpu.memory_space<semaphore_mem>> -> memref<1x!tpu.dma_semaphore, #tpu.memory_space<semaphore_mem>>
      %dma_wait3A_81 = tpu.memref_squeeze %dma_wait3A_80 : memref<1x!tpu.dma_semaphore, #tpu.memory_space<semaphore_mem>> -> memref<!tpu.dma_semaphore, #tpu.memory_space<semaphore_mem>>
      tpu.wait_indirect_dma semaphore(%dma_wait3A_81 : memref<!tpu.dma_semaphore, #tpu.memory_space<semaphore_mem>>) src(%dma_wait3A_73 : memref<128x128xbf16, #tpu.memory_space<vmem>>) dst(%dma_wait3A_79 : memref<10240x128xbf16, #tpu.memory_space<vmem_shared>>)
      %dma_wait3A_82 = arith.constant 2 : i32
      %dma_wait3A_83 = arith.constant 0 : i32
      %dma_wait3A_84 = arith.constant 2 : i32
      %dma_wait3A_85 = arith.constant 0 : i32
      %dma_wait3A_86 = arith.constant 0 : i32
      %dma_wait3A_87 = tpu.memref_slice %arg9[%dma_wait3A_82, %dma_wait3A_85, %dma_wait3A_86] : memref<5x128x128xbf16, #tpu.memory_space<vmem>> -> memref<1x128x128xbf16, #tpu.memory_space<vmem>>
      %dma_wait3A_88 = tpu.memref_squeeze %dma_wait3A_87 : memref<1x128x128xbf16, #tpu.memory_space<vmem>> -> memref<128x128xbf16, #tpu.memory_space<vmem>>
      %dma_wait3A_89 = arith.constant 0 : i32
      %dma_wait3A_90 = tpu.memref_slice %arg8[%dma_wait3A_83, %dma_wait3A_89] : memref<130x128xi32, #tpu.memory_space<vmem>> -> memref<1x128xi32, #tpu.memory_space<vmem>>
      %dma_wait3A_91 = tpu.memref_squeeze %dma_wait3A_90 : memref<1x128xi32, #tpu.memory_space<vmem>> -> memref<128xi32, #tpu.memory_space<vmem>>
      %dma_wait3A_92 = arith.constant 0 : i32
      %dma_wait3A_93 = arith.constant 0 : i32
      %dma_wait3A_94 = tpu.memref_slice %arg12[%dma_wait3A_92, %dma_wait3A_93] : memref<10240x128xbf16, #tpu.memory_space<vmem_shared>> -> memref<10240x128xbf16, #tpu.memory_space<vmem_shared>>
      %dma_wait3A_95 = tpu.memref_slice %arg11[%dma_wait3A_84] : memref<5x!tpu.dma_semaphore, #tpu.memory_space<semaphore_mem>> -> memref<1x!tpu.dma_semaphore, #tpu.memory_space<semaphore_mem>>
      %dma_wait3A_96 = tpu.memref_squeeze %dma_wait3A_95 : memref<1x!tpu.dma_semaphore, #tpu.memory_space<semaphore_mem>> -> memref<!tpu.dma_semaphore, #tpu.memory_space<semaphore_mem>>
      tpu.wait_indirect_dma semaphore(%dma_wait3A_96 : memref<!tpu.dma_semaphore, #tpu.memory_space<semaphore_mem>>) src(%dma_wait3A_88 : memref<128x128xbf16, #tpu.memory_space<vmem>>) dst(%dma_wait3A_94 : memref<10240x128xbf16, #tpu.memory_space<vmem_shared>>)
      %dma_wait3A_97 = arith.constant 3 : i32
      %dma_wait3A_98 = arith.constant 0 : i32
      %dma_wait3A_99 = arith.constant 3 : i32
      %dma_wait3A_100 = arith.constant 0 : i32
      %dma_wait3A_101 = arith.constant 0 : i32
      %dma_wait3A_102 = tpu.memref_slice %arg9[%dma_wait3A_97, %dma_wait3A_100, %dma_wait3A_101] : memref<5x128x128xbf16, #tpu.memory_space<vmem>> -> memref<1x128x128xbf16, #tpu.memory_space<vmem>>
      %dma_wait3A_103 = tpu.memref_squeeze %dma_wait3A_102 : memref<1x128x128xbf16, #tpu.memory_space<vmem>> -> memref<128x128xbf16, #tpu.memory_space<vmem>>
      %dma_wait3A_104 = arith.constant 0 : i32
      %dma_wait3A_105 = tpu.memref_slice %arg8[%dma_wait3A_98, %dma_wait3A_104] : memref<130x128xi32, #tpu.memory_space<vmem>> -> memref<1x128xi32, #tpu.memory_space<vmem>>
      %dma_wait3A_106 = tpu.memref_squeeze %dma_wait3A_105 : memref<1x128xi32, #tpu.memory_space<vmem>> -> memref<128xi32, #tpu.memory_space<vmem>>
      %dma_wait3A_107 = arith.constant 0 : i32
      %dma_wait3A_108 = arith.constant 0 : i32
      %dma_wait3A_109 = tpu.memref_slice %arg12[%dma_wait3A_107, %dma_wait3A_108] : memref<10240x128xbf16, #tpu.memory_space<vmem_shared>> -> memref<10240x128xbf16, #tpu.memory_space<vmem_shared>>
      %dma_wait3A_110 = tpu.memref_slice %arg11[%dma_wait3A_99] : memref<5x!tpu.dma_semaphore, #tpu.memory_space<semaphore_mem>> -> memref<1x!tpu.dma_semaphore, #tpu.memory_space<semaphore_mem>>
      %dma_wait3A_111 = tpu.memref_squeeze %dma_wait3A_110 : memref<1x!tpu.dma_semaphore, #tpu.memory_space<semaphore_mem>> -> memref<!tpu.dma_semaphore, #tpu.memory_space<semaphore_mem>>
      tpu.wait_indirect_dma semaphore(%dma_wait3A_111 : memref<!tpu.dma_semaphore, #tpu.memory_space<semaphore_mem>>) src(%dma_wait3A_103 : memref<128x128xbf16, #tpu.memory_space<vmem>>) dst(%dma_wait3A_109 : memref<10240x128xbf16, #tpu.memory_space<vmem_shared>>)
      %dma_wait3A_112 = arith.constant 4 : i32
      %dma_wait3A_113 = arith.constant 0 : i32
      %dma_wait3A_114 = arith.constant 4 : i32
      %dma_wait3A_115 = arith.constant 0 : i32
      %dma_wait3A_116 = arith.constant 0 : i32
      %dma_wait3A_117 = tpu.memref_slice %arg9[%dma_wait3A_112, %dma_wait3A_115, %dma_wait3A_116] : memref<5x128x128xbf16, #tpu.memory_space<vmem>> -> memref<1x128x128xbf16, #tpu.memory_space<vmem>>
      %dma_wait3A_118 = tpu.memref_squeeze %dma_wait3A_117 : memref<1x128x128xbf16, #tpu.memory_space<vmem>> -> memref<128x128xbf16, #tpu.memory_space<vmem>>
      %dma_wait3A_119 = arith.constant 0 : i32
      %dma_wait3A_120 = tpu.memref_slice %arg8[%dma_wait3A_113, %dma_wait3A_119] : memref<130x128xi32, #tpu.memory_space<vmem>> -> memref<1x128xi32, #tpu.memory_space<vmem>>
      %dma_wait3A_121 = tpu.memref_squeeze %dma_wait3A_120 : memref<1x128xi32, #tpu.memory_space<vmem>> -> memref<128xi32, #tpu.memory_space<vmem>>
      %dma_wait3A_122 = arith.constant 0 : i32
      %dma_wait3A_123 = arith.constant 0 : i32
      %dma_wait3A_124 = tpu.memref_slice %arg12[%dma_wait3A_122, %dma_wait3A_123] : memref<10240x128xbf16, #tpu.memory_space<vmem_shared>> -> memref<10240x128xbf16, #tpu.memory_space<vmem_shared>>
      %dma_wait3A_125 = tpu.memref_slice %arg11[%dma_wait3A_114] : memref<5x!tpu.dma_semaphore, #tpu.memory_space<semaphore_mem>> -> memref<1x!tpu.dma_semaphore, #tpu.memory_space<semaphore_mem>>
      %dma_wait3A_126 = tpu.memref_squeeze %dma_wait3A_125 : memref<1x!tpu.dma_semaphore, #tpu.memory_space<semaphore_mem>> -> memref<!tpu.dma_semaphore, #tpu.memory_space<semaphore_mem>>
      tpu.wait_indirect_dma semaphore(%dma_wait3A_126 : memref<!tpu.dma_semaphore, #tpu.memory_space<semaphore_mem>>) src(%dma_wait3A_118 : memref<128x128xbf16, #tpu.memory_space<vmem>>) dst(%dma_wait3A_124 : memref<10240x128xbf16, #tpu.memory_space<vmem_shared>>)
    } else {
    }
    %eq3A_13 = arith.constant 1 : i32
    %eq3A_14 = arith.cmpi eq, %arg0, %eq3A_13 : i32
    %convert_element_type3A_15 = arith.extui %eq3A_14 : i1 to i32
    %cond3A_16 = arith.constant 0 : i32
    %cond3A_17 = arith.cmpi ne, %convert_element_type3A_15, %cond3A_16 : i32
    scf.if %cond3A_17 {
      %dma_start3A = arith.constant 0 : i32
      %dma_start3A_19 = arith.constant 0 : i32
      %dma_start3A_20 = arith.constant 0 : i32
      %dma_start3A_21 = arith.constant 0 : i32
      %dma_start3A_22 = arith.constant 0 : i32
      %dma_start3A_23 = tpu.memref_slice %arg9[%dma_start3A_19, %dma_start3A_21, %dma_start3A_22] : memref<5x128x128xbf16, #tpu.memory_space<vmem>> -> memref<1x128x128xbf16, #tpu.memory_space<vmem>>
      %dma_start3A_24 = tpu.memref_squeeze %dma_start3A_23 : memref<1x128x128xbf16, #tpu.memory_space<vmem>> -> memref<128x128xbf16, #tpu.memory_space<vmem>>
      %dma_start3A_25 = arith.constant 0 : i32
      %dma_start3A_26 = tpu.memref_slice %arg7[%dma_start3A, %dma_start3A_25] : memref<130x128xi32, #tpu.memory_space<vmem>> -> memref<1x128xi32, #tpu.memory_space<vmem>>
      %dma_start3A_27 = tpu.memref_squeeze %dma_start3A_26 : memref<1x128xi32, #tpu.memory_space<vmem>> -> memref<128xi32, #tpu.memory_space<vmem>>
      %dma_start3A_28 = arith.constant 0 : i32
      %dma_start3A_29 = arith.constant 0 : i32
      %dma_start3A_30 = tpu.memref_slice %arg2[%dma_start3A_28, %dma_start3A_29] : memref<10000x128xbf16, #tpu.memory_space<hbm>> -> memref<10000x128xbf16, #tpu.memory_space<hbm>>
      %dma_start3A_31 = tpu.memref_slice %arg10[%dma_start3A_20] : memref<5x!tpu.dma_semaphore, #tpu.memory_space<semaphore_mem>> -> memref<1x!tpu.dma_semaphore, #tpu.memory_space<semaphore_mem>>
      %dma_start3A_32 = tpu.memref_squeeze %dma_start3A_31 : memref<1x!tpu.dma_semaphore, #tpu.memory_space<semaphore_mem>> -> memref<!tpu.dma_semaphore, #tpu.memory_space<semaphore_mem>>
      tpu.enqueue_indirect_dma source(%dma_start3A_30 : memref<10000x128xbf16, #tpu.memory_space<hbm>>) target(%dma_start3A_24 : memref<128x128xbf16, #tpu.memory_space<vmem>>) offsets(%dma_start3A_27 : memref<128xi32, #tpu.memory_space<vmem>>) semaphore(%dma_start3A_32 : memref<!tpu.dma_semaphore, #tpu.memory_space<semaphore_mem>>)
      %dma_start3A_33 = arith.constant 1 : i32
      %dma_start3A_34 = arith.constant 1 : i32
      %dma_start3A_35 = arith.constant 1 : i32
      %dma_start3A_36 = arith.constant 0 : i32
      %dma_start3A_37 = arith.constant 0 : i32
      %dma_start3A_38 = tpu.memref_slice %arg9[%dma_start3A_34, %dma_start3A_36, %dma_start3A_37] : memref<5x128x128xbf16, #tpu.memory_space<vmem>> -> memref<1x128x128xbf16, #tpu.memory_space<vmem>>
      %dma_start3A_39 = tpu.memref_squeeze %dma_start3A_38 : memref<1x128x128xbf16, #tpu.memory_space<vmem>> -> memref<128x128xbf16, #tpu.memory_space<vmem>>
      %dma_start3A_40 = arith.constant 0 : i32
      %dma_start3A_41 = tpu.memref_slice %arg7[%dma_start3A_33, %dma_start3A_40] : memref<130x128xi32, #tpu.memory_space<vmem>> -> memref<1x128xi32, #tpu.memory_space<vmem>>
      %dma_start3A_42 = tpu.memref_squeeze %dma_start3A_41 : memref<1x128xi32, #tpu.memory_space<vmem>> -> memref<128xi32, #tpu.memory_space<vmem>>
      %dma_start3A_43 = arith.constant 0 : i32
      %dma_start3A_44 = arith.constant 0 : i32
      %dma_start3A_45 = tpu.memref_slice %arg2[%dma_start3A_43, %dma_start3A_44] : memref<10000x128xbf16, #tpu.memory_space<hbm>> -> memref<10000x128xbf16, #tpu.memory_space<hbm>>
      %dma_start3A_46 = tpu.memref_slice %arg10[%dma_start3A_35] : memref<5x!tpu.dma_semaphore, #tpu.memory_space<semaphore_mem>> -> memref<1x!tpu.dma_semaphore, #tpu.memory_space<semaphore_mem>>
      %dma_start3A_47 = tpu.memref_squeeze %dma_start3A_46 : memref<1x!tpu.dma_semaphore, #tpu.memory_space<semaphore_mem>> -> memref<!tpu.dma_semaphore, #tpu.memory_space<semaphore_mem>>
      tpu.enqueue_indirect_dma source(%dma_start3A_45 : memref<10000x128xbf16, #tpu.memory_space<hbm>>) target(%dma_start3A_39 : memref<128x128xbf16, #tpu.memory_space<vmem>>) offsets(%dma_start3A_42 : memref<128xi32, #tpu.memory_space<vmem>>) semaphore(%dma_start3A_47 : memref<!tpu.dma_semaphore, #tpu.memory_space<semaphore_mem>>)
      %scan3A = arith.constant 0 : i32
      %scan3A_48 = arith.constant 0 : i32
      %scan3A_49 = arith.constant 6 : i32
      %scan3A_50 = arith.addi %scan3A_48, %scan3A_49 : i32
      %scan3A_51 = arith.constant 1 : i32
      scf.for %scan3A_127 = %scan3A_48 to %scan3A_50 step %scan3A_51  : i32 {
        %mul3A_128 = arith.constant 5 : i32
        %mul3A_129 = arith.muli %scan3A_127, %mul3A_128 : i32
        %add3A = arith.constant 0 : i32
        %add3A_130 = arith.addi %mul3A_129, %add3A : i32
        %add3A_131 = arith.constant 2 : i32
        %add3A_132 = arith.addi %add3A_130, %add3A_131 : i32
        %dma_wait3A_133 = arith.constant 0 : i32
        %dma_wait3A_134 = arith.constant 0 : i32
        %dma_wait3A_135 = arith.constant 0 : i32
        %dma_wait3A_136 = arith.constant 0 : i32
        %dma_wait3A_137 = tpu.memref_slice %arg9[%dma_wait3A_133, %dma_wait3A_135, %dma_wait3A_136] : memref<5x128x128xbf16, #tpu.memory_space<vmem>> -> memref<1x128x128xbf16, #tpu.memory_space<vmem>>
        %dma_wait3A_138 = tpu.memref_squeeze %dma_wait3A_137 : memref<1x128x128xbf16, #tpu.memory_space<vmem>> -> memref<128x128xbf16, #tpu.memory_space<vmem>>
        %dma_wait3A_139 = arith.constant 0 : i32
        %dma_wait3A_140 = tpu.memref_slice %arg7[%add3A_130, %dma_wait3A_139] : memref<130x128xi32, #tpu.memory_space<vmem>> -> memref<1x128xi32, #tpu.memory_space<vmem>>
        %dma_wait3A_141 = tpu.memref_squeeze %dma_wait3A_140 : memref<1x128xi32, #tpu.memory_space<vmem>> -> memref<128xi32, #tpu.memory_space<vmem>>
        %dma_wait3A_142 = arith.constant 0 : i32
        %dma_wait3A_143 = arith.constant 0 : i32
        %dma_wait3A_144 = tpu.memref_slice %arg2[%dma_wait3A_142, %dma_wait3A_143] : memref<10000x128xbf16, #tpu.memory_space<hbm>> -> memref<10000x128xbf16, #tpu.memory_space<hbm>>
        %dma_wait3A_145 = tpu.memref_slice %arg10[%dma_wait3A_134] : memref<5x!tpu.dma_semaphore, #tpu.memory_space<semaphore_mem>> -> memref<1x!tpu.dma_semaphore, #tpu.memory_space<semaphore_mem>>
        %dma_wait3A_146 = tpu.memref_squeeze %dma_wait3A_145 : memref<1x!tpu.dma_semaphore, #tpu.memory_space<semaphore_mem>> -> memref<!tpu.dma_semaphore, #tpu.memory_space<semaphore_mem>>
        tpu.wait_indirect_dma semaphore(%dma_wait3A_146 : memref<!tpu.dma_semaphore, #tpu.memory_space<semaphore_mem>>) src(%dma_wait3A_144 : memref<10000x128xbf16, #tpu.memory_space<hbm>>) dst(%dma_wait3A_138 : memref<128x128xbf16, #tpu.memory_space<vmem>>)
        %dma_start3A_147 = arith.constant 0 : i32
        %dma_start3A_148 = arith.constant 0 : i32
        %dma_start3A_149 = arith.constant 0 : i32
        %dma_start3A_150 = arith.constant 0 : i32
        %dma_start3A_151 = tpu.memref_slice %arg9[%dma_start3A_147, %dma_start3A_149, %dma_start3A_150] : memref<5x128x128xbf16, #tpu.memory_space<vmem>> -> memref<1x128x128xbf16, #tpu.memory_space<vmem>>
        %dma_start3A_152 = tpu.memref_squeeze %dma_start3A_151 : memref<1x128x128xbf16, #tpu.memory_space<vmem>> -> memref<128x128xbf16, #tpu.memory_space<vmem>>
        %dma_start3A_153 = arith.constant 0 : i32
        %dma_start3A_154 = tpu.memref_slice %arg8[%add3A_130, %dma_start3A_153] : memref<130x128xi32, #tpu.memory_space<vmem>> -> memref<1x128xi32, #tpu.memory_space<vmem>>
        %dma_start3A_155 = tpu.memref_squeeze %dma_start3A_154 : memref<1x128xi32, #tpu.memory_space<vmem>> -> memref<128xi32, #tpu.memory_space<vmem>>
        %dma_start3A_156 = arith.constant 0 : i32
        %dma_start3A_157 = arith.constant 0 : i32
        %dma_start3A_158 = tpu.memref_slice %arg12[%dma_start3A_156, %dma_start3A_157] : memref<10240x128xbf16, #tpu.memory_space<vmem_shared>> -> memref<10240x128xbf16, #tpu.memory_space<vmem_shared>>
        %dma_start3A_159 = tpu.memref_slice %arg11[%dma_start3A_148] : memref<5x!tpu.dma_semaphore, #tpu.memory_space<semaphore_mem>> -> memref<1x!tpu.dma_semaphore, #tpu.memory_space<semaphore_mem>>
        %dma_start3A_160 = tpu.memref_squeeze %dma_start3A_159 : memref<1x!tpu.dma_semaphore, #tpu.memory_space<semaphore_mem>> -> memref<!tpu.dma_semaphore, #tpu.memory_space<semaphore_mem>>
        tpu.enqueue_indirect_dma source(%dma_start3A_152 : memref<128x128xbf16, #tpu.memory_space<vmem>>) target(%dma_start3A_158 : memref<10240x128xbf16, #tpu.memory_space<vmem_shared>>) offsets(%dma_start3A_155 : memref<128xi32, #tpu.memory_space<vmem>>) semaphore(%dma_start3A_160 : memref<!tpu.dma_semaphore, #tpu.memory_space<semaphore_mem>>) {add = true}
        %lt3A = arith.constant 30 : i32
        %lt3A_161 = arith.cmpi slt, %add3A_132, %lt3A : i32
        %convert_element_type3A_162 = arith.extui %lt3A_161 : i1 to i32
        %cond3A_163 = arith.constant 0 : i32
        %cond3A_164 = arith.cmpi ne, %convert_element_type3A_162, %cond3A_163 : i32
        scf.if %cond3A_164 {
          %ge3A = arith.constant 5 : i32
          %ge3A_313 = arith.cmpi sge, %add3A_132, %ge3A : i32
          %convert_element_type3A_314 = arith.extui %ge3A_313 : i1 to i32
          %cond3A_315 = arith.constant 0 : i32
          %cond3A_316 = arith.cmpi ne, %convert_element_type3A_314, %cond3A_315 : i32
          scf.if %cond3A_316 {
            %dma_wait3A_331 = arith.constant 2 : i32
            %dma_wait3A_332 = arith.constant 2 : i32
            %dma_wait3A_333 = arith.constant 0 : i32
            %dma_wait3A_334 = arith.constant 0 : i32
            %dma_wait3A_335 = tpu.memref_slice %arg9[%dma_wait3A_331, %dma_wait3A_333, %dma_wait3A_334] : memref<5x128x128xbf16, #tpu.memory_space<vmem>> -> memref<1x128x128xbf16, #tpu.memory_space<vmem>>
            %dma_wait3A_336 = tpu.memref_squeeze %dma_wait3A_335 : memref<1x128x128xbf16, #tpu.memory_space<vmem>> -> memref<128x128xbf16, #tpu.memory_space<vmem>>
            %dma_wait3A_337 = arith.constant 0 : i32
            %dma_wait3A_338 = tpu.memref_slice %arg8[%add3A_132, %dma_wait3A_337] : memref<130x128xi32, #tpu.memory_space<vmem>> -> memref<1x128xi32, #tpu.memory_space<vmem>>
            %dma_wait3A_339 = tpu.memref_squeeze %dma_wait3A_338 : memref<1x128xi32, #tpu.memory_space<vmem>> -> memref<128xi32, #tpu.memory_space<vmem>>
            %dma_wait3A_340 = arith.constant 0 : i32
            %dma_wait3A_341 = arith.constant 0 : i32
            %dma_wait3A_342 = tpu.memref_slice %arg12[%dma_wait3A_340, %dma_wait3A_341] : memref<10240x128xbf16, #tpu.memory_space<vmem_shared>> -> memref<10240x128xbf16, #tpu.memory_space<vmem_shared>>
            %dma_wait3A_343 = tpu.memref_slice %arg11[%dma_wait3A_332] : memref<5x!tpu.dma_semaphore, #tpu.memory_space<semaphore_mem>> -> memref<1x!tpu.dma_semaphore, #tpu.memory_space<semaphore_mem>>
            %dma_wait3A_344 = tpu.memref_squeeze %dma_wait3A_343 : memref<1x!tpu.dma_semaphore, #tpu.memory_space<semaphore_mem>> -> memref<!tpu.dma_semaphore, #tpu.memory_space<semaphore_mem>>
            tpu.wait_indirect_dma semaphore(%dma_wait3A_344 : memref<!tpu.dma_semaphore, #tpu.memory_space<semaphore_mem>>) src(%dma_wait3A_336 : memref<128x128xbf16, #tpu.memory_space<vmem>>) dst(%dma_wait3A_342 : memref<10240x128xbf16, #tpu.memory_space<vmem_shared>>)
          } else {
          }
          %dma_start3A_317 = arith.constant 2 : i32
          %dma_start3A_318 = arith.constant 2 : i32
          %dma_start3A_319 = arith.constant 0 : i32
          %dma_start3A_320 = arith.constant 0 : i32
          %dma_start3A_321 = tpu.memref_slice %arg9[%dma_start3A_317, %dma_start3A_319, %dma_start3A_320] : memref<5x128x128xbf16, #tpu.memory_space<vmem>> -> memref<1x128x128xbf16, #tpu.memory_space<vmem>>
          %dma_start3A_322 = tpu.memref_squeeze %dma_start3A_321 : memref<1x128x128xbf16, #tpu.memory_space<vmem>> -> memref<128x128xbf16, #tpu.memory_space<vmem>>
          %dma_start3A_323 = arith.constant 0 : i32
          %dma_start3A_324 = tpu.memref_slice %arg7[%add3A_132, %dma_start3A_323] : memref<130x128xi32, #tpu.memory_space<vmem>> -> memref<1x128xi32, #tpu.memory_space<vmem>>
          %dma_start3A_325 = tpu.memref_squeeze %dma_start3A_324 : memref<1x128xi32, #tpu.memory_space<vmem>> -> memref<128xi32, #tpu.memory_space<vmem>>
          %dma_start3A_326 = arith.constant 0 : i32
          %dma_start3A_327 = arith.constant 0 : i32
          %dma_start3A_328 = tpu.memref_slice %arg2[%dma_start3A_326, %dma_start3A_327] : memref<10000x128xbf16, #tpu.memory_space<hbm>> -> memref<10000x128xbf16, #tpu.memory_space<hbm>>
          %dma_start3A_329 = tpu.memref_slice %arg10[%dma_start3A_318] : memref<5x!tpu.dma_semaphore, #tpu.memory_space<semaphore_mem>> -> memref<1x!tpu.dma_semaphore, #tpu.memory_space<semaphore_mem>>
          %dma_start3A_330 = tpu.memref_squeeze %dma_start3A_329 : memref<1x!tpu.dma_semaphore, #tpu.memory_space<semaphore_mem>> -> memref<!tpu.dma_semaphore, #tpu.memory_space<semaphore_mem>>
          tpu.enqueue_indirect_dma source(%dma_start3A_328 : memref<10000x128xbf16, #tpu.memory_space<hbm>>) target(%dma_start3A_322 : memref<128x128xbf16, #tpu.memory_space<vmem>>) offsets(%dma_start3A_325 : memref<128xi32, #tpu.memory_space<vmem>>) semaphore(%dma_start3A_330 : memref<!tpu.dma_semaphore, #tpu.memory_space<semaphore_mem>>)
        } else {
        }
        %add3A_165 = arith.constant 1 : i32
        %add3A_166 = arith.addi %mul3A_129, %add3A_165 : i32
        %add3A_167 = arith.constant 2 : i32
        %add3A_168 = arith.addi %add3A_166, %add3A_167 : i32
        %dma_wait3A_169 = arith.constant 1 : i32
        %dma_wait3A_170 = arith.constant 1 : i32
        %dma_wait3A_171 = arith.constant 0 : i32
        %dma_wait3A_172 = arith.constant 0 : i32
        %dma_wait3A_173 = tpu.memref_slice %arg9[%dma_wait3A_169, %dma_wait3A_171, %dma_wait3A_172] : memref<5x128x128xbf16, #tpu.memory_space<vmem>> -> memref<1x128x128xbf16, #tpu.memory_space<vmem>>
        %dma_wait3A_174 = tpu.memref_squeeze %dma_wait3A_173 : memref<1x128x128xbf16, #tpu.memory_space<vmem>> -> memref<128x128xbf16, #tpu.memory_space<vmem>>
        %dma_wait3A_175 = arith.constant 0 : i32
        %dma_wait3A_176 = tpu.memref_slice %arg7[%add3A_166, %dma_wait3A_175] : memref<130x128xi32, #tpu.memory_space<vmem>> -> memref<1x128xi32, #tpu.memory_space<vmem>>
        %dma_wait3A_177 = tpu.memref_squeeze %dma_wait3A_176 : memref<1x128xi32, #tpu.memory_space<vmem>> -> memref<128xi32, #tpu.memory_space<vmem>>
        %dma_wait3A_178 = arith.constant 0 : i32
        %dma_wait3A_179 = arith.constant 0 : i32
        %dma_wait3A_180 = tpu.memref_slice %arg2[%dma_wait3A_178, %dma_wait3A_179] : memref<10000x128xbf16, #tpu.memory_space<hbm>> -> memref<10000x128xbf16, #tpu.memory_space<hbm>>
        %dma_wait3A_181 = tpu.memref_slice %arg10[%dma_wait3A_170] : memref<5x!tpu.dma_semaphore, #tpu.memory_space<semaphore_mem>> -> memref<1x!tpu.dma_semaphore, #tpu.memory_space<semaphore_mem>>
        %dma_wait3A_182 = tpu.memref_squeeze %dma_wait3A_181 : memref<1x!tpu.dma_semaphore, #tpu.memory_space<semaphore_mem>> -> memref<!tpu.dma_semaphore, #tpu.memory_space<semaphore_mem>>
        tpu.wait_indirect_dma semaphore(%dma_wait3A_182 : memref<!tpu.dma_semaphore, #tpu.memory_space<semaphore_mem>>) src(%dma_wait3A_180 : memref<10000x128xbf16, #tpu.memory_space<hbm>>) dst(%dma_wait3A_174 : memref<128x128xbf16, #tpu.memory_space<vmem>>)
        %dma_start3A_183 = arith.constant 1 : i32
        %dma_start3A_184 = arith.constant 1 : i32
        %dma_start3A_185 = arith.constant 0 : i32
        %dma_start3A_186 = arith.constant 0 : i32
        %dma_start3A_187 = tpu.memref_slice %arg9[%dma_start3A_183, %dma_start3A_185, %dma_start3A_186] : memref<5x128x128xbf16, #tpu.memory_space<vmem>> -> memref<1x128x128xbf16, #tpu.memory_space<vmem>>
        %dma_start3A_188 = tpu.memref_squeeze %dma_start3A_187 : memref<1x128x128xbf16, #tpu.memory_space<vmem>> -> memref<128x128xbf16, #tpu.memory_space<vmem>>
        %dma_start3A_189 = arith.constant 0 : i32
        %dma_start3A_190 = tpu.memref_slice %arg8[%add3A_166, %dma_start3A_189] : memref<130x128xi32, #tpu.memory_space<vmem>> -> memref<1x128xi32, #tpu.memory_space<vmem>>
        %dma_start3A_191 = tpu.memref_squeeze %dma_start3A_190 : memref<1x128xi32, #tpu.memory_space<vmem>> -> memref<128xi32, #tpu.memory_space<vmem>>
        %dma_start3A_192 = arith.constant 0 : i32
        %dma_start3A_193 = arith.constant 0 : i32
        %dma_start3A_194 = tpu.memref_slice %arg12[%dma_start3A_192, %dma_start3A_193] : memref<10240x128xbf16, #tpu.memory_space<vmem_shared>> -> memref<10240x128xbf16, #tpu.memory_space<vmem_shared>>
        %dma_start3A_195 = tpu.memref_slice %arg11[%dma_start3A_184] : memref<5x!tpu.dma_semaphore, #tpu.memory_space<semaphore_mem>> -> memref<1x!tpu.dma_semaphore, #tpu.memory_space<semaphore_mem>>
        %dma_start3A_196 = tpu.memref_squeeze %dma_start3A_195 : memref<1x!tpu.dma_semaphore, #tpu.memory_space<semaphore_mem>> -> memref<!tpu.dma_semaphore, #tpu.memory_space<semaphore_mem>>
        tpu.enqueue_indirect_dma source(%dma_start3A_188 : memref<128x128xbf16, #tpu.memory_space<vmem>>) target(%dma_start3A_194 : memref<10240x128xbf16, #tpu.memory_space<vmem_shared>>) offsets(%dma_start3A_191 : memref<128xi32, #tpu.memory_space<vmem>>) semaphore(%dma_start3A_196 : memref<!tpu.dma_semaphore, #tpu.memory_space<semaphore_mem>>) {add = true}
        %lt3A_197 = arith.constant 30 : i32
        %lt3A_198 = arith.cmpi slt, %add3A_168, %lt3A_197 : i32
        %convert_element_type3A_199 = arith.extui %lt3A_198 : i1 to i32
        %cond3A_200 = arith.constant 0 : i32
        %cond3A_201 = arith.cmpi ne, %convert_element_type3A_199, %cond3A_200 : i32
        scf.if %cond3A_201 {
          %ge3A = arith.constant 5 : i32
          %ge3A_313 = arith.cmpi sge, %add3A_168, %ge3A : i32
          %convert_element_type3A_314 = arith.extui %ge3A_313 : i1 to i32
          %cond3A_315 = arith.constant 0 : i32
          %cond3A_316 = arith.cmpi ne, %convert_element_type3A_314, %cond3A_315 : i32
          scf.if %cond3A_316 {
            %dma_wait3A_331 = arith.constant 3 : i32
            %dma_wait3A_332 = arith.constant 3 : i32
            %dma_wait3A_333 = arith.constant 0 : i32
            %dma_wait3A_334 = arith.constant 0 : i32
            %dma_wait3A_335 = tpu.memref_slice %arg9[%dma_wait3A_331, %dma_wait3A_333, %dma_wait3A_334] : memref<5x128x128xbf16, #tpu.memory_space<vmem>> -> memref<1x128x128xbf16, #tpu.memory_space<vmem>>
            %dma_wait3A_336 = tpu.memref_squeeze %dma_wait3A_335 : memref<1x128x128xbf16, #tpu.memory_space<vmem>> -> memref<128x128xbf16, #tpu.memory_space<vmem>>
            %dma_wait3A_337 = arith.constant 0 : i32
            %dma_wait3A_338 = tpu.memref_slice %arg8[%add3A_168, %dma_wait3A_337] : memref<130x128xi32, #tpu.memory_space<vmem>> -> memref<1x128xi32, #tpu.memory_space<vmem>>
            %dma_wait3A_339 = tpu.memref_squeeze %dma_wait3A_338 : memref<1x128xi32, #tpu.memory_space<vmem>> -> memref<128xi32, #tpu.memory_space<vmem>>
            %dma_wait3A_340 = arith.constant 0 : i32
            %dma_wait3A_341 = arith.constant 0 : i32
            %dma_wait3A_342 = tpu.memref_slice %arg12[%dma_wait3A_340, %dma_wait3A_341] : memref<10240x128xbf16, #tpu.memory_space<vmem_shared>> -> memref<10240x128xbf16, #tpu.memory_space<vmem_shared>>
            %dma_wait3A_343 = tpu.memref_slice %arg11[%dma_wait3A_332] : memref<5x!tpu.dma_semaphore, #tpu.memory_space<semaphore_mem>> -> memref<1x!tpu.dma_semaphore, #tpu.memory_space<semaphore_mem>>
            %dma_wait3A_344 = tpu.memref_squeeze %dma_wait3A_343 : memref<1x!tpu.dma_semaphore, #tpu.memory_space<semaphore_mem>> -> memref<!tpu.dma_semaphore, #tpu.memory_space<semaphore_mem>>
            tpu.wait_indirect_dma semaphore(%dma_wait3A_344 : memref<!tpu.dma_semaphore, #tpu.memory_space<semaphore_mem>>) src(%dma_wait3A_336 : memref<128x128xbf16, #tpu.memory_space<vmem>>) dst(%dma_wait3A_342 : memref<10240x128xbf16, #tpu.memory_space<vmem_shared>>)
          } else {
          }
          %dma_start3A_317 = arith.constant 3 : i32
          %dma_start3A_318 = arith.constant 3 : i32
          %dma_start3A_319 = arith.constant 0 : i32
          %dma_start3A_320 = arith.constant 0 : i32
          %dma_start3A_321 = tpu.memref_slice %arg9[%dma_start3A_317, %dma_start3A_319, %dma_start3A_320] : memref<5x128x128xbf16, #tpu.memory_space<vmem>> -> memref<1x128x128xbf16, #tpu.memory_space<vmem>>
          %dma_start3A_322 = tpu.memref_squeeze %dma_start3A_321 : memref<1x128x128xbf16, #tpu.memory_space<vmem>> -> memref<128x128xbf16, #tpu.memory_space<vmem>>
          %dma_start3A_323 = arith.constant 0 : i32
          %dma_start3A_324 = tpu.memref_slice %arg7[%add3A_168, %dma_start3A_323] : memref<130x128xi32, #tpu.memory_space<vmem>> -> memref<1x128xi32, #tpu.memory_space<vmem>>
          %dma_start3A_325 = tpu.memref_squeeze %dma_start3A_324 : memref<1x128xi32, #tpu.memory_space<vmem>> -> memref<128xi32, #tpu.memory_space<vmem>>
          %dma_start3A_326 = arith.constant 0 : i32
          %dma_start3A_327 = arith.constant 0 : i32
          %dma_start3A_328 = tpu.memref_slice %arg2[%dma_start3A_326, %dma_start3A_327] : memref<10000x128xbf16, #tpu.memory_space<hbm>> -> memref<10000x128xbf16, #tpu.memory_space<hbm>>
          %dma_start3A_329 = tpu.memref_slice %arg10[%dma_start3A_318] : memref<5x!tpu.dma_semaphore, #tpu.memory_space<semaphore_mem>> -> memref<1x!tpu.dma_semaphore, #tpu.memory_space<semaphore_mem>>
          %dma_start3A_330 = tpu.memref_squeeze %dma_start3A_329 : memref<1x!tpu.dma_semaphore, #tpu.memory_space<semaphore_mem>> -> memref<!tpu.dma_semaphore, #tpu.memory_space<semaphore_mem>>
          tpu.enqueue_indirect_dma source(%dma_start3A_328 : memref<10000x128xbf16, #tpu.memory_space<hbm>>) target(%dma_start3A_322 : memref<128x128xbf16, #tpu.memory_space<vmem>>) offsets(%dma_start3A_325 : memref<128xi32, #tpu.memory_space<vmem>>) semaphore(%dma_start3A_330 : memref<!tpu.dma_semaphore, #tpu.memory_space<semaphore_mem>>)
        } else {
        }
        %add3A_202 = arith.constant 2 : i32
        %add3A_203 = arith.addi %mul3A_129, %add3A_202 : i32
        %add3A_204 = arith.constant 2 : i32
        %add3A_205 = arith.addi %add3A_203, %add3A_204 : i32
        %dma_wait3A_206 = arith.constant 2 : i32
        %dma_wait3A_207 = arith.constant 2 : i32
        %dma_wait3A_208 = arith.constant 0 : i32
        %dma_wait3A_209 = arith.constant 0 : i32
        %dma_wait3A_210 = tpu.memref_slice %arg9[%dma_wait3A_206, %dma_wait3A_208, %dma_wait3A_209] : memref<5x128x128xbf16, #tpu.memory_space<vmem>> -> memref<1x128x128xbf16, #tpu.memory_space<vmem>>
        %dma_wait3A_211 = tpu.memref_squeeze %dma_wait3A_210 : memref<1x128x128xbf16, #tpu.memory_space<vmem>> -> memref<128x128xbf16, #tpu.memory_space<vmem>>
        %dma_wait3A_212 = arith.constant 0 : i32
        %dma_wait3A_213 = tpu.memref_slice %arg7[%add3A_203, %dma_wait3A_212] : memref<130x128xi32, #tpu.memory_space<vmem>> -> memref<1x128xi32, #tpu.memory_space<vmem>>
        %dma_wait3A_214 = tpu.memref_squeeze %dma_wait3A_213 : memref<1x128xi32, #tpu.memory_space<vmem>> -> memref<128xi32, #tpu.memory_space<vmem>>
        %dma_wait3A_215 = arith.constant 0 : i32
        %dma_wait3A_216 = arith.constant 0 : i32
        %dma_wait3A_217 = tpu.memref_slice %arg2[%dma_wait3A_215, %dma_wait3A_216] : memref<10000x128xbf16, #tpu.memory_space<hbm>> -> memref<10000x128xbf16, #tpu.memory_space<hbm>>
        %dma_wait3A_218 = tpu.memref_slice %arg10[%dma_wait3A_207] : memref<5x!tpu.dma_semaphore, #tpu.memory_space<semaphore_mem>> -> memref<1x!tpu.dma_semaphore, #tpu.memory_space<semaphore_mem>>
        %dma_wait3A_219 = tpu.memref_squeeze %dma_wait3A_218 : memref<1x!tpu.dma_semaphore, #tpu.memory_space<semaphore_mem>> -> memref<!tpu.dma_semaphore, #tpu.memory_space<semaphore_mem>>
        tpu.wait_indirect_dma semaphore(%dma_wait3A_219 : memref<!tpu.dma_semaphore, #tpu.memory_space<semaphore_mem>>) src(%dma_wait3A_217 : memref<10000x128xbf16, #tpu.memory_space<hbm>>) dst(%dma_wait3A_211 : memref<128x128xbf16, #tpu.memory_space<vmem>>)
        %dma_start3A_220 = arith.constant 2 : i32
        %dma_start3A_221 = arith.constant 2 : i32
        %dma_start3A_222 = arith.constant 0 : i32
        %dma_start3A_223 = arith.constant 0 : i32
        %dma_start3A_224 = tpu.memref_slice %arg9[%dma_start3A_220, %dma_start3A_222, %dma_start3A_223] : memref<5x128x128xbf16, #tpu.memory_space<vmem>> -> memref<1x128x128xbf16, #tpu.memory_space<vmem>>
        %dma_start3A_225 = tpu.memref_squeeze %dma_start3A_224 : memref<1x128x128xbf16, #tpu.memory_space<vmem>> -> memref<128x128xbf16, #tpu.memory_space<vmem>>
        %dma_start3A_226 = arith.constant 0 : i32
        %dma_start3A_227 = tpu.memref_slice %arg8[%add3A_203, %dma_start3A_226] : memref<130x128xi32, #tpu.memory_space<vmem>> -> memref<1x128xi32, #tpu.memory_space<vmem>>
        %dma_start3A_228 = tpu.memref_squeeze %dma_start3A_227 : memref<1x128xi32, #tpu.memory_space<vmem>> -> memref<128xi32, #tpu.memory_space<vmem>>
        %dma_start3A_229 = arith.constant 0 : i32
        %dma_start3A_230 = arith.constant 0 : i32
        %dma_start3A_231 = tpu.memref_slice %arg12[%dma_start3A_229, %dma_start3A_230] : memref<10240x128xbf16, #tpu.memory_space<vmem_shared>> -> memref<10240x128xbf16, #tpu.memory_space<vmem_shared>>
        %dma_start3A_232 = tpu.memref_slice %arg11[%dma_start3A_221] : memref<5x!tpu.dma_semaphore, #tpu.memory_space<semaphore_mem>> -> memref<1x!tpu.dma_semaphore, #tpu.memory_space<semaphore_mem>>
        %dma_start3A_233 = tpu.memref_squeeze %dma_start3A_232 : memref<1x!tpu.dma_semaphore, #tpu.memory_space<semaphore_mem>> -> memref<!tpu.dma_semaphore, #tpu.memory_space<semaphore_mem>>
        tpu.enqueue_indirect_dma source(%dma_start3A_225 : memref<128x128xbf16, #tpu.memory_space<vmem>>) target(%dma_start3A_231 : memref<10240x128xbf16, #tpu.memory_space<vmem_shared>>) offsets(%dma_start3A_228 : memref<128xi32, #tpu.memory_space<vmem>>) semaphore(%dma_start3A_233 : memref<!tpu.dma_semaphore, #tpu.memory_space<semaphore_mem>>) {add = true}
        %lt3A_234 = arith.constant 30 : i32
        %lt3A_235 = arith.cmpi slt, %add3A_205, %lt3A_234 : i32
        %convert_element_type3A_236 = arith.extui %lt3A_235 : i1 to i32
        %cond3A_237 = arith.constant 0 : i32
        %cond3A_238 = arith.cmpi ne, %convert_element_type3A_236, %cond3A_237 : i32
        scf.if %cond3A_238 {
          %ge3A = arith.constant 5 : i32
          %ge3A_313 = arith.cmpi sge, %add3A_205, %ge3A : i32
          %convert_element_type3A_314 = arith.extui %ge3A_313 : i1 to i32
          %cond3A_315 = arith.constant 0 : i32
          %cond3A_316 = arith.cmpi ne, %convert_element_type3A_314, %cond3A_315 : i32
          scf.if %cond3A_316 {
            %dma_wait3A_331 = arith.constant 4 : i32
            %dma_wait3A_332 = arith.constant 4 : i32
            %dma_wait3A_333 = arith.constant 0 : i32
            %dma_wait3A_334 = arith.constant 0 : i32
            %dma_wait3A_335 = tpu.memref_slice %arg9[%dma_wait3A_331, %dma_wait3A_333, %dma_wait3A_334] : memref<5x128x128xbf16, #tpu.memory_space<vmem>> -> memref<1x128x128xbf16, #tpu.memory_space<vmem>>
            %dma_wait3A_336 = tpu.memref_squeeze %dma_wait3A_335 : memref<1x128x128xbf16, #tpu.memory_space<vmem>> -> memref<128x128xbf16, #tpu.memory_space<vmem>>
            %dma_wait3A_337 = arith.constant 0 : i32
            %dma_wait3A_338 = tpu.memref_slice %arg8[%add3A_205, %dma_wait3A_337] : memref<130x128xi32, #tpu.memory_space<vmem>> -> memref<1x128xi32, #tpu.memory_space<vmem>>
            %dma_wait3A_339 = tpu.memref_squeeze %dma_wait3A_338 : memref<1x128xi32, #tpu.memory_space<vmem>> -> memref<128xi32, #tpu.memory_space<vmem>>
            %dma_wait3A_340 = arith.constant 0 : i32
            %dma_wait3A_341 = arith.constant 0 : i32
            %dma_wait3A_342 = tpu.memref_slice %arg12[%dma_wait3A_340, %dma_wait3A_341] : memref<10240x128xbf16, #tpu.memory_space<vmem_shared>> -> memref<10240x128xbf16, #tpu.memory_space<vmem_shared>>
            %dma_wait3A_343 = tpu.memref_slice %arg11[%dma_wait3A_332] : memref<5x!tpu.dma_semaphore, #tpu.memory_space<semaphore_mem>> -> memref<1x!tpu.dma_semaphore, #tpu.memory_space<semaphore_mem>>
            %dma_wait3A_344 = tpu.memref_squeeze %dma_wait3A_343 : memref<1x!tpu.dma_semaphore, #tpu.memory_space<semaphore_mem>> -> memref<!tpu.dma_semaphore, #tpu.memory_space<semaphore_mem>>
            tpu.wait_indirect_dma semaphore(%dma_wait3A_344 : memref<!tpu.dma_semaphore, #tpu.memory_space<semaphore_mem>>) src(%dma_wait3A_336 : memref<128x128xbf16, #tpu.memory_space<vmem>>) dst(%dma_wait3A_342 : memref<10240x128xbf16, #tpu.memory_space<vmem_shared>>)
          } else {
          }
          %dma_start3A_317 = arith.constant 4 : i32
          %dma_start3A_318 = arith.constant 4 : i32
          %dma_start3A_319 = arith.constant 0 : i32
          %dma_start3A_320 = arith.constant 0 : i32
          %dma_start3A_321 = tpu.memref_slice %arg9[%dma_start3A_317, %dma_start3A_319, %dma_start3A_320] : memref<5x128x128xbf16, #tpu.memory_space<vmem>> -> memref<1x128x128xbf16, #tpu.memory_space<vmem>>
          %dma_start3A_322 = tpu.memref_squeeze %dma_start3A_321 : memref<1x128x128xbf16, #tpu.memory_space<vmem>> -> memref<128x128xbf16, #tpu.memory_space<vmem>>
          %dma_start3A_323 = arith.constant 0 : i32
          %dma_start3A_324 = tpu.memref_slice %arg7[%add3A_205, %dma_start3A_323] : memref<130x128xi32, #tpu.memory_space<vmem>> -> memref<1x128xi32, #tpu.memory_space<vmem>>
          %dma_start3A_325 = tpu.memref_squeeze %dma_start3A_324 : memref<1x128xi32, #tpu.memory_space<vmem>> -> memref<128xi32, #tpu.memory_space<vmem>>
          %dma_start3A_326 = arith.constant 0 : i32
          %dma_start3A_327 = arith.constant 0 : i32
          %dma_start3A_328 = tpu.memref_slice %arg2[%dma_start3A_326, %dma_start3A_327] : memref<10000x128xbf16, #tpu.memory_space<hbm>> -> memref<10000x128xbf16, #tpu.memory_space<hbm>>
          %dma_start3A_329 = tpu.memref_slice %arg10[%dma_start3A_318] : memref<5x!tpu.dma_semaphore, #tpu.memory_space<semaphore_mem>> -> memref<1x!tpu.dma_semaphore, #tpu.memory_space<semaphore_mem>>
          %dma_start3A_330 = tpu.memref_squeeze %dma_start3A_329 : memref<1x!tpu.dma_semaphore, #tpu.memory_space<semaphore_mem>> -> memref<!tpu.dma_semaphore, #tpu.memory_space<semaphore_mem>>
          tpu.enqueue_indirect_dma source(%dma_start3A_328 : memref<10000x128xbf16, #tpu.memory_space<hbm>>) target(%dma_start3A_322 : memref<128x128xbf16, #tpu.memory_space<vmem>>) offsets(%dma_start3A_325 : memref<128xi32, #tpu.memory_space<vmem>>) semaphore(%dma_start3A_330 : memref<!tpu.dma_semaphore, #tpu.memory_space<semaphore_mem>>)
        } else {
        }
        %add3A_239 = arith.constant 3 : i32
        %add3A_240 = arith.addi %mul3A_129, %add3A_239 : i32
        %add3A_241 = arith.constant 2 : i32
        %add3A_242 = arith.addi %add3A_240, %add3A_241 : i32
        %dma_wait3A_243 = arith.constant 3 : i32
        %dma_wait3A_244 = arith.constant 3 : i32
        %dma_wait3A_245 = arith.constant 0 : i32
        %dma_wait3A_246 = arith.constant 0 : i32
        %dma_wait3A_247 = tpu.memref_slice %arg9[%dma_wait3A_243, %dma_wait3A_245, %dma_wait3A_246] : memref<5x128x128xbf16, #tpu.memory_space<vmem>> -> memref<1x128x128xbf16, #tpu.memory_space<vmem>>
        %dma_wait3A_248 = tpu.memref_squeeze %dma_wait3A_247 : memref<1x128x128xbf16, #tpu.memory_space<vmem>> -> memref<128x128xbf16, #tpu.memory_space<vmem>>
        %dma_wait3A_249 = arith.constant 0 : i32
        %dma_wait3A_250 = tpu.memref_slice %arg7[%add3A_240, %dma_wait3A_249] : memref<130x128xi32, #tpu.memory_space<vmem>> -> memref<1x128xi32, #tpu.memory_space<vmem>>
        %dma_wait3A_251 = tpu.memref_squeeze %dma_wait3A_250 : memref<1x128xi32, #tpu.memory_space<vmem>> -> memref<128xi32, #tpu.memory_space<vmem>>
        %dma_wait3A_252 = arith.constant 0 : i32
        %dma_wait3A_253 = arith.constant 0 : i32
        %dma_wait3A_254 = tpu.memref_slice %arg2[%dma_wait3A_252, %dma_wait3A_253] : memref<10000x128xbf16, #tpu.memory_space<hbm>> -> memref<10000x128xbf16, #tpu.memory_space<hbm>>
        %dma_wait3A_255 = tpu.memref_slice %arg10[%dma_wait3A_244] : memref<5x!tpu.dma_semaphore, #tpu.memory_space<semaphore_mem>> -> memref<1x!tpu.dma_semaphore, #tpu.memory_space<semaphore_mem>>
        %dma_wait3A_256 = tpu.memref_squeeze %dma_wait3A_255 : memref<1x!tpu.dma_semaphore, #tpu.memory_space<semaphore_mem>> -> memref<!tpu.dma_semaphore, #tpu.memory_space<semaphore_mem>>
        tpu.wait_indirect_dma semaphore(%dma_wait3A_256 : memref<!tpu.dma_semaphore, #tpu.memory_space<semaphore_mem>>) src(%dma_wait3A_254 : memref<10000x128xbf16, #tpu.memory_space<hbm>>) dst(%dma_wait3A_248 : memref<128x128xbf16, #tpu.memory_space<vmem>>)
        %dma_start3A_257 = arith.constant 3 : i32
        %dma_start3A_258 = arith.constant 3 : i32
        %dma_start3A_259 = arith.constant 0 : i32
        %dma_start3A_260 = arith.constant 0 : i32
        %dma_start3A_261 = tpu.memref_slice %arg9[%dma_start3A_257, %dma_start3A_259, %dma_start3A_260] : memref<5x128x128xbf16, #tpu.memory_space<vmem>> -> memref<1x128x128xbf16, #tpu.memory_space<vmem>>
        %dma_start3A_262 = tpu.memref_squeeze %dma_start3A_261 : memref<1x128x128xbf16, #tpu.memory_space<vmem>> -> memref<128x128xbf16, #tpu.memory_space<vmem>>
        %dma_start3A_263 = arith.constant 0 : i32
        %dma_start3A_264 = tpu.memref_slice %arg8[%add3A_240, %dma_start3A_263] : memref<130x128xi32, #tpu.memory_space<vmem>> -> memref<1x128xi32, #tpu.memory_space<vmem>>
        %dma_start3A_265 = tpu.memref_squeeze %dma_start3A_264 : memref<1x128xi32, #tpu.memory_space<vmem>> -> memref<128xi32, #tpu.memory_space<vmem>>
        %dma_start3A_266 = arith.constant 0 : i32
        %dma_start3A_267 = arith.constant 0 : i32
        %dma_start3A_268 = tpu.memref_slice %arg12[%dma_start3A_266, %dma_start3A_267] : memref<10240x128xbf16, #tpu.memory_space<vmem_shared>> -> memref<10240x128xbf16, #tpu.memory_space<vmem_shared>>
        %dma_start3A_269 = tpu.memref_slice %arg11[%dma_start3A_258] : memref<5x!tpu.dma_semaphore, #tpu.memory_space<semaphore_mem>> -> memref<1x!tpu.dma_semaphore, #tpu.memory_space<semaphore_mem>>
        %dma_start3A_270 = tpu.memref_squeeze %dma_start3A_269 : memref<1x!tpu.dma_semaphore, #tpu.memory_space<semaphore_mem>> -> memref<!tpu.dma_semaphore, #tpu.memory_space<semaphore_mem>>
        tpu.enqueue_indirect_dma source(%dma_start3A_262 : memref<128x128xbf16, #tpu.memory_space<vmem>>) target(%dma_start3A_268 : memref<10240x128xbf16, #tpu.memory_space<vmem_shared>>) offsets(%dma_start3A_265 : memref<128xi32, #tpu.memory_space<vmem>>) semaphore(%dma_start3A_270 : memref<!tpu.dma_semaphore, #tpu.memory_space<semaphore_mem>>) {add = true}
        %lt3A_271 = arith.constant 30 : i32
        %lt3A_272 = arith.cmpi slt, %add3A_242, %lt3A_271 : i32
        %convert_element_type3A_273 = arith.extui %lt3A_272 : i1 to i32
        %cond3A_274 = arith.constant 0 : i32
        %cond3A_275 = arith.cmpi ne, %convert_element_type3A_273, %cond3A_274 : i32
        scf.if %cond3A_275 {
          %ge3A = arith.constant 5 : i32
          %ge3A_313 = arith.cmpi sge, %add3A_242, %ge3A : i32
          %convert_element_type3A_314 = arith.extui %ge3A_313 : i1 to i32
          %cond3A_315 = arith.constant 0 : i32
          %cond3A_316 = arith.cmpi ne, %convert_element_type3A_314, %cond3A_315 : i32
          scf.if %cond3A_316 {
            %dma_wait3A_331 = arith.constant 0 : i32
            %dma_wait3A_332 = arith.constant 0 : i32
            %dma_wait3A_333 = arith.constant 0 : i32
            %dma_wait3A_334 = arith.constant 0 : i32
            %dma_wait3A_335 = tpu.memref_slice %arg9[%dma_wait3A_331, %dma_wait3A_333, %dma_wait3A_334] : memref<5x128x128xbf16, #tpu.memory_space<vmem>> -> memref<1x128x128xbf16, #tpu.memory_space<vmem>>
            %dma_wait3A_336 = tpu.memref_squeeze %dma_wait3A_335 : memref<1x128x128xbf16, #tpu.memory_space<vmem>> -> memref<128x128xbf16, #tpu.memory_space<vmem>>
            %dma_wait3A_337 = arith.constant 0 : i32
            %dma_wait3A_338 = tpu.memref_slice %arg8[%add3A_242, %dma_wait3A_337] : memref<130x128xi32, #tpu.memory_space<vmem>> -> memref<1x128xi32, #tpu.memory_space<vmem>>
            %dma_wait3A_339 = tpu.memref_squeeze %dma_wait3A_338 : memref<1x128xi32, #tpu.memory_space<vmem>> -> memref<128xi32, #tpu.memory_space<vmem>>
            %dma_wait3A_340 = arith.constant 0 : i32
            %dma_wait3A_341 = arith.constant 0 : i32
            %dma_wait3A_342 = tpu.memref_slice %arg12[%dma_wait3A_340, %dma_wait3A_341] : memref<10240x128xbf16, #tpu.memory_space<vmem_shared>> -> memref<10240x128xbf16, #tpu.memory_space<vmem_shared>>
            %dma_wait3A_343 = tpu.memref_slice %arg11[%dma_wait3A_332] : memref<5x!tpu.dma_semaphore, #tpu.memory_space<semaphore_mem>> -> memref<1x!tpu.dma_semaphore, #tpu.memory_space<semaphore_mem>>
            %dma_wait3A_344 = tpu.memref_squeeze %dma_wait3A_343 : memref<1x!tpu.dma_semaphore, #tpu.memory_space<semaphore_mem>> -> memref<!tpu.dma_semaphore, #tpu.memory_space<semaphore_mem>>
            tpu.wait_indirect_dma semaphore(%dma_wait3A_344 : memref<!tpu.dma_semaphore, #tpu.memory_space<semaphore_mem>>) src(%dma_wait3A_336 : memref<128x128xbf16, #tpu.memory_space<vmem>>) dst(%dma_wait3A_342 : memref<10240x128xbf16, #tpu.memory_space<vmem_shared>>)
          } else {
          }
          %dma_start3A_317 = arith.constant 0 : i32
          %dma_start3A_318 = arith.constant 0 : i32
          %dma_start3A_319 = arith.constant 0 : i32
          %dma_start3A_320 = arith.constant 0 : i32
          %dma_start3A_321 = tpu.memref_slice %arg9[%dma_start3A_317, %dma_start3A_319, %dma_start3A_320] : memref<5x128x128xbf16, #tpu.memory_space<vmem>> -> memref<1x128x128xbf16, #tpu.memory_space<vmem>>
          %dma_start3A_322 = tpu.memref_squeeze %dma_start3A_321 : memref<1x128x128xbf16, #tpu.memory_space<vmem>> -> memref<128x128xbf16, #tpu.memory_space<vmem>>
          %dma_start3A_323 = arith.constant 0 : i32
          %dma_start3A_324 = tpu.memref_slice %arg7[%add3A_242, %dma_start3A_323] : memref<130x128xi32, #tpu.memory_space<vmem>> -> memref<1x128xi32, #tpu.memory_space<vmem>>
          %dma_start3A_325 = tpu.memref_squeeze %dma_start3A_324 : memref<1x128xi32, #tpu.memory_space<vmem>> -> memref<128xi32, #tpu.memory_space<vmem>>
          %dma_start3A_326 = arith.constant 0 : i32
          %dma_start3A_327 = arith.constant 0 : i32
          %dma_start3A_328 = tpu.memref_slice %arg2[%dma_start3A_326, %dma_start3A_327] : memref<10000x128xbf16, #tpu.memory_space<hbm>> -> memref<10000x128xbf16, #tpu.memory_space<hbm>>
          %dma_start3A_329 = tpu.memref_slice %arg10[%dma_start3A_318] : memref<5x!tpu.dma_semaphore, #tpu.memory_space<semaphore_mem>> -> memref<1x!tpu.dma_semaphore, #tpu.memory_space<semaphore_mem>>
          %dma_start3A_330 = tpu.memref_squeeze %dma_start3A_329 : memref<1x!tpu.dma_semaphore, #tpu.memory_space<semaphore_mem>> -> memref<!tpu.dma_semaphore, #tpu.memory_space<semaphore_mem>>
          tpu.enqueue_indirect_dma source(%dma_start3A_328 : memref<10000x128xbf16, #tpu.memory_space<hbm>>) target(%dma_start3A_322 : memref<128x128xbf16, #tpu.memory_space<vmem>>) offsets(%dma_start3A_325 : memref<128xi32, #tpu.memory_space<vmem>>) semaphore(%dma_start3A_330 : memref<!tpu.dma_semaphore, #tpu.memory_space<semaphore_mem>>)
        } else {
        }
        %add3A_276 = arith.constant 4 : i32
        %add3A_277 = arith.addi %mul3A_129, %add3A_276 : i32
        %add3A_278 = arith.constant 2 : i32
        %add3A_279 = arith.addi %add3A_277, %add3A_278 : i32
        %dma_wait3A_280 = arith.constant 4 : i32
        %dma_wait3A_281 = arith.constant 4 : i32
        %dma_wait3A_282 = arith.constant 0 : i32
        %dma_wait3A_283 = arith.constant 0 : i32
        %dma_wait3A_284 = tpu.memref_slice %arg9[%dma_wait3A_280, %dma_wait3A_282, %dma_wait3A_283] : memref<5x128x128xbf16, #tpu.memory_space<vmem>> -> memref<1x128x128xbf16, #tpu.memory_space<vmem>>
        %dma_wait3A_285 = tpu.memref_squeeze %dma_wait3A_284 : memref<1x128x128xbf16, #tpu.memory_space<vmem>> -> memref<128x128xbf16, #tpu.memory_space<vmem>>
        %dma_wait3A_286 = arith.constant 0 : i32
        %dma_wait3A_287 = tpu.memref_slice %arg7[%add3A_277, %dma_wait3A_286] : memref<130x128xi32, #tpu.memory_space<vmem>> -> memref<1x128xi32, #tpu.memory_space<vmem>>
        %dma_wait3A_288 = tpu.memref_squeeze %dma_wait3A_287 : memref<1x128xi32, #tpu.memory_space<vmem>> -> memref<128xi32, #tpu.memory_space<vmem>>
        %dma_wait3A_289 = arith.constant 0 : i32
        %dma_wait3A_290 = arith.constant 0 : i32
        %dma_wait3A_291 = tpu.memref_slice %arg2[%dma_wait3A_289, %dma_wait3A_290] : memref<10000x128xbf16, #tpu.memory_space<hbm>> -> memref<10000x128xbf16, #tpu.memory_space<hbm>>
        %dma_wait3A_292 = tpu.memref_slice %arg10[%dma_wait3A_281] : memref<5x!tpu.dma_semaphore, #tpu.memory_space<semaphore_mem>> -> memref<1x!tpu.dma_semaphore, #tpu.memory_space<semaphore_mem>>
        %dma_wait3A_293 = tpu.memref_squeeze %dma_wait3A_292 : memref<1x!tpu.dma_semaphore, #tpu.memory_space<semaphore_mem>> -> memref<!tpu.dma_semaphore, #tpu.memory_space<semaphore_mem>>
        tpu.wait_indirect_dma semaphore(%dma_wait3A_293 : memref<!tpu.dma_semaphore, #tpu.memory_space<semaphore_mem>>) src(%dma_wait3A_291 : memref<10000x128xbf16, #tpu.memory_space<hbm>>) dst(%dma_wait3A_285 : memref<128x128xbf16, #tpu.memory_space<vmem>>)
        %dma_start3A_294 = arith.constant 4 : i32
        %dma_start3A_295 = arith.constant 4 : i32
        %dma_start3A_296 = arith.constant 0 : i32
        %dma_start3A_297 = arith.constant 0 : i32
        %dma_start3A_298 = tpu.memref_slice %arg9[%dma_start3A_294, %dma_start3A_296, %dma_start3A_297] : memref<5x128x128xbf16, #tpu.memory_space<vmem>> -> memref<1x128x128xbf16, #tpu.memory_space<vmem>>
        %dma_start3A_299 = tpu.memref_squeeze %dma_start3A_298 : memref<1x128x128xbf16, #tpu.memory_space<vmem>> -> memref<128x128xbf16, #tpu.memory_space<vmem>>
        %dma_start3A_300 = arith.constant 0 : i32
        %dma_start3A_301 = tpu.memref_slice %arg8[%add3A_277, %dma_start3A_300] : memref<130x128xi32, #tpu.memory_space<vmem>> -> memref<1x128xi32, #tpu.memory_space<vmem>>
        %dma_start3A_302 = tpu.memref_squeeze %dma_start3A_301 : memref<1x128xi32, #tpu.memory_space<vmem>> -> memref<128xi32, #tpu.memory_space<vmem>>
        %dma_start3A_303 = arith.constant 0 : i32
        %dma_start3A_304 = arith.constant 0 : i32
        %dma_start3A_305 = tpu.memref_slice %arg12[%dma_start3A_303, %dma_start3A_304] : memref<10240x128xbf16, #tpu.memory_space<vmem_shared>> -> memref<10240x128xbf16, #tpu.memory_space<vmem_shared>>
        %dma_start3A_306 = tpu.memref_slice %arg11[%dma_start3A_295] : memref<5x!tpu.dma_semaphore, #tpu.memory_space<semaphore_mem>> -> memref<1x!tpu.dma_semaphore, #tpu.memory_space<semaphore_mem>>
        %dma_start3A_307 = tpu.memref_squeeze %dma_start3A_306 : memref<1x!tpu.dma_semaphore, #tpu.memory_space<semaphore_mem>> -> memref<!tpu.dma_semaphore, #tpu.memory_space<semaphore_mem>>
        tpu.enqueue_indirect_dma source(%dma_start3A_299 : memref<128x128xbf16, #tpu.memory_space<vmem>>) target(%dma_start3A_305 : memref<10240x128xbf16, #tpu.memory_space<vmem_shared>>) offsets(%dma_start3A_302 : memref<128xi32, #tpu.memory_space<vmem>>) semaphore(%dma_start3A_307 : memref<!tpu.dma_semaphore, #tpu.memory_space<semaphore_mem>>) {add = true}
        %lt3A_308 = arith.constant 30 : i32
        %lt3A_309 = arith.cmpi slt, %add3A_279, %lt3A_308 : i32
        %convert_element_type3A_310 = arith.extui %lt3A_309 : i1 to i32
        %cond3A_311 = arith.constant 0 : i32
        %cond3A_312 = arith.cmpi ne, %convert_element_type3A_310, %cond3A_311 : i32
        scf.if %cond3A_312 {
          %ge3A = arith.constant 5 : i32
          %ge3A_313 = arith.cmpi sge, %add3A_279, %ge3A : i32
          %convert_element_type3A_314 = arith.extui %ge3A_313 : i1 to i32
          %cond3A_315 = arith.constant 0 : i32
          %cond3A_316 = arith.cmpi ne, %convert_element_type3A_314, %cond3A_315 : i32
          scf.if %cond3A_316 {
            %dma_wait3A_331 = arith.constant 1 : i32
            %dma_wait3A_332 = arith.constant 1 : i32
            %dma_wait3A_333 = arith.constant 0 : i32
            %dma_wait3A_334 = arith.constant 0 : i32
            %dma_wait3A_335 = tpu.memref_slice %arg9[%dma_wait3A_331, %dma_wait3A_333, %dma_wait3A_334] : memref<5x128x128xbf16, #tpu.memory_space<vmem>> -> memref<1x128x128xbf16, #tpu.memory_space<vmem>>
            %dma_wait3A_336 = tpu.memref_squeeze %dma_wait3A_335 : memref<1x128x128xbf16, #tpu.memory_space<vmem>> -> memref<128x128xbf16, #tpu.memory_space<vmem>>
            %dma_wait3A_337 = arith.constant 0 : i32
            %dma_wait3A_338 = tpu.memref_slice %arg8[%add3A_279, %dma_wait3A_337] : memref<130x128xi32, #tpu.memory_space<vmem>> -> memref<1x128xi32, #tpu.memory_space<vmem>>
            %dma_wait3A_339 = tpu.memref_squeeze %dma_wait3A_338 : memref<1x128xi32, #tpu.memory_space<vmem>> -> memref<128xi32, #tpu.memory_space<vmem>>
            %dma_wait3A_340 = arith.constant 0 : i32
            %dma_wait3A_341 = arith.constant 0 : i32
            %dma_wait3A_342 = tpu.memref_slice %arg12[%dma_wait3A_340, %dma_wait3A_341] : memref<10240x128xbf16, #tpu.memory_space<vmem_shared>> -> memref<10240x128xbf16, #tpu.memory_space<vmem_shared>>
            %dma_wait3A_343 = tpu.memref_slice %arg11[%dma_wait3A_332] : memref<5x!tpu.dma_semaphore, #tpu.memory_space<semaphore_mem>> -> memref<1x!tpu.dma_semaphore, #tpu.memory_space<semaphore_mem>>
            %dma_wait3A_344 = tpu.memref_squeeze %dma_wait3A_343 : memref<1x!tpu.dma_semaphore, #tpu.memory_space<semaphore_mem>> -> memref<!tpu.dma_semaphore, #tpu.memory_space<semaphore_mem>>
            tpu.wait_indirect_dma semaphore(%dma_wait3A_344 : memref<!tpu.dma_semaphore, #tpu.memory_space<semaphore_mem>>) src(%dma_wait3A_336 : memref<128x128xbf16, #tpu.memory_space<vmem>>) dst(%dma_wait3A_342 : memref<10240x128xbf16, #tpu.memory_space<vmem_shared>>)
          } else {
          }
          %dma_start3A_317 = arith.constant 1 : i32
          %dma_start3A_318 = arith.constant 1 : i32
          %dma_start3A_319 = arith.constant 0 : i32
          %dma_start3A_320 = arith.constant 0 : i32
          %dma_start3A_321 = tpu.memref_slice %arg9[%dma_start3A_317, %dma_start3A_319, %dma_start3A_320] : memref<5x128x128xbf16, #tpu.memory_space<vmem>> -> memref<1x128x128xbf16, #tpu.memory_space<vmem>>
          %dma_start3A_322 = tpu.memref_squeeze %dma_start3A_321 : memref<1x128x128xbf16, #tpu.memory_space<vmem>> -> memref<128x128xbf16, #tpu.memory_space<vmem>>
          %dma_start3A_323 = arith.constant 0 : i32
          %dma_start3A_324 = tpu.memref_slice %arg7[%add3A_279, %dma_start3A_323] : memref<130x128xi32, #tpu.memory_space<vmem>> -> memref<1x128xi32, #tpu.memory_space<vmem>>
          %dma_start3A_325 = tpu.memref_squeeze %dma_start3A_324 : memref<1x128xi32, #tpu.memory_space<vmem>> -> memref<128xi32, #tpu.memory_space<vmem>>
          %dma_start3A_326 = arith.constant 0 : i32
          %dma_start3A_327 = arith.constant 0 : i32
          %dma_start3A_328 = tpu.memref_slice %arg2[%dma_start3A_326, %dma_start3A_327] : memref<10000x128xbf16, #tpu.memory_space<hbm>> -> memref<10000x128xbf16, #tpu.memory_space<hbm>>
          %dma_start3A_329 = tpu.memref_slice %arg10[%dma_start3A_318] : memref<5x!tpu.dma_semaphore, #tpu.memory_space<semaphore_mem>> -> memref<1x!tpu.dma_semaphore, #tpu.memory_space<semaphore_mem>>
          %dma_start3A_330 = tpu.memref_squeeze %dma_start3A_329 : memref<1x!tpu.dma_semaphore, #tpu.memory_space<semaphore_mem>> -> memref<!tpu.dma_semaphore, #tpu.memory_space<semaphore_mem>>
          tpu.enqueue_indirect_dma source(%dma_start3A_328 : memref<10000x128xbf16, #tpu.memory_space<hbm>>) target(%dma_start3A_322 : memref<128x128xbf16, #tpu.memory_space<vmem>>) offsets(%dma_start3A_325 : memref<128xi32, #tpu.memory_space<vmem>>) semaphore(%dma_start3A_330 : memref<!tpu.dma_semaphore, #tpu.memory_space<semaphore_mem>>)
        } else {
        }
      }
      %scan3A_52 = arith.constant 6 : i32
      %dma_wait3A = arith.constant 0 : i32
      %dma_wait3A_53 = arith.constant 0 : i32
      %dma_wait3A_54 = arith.constant 0 : i32
      %dma_wait3A_55 = arith.constant 0 : i32
      %dma_wait3A_56 = arith.constant 0 : i32
      %dma_wait3A_57 = tpu.memref_slice %arg9[%dma_wait3A, %dma_wait3A_55, %dma_wait3A_56] : memref<5x128x128xbf16, #tpu.memory_space<vmem>> -> memref<1x128x128xbf16, #tpu.memory_space<vmem>>
      %dma_wait3A_58 = tpu.memref_squeeze %dma_wait3A_57 : memref<1x128x128xbf16, #tpu.memory_space<vmem>> -> memref<128x128xbf16, #tpu.memory_space<vmem>>
      %dma_wait3A_59 = arith.constant 0 : i32
      %dma_wait3A_60 = tpu.memref_slice %arg8[%dma_wait3A_53, %dma_wait3A_59] : memref<130x128xi32, #tpu.memory_space<vmem>> -> memref<1x128xi32, #tpu.memory_space<vmem>>
      %dma_wait3A_61 = tpu.memref_squeeze %dma_wait3A_60 : memref<1x128xi32, #tpu.memory_space<vmem>> -> memref<128xi32, #tpu.memory_space<vmem>>
      %dma_wait3A_62 = arith.constant 0 : i32
      %dma_wait3A_63 = arith.constant 0 : i32
      %dma_wait3A_64 = tpu.memref_slice %arg12[%dma_wait3A_62, %dma_wait3A_63] : memref<10240x128xbf16, #tpu.memory_space<vmem_shared>> -> memref<10240x128xbf16, #tpu.memory_space<vmem_shared>>
      %dma_wait3A_65 = tpu.memref_slice %arg11[%dma_wait3A_54] : memref<5x!tpu.dma_semaphore, #tpu.memory_space<semaphore_mem>> -> memref<1x!tpu.dma_semaphore, #tpu.memory_space<semaphore_mem>>
      %dma_wait3A_66 = tpu.memref_squeeze %dma_wait3A_65 : memref<1x!tpu.dma_semaphore, #tpu.memory_space<semaphore_mem>> -> memref<!tpu.dma_semaphore, #tpu.memory_space<semaphore_mem>>
      tpu.wait_indirect_dma semaphore(%dma_wait3A_66 : memref<!tpu.dma_semaphore, #tpu.memory_space<semaphore_mem>>) src(%dma_wait3A_58 : memref<128x128xbf16, #tpu.memory_space<vmem>>) dst(%dma_wait3A_64 : memref<10240x128xbf16, #tpu.memory_space<vmem_shared>>)
      %dma_wait3A_67 = arith.constant 1 : i32
      %dma_wait3A_68 = arith.constant 0 : i32
      %dma_wait3A_69 = arith.constant 1 : i32
      %dma_wait3A_70 = arith.constant 0 : i32
      %dma_wait3A_71 = arith.constant 0 : i32
      %dma_wait3A_72 = tpu.memref_slice %arg9[%dma_wait3A_67, %dma_wait3A_70, %dma_wait3A_71] : memref<5x128x128xbf16, #tpu.memory_space<vmem>> -> memref<1x128x128xbf16, #tpu.memory_space<vmem>>
      %dma_wait3A_73 = tpu.memref_squeeze %dma_wait3A_72 : memref<1x128x128xbf16, #tpu.memory_space<vmem>> -> memref<128x128xbf16, #tpu.memory_space<vmem>>
      %dma_wait3A_74 = arith.constant 0 : i32
      %dma_wait3A_75 = tpu.memref_slice %arg8[%dma_wait3A_68, %dma_wait3A_74] : memref<130x128xi32, #tpu.memory_space<vmem>> -> memref<1x128xi32, #tpu.memory_space<vmem>>
      %dma_wait3A_76 = tpu.memref_squeeze %dma_wait3A_75 : memref<1x128xi32, #tpu.memory_space<vmem>> -> memref<128xi32, #tpu.memory_space<vmem>>
      %dma_wait3A_77 = arith.constant 0 : i32
      %dma_wait3A_78 = arith.constant 0 : i32
      %dma_wait3A_79 = tpu.memref_slice %arg12[%dma_wait3A_77, %dma_wait3A_78] : memref<10240x128xbf16, #tpu.memory_space<vmem_shared>> -> memref<10240x128xbf16, #tpu.memory_space<vmem_shared>>
      %dma_wait3A_80 = tpu.memref_slice %arg11[%dma_wait3A_69] : memref<5x!tpu.dma_semaphore, #tpu.memory_space<semaphore_mem>> -> memref<1x!tpu.dma_semaphore, #tpu.memory_space<semaphore_mem>>
      %dma_wait3A_81 = tpu.memref_squeeze %dma_wait3A_80 : memref<1x!tpu.dma_semaphore, #tpu.memory_space<semaphore_mem>> -> memref<!tpu.dma_semaphore, #tpu.memory_space<semaphore_mem>>
      tpu.wait_indirect_dma semaphore(%dma_wait3A_81 : memref<!tpu.dma_semaphore, #tpu.memory_space<semaphore_mem>>) src(%dma_wait3A_73 : memref<128x128xbf16, #tpu.memory_space<vmem>>) dst(%dma_wait3A_79 : memref<10240x128xbf16, #tpu.memory_space<vmem_shared>>)
      %dma_wait3A_82 = arith.constant 2 : i32
      %dma_wait3A_83 = arith.constant 0 : i32
      %dma_wait3A_84 = arith.constant 2 : i32
      %dma_wait3A_85 = arith.constant 0 : i32
      %dma_wait3A_86 = arith.constant 0 : i32
      %dma_wait3A_87 = tpu.memref_slice %arg9[%dma_wait3A_82, %dma_wait3A_85, %dma_wait3A_86] : memref<5x128x128xbf16, #tpu.memory_space<vmem>> -> memref<1x128x128xbf16, #tpu.memory_space<vmem>>
      %dma_wait3A_88 = tpu.memref_squeeze %dma_wait3A_87 : memref<1x128x128xbf16, #tpu.memory_space<vmem>> -> memref<128x128xbf16, #tpu.memory_space<vmem>>
      %dma_wait3A_89 = arith.constant 0 : i32
      %dma_wait3A_90 = tpu.memref_slice %arg8[%dma_wait3A_83, %dma_wait3A_89] : memref<130x128xi32, #tpu.memory_space<vmem>> -> memref<1x128xi32, #tpu.memory_space<vmem>>
      %dma_wait3A_91 = tpu.memref_squeeze %dma_wait3A_90 : memref<1x128xi32, #tpu.memory_space<vmem>> -> memref<128xi32, #tpu.memory_space<vmem>>
      %dma_wait3A_92 = arith.constant 0 : i32
      %dma_wait3A_93 = arith.constant 0 : i32
      %dma_wait3A_94 = tpu.memref_slice %arg12[%dma_wait3A_92, %dma_wait3A_93] : memref<10240x128xbf16, #tpu.memory_space<vmem_shared>> -> memref<10240x128xbf16, #tpu.memory_space<vmem_shared>>
      %dma_wait3A_95 = tpu.memref_slice %arg11[%dma_wait3A_84] : memref<5x!tpu.dma_semaphore, #tpu.memory_space<semaphore_mem>> -> memref<1x!tpu.dma_semaphore, #tpu.memory_space<semaphore_mem>>
      %dma_wait3A_96 = tpu.memref_squeeze %dma_wait3A_95 : memref<1x!tpu.dma_semaphore, #tpu.memory_space<semaphore_mem>> -> memref<!tpu.dma_semaphore, #tpu.memory_space<semaphore_mem>>
      tpu.wait_indirect_dma semaphore(%dma_wait3A_96 : memref<!tpu.dma_semaphore, #tpu.memory_space<semaphore_mem>>) src(%dma_wait3A_88 : memref<128x128xbf16, #tpu.memory_space<vmem>>) dst(%dma_wait3A_94 : memref<10240x128xbf16, #tpu.memory_space<vmem_shared>>)
      %dma_wait3A_97 = arith.constant 3 : i32
      %dma_wait3A_98 = arith.constant 0 : i32
      %dma_wait3A_99 = arith.constant 3 : i32
      %dma_wait3A_100 = arith.constant 0 : i32
      %dma_wait3A_101 = arith.constant 0 : i32
      %dma_wait3A_102 = tpu.memref_slice %arg9[%dma_wait3A_97, %dma_wait3A_100, %dma_wait3A_101] : memref<5x128x128xbf16, #tpu.memory_space<vmem>> -> memref<1x128x128xbf16, #tpu.memory_space<vmem>>
      %dma_wait3A_103 = tpu.memref_squeeze %dma_wait3A_102 : memref<1x128x128xbf16, #tpu.memory_space<vmem>> -> memref<128x128xbf16, #tpu.memory_space<vmem>>
      %dma_wait3A_104 = arith.constant 0 : i32
      %dma_wait3A_105 = tpu.memref_slice %arg8[%dma_wait3A_98, %dma_wait3A_104] : memref<130x128xi32, #tpu.memory_space<vmem>> -> memref<1x128xi32, #tpu.memory_space<vmem>>
      %dma_wait3A_106 = tpu.memref_squeeze %dma_wait3A_105 : memref<1x128xi32, #tpu.memory_space<vmem>> -> memref<128xi32, #tpu.memory_space<vmem>>
      %dma_wait3A_107 = arith.constant 0 : i32
      %dma_wait3A_108 = arith.constant 0 : i32
      %dma_wait3A_109 = tpu.memref_slice %arg12[%dma_wait3A_107, %dma_wait3A_108] : memref<10240x128xbf16, #tpu.memory_space<vmem_shared>> -> memref<10240x128xbf16, #tpu.memory_space<vmem_shared>>
      %dma_wait3A_110 = tpu.memref_slice %arg11[%dma_wait3A_99] : memref<5x!tpu.dma_semaphore, #tpu.memory_space<semaphore_mem>> -> memref<1x!tpu.dma_semaphore, #tpu.memory_space<semaphore_mem>>
      %dma_wait3A_111 = tpu.memref_squeeze %dma_wait3A_110 : memref<1x!tpu.dma_semaphore, #tpu.memory_space<semaphore_mem>> -> memref<!tpu.dma_semaphore, #tpu.memory_space<semaphore_mem>>
      tpu.wait_indirect_dma semaphore(%dma_wait3A_111 : memref<!tpu.dma_semaphore, #tpu.memory_space<semaphore_mem>>) src(%dma_wait3A_103 : memref<128x128xbf16, #tpu.memory_space<vmem>>) dst(%dma_wait3A_109 : memref<10240x128xbf16, #tpu.memory_space<vmem_shared>>)
      %dma_wait3A_112 = arith.constant 4 : i32
      %dma_wait3A_113 = arith.constant 0 : i32
      %dma_wait3A_114 = arith.constant 4 : i32
      %dma_wait3A_115 = arith.constant 0 : i32
      %dma_wait3A_116 = arith.constant 0 : i32
      %dma_wait3A_117 = tpu.memref_slice %arg9[%dma_wait3A_112, %dma_wait3A_115, %dma_wait3A_116] : memref<5x128x128xbf16, #tpu.memory_space<vmem>> -> memref<1x128x128xbf16, #tpu.memory_space<vmem>>
      %dma_wait3A_118 = tpu.memref_squeeze %dma_wait3A_117 : memref<1x128x128xbf16, #tpu.memory_space<vmem>> -> memref<128x128xbf16, #tpu.memory_space<vmem>>
      %dma_wait3A_119 = arith.constant 0 : i32
      %dma_wait3A_120 = tpu.memref_slice %arg8[%dma_wait3A_113, %dma_wait3A_119] : memref<130x128xi32, #tpu.memory_space<vmem>> -> memref<1x128xi32, #tpu.memory_space<vmem>>
      %dma_wait3A_121 = tpu.memref_squeeze %dma_wait3A_120 : memref<1x128xi32, #tpu.memory_space<vmem>> -> memref<128xi32, #tpu.memory_space<vmem>>
      %dma_wait3A_122 = arith.constant 0 : i32
      %dma_wait3A_123 = arith.constant 0 : i32
      %dma_wait3A_124 = tpu.memref_slice %arg12[%dma_wait3A_122, %dma_wait3A_123] : memref<10240x128xbf16, #tpu.memory_space<vmem_shared>> -> memref<10240x128xbf16, #tpu.memory_space<vmem_shared>>
      %dma_wait3A_125 = tpu.memref_slice %arg11[%dma_wait3A_114] : memref<5x!tpu.dma_semaphore, #tpu.memory_space<semaphore_mem>> -> memref<1x!tpu.dma_semaphore, #tpu.memory_space<semaphore_mem>>
      %dma_wait3A_126 = tpu.memref_squeeze %dma_wait3A_125 : memref<1x!tpu.dma_semaphore, #tpu.memory_space<semaphore_mem>> -> memref<!tpu.dma_semaphore, #tpu.memory_space<semaphore_mem>>
      tpu.wait_indirect_dma semaphore(%dma_wait3A_126 : memref<!tpu.dma_semaphore, #tpu.memory_space<semaphore_mem>>) src(%dma_wait3A_118 : memref<128x128xbf16, #tpu.memory_space<vmem>>) dst(%dma_wait3A_124 : memref<10240x128xbf16, #tpu.memory_space<vmem_shared>>)
    } else {
    }
    %barrier3A_18 = arith.constant 0 : index
    tpu.barrier barrier_id(%barrier3A_18)
    "tpu.region"() ({
      %run_scoped3A = tpu.sem_alloc : memref<!tpu.dma_semaphore, #tpu.memory_space<semaphore_mem>>
      %dma_start3A = arith.constant 0 : i32
      %dma_start3A_19 = tpu.memref_slice %arg6[%arg0, %mul3A_0, %dma_start3A] : memref<2x10240x128xbf16, #tpu.memory_space<hbm>> -> memref<1x640x128xbf16, #tpu.memory_space<hbm>>
      %dma_start3A_20 = tpu.memref_squeeze %dma_start3A_19 : memref<1x640x128xbf16, #tpu.memory_space<hbm>> -> memref<640x128xbf16, #tpu.memory_space<hbm>>
      %dma_start3A_21 = arith.constant 0 : i32
      %dma_start3A_22 = tpu.memref_slice %arg12[%mul3A_0, %dma_start3A_21] : memref<10240x128xbf16, #tpu.memory_space<vmem_shared>> -> memref<640x128xbf16, #tpu.memory_space<vmem_shared>>
      tpu.enqueue_dma source(%dma_start3A_22 : memref<640x128xbf16, #tpu.memory_space<vmem_shared>>) target(%dma_start3A_20 : memref<640x128xbf16, #tpu.memory_space<hbm>>) target_semaphore(%run_scoped3A : memref<!tpu.dma_semaphore, #tpu.memory_space<semaphore_mem>>)
      %dma_wait3A = arith.constant 0 : i32
      %dma_wait3A_23 = tpu.memref_slice %arg6[%arg0, %mul3A_0, %dma_wait3A] : memref<2x10240x128xbf16, #tpu.memory_space<hbm>> -> memref<1x640x128xbf16, #tpu.memory_space<hbm>>
      %dma_wait3A_24 = tpu.memref_squeeze %dma_wait3A_23 : memref<1x640x128xbf16, #tpu.memory_space<hbm>> -> memref<640x128xbf16, #tpu.memory_space<hbm>>
      %dma_wait3A_25 = arith.constant 0 : i32
      %dma_wait3A_26 = tpu.memref_slice %arg12[%mul3A_0, %dma_wait3A_25] : memref<10240x128xbf16, #tpu.memory_space<vmem_shared>> -> memref<640x128xbf16, #tpu.memory_space<vmem_shared>>
      tpu.wait_dma2 semaphore(%run_scoped3A : memref<!tpu.dma_semaphore, #tpu.memory_space<semaphore_mem>>) src(%dma_wait3A_26 : memref<640x128xbf16, #tpu.memory_space<vmem_shared>>) dst(%dma_wait3A_24 : memref<640x128xbf16, #tpu.memory_space<hbm>>)
      tpu.yield
    }) : () -> ()
    return
  }
}

#map = affine_map<(d0, d1) -> (0, 0)>
#map1 = affine_map<(d0, d1) -> (0, 0, 0)>
module attributes {stable_mosaic.version = 14 : i64} {
  func.func @_sc_aggregate_body(%arg0: i32, %arg1: i32, %arg2: memref<10000x128xbf16, #tpu.memory_space<hbm>>, %arg3: memref<2560x128xi32, #tpu.memory_space<hbm>>, %arg4: memref<2560x128xi32, #tpu.memory_space<hbm>>, %arg5: memref<10240x128xbf16, #tpu.memory_space<hbm>>, %arg6: memref<2x10240x128xbf16, #tpu.memory_space<hbm>>, %arg7: memref<130x128xi32, #tpu.memory_space<vmem>>, %arg8: memref<130x128xi32, #tpu.memory_space<vmem>>, %arg9: memref<5x128x128xbf16, #tpu.memory_space<vmem>>, %arg10: memref<5x!tpu.dma_semaphore, #tpu.memory_space<semaphore_mem>>, %arg11: memref<5x!tpu.dma_semaphore, #tpu.memory_space<semaphore_mem>>, %arg12: memref<10240x128xbf16, #tpu.memory_space<vmem_shared>>) attributes {dimension_semantics = [#tpu.dimension_semantics<core_parallel>, #tpu.dimension_semantics<subcore_parallel>], iteration_bounds = array<i64: 2, 16>, scalar_prefetch = 0 : i64, scratch_operands = 6 : i64, tpu.core_type = #tpu.core_type<sc_vector_subcore>, window_params = [{transform_indices = #map}, {transform_indices = #map}, {transform_indices = #map}, {transform_indices = #map}, {transform_indices = #map1}]} {
    %mul3A = arith.constant 640 : i32
    %mul3A_0 = arith.muli %arg1, %mul3A : i32
    %eq3A = arith.constant 0 : i32
    %eq3A_1 = arith.cmpi eq, %arg0, %eq3A : i32
    %convert_element_type3A = arith.extui %eq3A_1 : i1 to i32
    %cond3A = arith.constant 0 : i32
    %cond3A_2 = arith.cmpi ne, %convert_element_type3A, %cond3A : i32
    scf.if %cond3A_2 {
      %mul3A_19 = arith.constant 130 : i32
      %mul3A_20 = arith.muli %arg1, %mul3A_19 : i32
      "tpu.region"() ({
        %run_scoped3A = tpu.sem_alloc : memref<!tpu.dma_semaphore, #tpu.memory_space<semaphore_mem>>
        %dma_start3A = arith.constant 0 : i32
        %dma_start3A_23 = arith.constant 0 : i32
        %dma_start3A_24 = tpu.memref_slice %arg7[%dma_start3A, %dma_start3A_23] : memref<130x128xi32, #tpu.memory_space<vmem>> -> memref<130x128xi32, #tpu.memory_space<vmem>>
        %dma_start3A_25 = arith.constant 0 : i32
        %dma_start3A_26 = tpu.memref_slice %arg3[%mul3A_20, %dma_start3A_25] : memref<2560x128xi32, #tpu.memory_space<hbm>> -> memref<130x128xi32, #tpu.memory_space<hbm>>
        %dma_start3A_27 = arith.constant 0 : i32
        %dma_start3A_28 = arith.constant 0 : i32
        %dma_start3A_29 = tpu.memref_slice %arg7[%dma_start3A_27, %dma_start3A_28] : memref<130x128xi32, #tpu.memory_space<vmem>> -> memref<130x128xi32, #tpu.memory_space<vmem>>
        %dma_start3A_30 = arith.constant 0 : i32
        %dma_start3A_31 = tpu.memref_slice %arg3[%mul3A_20, %dma_start3A_30] : memref<2560x128xi32, #tpu.memory_space<hbm>> -> memref<130x128xi32, #tpu.memory_space<hbm>>
        tpu.enqueue_dma source(%dma_start3A_31 : memref<130x128xi32, #tpu.memory_space<hbm>>) target(%dma_start3A_29 : memref<130x128xi32, #tpu.memory_space<vmem>>) target_semaphore(%run_scoped3A : memref<!tpu.dma_semaphore, #tpu.memory_space<semaphore_mem>>)
        %dma_wait3A = arith.constant 0 : i32
        %dma_wait3A_32 = arith.constant 0 : i32
        %dma_wait3A_33 = tpu.memref_slice %arg7[%dma_wait3A, %dma_wait3A_32] : memref<130x128xi32, #tpu.memory_space<vmem>> -> memref<130x128xi32, #tpu.memory_space<vmem>>
        %dma_wait3A_34 = arith.constant 0 : i32
        %dma_wait3A_35 = tpu.memref_slice %arg3[%mul3A_20, %dma_wait3A_34] : memref<2560x128xi32, #tpu.memory_space<hbm>> -> memref<130x128xi32, #tpu.memory_space<hbm>>
        %dma_wait3A_36 = arith.constant 0 : i32
        %dma_wait3A_37 = arith.constant 0 : i32
        %dma_wait3A_38 = tpu.memref_slice %arg7[%dma_wait3A_36, %dma_wait3A_37] : memref<130x128xi32, #tpu.memory_space<vmem>> -> memref<130x128xi32, #tpu.memory_space<vmem>>
        %dma_wait3A_39 = arith.constant 0 : i32
        %dma_wait3A_40 = tpu.memref_slice %arg3[%mul3A_20, %dma_wait3A_39] : memref<2560x128xi32, #tpu.memory_space<hbm>> -> memref<130x128xi32, #tpu.memory_space<hbm>>
        tpu.wait_dma2 semaphore(%run_scoped3A : memref<!tpu.dma_semaphore, #tpu.memory_space<semaphore_mem>>) src(%dma_wait3A_40 : memref<130x128xi32, #tpu.memory_space<hbm>>) dst(%dma_wait3A_38 : memref<130x128xi32, #tpu.memory_space<vmem>>)
        tpu.yield
      }) : () -> ()
      %mul3A_21 = arith.constant 130 : i32
      %mul3A_22 = arith.muli %arg1, %mul3A_21 : i32
      "tpu.region"() ({
        %run_scoped3A = tpu.sem_alloc : memref<!tpu.dma_semaphore, #tpu.memory_space<semaphore_mem>>
        %dma_start3A = arith.constant 0 : i32
        %dma_start3A_23 = arith.constant 0 : i32
        %dma_start3A_24 = tpu.memref_slice %arg8[%dma_start3A, %dma_start3A_23] : memref<130x128xi32, #tpu.memory_space<vmem>> -> memref<130x128xi32, #tpu.memory_space<vmem>>
        %dma_start3A_25 = arith.constant 0 : i32
        %dma_start3A_26 = tpu.memref_slice %arg4[%mul3A_22, %dma_start3A_25] : memref<2560x128xi32, #tpu.memory_space<hbm>> -> memref<130x128xi32, #tpu.memory_space<hbm>>
        %dma_start3A_27 = arith.constant 0 : i32
        %dma_start3A_28 = arith.constant 0 : i32
        %dma_start3A_29 = tpu.memref_slice %arg8[%dma_start3A_27, %dma_start3A_28] : memref<130x128xi32, #tpu.memory_space<vmem>> -> memref<130x128xi32, #tpu.memory_space<vmem>>
        %dma_start3A_30 = arith.constant 0 : i32
        %dma_start3A_31 = tpu.memref_slice %arg4[%mul3A_22, %dma_start3A_30] : memref<2560x128xi32, #tpu.memory_space<hbm>> -> memref<130x128xi32, #tpu.memory_space<hbm>>
        tpu.enqueue_dma source(%dma_start3A_31 : memref<130x128xi32, #tpu.memory_space<hbm>>) target(%dma_start3A_29 : memref<130x128xi32, #tpu.memory_space<vmem>>) target_semaphore(%run_scoped3A : memref<!tpu.dma_semaphore, #tpu.memory_space<semaphore_mem>>)
        %dma_wait3A = arith.constant 0 : i32
        %dma_wait3A_32 = arith.constant 0 : i32
        %dma_wait3A_33 = tpu.memref_slice %arg8[%dma_wait3A, %dma_wait3A_32] : memref<130x128xi32, #tpu.memory_space<vmem>> -> memref<130x128xi32, #tpu.memory_space<vmem>>
        %dma_wait3A_34 = arith.constant 0 : i32
        %dma_wait3A_35 = tpu.memref_slice %arg4[%mul3A_22, %dma_wait3A_34] : memref<2560x128xi32, #tpu.memory_space<hbm>> -> memref<130x128xi32, #tpu.memory_space<hbm>>
        %dma_wait3A_36 = arith.constant 0 : i32
        %dma_wait3A_37 = arith.constant 0 : i32
        %dma_wait3A_38 = tpu.memref_slice %arg8[%dma_wait3A_36, %dma_wait3A_37] : memref<130x128xi32, #tpu.memory_space<vmem>> -> memref<130x128xi32, #tpu.memory_space<vmem>>
        %dma_wait3A_39 = arith.constant 0 : i32
        %dma_wait3A_40 = tpu.memref_slice %arg4[%mul3A_22, %dma_wait3A_39] : memref<2560x128xi32, #tpu.memory_space<hbm>> -> memref<130x128xi32, #tpu.memory_space<hbm>>
        tpu.wait_dma2 semaphore(%run_scoped3A : memref<!tpu.dma_semaphore, #tpu.memory_space<semaphore_mem>>) src(%dma_wait3A_40 : memref<130x128xi32, #tpu.memory_space<hbm>>) dst(%dma_wait3A_38 : memref<130x128xi32, #tpu.memory_space<vmem>>)
        tpu.yield
      }) : () -> ()
    } else {
    }
    %eq3A_3 = arith.constant 1 : i32
    %eq3A_4 = arith.cmpi eq, %arg0, %eq3A_3 : i32
    %convert_element_type3A_5 = arith.extui %eq3A_4 : i1 to i32
    %cond3A_6 = arith.constant 0 : i32
    %cond3A_7 = arith.cmpi ne, %convert_element_type3A_5, %cond3A_6 : i32
    scf.if %cond3A_7 {
      %mul3A_19 = arith.constant 30 : i32
      %mul3A_20 = arith.muli %arg1, %mul3A_19 : i32
      %add3A = arith.constant 2080 : i32
      %add3A_21 = arith.addi %add3A, %mul3A_20 : i32
      "tpu.region"() ({
        %run_scoped3A = tpu.sem_alloc : memref<!tpu.dma_semaphore, #tpu.memory_space<semaphore_mem>>
        %dma_start3A = arith.constant 0 : i32
        %dma_start3A_22 = arith.constant 0 : i32
        %dma_start3A_23 = tpu.memref_slice %arg7[%dma_start3A, %dma_start3A_22] : memref<130x128xi32, #tpu.memory_space<vmem>> -> memref<30x128xi32, #tpu.memory_space<vmem>>
        %dma_start3A_24 = arith.constant 0 : i32
        %dma_start3A_25 = tpu.memref_slice %arg3[%add3A_21, %dma_start3A_24] : memref<2560x128xi32, #tpu.memory_space<hbm>> -> memref<30x128xi32, #tpu.memory_space<hbm>>
        %dma_start3A_26 = arith.constant 0 : i32
        %dma_start3A_27 = arith.constant 0 : i32
        %dma_start3A_28 = tpu.memref_slice %arg7[%dma_start3A_26, %dma_start3A_27] : memref<130x128xi32, #tpu.memory_space<vmem>> -> memref<30x128xi32, #tpu.memory_space<vmem>>
        %dma_start3A_29 = arith.constant 0 : i32
        %dma_start3A_30 = tpu.memref_slice %arg3[%add3A_21, %dma_start3A_29] : memref<2560x128xi32, #tpu.memory_space<hbm>> -> memref<30x128xi32, #tpu.memory_space<hbm>>
        tpu.enqueue_dma source(%dma_start3A_30 : memref<30x128xi32, #tpu.memory_space<hbm>>) target(%dma_start3A_28 : memref<30x128xi32, #tpu.memory_space<vmem>>) target_semaphore(%run_scoped3A : memref<!tpu.dma_semaphore, #tpu.memory_space<semaphore_mem>>)
        %dma_wait3A = arith.constant 0 : i32
        %dma_wait3A_31 = arith.constant 0 : i32
        %dma_wait3A_32 = tpu.memref_slice %arg7[%dma_wait3A, %dma_wait3A_31] : memref<130x128xi32, #tpu.memory_space<vmem>> -> memref<30x128xi32, #tpu.memory_space<vmem>>
        %dma_wait3A_33 = arith.constant 0 : i32
        %dma_wait3A_34 = tpu.memref_slice %arg3[%add3A_21, %dma_wait3A_33] : memref<2560x128xi32, #tpu.memory_space<hbm>> -> memref<30x128xi32, #tpu.memory_space<hbm>>
        %dma_wait3A_35 = arith.constant 0 : i32
        %dma_wait3A_36 = arith.constant 0 : i32
        %dma_wait3A_37 = tpu.memref_slice %arg7[%dma_wait3A_35, %dma_wait3A_36] : memref<130x128xi32, #tpu.memory_space<vmem>> -> memref<30x128xi32, #tpu.memory_space<vmem>>
        %dma_wait3A_38 = arith.constant 0 : i32
        %dma_wait3A_39 = tpu.memref_slice %arg3[%add3A_21, %dma_wait3A_38] : memref<2560x128xi32, #tpu.memory_space<hbm>> -> memref<30x128xi32, #tpu.memory_space<hbm>>
        tpu.wait_dma2 semaphore(%run_scoped3A : memref<!tpu.dma_semaphore, #tpu.memory_space<semaphore_mem>>) src(%dma_wait3A_39 : memref<30x128xi32, #tpu.memory_space<hbm>>) dst(%dma_wait3A_37 : memref<30x128xi32, #tpu.memory_space<vmem>>)
        tpu.yield
      }) : () -> ()
      "tpu.region"() ({
        %run_scoped3A = tpu.sem_alloc : memref<!tpu.dma_semaphore, #tpu.memory_space<semaphore_mem>>
        %dma_start3A = arith.constant 0 : i32
        %dma_start3A_22 = arith.constant 0 : i32
        %dma_start3A_23 = tpu.memref_slice %arg8[%dma_start3A, %dma_start3A_22] : memref<130x128xi32, #tpu.memory_space<vmem>> -> memref<30x128xi32, #tpu.memory_space<vmem>>
        %dma_start3A_24 = arith.constant 0 : i32
        %dma_start3A_25 = tpu.memref_slice %arg4[%add3A_21, %dma_start3A_24] : memref<2560x128xi32, #tpu.memory_space<hbm>> -> memref<30x128xi32, #tpu.memory_space<hbm>>
        %dma_start3A_26 = arith.constant 0 : i32
        %dma_start3A_27 = arith.constant 0 : i32
        %dma_start3A_28 = tpu.memref_slice %arg8[%dma_start3A_26, %dma_start3A_27] : memref<130x128xi32, #tpu.memory_space<vmem>> -> memref<30x128xi32, #tpu.memory_space<vmem>>
        %dma_start3A_29 = arith.constant 0 : i32
        %dma_start3A_30 = tpu.memref_slice %arg4[%add3A_21, %dma_start3A_29] : memref<2560x128xi32, #tpu.memory_space<hbm>> -> memref<30x128xi32, #tpu.memory_space<hbm>>
        tpu.enqueue_dma source(%dma_start3A_30 : memref<30x128xi32, #tpu.memory_space<hbm>>) target(%dma_start3A_28 : memref<30x128xi32, #tpu.memory_space<vmem>>) target_semaphore(%run_scoped3A : memref<!tpu.dma_semaphore, #tpu.memory_space<semaphore_mem>>)
        %dma_wait3A = arith.constant 0 : i32
        %dma_wait3A_31 = arith.constant 0 : i32
        %dma_wait3A_32 = tpu.memref_slice %arg8[%dma_wait3A, %dma_wait3A_31] : memref<130x128xi32, #tpu.memory_space<vmem>> -> memref<30x128xi32, #tpu.memory_space<vmem>>
        %dma_wait3A_33 = arith.constant 0 : i32
        %dma_wait3A_34 = tpu.memref_slice %arg4[%add3A_21, %dma_wait3A_33] : memref<2560x128xi32, #tpu.memory_space<hbm>> -> memref<30x128xi32, #tpu.memory_space<hbm>>
        %dma_wait3A_35 = arith.constant 0 : i32
        %dma_wait3A_36 = arith.constant 0 : i32
        %dma_wait3A_37 = tpu.memref_slice %arg8[%dma_wait3A_35, %dma_wait3A_36] : memref<130x128xi32, #tpu.memory_space<vmem>> -> memref<30x128xi32, #tpu.memory_space<vmem>>
        %dma_wait3A_38 = arith.constant 0 : i32
        %dma_wait3A_39 = tpu.memref_slice %arg4[%add3A_21, %dma_wait3A_38] : memref<2560x128xi32, #tpu.memory_space<hbm>> -> memref<30x128xi32, #tpu.memory_space<hbm>>
        tpu.wait_dma2 semaphore(%run_scoped3A : memref<!tpu.dma_semaphore, #tpu.memory_space<semaphore_mem>>) src(%dma_wait3A_39 : memref<30x128xi32, #tpu.memory_space<hbm>>) dst(%dma_wait3A_37 : memref<30x128xi32, #tpu.memory_space<vmem>>)
        tpu.yield
      }) : () -> ()
    } else {
    }
    "tpu.region"() ({
      %run_scoped3A = tpu.sem_alloc : memref<!tpu.dma_semaphore, #tpu.memory_space<semaphore_mem>>
      %dma_start3A = arith.constant 0 : i32
      %dma_start3A_19 = tpu.memref_slice %arg12[%mul3A_0, %dma_start3A] : memref<10240x128xbf16, #tpu.memory_space<vmem_shared>> -> memref<640x128xbf16, #tpu.memory_space<vmem_shared>>
      %dma_start3A_20 = arith.constant 0 : i32
      %dma_start3A_21 = tpu.memref_slice %arg5[%mul3A_0, %dma_start3A_20] : memref<10240x128xbf16, #tpu.memory_space<hbm>> -> memref<640x128xbf16, #tpu.memory_space<hbm>>
      tpu.enqueue_dma source(%dma_start3A_21 : memref<640x128xbf16, #tpu.memory_space<hbm>>) target(%dma_start3A_19 : memref<640x128xbf16, #tpu.memory_space<vmem_shared>>) target_semaphore(%run_scoped3A : memref<!tpu.dma_semaphore, #tpu.memory_space<semaphore_mem>>)
      %dma_wait3A = arith.constant 0 : i32
      %dma_wait3A_22 = tpu.memref_slice %arg12[%mul3A_0, %dma_wait3A] : memref<10240x128xbf16, #tpu.memory_space<vmem_shared>> -> memref<640x128xbf16, #tpu.memory_space<vmem_shared>>
      %dma_wait3A_23 = arith.constant 0 : i32
      %dma_wait3A_24 = tpu.memref_slice %arg5[%mul3A_0, %dma_wait3A_23] : memref<10240x128xbf16, #tpu.memory_space<hbm>> -> memref<640x128xbf16, #tpu.memory_space<hbm>>
      tpu.wait_dma2 semaphore(%run_scoped3A : memref<!tpu.dma_semaphore, #tpu.memory_space<semaphore_mem>>) src(%dma_wait3A_24 : memref<640x128xbf16, #tpu.memory_space<hbm>>) dst(%dma_wait3A_22 : memref<640x128xbf16, #tpu.memory_space<vmem_shared>>)
      tpu.yield
    }) : () -> ()
    %barrier3A = arith.constant 0 : index
    tpu.barrier barrier_id(%barrier3A)
    %eq3A_8 = arith.constant 0 : i32
    %eq3A_9 = arith.cmpi eq, %arg0, %eq3A_8 : i32
    %convert_element_type3A_10 = arith.extui %eq3A_9 : i1 to i32
    %cond3A_11 = arith.constant 0 : i32
    %cond3A_12 = arith.cmpi ne, %convert_element_type3A_10, %cond3A_11 : i32
    scf.if %cond3A_12 {
      %dma_start3A = arith.constant 0 : i32
      %dma_start3A_19 = arith.constant 0 : i32
      %dma_start3A_20 = arith.constant 0 : i32
      %dma_start3A_21 = arith.constant 0 : i32
      %dma_start3A_22 = arith.constant 0 : i32
      %dma_start3A_23 = tpu.memref_slice %arg9[%dma_start3A_19, %dma_start3A_21, %dma_start3A_22] : memref<5x128x128xbf16, #tpu.memory_space<vmem>> -> memref<1x128x128xbf16, #tpu.memory_space<vmem>>
      %dma_start3A_24 = tpu.memref_squeeze %dma_start3A_23 : memref<1x128x128xbf16, #tpu.memory_space<vmem>> -> memref<128x128xbf16, #tpu.memory_space<vmem>>
      %dma_start3A_25 = arith.constant 0 : i32
      %dma_start3A_26 = tpu.memref_slice %arg7[%dma_start3A, %dma_start3A_25] : memref<130x128xi32, #tpu.memory_space<vmem>> -> memref<1x128xi32, #tpu.memory_space<vmem>>
      %dma_start3A_27 = tpu.memref_squeeze %dma_start3A_26 : memref<1x128xi32, #tpu.memory_space<vmem>> -> memref<128xi32, #tpu.memory_space<vmem>>
      %dma_start3A_28 = arith.constant 0 : i32
      %dma_start3A_29 = arith.constant 0 : i32
      %dma_start3A_30 = tpu.memref_slice %arg2[%dma_start3A_28, %dma_start3A_29] : memref<10000x128xbf16, #tpu.memory_space<hbm>> -> memref<10000x128xbf16, #tpu.memory_space<hbm>>
      %dma_start3A_31 = tpu.memref_slice %arg10[%dma_start3A_20] : memref<5x!tpu.dma_semaphore, #tpu.memory_space<semaphore_mem>> -> memref<1x!tpu.dma_semaphore, #tpu.memory_space<semaphore_mem>>
      %dma_start3A_32 = tpu.memref_squeeze %dma_start3A_31 : memref<1x!tpu.dma_semaphore, #tpu.memory_space<semaphore_mem>> -> memref<!tpu.dma_semaphore, #tpu.memory_space<semaphore_mem>>
      tpu.enqueue_indirect_dma source(%dma_start3A_30 : memref<10000x128xbf16, #tpu.memory_space<hbm>>) target(%dma_start3A_24 : memref<128x128xbf16, #tpu.memory_space<vmem>>) offsets(%dma_start3A_27 : memref<128xi32, #tpu.memory_space<vmem>>) semaphore(%dma_start3A_32 : memref<!tpu.dma_semaphore, #tpu.memory_space<semaphore_mem>>)
      %dma_start3A_33 = arith.constant 1 : i32
      %dma_start3A_34 = arith.constant 1 : i32
      %dma_start3A_35 = arith.constant 1 : i32
      %dma_start3A_36 = arith.constant 0 : i32
      %dma_start3A_37 = arith.constant 0 : i32
      %dma_start3A_38 = tpu.memref_slice %arg9[%dma_start3A_34, %dma_start3A_36, %dma_start3A_37] : memref<5x128x128xbf16, #tpu.memory_space<vmem>> -> memref<1x128x128xbf16, #tpu.memory_space<vmem>>
      %dma_start3A_39 = tpu.memref_squeeze %dma_start3A_38 : memref<1x128x128xbf16, #tpu.memory_space<vmem>> -> memref<128x128xbf16, #tpu.memory_space<vmem>>
      %dma_start3A_40 = arith.constant 0 : i32
      %dma_start3A_41 = tpu.memref_slice %arg7[%dma_start3A_33, %dma_start3A_40] : memref<130x128xi32, #tpu.memory_space<vmem>> -> memref<1x128xi32, #tpu.memory_space<vmem>>
      %dma_start3A_42 = tpu.memref_squeeze %dma_start3A_41 : memref<1x128xi32, #tpu.memory_space<vmem>> -> memref<128xi32, #tpu.memory_space<vmem>>
      %dma_start3A_43 = arith.constant 0 : i32
      %dma_start3A_44 = arith.constant 0 : i32
      %dma_start3A_45 = tpu.memref_slice %arg2[%dma_start3A_43, %dma_start3A_44] : memref<10000x128xbf16, #tpu.memory_space<hbm>> -> memref<10000x128xbf16, #tpu.memory_space<hbm>>
      %dma_start3A_46 = tpu.memref_slice %arg10[%dma_start3A_35] : memref<5x!tpu.dma_semaphore, #tpu.memory_space<semaphore_mem>> -> memref<1x!tpu.dma_semaphore, #tpu.memory_space<semaphore_mem>>
      %dma_start3A_47 = tpu.memref_squeeze %dma_start3A_46 : memref<1x!tpu.dma_semaphore, #tpu.memory_space<semaphore_mem>> -> memref<!tpu.dma_semaphore, #tpu.memory_space<semaphore_mem>>
      tpu.enqueue_indirect_dma source(%dma_start3A_45 : memref<10000x128xbf16, #tpu.memory_space<hbm>>) target(%dma_start3A_39 : memref<128x128xbf16, #tpu.memory_space<vmem>>) offsets(%dma_start3A_42 : memref<128xi32, #tpu.memory_space<vmem>>) semaphore(%dma_start3A_47 : memref<!tpu.dma_semaphore, #tpu.memory_space<semaphore_mem>>)
      %scan3A = arith.constant 0 : i32
      %scan3A_48 = arith.constant 0 : i32
      %scan3A_49 = arith.constant 26 : i32
      %scan3A_50 = arith.addi %scan3A_48, %scan3A_49 : i32
      %scan3A_51 = arith.constant 1 : i32
      scf.for %scan3A_127 = %scan3A_48 to %scan3A_50 step %scan3A_51  : i32 {
        %mul3A_128 = arith.constant 5 : i32
        %mul3A_129 = arith.muli %scan3A_127, %mul3A_128 : i32
        %add3A = arith.constant 0 : i32
        %add3A_130 = arith.addi %mul3A_129, %add3A : i32
        %add3A_131 = arith.constant 2 : i32
        %add3A_132 = arith.addi %add3A_130, %add3A_131 : i32
        %dma_wait3A_133 = arith.constant 0 : i32
        %dma_wait3A_134 = arith.constant 0 : i32
        %dma_wait3A_135 = arith.constant 0 : i32
        %dma_wait3A_136 = arith.constant 0 : i32
        %dma_wait3A_137 = tpu.memref_slice %arg9[%dma_wait3A_133, %dma_wait3A_135, %dma_wait3A_136] : memref<5x128x128xbf16, #tpu.memory_space<vmem>> -> memref<1x128x128xbf16, #tpu.memory_space<vmem>>
        %dma_wait3A_138 = tpu.memref_squeeze %dma_wait3A_137 : memref<1x128x128xbf16, #tpu.memory_space<vmem>> -> memref<128x128xbf16, #tpu.memory_space<vmem>>
        %dma_wait3A_139 = arith.constant 0 : i32
        %dma_wait3A_140 = tpu.memref_slice %arg7[%add3A_130, %dma_wait3A_139] : memref<130x128xi32, #tpu.memory_space<vmem>> -> memref<1x128xi32, #tpu.memory_space<vmem>>
        %dma_wait3A_141 = tpu.memref_squeeze %dma_wait3A_140 : memref<1x128xi32, #tpu.memory_space<vmem>> -> memref<128xi32, #tpu.memory_space<vmem>>
        %dma_wait3A_142 = arith.constant 0 : i32
        %dma_wait3A_143 = arith.constant 0 : i32
        %dma_wait3A_144 = tpu.memref_slice %arg2[%dma_wait3A_142, %dma_wait3A_143] : memref<10000x128xbf16, #tpu.memory_space<hbm>> -> memref<10000x128xbf16, #tpu.memory_space<hbm>>
        %dma_wait3A_145 = tpu.memref_slice %arg10[%dma_wait3A_134] : memref<5x!tpu.dma_semaphore, #tpu.memory_space<semaphore_mem>> -> memref<1x!tpu.dma_semaphore, #tpu.memory_space<semaphore_mem>>
        %dma_wait3A_146 = tpu.memref_squeeze %dma_wait3A_145 : memref<1x!tpu.dma_semaphore, #tpu.memory_space<semaphore_mem>> -> memref<!tpu.dma_semaphore, #tpu.memory_space<semaphore_mem>>
        tpu.wait_indirect_dma semaphore(%dma_wait3A_146 : memref<!tpu.dma_semaphore, #tpu.memory_space<semaphore_mem>>) src(%dma_wait3A_144 : memref<10000x128xbf16, #tpu.memory_space<hbm>>) dst(%dma_wait3A_138 : memref<128x128xbf16, #tpu.memory_space<vmem>>)
        %dma_start3A_147 = arith.constant 0 : i32
        %dma_start3A_148 = arith.constant 0 : i32
        %dma_start3A_149 = arith.constant 0 : i32
        %dma_start3A_150 = arith.constant 0 : i32
        %dma_start3A_151 = tpu.memref_slice %arg9[%dma_start3A_147, %dma_start3A_149, %dma_start3A_150] : memref<5x128x128xbf16, #tpu.memory_space<vmem>> -> memref<1x128x128xbf16, #tpu.memory_space<vmem>>
        %dma_start3A_152 = tpu.memref_squeeze %dma_start3A_151 : memref<1x128x128xbf16, #tpu.memory_space<vmem>> -> memref<128x128xbf16, #tpu.memory_space<vmem>>
        %dma_start3A_153 = arith.constant 0 : i32
        %dma_start3A_154 = tpu.memref_slice %arg8[%add3A_130, %dma_start3A_153] : memref<130x128xi32, #tpu.memory_space<vmem>> -> memref<1x128xi32, #tpu.memory_space<vmem>>
        %dma_start3A_155 = tpu.memref_squeeze %dma_start3A_154 : memref<1x128xi32, #tpu.memory_space<vmem>> -> memref<128xi32, #tpu.memory_space<vmem>>
        %dma_start3A_156 = arith.constant 0 : i32
        %dma_start3A_157 = arith.constant 0 : i32
        %dma_start3A_158 = tpu.memref_slice %arg12[%dma_start3A_156, %dma_start3A_157] : memref<10240x128xbf16, #tpu.memory_space<vmem_shared>> -> memref<10240x128xbf16, #tpu.memory_space<vmem_shared>>
        %dma_start3A_159 = tpu.memref_slice %arg11[%dma_start3A_148] : memref<5x!tpu.dma_semaphore, #tpu.memory_space<semaphore_mem>> -> memref<1x!tpu.dma_semaphore, #tpu.memory_space<semaphore_mem>>
        %dma_start3A_160 = tpu.memref_squeeze %dma_start3A_159 : memref<1x!tpu.dma_semaphore, #tpu.memory_space<semaphore_mem>> -> memref<!tpu.dma_semaphore, #tpu.memory_space<semaphore_mem>>
        tpu.enqueue_indirect_dma source(%dma_start3A_152 : memref<128x128xbf16, #tpu.memory_space<vmem>>) target(%dma_start3A_158 : memref<10240x128xbf16, #tpu.memory_space<vmem_shared>>) offsets(%dma_start3A_155 : memref<128xi32, #tpu.memory_space<vmem>>) semaphore(%dma_start3A_160 : memref<!tpu.dma_semaphore, #tpu.memory_space<semaphore_mem>>) {add = true}
        %lt3A = arith.constant 130 : i32
        %lt3A_161 = arith.cmpi slt, %add3A_132, %lt3A : i32
        %convert_element_type3A_162 = arith.extui %lt3A_161 : i1 to i32
        %cond3A_163 = arith.constant 0 : i32
        %cond3A_164 = arith.cmpi ne, %convert_element_type3A_162, %cond3A_163 : i32
        scf.if %cond3A_164 {
          %ge3A = arith.constant 5 : i32
          %ge3A_313 = arith.cmpi sge, %add3A_132, %ge3A : i32
          %convert_element_type3A_314 = arith.extui %ge3A_313 : i1 to i32
          %cond3A_315 = arith.constant 0 : i32
          %cond3A_316 = arith.cmpi ne, %convert_element_type3A_314, %cond3A_315 : i32
          scf.if %cond3A_316 {
            %dma_wait3A_331 = arith.constant 2 : i32
            %dma_wait3A_332 = arith.constant 2 : i32
            %dma_wait3A_333 = arith.constant 0 : i32
            %dma_wait3A_334 = arith.constant 0 : i32
            %dma_wait3A_335 = tpu.memref_slice %arg9[%dma_wait3A_331, %dma_wait3A_333, %dma_wait3A_334] : memref<5x128x128xbf16, #tpu.memory_space<vmem>> -> memref<1x128x128xbf16, #tpu.memory_space<vmem>>
            %dma_wait3A_336 = tpu.memref_squeeze %dma_wait3A_335 : memref<1x128x128xbf16, #tpu.memory_space<vmem>> -> memref<128x128xbf16, #tpu.memory_space<vmem>>
            %dma_wait3A_337 = arith.constant 0 : i32
            %dma_wait3A_338 = tpu.memref_slice %arg8[%add3A_132, %dma_wait3A_337] : memref<130x128xi32, #tpu.memory_space<vmem>> -> memref<1x128xi32, #tpu.memory_space<vmem>>
            %dma_wait3A_339 = tpu.memref_squeeze %dma_wait3A_338 : memref<1x128xi32, #tpu.memory_space<vmem>> -> memref<128xi32, #tpu.memory_space<vmem>>
            %dma_wait3A_340 = arith.constant 0 : i32
            %dma_wait3A_341 = arith.constant 0 : i32
            %dma_wait3A_342 = tpu.memref_slice %arg12[%dma_wait3A_340, %dma_wait3A_341] : memref<10240x128xbf16, #tpu.memory_space<vmem_shared>> -> memref<10240x128xbf16, #tpu.memory_space<vmem_shared>>
            %dma_wait3A_343 = tpu.memref_slice %arg11[%dma_wait3A_332] : memref<5x!tpu.dma_semaphore, #tpu.memory_space<semaphore_mem>> -> memref<1x!tpu.dma_semaphore, #tpu.memory_space<semaphore_mem>>
            %dma_wait3A_344 = tpu.memref_squeeze %dma_wait3A_343 : memref<1x!tpu.dma_semaphore, #tpu.memory_space<semaphore_mem>> -> memref<!tpu.dma_semaphore, #tpu.memory_space<semaphore_mem>>
            tpu.wait_indirect_dma semaphore(%dma_wait3A_344 : memref<!tpu.dma_semaphore, #tpu.memory_space<semaphore_mem>>) src(%dma_wait3A_336 : memref<128x128xbf16, #tpu.memory_space<vmem>>) dst(%dma_wait3A_342 : memref<10240x128xbf16, #tpu.memory_space<vmem_shared>>)
          } else {
          }
          %dma_start3A_317 = arith.constant 2 : i32
          %dma_start3A_318 = arith.constant 2 : i32
          %dma_start3A_319 = arith.constant 0 : i32
          %dma_start3A_320 = arith.constant 0 : i32
          %dma_start3A_321 = tpu.memref_slice %arg9[%dma_start3A_317, %dma_start3A_319, %dma_start3A_320] : memref<5x128x128xbf16, #tpu.memory_space<vmem>> -> memref<1x128x128xbf16, #tpu.memory_space<vmem>>
          %dma_start3A_322 = tpu.memref_squeeze %dma_start3A_321 : memref<1x128x128xbf16, #tpu.memory_space<vmem>> -> memref<128x128xbf16, #tpu.memory_space<vmem>>
          %dma_start3A_323 = arith.constant 0 : i32
          %dma_start3A_324 = tpu.memref_slice %arg7[%add3A_132, %dma_start3A_323] : memref<130x128xi32, #tpu.memory_space<vmem>> -> memref<1x128xi32, #tpu.memory_space<vmem>>
          %dma_start3A_325 = tpu.memref_squeeze %dma_start3A_324 : memref<1x128xi32, #tpu.memory_space<vmem>> -> memref<128xi32, #tpu.memory_space<vmem>>
          %dma_start3A_326 = arith.constant 0 : i32
          %dma_start3A_327 = arith.constant 0 : i32
          %dma_start3A_328 = tpu.memref_slice %arg2[%dma_start3A_326, %dma_start3A_327] : memref<10000x128xbf16, #tpu.memory_space<hbm>> -> memref<10000x128xbf16, #tpu.memory_space<hbm>>
          %dma_start3A_329 = tpu.memref_slice %arg10[%dma_start3A_318] : memref<5x!tpu.dma_semaphore, #tpu.memory_space<semaphore_mem>> -> memref<1x!tpu.dma_semaphore, #tpu.memory_space<semaphore_mem>>
          %dma_start3A_330 = tpu.memref_squeeze %dma_start3A_329 : memref<1x!tpu.dma_semaphore, #tpu.memory_space<semaphore_mem>> -> memref<!tpu.dma_semaphore, #tpu.memory_space<semaphore_mem>>
          tpu.enqueue_indirect_dma source(%dma_start3A_328 : memref<10000x128xbf16, #tpu.memory_space<hbm>>) target(%dma_start3A_322 : memref<128x128xbf16, #tpu.memory_space<vmem>>) offsets(%dma_start3A_325 : memref<128xi32, #tpu.memory_space<vmem>>) semaphore(%dma_start3A_330 : memref<!tpu.dma_semaphore, #tpu.memory_space<semaphore_mem>>)
        } else {
        }
        %add3A_165 = arith.constant 1 : i32
        %add3A_166 = arith.addi %mul3A_129, %add3A_165 : i32
        %add3A_167 = arith.constant 2 : i32
        %add3A_168 = arith.addi %add3A_166, %add3A_167 : i32
        %dma_wait3A_169 = arith.constant 1 : i32
        %dma_wait3A_170 = arith.constant 1 : i32
        %dma_wait3A_171 = arith.constant 0 : i32
        %dma_wait3A_172 = arith.constant 0 : i32
        %dma_wait3A_173 = tpu.memref_slice %arg9[%dma_wait3A_169, %dma_wait3A_171, %dma_wait3A_172] : memref<5x128x128xbf16, #tpu.memory_space<vmem>> -> memref<1x128x128xbf16, #tpu.memory_space<vmem>>
        %dma_wait3A_174 = tpu.memref_squeeze %dma_wait3A_173 : memref<1x128x128xbf16, #tpu.memory_space<vmem>> -> memref<128x128xbf16, #tpu.memory_space<vmem>>
        %dma_wait3A_175 = arith.constant 0 : i32
        %dma_wait3A_176 = tpu.memref_slice %arg7[%add3A_166, %dma_wait3A_175] : memref<130x128xi32, #tpu.memory_space<vmem>> -> memref<1x128xi32, #tpu.memory_space<vmem>>
        %dma_wait3A_177 = tpu.memref_squeeze %dma_wait3A_176 : memref<1x128xi32, #tpu.memory_space<vmem>> -> memref<128xi32, #tpu.memory_space<vmem>>
        %dma_wait3A_178 = arith.constant 0 : i32
        %dma_wait3A_179 = arith.constant 0 : i32
        %dma_wait3A_180 = tpu.memref_slice %arg2[%dma_wait3A_178, %dma_wait3A_179] : memref<10000x128xbf16, #tpu.memory_space<hbm>> -> memref<10000x128xbf16, #tpu.memory_space<hbm>>
        %dma_wait3A_181 = tpu.memref_slice %arg10[%dma_wait3A_170] : memref<5x!tpu.dma_semaphore, #tpu.memory_space<semaphore_mem>> -> memref<1x!tpu.dma_semaphore, #tpu.memory_space<semaphore_mem>>
        %dma_wait3A_182 = tpu.memref_squeeze %dma_wait3A_181 : memref<1x!tpu.dma_semaphore, #tpu.memory_space<semaphore_mem>> -> memref<!tpu.dma_semaphore, #tpu.memory_space<semaphore_mem>>
        tpu.wait_indirect_dma semaphore(%dma_wait3A_182 : memref<!tpu.dma_semaphore, #tpu.memory_space<semaphore_mem>>) src(%dma_wait3A_180 : memref<10000x128xbf16, #tpu.memory_space<hbm>>) dst(%dma_wait3A_174 : memref<128x128xbf16, #tpu.memory_space<vmem>>)
        %dma_start3A_183 = arith.constant 1 : i32
        %dma_start3A_184 = arith.constant 1 : i32
        %dma_start3A_185 = arith.constant 0 : i32
        %dma_start3A_186 = arith.constant 0 : i32
        %dma_start3A_187 = tpu.memref_slice %arg9[%dma_start3A_183, %dma_start3A_185, %dma_start3A_186] : memref<5x128x128xbf16, #tpu.memory_space<vmem>> -> memref<1x128x128xbf16, #tpu.memory_space<vmem>>
        %dma_start3A_188 = tpu.memref_squeeze %dma_start3A_187 : memref<1x128x128xbf16, #tpu.memory_space<vmem>> -> memref<128x128xbf16, #tpu.memory_space<vmem>>
        %dma_start3A_189 = arith.constant 0 : i32
        %dma_start3A_190 = tpu.memref_slice %arg8[%add3A_166, %dma_start3A_189] : memref<130x128xi32, #tpu.memory_space<vmem>> -> memref<1x128xi32, #tpu.memory_space<vmem>>
        %dma_start3A_191 = tpu.memref_squeeze %dma_start3A_190 : memref<1x128xi32, #tpu.memory_space<vmem>> -> memref<128xi32, #tpu.memory_space<vmem>>
        %dma_start3A_192 = arith.constant 0 : i32
        %dma_start3A_193 = arith.constant 0 : i32
        %dma_start3A_194 = tpu.memref_slice %arg12[%dma_start3A_192, %dma_start3A_193] : memref<10240x128xbf16, #tpu.memory_space<vmem_shared>> -> memref<10240x128xbf16, #tpu.memory_space<vmem_shared>>
        %dma_start3A_195 = tpu.memref_slice %arg11[%dma_start3A_184] : memref<5x!tpu.dma_semaphore, #tpu.memory_space<semaphore_mem>> -> memref<1x!tpu.dma_semaphore, #tpu.memory_space<semaphore_mem>>
        %dma_start3A_196 = tpu.memref_squeeze %dma_start3A_195 : memref<1x!tpu.dma_semaphore, #tpu.memory_space<semaphore_mem>> -> memref<!tpu.dma_semaphore, #tpu.memory_space<semaphore_mem>>
        tpu.enqueue_indirect_dma source(%dma_start3A_188 : memref<128x128xbf16, #tpu.memory_space<vmem>>) target(%dma_start3A_194 : memref<10240x128xbf16, #tpu.memory_space<vmem_shared>>) offsets(%dma_start3A_191 : memref<128xi32, #tpu.memory_space<vmem>>) semaphore(%dma_start3A_196 : memref<!tpu.dma_semaphore, #tpu.memory_space<semaphore_mem>>) {add = true}
        %lt3A_197 = arith.constant 130 : i32
        %lt3A_198 = arith.cmpi slt, %add3A_168, %lt3A_197 : i32
        %convert_element_type3A_199 = arith.extui %lt3A_198 : i1 to i32
        %cond3A_200 = arith.constant 0 : i32
        %cond3A_201 = arith.cmpi ne, %convert_element_type3A_199, %cond3A_200 : i32
        scf.if %cond3A_201 {
          %ge3A = arith.constant 5 : i32
          %ge3A_313 = arith.cmpi sge, %add3A_168, %ge3A : i32
          %convert_element_type3A_314 = arith.extui %ge3A_313 : i1 to i32
          %cond3A_315 = arith.constant 0 : i32
          %cond3A_316 = arith.cmpi ne, %convert_element_type3A_314, %cond3A_315 : i32
          scf.if %cond3A_316 {
            %dma_wait3A_331 = arith.constant 3 : i32
            %dma_wait3A_332 = arith.constant 3 : i32
            %dma_wait3A_333 = arith.constant 0 : i32
            %dma_wait3A_334 = arith.constant 0 : i32
            %dma_wait3A_335 = tpu.memref_slice %arg9[%dma_wait3A_331, %dma_wait3A_333, %dma_wait3A_334] : memref<5x128x128xbf16, #tpu.memory_space<vmem>> -> memref<1x128x128xbf16, #tpu.memory_space<vmem>>
            %dma_wait3A_336 = tpu.memref_squeeze %dma_wait3A_335 : memref<1x128x128xbf16, #tpu.memory_space<vmem>> -> memref<128x128xbf16, #tpu.memory_space<vmem>>
            %dma_wait3A_337 = arith.constant 0 : i32
            %dma_wait3A_338 = tpu.memref_slice %arg8[%add3A_168, %dma_wait3A_337] : memref<130x128xi32, #tpu.memory_space<vmem>> -> memref<1x128xi32, #tpu.memory_space<vmem>>
            %dma_wait3A_339 = tpu.memref_squeeze %dma_wait3A_338 : memref<1x128xi32, #tpu.memory_space<vmem>> -> memref<128xi32, #tpu.memory_space<vmem>>
            %dma_wait3A_340 = arith.constant 0 : i32
            %dma_wait3A_341 = arith.constant 0 : i32
            %dma_wait3A_342 = tpu.memref_slice %arg12[%dma_wait3A_340, %dma_wait3A_341] : memref<10240x128xbf16, #tpu.memory_space<vmem_shared>> -> memref<10240x128xbf16, #tpu.memory_space<vmem_shared>>
            %dma_wait3A_343 = tpu.memref_slice %arg11[%dma_wait3A_332] : memref<5x!tpu.dma_semaphore, #tpu.memory_space<semaphore_mem>> -> memref<1x!tpu.dma_semaphore, #tpu.memory_space<semaphore_mem>>
            %dma_wait3A_344 = tpu.memref_squeeze %dma_wait3A_343 : memref<1x!tpu.dma_semaphore, #tpu.memory_space<semaphore_mem>> -> memref<!tpu.dma_semaphore, #tpu.memory_space<semaphore_mem>>
            tpu.wait_indirect_dma semaphore(%dma_wait3A_344 : memref<!tpu.dma_semaphore, #tpu.memory_space<semaphore_mem>>) src(%dma_wait3A_336 : memref<128x128xbf16, #tpu.memory_space<vmem>>) dst(%dma_wait3A_342 : memref<10240x128xbf16, #tpu.memory_space<vmem_shared>>)
          } else {
          }
          %dma_start3A_317 = arith.constant 3 : i32
          %dma_start3A_318 = arith.constant 3 : i32
          %dma_start3A_319 = arith.constant 0 : i32
          %dma_start3A_320 = arith.constant 0 : i32
          %dma_start3A_321 = tpu.memref_slice %arg9[%dma_start3A_317, %dma_start3A_319, %dma_start3A_320] : memref<5x128x128xbf16, #tpu.memory_space<vmem>> -> memref<1x128x128xbf16, #tpu.memory_space<vmem>>
          %dma_start3A_322 = tpu.memref_squeeze %dma_start3A_321 : memref<1x128x128xbf16, #tpu.memory_space<vmem>> -> memref<128x128xbf16, #tpu.memory_space<vmem>>
          %dma_start3A_323 = arith.constant 0 : i32
          %dma_start3A_324 = tpu.memref_slice %arg7[%add3A_168, %dma_start3A_323] : memref<130x128xi32, #tpu.memory_space<vmem>> -> memref<1x128xi32, #tpu.memory_space<vmem>>
          %dma_start3A_325 = tpu.memref_squeeze %dma_start3A_324 : memref<1x128xi32, #tpu.memory_space<vmem>> -> memref<128xi32, #tpu.memory_space<vmem>>
          %dma_start3A_326 = arith.constant 0 : i32
          %dma_start3A_327 = arith.constant 0 : i32
          %dma_start3A_328 = tpu.memref_slice %arg2[%dma_start3A_326, %dma_start3A_327] : memref<10000x128xbf16, #tpu.memory_space<hbm>> -> memref<10000x128xbf16, #tpu.memory_space<hbm>>
          %dma_start3A_329 = tpu.memref_slice %arg10[%dma_start3A_318] : memref<5x!tpu.dma_semaphore, #tpu.memory_space<semaphore_mem>> -> memref<1x!tpu.dma_semaphore, #tpu.memory_space<semaphore_mem>>
          %dma_start3A_330 = tpu.memref_squeeze %dma_start3A_329 : memref<1x!tpu.dma_semaphore, #tpu.memory_space<semaphore_mem>> -> memref<!tpu.dma_semaphore, #tpu.memory_space<semaphore_mem>>
          tpu.enqueue_indirect_dma source(%dma_start3A_328 : memref<10000x128xbf16, #tpu.memory_space<hbm>>) target(%dma_start3A_322 : memref<128x128xbf16, #tpu.memory_space<vmem>>) offsets(%dma_start3A_325 : memref<128xi32, #tpu.memory_space<vmem>>) semaphore(%dma_start3A_330 : memref<!tpu.dma_semaphore, #tpu.memory_space<semaphore_mem>>)
        } else {
        }
        %add3A_202 = arith.constant 2 : i32
        %add3A_203 = arith.addi %mul3A_129, %add3A_202 : i32
        %add3A_204 = arith.constant 2 : i32
        %add3A_205 = arith.addi %add3A_203, %add3A_204 : i32
        %dma_wait3A_206 = arith.constant 2 : i32
        %dma_wait3A_207 = arith.constant 2 : i32
        %dma_wait3A_208 = arith.constant 0 : i32
        %dma_wait3A_209 = arith.constant 0 : i32
        %dma_wait3A_210 = tpu.memref_slice %arg9[%dma_wait3A_206, %dma_wait3A_208, %dma_wait3A_209] : memref<5x128x128xbf16, #tpu.memory_space<vmem>> -> memref<1x128x128xbf16, #tpu.memory_space<vmem>>
        %dma_wait3A_211 = tpu.memref_squeeze %dma_wait3A_210 : memref<1x128x128xbf16, #tpu.memory_space<vmem>> -> memref<128x128xbf16, #tpu.memory_space<vmem>>
        %dma_wait3A_212 = arith.constant 0 : i32
        %dma_wait3A_213 = tpu.memref_slice %arg7[%add3A_203, %dma_wait3A_212] : memref<130x128xi32, #tpu.memory_space<vmem>> -> memref<1x128xi32, #tpu.memory_space<vmem>>
        %dma_wait3A_214 = tpu.memref_squeeze %dma_wait3A_213 : memref<1x128xi32, #tpu.memory_space<vmem>> -> memref<128xi32, #tpu.memory_space<vmem>>
        %dma_wait3A_215 = arith.constant 0 : i32
        %dma_wait3A_216 = arith.constant 0 : i32
        %dma_wait3A_217 = tpu.memref_slice %arg2[%dma_wait3A_215, %dma_wait3A_216] : memref<10000x128xbf16, #tpu.memory_space<hbm>> -> memref<10000x128xbf16, #tpu.memory_space<hbm>>
        %dma_wait3A_218 = tpu.memref_slice %arg10[%dma_wait3A_207] : memref<5x!tpu.dma_semaphore, #tpu.memory_space<semaphore_mem>> -> memref<1x!tpu.dma_semaphore, #tpu.memory_space<semaphore_mem>>
        %dma_wait3A_219 = tpu.memref_squeeze %dma_wait3A_218 : memref<1x!tpu.dma_semaphore, #tpu.memory_space<semaphore_mem>> -> memref<!tpu.dma_semaphore, #tpu.memory_space<semaphore_mem>>
        tpu.wait_indirect_dma semaphore(%dma_wait3A_219 : memref<!tpu.dma_semaphore, #tpu.memory_space<semaphore_mem>>) src(%dma_wait3A_217 : memref<10000x128xbf16, #tpu.memory_space<hbm>>) dst(%dma_wait3A_211 : memref<128x128xbf16, #tpu.memory_space<vmem>>)
        %dma_start3A_220 = arith.constant 2 : i32
        %dma_start3A_221 = arith.constant 2 : i32
        %dma_start3A_222 = arith.constant 0 : i32
        %dma_start3A_223 = arith.constant 0 : i32
        %dma_start3A_224 = tpu.memref_slice %arg9[%dma_start3A_220, %dma_start3A_222, %dma_start3A_223] : memref<5x128x128xbf16, #tpu.memory_space<vmem>> -> memref<1x128x128xbf16, #tpu.memory_space<vmem>>
        %dma_start3A_225 = tpu.memref_squeeze %dma_start3A_224 : memref<1x128x128xbf16, #tpu.memory_space<vmem>> -> memref<128x128xbf16, #tpu.memory_space<vmem>>
        %dma_start3A_226 = arith.constant 0 : i32
        %dma_start3A_227 = tpu.memref_slice %arg8[%add3A_203, %dma_start3A_226] : memref<130x128xi32, #tpu.memory_space<vmem>> -> memref<1x128xi32, #tpu.memory_space<vmem>>
        %dma_start3A_228 = tpu.memref_squeeze %dma_start3A_227 : memref<1x128xi32, #tpu.memory_space<vmem>> -> memref<128xi32, #tpu.memory_space<vmem>>
        %dma_start3A_229 = arith.constant 0 : i32
        %dma_start3A_230 = arith.constant 0 : i32
        %dma_start3A_231 = tpu.memref_slice %arg12[%dma_start3A_229, %dma_start3A_230] : memref<10240x128xbf16, #tpu.memory_space<vmem_shared>> -> memref<10240x128xbf16, #tpu.memory_space<vmem_shared>>
        %dma_start3A_232 = tpu.memref_slice %arg11[%dma_start3A_221] : memref<5x!tpu.dma_semaphore, #tpu.memory_space<semaphore_mem>> -> memref<1x!tpu.dma_semaphore, #tpu.memory_space<semaphore_mem>>
        %dma_start3A_233 = tpu.memref_squeeze %dma_start3A_232 : memref<1x!tpu.dma_semaphore, #tpu.memory_space<semaphore_mem>> -> memref<!tpu.dma_semaphore, #tpu.memory_space<semaphore_mem>>
        tpu.enqueue_indirect_dma source(%dma_start3A_225 : memref<128x128xbf16, #tpu.memory_space<vmem>>) target(%dma_start3A_231 : memref<10240x128xbf16, #tpu.memory_space<vmem_shared>>) offsets(%dma_start3A_228 : memref<128xi32, #tpu.memory_space<vmem>>) semaphore(%dma_start3A_233 : memref<!tpu.dma_semaphore, #tpu.memory_space<semaphore_mem>>) {add = true}
        %lt3A_234 = arith.constant 130 : i32
        %lt3A_235 = arith.cmpi slt, %add3A_205, %lt3A_234 : i32
        %convert_element_type3A_236 = arith.extui %lt3A_235 : i1 to i32
        %cond3A_237 = arith.constant 0 : i32
        %cond3A_238 = arith.cmpi ne, %convert_element_type3A_236, %cond3A_237 : i32
        scf.if %cond3A_238 {
          %ge3A = arith.constant 5 : i32
          %ge3A_313 = arith.cmpi sge, %add3A_205, %ge3A : i32
          %convert_element_type3A_314 = arith.extui %ge3A_313 : i1 to i32
          %cond3A_315 = arith.constant 0 : i32
          %cond3A_316 = arith.cmpi ne, %convert_element_type3A_314, %cond3A_315 : i32
          scf.if %cond3A_316 {
            %dma_wait3A_331 = arith.constant 4 : i32
            %dma_wait3A_332 = arith.constant 4 : i32
            %dma_wait3A_333 = arith.constant 0 : i32
            %dma_wait3A_334 = arith.constant 0 : i32
            %dma_wait3A_335 = tpu.memref_slice %arg9[%dma_wait3A_331, %dma_wait3A_333, %dma_wait3A_334] : memref<5x128x128xbf16, #tpu.memory_space<vmem>> -> memref<1x128x128xbf16, #tpu.memory_space<vmem>>
            %dma_wait3A_336 = tpu.memref_squeeze %dma_wait3A_335 : memref<1x128x128xbf16, #tpu.memory_space<vmem>> -> memref<128x128xbf16, #tpu.memory_space<vmem>>
            %dma_wait3A_337 = arith.constant 0 : i32
            %dma_wait3A_338 = tpu.memref_slice %arg8[%add3A_205, %dma_wait3A_337] : memref<130x128xi32, #tpu.memory_space<vmem>> -> memref<1x128xi32, #tpu.memory_space<vmem>>
            %dma_wait3A_339 = tpu.memref_squeeze %dma_wait3A_338 : memref<1x128xi32, #tpu.memory_space<vmem>> -> memref<128xi32, #tpu.memory_space<vmem>>
            %dma_wait3A_340 = arith.constant 0 : i32
            %dma_wait3A_341 = arith.constant 0 : i32
            %dma_wait3A_342 = tpu.memref_slice %arg12[%dma_wait3A_340, %dma_wait3A_341] : memref<10240x128xbf16, #tpu.memory_space<vmem_shared>> -> memref<10240x128xbf16, #tpu.memory_space<vmem_shared>>
            %dma_wait3A_343 = tpu.memref_slice %arg11[%dma_wait3A_332] : memref<5x!tpu.dma_semaphore, #tpu.memory_space<semaphore_mem>> -> memref<1x!tpu.dma_semaphore, #tpu.memory_space<semaphore_mem>>
            %dma_wait3A_344 = tpu.memref_squeeze %dma_wait3A_343 : memref<1x!tpu.dma_semaphore, #tpu.memory_space<semaphore_mem>> -> memref<!tpu.dma_semaphore, #tpu.memory_space<semaphore_mem>>
            tpu.wait_indirect_dma semaphore(%dma_wait3A_344 : memref<!tpu.dma_semaphore, #tpu.memory_space<semaphore_mem>>) src(%dma_wait3A_336 : memref<128x128xbf16, #tpu.memory_space<vmem>>) dst(%dma_wait3A_342 : memref<10240x128xbf16, #tpu.memory_space<vmem_shared>>)
          } else {
          }
          %dma_start3A_317 = arith.constant 4 : i32
          %dma_start3A_318 = arith.constant 4 : i32
          %dma_start3A_319 = arith.constant 0 : i32
          %dma_start3A_320 = arith.constant 0 : i32
          %dma_start3A_321 = tpu.memref_slice %arg9[%dma_start3A_317, %dma_start3A_319, %dma_start3A_320] : memref<5x128x128xbf16, #tpu.memory_space<vmem>> -> memref<1x128x128xbf16, #tpu.memory_space<vmem>>
          %dma_start3A_322 = tpu.memref_squeeze %dma_start3A_321 : memref<1x128x128xbf16, #tpu.memory_space<vmem>> -> memref<128x128xbf16, #tpu.memory_space<vmem>>
          %dma_start3A_323 = arith.constant 0 : i32
          %dma_start3A_324 = tpu.memref_slice %arg7[%add3A_205, %dma_start3A_323] : memref<130x128xi32, #tpu.memory_space<vmem>> -> memref<1x128xi32, #tpu.memory_space<vmem>>
          %dma_start3A_325 = tpu.memref_squeeze %dma_start3A_324 : memref<1x128xi32, #tpu.memory_space<vmem>> -> memref<128xi32, #tpu.memory_space<vmem>>
          %dma_start3A_326 = arith.constant 0 : i32
          %dma_start3A_327 = arith.constant 0 : i32
          %dma_start3A_328 = tpu.memref_slice %arg2[%dma_start3A_326, %dma_start3A_327] : memref<10000x128xbf16, #tpu.memory_space<hbm>> -> memref<10000x128xbf16, #tpu.memory_space<hbm>>
          %dma_start3A_329 = tpu.memref_slice %arg10[%dma_start3A_318] : memref<5x!tpu.dma_semaphore, #tpu.memory_space<semaphore_mem>> -> memref<1x!tpu.dma_semaphore, #tpu.memory_space<semaphore_mem>>
          %dma_start3A_330 = tpu.memref_squeeze %dma_start3A_329 : memref<1x!tpu.dma_semaphore, #tpu.memory_space<semaphore_mem>> -> memref<!tpu.dma_semaphore, #tpu.memory_space<semaphore_mem>>
          tpu.enqueue_indirect_dma source(%dma_start3A_328 : memref<10000x128xbf16, #tpu.memory_space<hbm>>) target(%dma_start3A_322 : memref<128x128xbf16, #tpu.memory_space<vmem>>) offsets(%dma_start3A_325 : memref<128xi32, #tpu.memory_space<vmem>>) semaphore(%dma_start3A_330 : memref<!tpu.dma_semaphore, #tpu.memory_space<semaphore_mem>>)
        } else {
        }
        %add3A_239 = arith.constant 3 : i32
        %add3A_240 = arith.addi %mul3A_129, %add3A_239 : i32
        %add3A_241 = arith.constant 2 : i32
        %add3A_242 = arith.addi %add3A_240, %add3A_241 : i32
        %dma_wait3A_243 = arith.constant 3 : i32
        %dma_wait3A_244 = arith.constant 3 : i32
        %dma_wait3A_245 = arith.constant 0 : i32
        %dma_wait3A_246 = arith.constant 0 : i32
        %dma_wait3A_247 = tpu.memref_slice %arg9[%dma_wait3A_243, %dma_wait3A_245, %dma_wait3A_246] : memref<5x128x128xbf16, #tpu.memory_space<vmem>> -> memref<1x128x128xbf16, #tpu.memory_space<vmem>>
        %dma_wait3A_248 = tpu.memref_squeeze %dma_wait3A_247 : memref<1x128x128xbf16, #tpu.memory_space<vmem>> -> memref<128x128xbf16, #tpu.memory_space<vmem>>
        %dma_wait3A_249 = arith.constant 0 : i32
        %dma_wait3A_250 = tpu.memref_slice %arg7[%add3A_240, %dma_wait3A_249] : memref<130x128xi32, #tpu.memory_space<vmem>> -> memref<1x128xi32, #tpu.memory_space<vmem>>
        %dma_wait3A_251 = tpu.memref_squeeze %dma_wait3A_250 : memref<1x128xi32, #tpu.memory_space<vmem>> -> memref<128xi32, #tpu.memory_space<vmem>>
        %dma_wait3A_252 = arith.constant 0 : i32
        %dma_wait3A_253 = arith.constant 0 : i32
        %dma_wait3A_254 = tpu.memref_slice %arg2[%dma_wait3A_252, %dma_wait3A_253] : memref<10000x128xbf16, #tpu.memory_space<hbm>> -> memref<10000x128xbf16, #tpu.memory_space<hbm>>
        %dma_wait3A_255 = tpu.memref_slice %arg10[%dma_wait3A_244] : memref<5x!tpu.dma_semaphore, #tpu.memory_space<semaphore_mem>> -> memref<1x!tpu.dma_semaphore, #tpu.memory_space<semaphore_mem>>
        %dma_wait3A_256 = tpu.memref_squeeze %dma_wait3A_255 : memref<1x!tpu.dma_semaphore, #tpu.memory_space<semaphore_mem>> -> memref<!tpu.dma_semaphore, #tpu.memory_space<semaphore_mem>>
        tpu.wait_indirect_dma semaphore(%dma_wait3A_256 : memref<!tpu.dma_semaphore, #tpu.memory_space<semaphore_mem>>) src(%dma_wait3A_254 : memref<10000x128xbf16, #tpu.memory_space<hbm>>) dst(%dma_wait3A_248 : memref<128x128xbf16, #tpu.memory_space<vmem>>)
        %dma_start3A_257 = arith.constant 3 : i32
        %dma_start3A_258 = arith.constant 3 : i32
        %dma_start3A_259 = arith.constant 0 : i32
        %dma_start3A_260 = arith.constant 0 : i32
        %dma_start3A_261 = tpu.memref_slice %arg9[%dma_start3A_257, %dma_start3A_259, %dma_start3A_260] : memref<5x128x128xbf16, #tpu.memory_space<vmem>> -> memref<1x128x128xbf16, #tpu.memory_space<vmem>>
        %dma_start3A_262 = tpu.memref_squeeze %dma_start3A_261 : memref<1x128x128xbf16, #tpu.memory_space<vmem>> -> memref<128x128xbf16, #tpu.memory_space<vmem>>
        %dma_start3A_263 = arith.constant 0 : i32
        %dma_start3A_264 = tpu.memref_slice %arg8[%add3A_240, %dma_start3A_263] : memref<130x128xi32, #tpu.memory_space<vmem>> -> memref<1x128xi32, #tpu.memory_space<vmem>>
        %dma_start3A_265 = tpu.memref_squeeze %dma_start3A_264 : memref<1x128xi32, #tpu.memory_space<vmem>> -> memref<128xi32, #tpu.memory_space<vmem>>
        %dma_start3A_266 = arith.constant 0 : i32
        %dma_start3A_267 = arith.constant 0 : i32
        %dma_start3A_268 = tpu.memref_slice %arg12[%dma_start3A_266, %dma_start3A_267] : memref<10240x128xbf16, #tpu.memory_space<vmem_shared>> -> memref<10240x128xbf16, #tpu.memory_space<vmem_shared>>
        %dma_start3A_269 = tpu.memref_slice %arg11[%dma_start3A_258] : memref<5x!tpu.dma_semaphore, #tpu.memory_space<semaphore_mem>> -> memref<1x!tpu.dma_semaphore, #tpu.memory_space<semaphore_mem>>
        %dma_start3A_270 = tpu.memref_squeeze %dma_start3A_269 : memref<1x!tpu.dma_semaphore, #tpu.memory_space<semaphore_mem>> -> memref<!tpu.dma_semaphore, #tpu.memory_space<semaphore_mem>>
        tpu.enqueue_indirect_dma source(%dma_start3A_262 : memref<128x128xbf16, #tpu.memory_space<vmem>>) target(%dma_start3A_268 : memref<10240x128xbf16, #tpu.memory_space<vmem_shared>>) offsets(%dma_start3A_265 : memref<128xi32, #tpu.memory_space<vmem>>) semaphore(%dma_start3A_270 : memref<!tpu.dma_semaphore, #tpu.memory_space<semaphore_mem>>) {add = true}
        %lt3A_271 = arith.constant 130 : i32
        %lt3A_272 = arith.cmpi slt, %add3A_242, %lt3A_271 : i32
        %convert_element_type3A_273 = arith.extui %lt3A_272 : i1 to i32
        %cond3A_274 = arith.constant 0 : i32
        %cond3A_275 = arith.cmpi ne, %convert_element_type3A_273, %cond3A_274 : i32
        scf.if %cond3A_275 {
          %ge3A = arith.constant 5 : i32
          %ge3A_313 = arith.cmpi sge, %add3A_242, %ge3A : i32
          %convert_element_type3A_314 = arith.extui %ge3A_313 : i1 to i32
          %cond3A_315 = arith.constant 0 : i32
          %cond3A_316 = arith.cmpi ne, %convert_element_type3A_314, %cond3A_315 : i32
          scf.if %cond3A_316 {
            %dma_wait3A_331 = arith.constant 0 : i32
            %dma_wait3A_332 = arith.constant 0 : i32
            %dma_wait3A_333 = arith.constant 0 : i32
            %dma_wait3A_334 = arith.constant 0 : i32
            %dma_wait3A_335 = tpu.memref_slice %arg9[%dma_wait3A_331, %dma_wait3A_333, %dma_wait3A_334] : memref<5x128x128xbf16, #tpu.memory_space<vmem>> -> memref<1x128x128xbf16, #tpu.memory_space<vmem>>
            %dma_wait3A_336 = tpu.memref_squeeze %dma_wait3A_335 : memref<1x128x128xbf16, #tpu.memory_space<vmem>> -> memref<128x128xbf16, #tpu.memory_space<vmem>>
            %dma_wait3A_337 = arith.constant 0 : i32
            %dma_wait3A_338 = tpu.memref_slice %arg8[%add3A_242, %dma_wait3A_337] : memref<130x128xi32, #tpu.memory_space<vmem>> -> memref<1x128xi32, #tpu.memory_space<vmem>>
            %dma_wait3A_339 = tpu.memref_squeeze %dma_wait3A_338 : memref<1x128xi32, #tpu.memory_space<vmem>> -> memref<128xi32, #tpu.memory_space<vmem>>
            %dma_wait3A_340 = arith.constant 0 : i32
            %dma_wait3A_341 = arith.constant 0 : i32
            %dma_wait3A_342 = tpu.memref_slice %arg12[%dma_wait3A_340, %dma_wait3A_341] : memref<10240x128xbf16, #tpu.memory_space<vmem_shared>> -> memref<10240x128xbf16, #tpu.memory_space<vmem_shared>>
            %dma_wait3A_343 = tpu.memref_slice %arg11[%dma_wait3A_332] : memref<5x!tpu.dma_semaphore, #tpu.memory_space<semaphore_mem>> -> memref<1x!tpu.dma_semaphore, #tpu.memory_space<semaphore_mem>>
            %dma_wait3A_344 = tpu.memref_squeeze %dma_wait3A_343 : memref<1x!tpu.dma_semaphore, #tpu.memory_space<semaphore_mem>> -> memref<!tpu.dma_semaphore, #tpu.memory_space<semaphore_mem>>
            tpu.wait_indirect_dma semaphore(%dma_wait3A_344 : memref<!tpu.dma_semaphore, #tpu.memory_space<semaphore_mem>>) src(%dma_wait3A_336 : memref<128x128xbf16, #tpu.memory_space<vmem>>) dst(%dma_wait3A_342 : memref<10240x128xbf16, #tpu.memory_space<vmem_shared>>)
          } else {
          }
          %dma_start3A_317 = arith.constant 0 : i32
          %dma_start3A_318 = arith.constant 0 : i32
          %dma_start3A_319 = arith.constant 0 : i32
          %dma_start3A_320 = arith.constant 0 : i32
          %dma_start3A_321 = tpu.memref_slice %arg9[%dma_start3A_317, %dma_start3A_319, %dma_start3A_320] : memref<5x128x128xbf16, #tpu.memory_space<vmem>> -> memref<1x128x128xbf16, #tpu.memory_space<vmem>>
          %dma_start3A_322 = tpu.memref_squeeze %dma_start3A_321 : memref<1x128x128xbf16, #tpu.memory_space<vmem>> -> memref<128x128xbf16, #tpu.memory_space<vmem>>
          %dma_start3A_323 = arith.constant 0 : i32
          %dma_start3A_324 = tpu.memref_slice %arg7[%add3A_242, %dma_start3A_323] : memref<130x128xi32, #tpu.memory_space<vmem>> -> memref<1x128xi32, #tpu.memory_space<vmem>>
          %dma_start3A_325 = tpu.memref_squeeze %dma_start3A_324 : memref<1x128xi32, #tpu.memory_space<vmem>> -> memref<128xi32, #tpu.memory_space<vmem>>
          %dma_start3A_326 = arith.constant 0 : i32
          %dma_start3A_327 = arith.constant 0 : i32
          %dma_start3A_328 = tpu.memref_slice %arg2[%dma_start3A_326, %dma_start3A_327] : memref<10000x128xbf16, #tpu.memory_space<hbm>> -> memref<10000x128xbf16, #tpu.memory_space<hbm>>
          %dma_start3A_329 = tpu.memref_slice %arg10[%dma_start3A_318] : memref<5x!tpu.dma_semaphore, #tpu.memory_space<semaphore_mem>> -> memref<1x!tpu.dma_semaphore, #tpu.memory_space<semaphore_mem>>
          %dma_start3A_330 = tpu.memref_squeeze %dma_start3A_329 : memref<1x!tpu.dma_semaphore, #tpu.memory_space<semaphore_mem>> -> memref<!tpu.dma_semaphore, #tpu.memory_space<semaphore_mem>>
          tpu.enqueue_indirect_dma source(%dma_start3A_328 : memref<10000x128xbf16, #tpu.memory_space<hbm>>) target(%dma_start3A_322 : memref<128x128xbf16, #tpu.memory_space<vmem>>) offsets(%dma_start3A_325 : memref<128xi32, #tpu.memory_space<vmem>>) semaphore(%dma_start3A_330 : memref<!tpu.dma_semaphore, #tpu.memory_space<semaphore_mem>>)
        } else {
        }
        %add3A_276 = arith.constant 4 : i32
        %add3A_277 = arith.addi %mul3A_129, %add3A_276 : i32
        %add3A_278 = arith.constant 2 : i32
        %add3A_279 = arith.addi %add3A_277, %add3A_278 : i32
        %dma_wait3A_280 = arith.constant 4 : i32
        %dma_wait3A_281 = arith.constant 4 : i32
        %dma_wait3A_282 = arith.constant 0 : i32
        %dma_wait3A_283 = arith.constant 0 : i32
        %dma_wait3A_284 = tpu.memref_slice %arg9[%dma_wait3A_280, %dma_wait3A_282, %dma_wait3A_283] : memref<5x128x128xbf16, #tpu.memory_space<vmem>> -> memref<1x128x128xbf16, #tpu.memory_space<vmem>>
        %dma_wait3A_285 = tpu.memref_squeeze %dma_wait3A_284 : memref<1x128x128xbf16, #tpu.memory_space<vmem>> -> memref<128x128xbf16, #tpu.memory_space<vmem>>
        %dma_wait3A_286 = arith.constant 0 : i32
        %dma_wait3A_287 = tpu.memref_slice %arg7[%add3A_277, %dma_wait3A_286] : memref<130x128xi32, #tpu.memory_space<vmem>> -> memref<1x128xi32, #tpu.memory_space<vmem>>
        %dma_wait3A_288 = tpu.memref_squeeze %dma_wait3A_287 : memref<1x128xi32, #tpu.memory_space<vmem>> -> memref<128xi32, #tpu.memory_space<vmem>>
        %dma_wait3A_289 = arith.constant 0 : i32
        %dma_wait3A_290 = arith.constant 0 : i32
        %dma_wait3A_291 = tpu.memref_slice %arg2[%dma_wait3A_289, %dma_wait3A_290] : memref<10000x128xbf16, #tpu.memory_space<hbm>> -> memref<10000x128xbf16, #tpu.memory_space<hbm>>
        %dma_wait3A_292 = tpu.memref_slice %arg10[%dma_wait3A_281] : memref<5x!tpu.dma_semaphore, #tpu.memory_space<semaphore_mem>> -> memref<1x!tpu.dma_semaphore, #tpu.memory_space<semaphore_mem>>
        %dma_wait3A_293 = tpu.memref_squeeze %dma_wait3A_292 : memref<1x!tpu.dma_semaphore, #tpu.memory_space<semaphore_mem>> -> memref<!tpu.dma_semaphore, #tpu.memory_space<semaphore_mem>>
        tpu.wait_indirect_dma semaphore(%dma_wait3A_293 : memref<!tpu.dma_semaphore, #tpu.memory_space<semaphore_mem>>) src(%dma_wait3A_291 : memref<10000x128xbf16, #tpu.memory_space<hbm>>) dst(%dma_wait3A_285 : memref<128x128xbf16, #tpu.memory_space<vmem>>)
        %dma_start3A_294 = arith.constant 4 : i32
        %dma_start3A_295 = arith.constant 4 : i32
        %dma_start3A_296 = arith.constant 0 : i32
        %dma_start3A_297 = arith.constant 0 : i32
        %dma_start3A_298 = tpu.memref_slice %arg9[%dma_start3A_294, %dma_start3A_296, %dma_start3A_297] : memref<5x128x128xbf16, #tpu.memory_space<vmem>> -> memref<1x128x128xbf16, #tpu.memory_space<vmem>>
        %dma_start3A_299 = tpu.memref_squeeze %dma_start3A_298 : memref<1x128x128xbf16, #tpu.memory_space<vmem>> -> memref<128x128xbf16, #tpu.memory_space<vmem>>
        %dma_start3A_300 = arith.constant 0 : i32
        %dma_start3A_301 = tpu.memref_slice %arg8[%add3A_277, %dma_start3A_300] : memref<130x128xi32, #tpu.memory_space<vmem>> -> memref<1x128xi32, #tpu.memory_space<vmem>>
        %dma_start3A_302 = tpu.memref_squeeze %dma_start3A_301 : memref<1x128xi32, #tpu.memory_space<vmem>> -> memref<128xi32, #tpu.memory_space<vmem>>
        %dma_start3A_303 = arith.constant 0 : i32
        %dma_start3A_304 = arith.constant 0 : i32
        %dma_start3A_305 = tpu.memref_slice %arg12[%dma_start3A_303, %dma_start3A_304] : memref<10240x128xbf16, #tpu.memory_space<vmem_shared>> -> memref<10240x128xbf16, #tpu.memory_space<vmem_shared>>
        %dma_start3A_306 = tpu.memref_slice %arg11[%dma_start3A_295] : memref<5x!tpu.dma_semaphore, #tpu.memory_space<semaphore_mem>> -> memref<1x!tpu.dma_semaphore, #tpu.memory_space<semaphore_mem>>
        %dma_start3A_307 = tpu.memref_squeeze %dma_start3A_306 : memref<1x!tpu.dma_semaphore, #tpu.memory_space<semaphore_mem>> -> memref<!tpu.dma_semaphore, #tpu.memory_space<semaphore_mem>>
        tpu.enqueue_indirect_dma source(%dma_start3A_299 : memref<128x128xbf16, #tpu.memory_space<vmem>>) target(%dma_start3A_305 : memref<10240x128xbf16, #tpu.memory_space<vmem_shared>>) offsets(%dma_start3A_302 : memref<128xi32, #tpu.memory_space<vmem>>) semaphore(%dma_start3A_307 : memref<!tpu.dma_semaphore, #tpu.memory_space<semaphore_mem>>) {add = true}
        %lt3A_308 = arith.constant 130 : i32
        %lt3A_309 = arith.cmpi slt, %add3A_279, %lt3A_308 : i32
        %convert_element_type3A_310 = arith.extui %lt3A_309 : i1 to i32
        %cond3A_311 = arith.constant 0 : i32
        %cond3A_312 = arith.cmpi ne, %convert_element_type3A_310, %cond3A_311 : i32
        scf.if %cond3A_312 {
          %ge3A = arith.constant 5 : i32
          %ge3A_313 = arith.cmpi sge, %add3A_279, %ge3A : i32
          %convert_element_type3A_314 = arith.extui %ge3A_313 : i1 to i32
          %cond3A_315 = arith.constant 0 : i32
          %cond3A_316 = arith.cmpi ne, %convert_element_type3A_314, %cond3A_315 : i32
          scf.if %cond3A_316 {
            %dma_wait3A_331 = arith.constant 1 : i32
            %dma_wait3A_332 = arith.constant 1 : i32
            %dma_wait3A_333 = arith.constant 0 : i32
            %dma_wait3A_334 = arith.constant 0 : i32
            %dma_wait3A_335 = tpu.memref_slice %arg9[%dma_wait3A_331, %dma_wait3A_333, %dma_wait3A_334] : memref<5x128x128xbf16, #tpu.memory_space<vmem>> -> memref<1x128x128xbf16, #tpu.memory_space<vmem>>
            %dma_wait3A_336 = tpu.memref_squeeze %dma_wait3A_335 : memref<1x128x128xbf16, #tpu.memory_space<vmem>> -> memref<128x128xbf16, #tpu.memory_space<vmem>>
            %dma_wait3A_337 = arith.constant 0 : i32
            %dma_wait3A_338 = tpu.memref_slice %arg8[%add3A_279, %dma_wait3A_337] : memref<130x128xi32, #tpu.memory_space<vmem>> -> memref<1x128xi32, #tpu.memory_space<vmem>>
            %dma_wait3A_339 = tpu.memref_squeeze %dma_wait3A_338 : memref<1x128xi32, #tpu.memory_space<vmem>> -> memref<128xi32, #tpu.memory_space<vmem>>
            %dma_wait3A_340 = arith.constant 0 : i32
            %dma_wait3A_341 = arith.constant 0 : i32
            %dma_wait3A_342 = tpu.memref_slice %arg12[%dma_wait3A_340, %dma_wait3A_341] : memref<10240x128xbf16, #tpu.memory_space<vmem_shared>> -> memref<10240x128xbf16, #tpu.memory_space<vmem_shared>>
            %dma_wait3A_343 = tpu.memref_slice %arg11[%dma_wait3A_332] : memref<5x!tpu.dma_semaphore, #tpu.memory_space<semaphore_mem>> -> memref<1x!tpu.dma_semaphore, #tpu.memory_space<semaphore_mem>>
            %dma_wait3A_344 = tpu.memref_squeeze %dma_wait3A_343 : memref<1x!tpu.dma_semaphore, #tpu.memory_space<semaphore_mem>> -> memref<!tpu.dma_semaphore, #tpu.memory_space<semaphore_mem>>
            tpu.wait_indirect_dma semaphore(%dma_wait3A_344 : memref<!tpu.dma_semaphore, #tpu.memory_space<semaphore_mem>>) src(%dma_wait3A_336 : memref<128x128xbf16, #tpu.memory_space<vmem>>) dst(%dma_wait3A_342 : memref<10240x128xbf16, #tpu.memory_space<vmem_shared>>)
          } else {
          }
          %dma_start3A_317 = arith.constant 1 : i32
          %dma_start3A_318 = arith.constant 1 : i32
          %dma_start3A_319 = arith.constant 0 : i32
          %dma_start3A_320 = arith.constant 0 : i32
          %dma_start3A_321 = tpu.memref_slice %arg9[%dma_start3A_317, %dma_start3A_319, %dma_start3A_320] : memref<5x128x128xbf16, #tpu.memory_space<vmem>> -> memref<1x128x128xbf16, #tpu.memory_space<vmem>>
          %dma_start3A_322 = tpu.memref_squeeze %dma_start3A_321 : memref<1x128x128xbf16, #tpu.memory_space<vmem>> -> memref<128x128xbf16, #tpu.memory_space<vmem>>
          %dma_start3A_323 = arith.constant 0 : i32
          %dma_start3A_324 = tpu.memref_slice %arg7[%add3A_279, %dma_start3A_323] : memref<130x128xi32, #tpu.memory_space<vmem>> -> memref<1x128xi32, #tpu.memory_space<vmem>>
          %dma_start3A_325 = tpu.memref_squeeze %dma_start3A_324 : memref<1x128xi32, #tpu.memory_space<vmem>> -> memref<128xi32, #tpu.memory_space<vmem>>
          %dma_start3A_326 = arith.constant 0 : i32
          %dma_start3A_327 = arith.constant 0 : i32
          %dma_start3A_328 = tpu.memref_slice %arg2[%dma_start3A_326, %dma_start3A_327] : memref<10000x128xbf16, #tpu.memory_space<hbm>> -> memref<10000x128xbf16, #tpu.memory_space<hbm>>
          %dma_start3A_329 = tpu.memref_slice %arg10[%dma_start3A_318] : memref<5x!tpu.dma_semaphore, #tpu.memory_space<semaphore_mem>> -> memref<1x!tpu.dma_semaphore, #tpu.memory_space<semaphore_mem>>
          %dma_start3A_330 = tpu.memref_squeeze %dma_start3A_329 : memref<1x!tpu.dma_semaphore, #tpu.memory_space<semaphore_mem>> -> memref<!tpu.dma_semaphore, #tpu.memory_space<semaphore_mem>>
          tpu.enqueue_indirect_dma source(%dma_start3A_328 : memref<10000x128xbf16, #tpu.memory_space<hbm>>) target(%dma_start3A_322 : memref<128x128xbf16, #tpu.memory_space<vmem>>) offsets(%dma_start3A_325 : memref<128xi32, #tpu.memory_space<vmem>>) semaphore(%dma_start3A_330 : memref<!tpu.dma_semaphore, #tpu.memory_space<semaphore_mem>>)
        } else {
        }
      }
      %scan3A_52 = arith.constant 26 : i32
      %dma_wait3A = arith.constant 0 : i32
      %dma_wait3A_53 = arith.constant 0 : i32
      %dma_wait3A_54 = arith.constant 0 : i32
      %dma_wait3A_55 = arith.constant 0 : i32
      %dma_wait3A_56 = arith.constant 0 : i32
      %dma_wait3A_57 = tpu.memref_slice %arg9[%dma_wait3A, %dma_wait3A_55, %dma_wait3A_56] : memref<5x128x128xbf16, #tpu.memory_space<vmem>> -> memref<1x128x128xbf16, #tpu.memory_space<vmem>>
      %dma_wait3A_58 = tpu.memref_squeeze %dma_wait3A_57 : memref<1x128x128xbf16, #tpu.memory_space<vmem>> -> memref<128x128xbf16, #tpu.memory_space<vmem>>
      %dma_wait3A_59 = arith.constant 0 : i32
      %dma_wait3A_60 = tpu.memref_slice %arg8[%dma_wait3A_53, %dma_wait3A_59] : memref<130x128xi32, #tpu.memory_space<vmem>> -> memref<1x128xi32, #tpu.memory_space<vmem>>
      %dma_wait3A_61 = tpu.memref_squeeze %dma_wait3A_60 : memref<1x128xi32, #tpu.memory_space<vmem>> -> memref<128xi32, #tpu.memory_space<vmem>>
      %dma_wait3A_62 = arith.constant 0 : i32
      %dma_wait3A_63 = arith.constant 0 : i32
      %dma_wait3A_64 = tpu.memref_slice %arg12[%dma_wait3A_62, %dma_wait3A_63] : memref<10240x128xbf16, #tpu.memory_space<vmem_shared>> -> memref<10240x128xbf16, #tpu.memory_space<vmem_shared>>
      %dma_wait3A_65 = tpu.memref_slice %arg11[%dma_wait3A_54] : memref<5x!tpu.dma_semaphore, #tpu.memory_space<semaphore_mem>> -> memref<1x!tpu.dma_semaphore, #tpu.memory_space<semaphore_mem>>
      %dma_wait3A_66 = tpu.memref_squeeze %dma_wait3A_65 : memref<1x!tpu.dma_semaphore, #tpu.memory_space<semaphore_mem>> -> memref<!tpu.dma_semaphore, #tpu.memory_space<semaphore_mem>>
      tpu.wait_indirect_dma semaphore(%dma_wait3A_66 : memref<!tpu.dma_semaphore, #tpu.memory_space<semaphore_mem>>) src(%dma_wait3A_58 : memref<128x128xbf16, #tpu.memory_space<vmem>>) dst(%dma_wait3A_64 : memref<10240x128xbf16, #tpu.memory_space<vmem_shared>>)
      %dma_wait3A_67 = arith.constant 1 : i32
      %dma_wait3A_68 = arith.constant 0 : i32
      %dma_wait3A_69 = arith.constant 1 : i32
      %dma_wait3A_70 = arith.constant 0 : i32
      %dma_wait3A_71 = arith.constant 0 : i32
      %dma_wait3A_72 = tpu.memref_slice %arg9[%dma_wait3A_67, %dma_wait3A_70, %dma_wait3A_71] : memref<5x128x128xbf16, #tpu.memory_space<vmem>> -> memref<1x128x128xbf16, #tpu.memory_space<vmem>>
      %dma_wait3A_73 = tpu.memref_squeeze %dma_wait3A_72 : memref<1x128x128xbf16, #tpu.memory_space<vmem>> -> memref<128x128xbf16, #tpu.memory_space<vmem>>
      %dma_wait3A_74 = arith.constant 0 : i32
      %dma_wait3A_75 = tpu.memref_slice %arg8[%dma_wait3A_68, %dma_wait3A_74] : memref<130x128xi32, #tpu.memory_space<vmem>> -> memref<1x128xi32, #tpu.memory_space<vmem>>
      %dma_wait3A_76 = tpu.memref_squeeze %dma_wait3A_75 : memref<1x128xi32, #tpu.memory_space<vmem>> -> memref<128xi32, #tpu.memory_space<vmem>>
      %dma_wait3A_77 = arith.constant 0 : i32
      %dma_wait3A_78 = arith.constant 0 : i32
      %dma_wait3A_79 = tpu.memref_slice %arg12[%dma_wait3A_77, %dma_wait3A_78] : memref<10240x128xbf16, #tpu.memory_space<vmem_shared>> -> memref<10240x128xbf16, #tpu.memory_space<vmem_shared>>
      %dma_wait3A_80 = tpu.memref_slice %arg11[%dma_wait3A_69] : memref<5x!tpu.dma_semaphore, #tpu.memory_space<semaphore_mem>> -> memref<1x!tpu.dma_semaphore, #tpu.memory_space<semaphore_mem>>
      %dma_wait3A_81 = tpu.memref_squeeze %dma_wait3A_80 : memref<1x!tpu.dma_semaphore, #tpu.memory_space<semaphore_mem>> -> memref<!tpu.dma_semaphore, #tpu.memory_space<semaphore_mem>>
      tpu.wait_indirect_dma semaphore(%dma_wait3A_81 : memref<!tpu.dma_semaphore, #tpu.memory_space<semaphore_mem>>) src(%dma_wait3A_73 : memref<128x128xbf16, #tpu.memory_space<vmem>>) dst(%dma_wait3A_79 : memref<10240x128xbf16, #tpu.memory_space<vmem_shared>>)
      %dma_wait3A_82 = arith.constant 2 : i32
      %dma_wait3A_83 = arith.constant 0 : i32
      %dma_wait3A_84 = arith.constant 2 : i32
      %dma_wait3A_85 = arith.constant 0 : i32
      %dma_wait3A_86 = arith.constant 0 : i32
      %dma_wait3A_87 = tpu.memref_slice %arg9[%dma_wait3A_82, %dma_wait3A_85, %dma_wait3A_86] : memref<5x128x128xbf16, #tpu.memory_space<vmem>> -> memref<1x128x128xbf16, #tpu.memory_space<vmem>>
      %dma_wait3A_88 = tpu.memref_squeeze %dma_wait3A_87 : memref<1x128x128xbf16, #tpu.memory_space<vmem>> -> memref<128x128xbf16, #tpu.memory_space<vmem>>
      %dma_wait3A_89 = arith.constant 0 : i32
      %dma_wait3A_90 = tpu.memref_slice %arg8[%dma_wait3A_83, %dma_wait3A_89] : memref<130x128xi32, #tpu.memory_space<vmem>> -> memref<1x128xi32, #tpu.memory_space<vmem>>
      %dma_wait3A_91 = tpu.memref_squeeze %dma_wait3A_90 : memref<1x128xi32, #tpu.memory_space<vmem>> -> memref<128xi32, #tpu.memory_space<vmem>>
      %dma_wait3A_92 = arith.constant 0 : i32
      %dma_wait3A_93 = arith.constant 0 : i32
      %dma_wait3A_94 = tpu.memref_slice %arg12[%dma_wait3A_92, %dma_wait3A_93] : memref<10240x128xbf16, #tpu.memory_space<vmem_shared>> -> memref<10240x128xbf16, #tpu.memory_space<vmem_shared>>
      %dma_wait3A_95 = tpu.memref_slice %arg11[%dma_wait3A_84] : memref<5x!tpu.dma_semaphore, #tpu.memory_space<semaphore_mem>> -> memref<1x!tpu.dma_semaphore, #tpu.memory_space<semaphore_mem>>
      %dma_wait3A_96 = tpu.memref_squeeze %dma_wait3A_95 : memref<1x!tpu.dma_semaphore, #tpu.memory_space<semaphore_mem>> -> memref<!tpu.dma_semaphore, #tpu.memory_space<semaphore_mem>>
      tpu.wait_indirect_dma semaphore(%dma_wait3A_96 : memref<!tpu.dma_semaphore, #tpu.memory_space<semaphore_mem>>) src(%dma_wait3A_88 : memref<128x128xbf16, #tpu.memory_space<vmem>>) dst(%dma_wait3A_94 : memref<10240x128xbf16, #tpu.memory_space<vmem_shared>>)
      %dma_wait3A_97 = arith.constant 3 : i32
      %dma_wait3A_98 = arith.constant 0 : i32
      %dma_wait3A_99 = arith.constant 3 : i32
      %dma_wait3A_100 = arith.constant 0 : i32
      %dma_wait3A_101 = arith.constant 0 : i32
      %dma_wait3A_102 = tpu.memref_slice %arg9[%dma_wait3A_97, %dma_wait3A_100, %dma_wait3A_101] : memref<5x128x128xbf16, #tpu.memory_space<vmem>> -> memref<1x128x128xbf16, #tpu.memory_space<vmem>>
      %dma_wait3A_103 = tpu.memref_squeeze %dma_wait3A_102 : memref<1x128x128xbf16, #tpu.memory_space<vmem>> -> memref<128x128xbf16, #tpu.memory_space<vmem>>
      %dma_wait3A_104 = arith.constant 0 : i32
      %dma_wait3A_105 = tpu.memref_slice %arg8[%dma_wait3A_98, %dma_wait3A_104] : memref<130x128xi32, #tpu.memory_space<vmem>> -> memref<1x128xi32, #tpu.memory_space<vmem>>
      %dma_wait3A_106 = tpu.memref_squeeze %dma_wait3A_105 : memref<1x128xi32, #tpu.memory_space<vmem>> -> memref<128xi32, #tpu.memory_space<vmem>>
      %dma_wait3A_107 = arith.constant 0 : i32
      %dma_wait3A_108 = arith.constant 0 : i32
      %dma_wait3A_109 = tpu.memref_slice %arg12[%dma_wait3A_107, %dma_wait3A_108] : memref<10240x128xbf16, #tpu.memory_space<vmem_shared>> -> memref<10240x128xbf16, #tpu.memory_space<vmem_shared>>
      %dma_wait3A_110 = tpu.memref_slice %arg11[%dma_wait3A_99] : memref<5x!tpu.dma_semaphore, #tpu.memory_space<semaphore_mem>> -> memref<1x!tpu.dma_semaphore, #tpu.memory_space<semaphore_mem>>
      %dma_wait3A_111 = tpu.memref_squeeze %dma_wait3A_110 : memref<1x!tpu.dma_semaphore, #tpu.memory_space<semaphore_mem>> -> memref<!tpu.dma_semaphore, #tpu.memory_space<semaphore_mem>>
      tpu.wait_indirect_dma semaphore(%dma_wait3A_111 : memref<!tpu.dma_semaphore, #tpu.memory_space<semaphore_mem>>) src(%dma_wait3A_103 : memref<128x128xbf16, #tpu.memory_space<vmem>>) dst(%dma_wait3A_109 : memref<10240x128xbf16, #tpu.memory_space<vmem_shared>>)
      %dma_wait3A_112 = arith.constant 4 : i32
      %dma_wait3A_113 = arith.constant 0 : i32
      %dma_wait3A_114 = arith.constant 4 : i32
      %dma_wait3A_115 = arith.constant 0 : i32
      %dma_wait3A_116 = arith.constant 0 : i32
      %dma_wait3A_117 = tpu.memref_slice %arg9[%dma_wait3A_112, %dma_wait3A_115, %dma_wait3A_116] : memref<5x128x128xbf16, #tpu.memory_space<vmem>> -> memref<1x128x128xbf16, #tpu.memory_space<vmem>>
      %dma_wait3A_118 = tpu.memref_squeeze %dma_wait3A_117 : memref<1x128x128xbf16, #tpu.memory_space<vmem>> -> memref<128x128xbf16, #tpu.memory_space<vmem>>
      %dma_wait3A_119 = arith.constant 0 : i32
      %dma_wait3A_120 = tpu.memref_slice %arg8[%dma_wait3A_113, %dma_wait3A_119] : memref<130x128xi32, #tpu.memory_space<vmem>> -> memref<1x128xi32, #tpu.memory_space<vmem>>
      %dma_wait3A_121 = tpu.memref_squeeze %dma_wait3A_120 : memref<1x128xi32, #tpu.memory_space<vmem>> -> memref<128xi32, #tpu.memory_space<vmem>>
      %dma_wait3A_122 = arith.constant 0 : i32
      %dma_wait3A_123 = arith.constant 0 : i32
      %dma_wait3A_124 = tpu.memref_slice %arg12[%dma_wait3A_122, %dma_wait3A_123] : memref<10240x128xbf16, #tpu.memory_space<vmem_shared>> -> memref<10240x128xbf16, #tpu.memory_space<vmem_shared>>
      %dma_wait3A_125 = tpu.memref_slice %arg11[%dma_wait3A_114] : memref<5x!tpu.dma_semaphore, #tpu.memory_space<semaphore_mem>> -> memref<1x!tpu.dma_semaphore, #tpu.memory_space<semaphore_mem>>
      %dma_wait3A_126 = tpu.memref_squeeze %dma_wait3A_125 : memref<1x!tpu.dma_semaphore, #tpu.memory_space<semaphore_mem>> -> memref<!tpu.dma_semaphore, #tpu.memory_space<semaphore_mem>>
      tpu.wait_indirect_dma semaphore(%dma_wait3A_126 : memref<!tpu.dma_semaphore, #tpu.memory_space<semaphore_mem>>) src(%dma_wait3A_118 : memref<128x128xbf16, #tpu.memory_space<vmem>>) dst(%dma_wait3A_124 : memref<10240x128xbf16, #tpu.memory_space<vmem_shared>>)
    } else {
    }
    %eq3A_13 = arith.constant 1 : i32
    %eq3A_14 = arith.cmpi eq, %arg0, %eq3A_13 : i32
    %convert_element_type3A_15 = arith.extui %eq3A_14 : i1 to i32
    %cond3A_16 = arith.constant 0 : i32
    %cond3A_17 = arith.cmpi ne, %convert_element_type3A_15, %cond3A_16 : i32
    scf.if %cond3A_17 {
      %dma_start3A = arith.constant 0 : i32
      %dma_start3A_19 = arith.constant 0 : i32
      %dma_start3A_20 = arith.constant 0 : i32
      %dma_start3A_21 = arith.constant 0 : i32
      %dma_start3A_22 = arith.constant 0 : i32
      %dma_start3A_23 = tpu.memref_slice %arg9[%dma_start3A_19, %dma_start3A_21, %dma_start3A_22] : memref<5x128x128xbf16, #tpu.memory_space<vmem>> -> memref<1x128x128xbf16, #tpu.memory_space<vmem>>
      %dma_start3A_24 = tpu.memref_squeeze %dma_start3A_23 : memref<1x128x128xbf16, #tpu.memory_space<vmem>> -> memref<128x128xbf16, #tpu.memory_space<vmem>>
      %dma_start3A_25 = arith.constant 0 : i32
      %dma_start3A_26 = tpu.memref_slice %arg7[%dma_start3A, %dma_start3A_25] : memref<130x128xi32, #tpu.memory_space<vmem>> -> memref<1x128xi32, #tpu.memory_space<vmem>>
      %dma_start3A_27 = tpu.memref_squeeze %dma_start3A_26 : memref<1x128xi32, #tpu.memory_space<vmem>> -> memref<128xi32, #tpu.memory_space<vmem>>
      %dma_start3A_28 = arith.constant 0 : i32
      %dma_start3A_29 = arith.constant 0 : i32
      %dma_start3A_30 = tpu.memref_slice %arg2[%dma_start3A_28, %dma_start3A_29] : memref<10000x128xbf16, #tpu.memory_space<hbm>> -> memref<10000x128xbf16, #tpu.memory_space<hbm>>
      %dma_start3A_31 = tpu.memref_slice %arg10[%dma_start3A_20] : memref<5x!tpu.dma_semaphore, #tpu.memory_space<semaphore_mem>> -> memref<1x!tpu.dma_semaphore, #tpu.memory_space<semaphore_mem>>
      %dma_start3A_32 = tpu.memref_squeeze %dma_start3A_31 : memref<1x!tpu.dma_semaphore, #tpu.memory_space<semaphore_mem>> -> memref<!tpu.dma_semaphore, #tpu.memory_space<semaphore_mem>>
      tpu.enqueue_indirect_dma source(%dma_start3A_30 : memref<10000x128xbf16, #tpu.memory_space<hbm>>) target(%dma_start3A_24 : memref<128x128xbf16, #tpu.memory_space<vmem>>) offsets(%dma_start3A_27 : memref<128xi32, #tpu.memory_space<vmem>>) semaphore(%dma_start3A_32 : memref<!tpu.dma_semaphore, #tpu.memory_space<semaphore_mem>>)
      %dma_start3A_33 = arith.constant 1 : i32
      %dma_start3A_34 = arith.constant 1 : i32
      %dma_start3A_35 = arith.constant 1 : i32
      %dma_start3A_36 = arith.constant 0 : i32
      %dma_start3A_37 = arith.constant 0 : i32
      %dma_start3A_38 = tpu.memref_slice %arg9[%dma_start3A_34, %dma_start3A_36, %dma_start3A_37] : memref<5x128x128xbf16, #tpu.memory_space<vmem>> -> memref<1x128x128xbf16, #tpu.memory_space<vmem>>
      %dma_start3A_39 = tpu.memref_squeeze %dma_start3A_38 : memref<1x128x128xbf16, #tpu.memory_space<vmem>> -> memref<128x128xbf16, #tpu.memory_space<vmem>>
      %dma_start3A_40 = arith.constant 0 : i32
      %dma_start3A_41 = tpu.memref_slice %arg7[%dma_start3A_33, %dma_start3A_40] : memref<130x128xi32, #tpu.memory_space<vmem>> -> memref<1x128xi32, #tpu.memory_space<vmem>>
      %dma_start3A_42 = tpu.memref_squeeze %dma_start3A_41 : memref<1x128xi32, #tpu.memory_space<vmem>> -> memref<128xi32, #tpu.memory_space<vmem>>
      %dma_start3A_43 = arith.constant 0 : i32
      %dma_start3A_44 = arith.constant 0 : i32
      %dma_start3A_45 = tpu.memref_slice %arg2[%dma_start3A_43, %dma_start3A_44] : memref<10000x128xbf16, #tpu.memory_space<hbm>> -> memref<10000x128xbf16, #tpu.memory_space<hbm>>
      %dma_start3A_46 = tpu.memref_slice %arg10[%dma_start3A_35] : memref<5x!tpu.dma_semaphore, #tpu.memory_space<semaphore_mem>> -> memref<1x!tpu.dma_semaphore, #tpu.memory_space<semaphore_mem>>
      %dma_start3A_47 = tpu.memref_squeeze %dma_start3A_46 : memref<1x!tpu.dma_semaphore, #tpu.memory_space<semaphore_mem>> -> memref<!tpu.dma_semaphore, #tpu.memory_space<semaphore_mem>>
      tpu.enqueue_indirect_dma source(%dma_start3A_45 : memref<10000x128xbf16, #tpu.memory_space<hbm>>) target(%dma_start3A_39 : memref<128x128xbf16, #tpu.memory_space<vmem>>) offsets(%dma_start3A_42 : memref<128xi32, #tpu.memory_space<vmem>>) semaphore(%dma_start3A_47 : memref<!tpu.dma_semaphore, #tpu.memory_space<semaphore_mem>>)
      %scan3A = arith.constant 0 : i32
      %scan3A_48 = arith.constant 0 : i32
      %scan3A_49 = arith.constant 6 : i32
      %scan3A_50 = arith.addi %scan3A_48, %scan3A_49 : i32
      %scan3A_51 = arith.constant 1 : i32
      scf.for %scan3A_127 = %scan3A_48 to %scan3A_50 step %scan3A_51  : i32 {
        %mul3A_128 = arith.constant 5 : i32
        %mul3A_129 = arith.muli %scan3A_127, %mul3A_128 : i32
        %add3A = arith.constant 0 : i32
        %add3A_130 = arith.addi %mul3A_129, %add3A : i32
        %add3A_131 = arith.constant 2 : i32
        %add3A_132 = arith.addi %add3A_130, %add3A_131 : i32
        %dma_wait3A_133 = arith.constant 0 : i32
        %dma_wait3A_134 = arith.constant 0 : i32
        %dma_wait3A_135 = arith.constant 0 : i32
        %dma_wait3A_136 = arith.constant 0 : i32
        %dma_wait3A_137 = tpu.memref_slice %arg9[%dma_wait3A_133, %dma_wait3A_135, %dma_wait3A_136] : memref<5x128x128xbf16, #tpu.memory_space<vmem>> -> memref<1x128x128xbf16, #tpu.memory_space<vmem>>
        %dma_wait3A_138 = tpu.memref_squeeze %dma_wait3A_137 : memref<1x128x128xbf16, #tpu.memory_space<vmem>> -> memref<128x128xbf16, #tpu.memory_space<vmem>>
        %dma_wait3A_139 = arith.constant 0 : i32
        %dma_wait3A_140 = tpu.memref_slice %arg7[%add3A_130, %dma_wait3A_139] : memref<130x128xi32, #tpu.memory_space<vmem>> -> memref<1x128xi32, #tpu.memory_space<vmem>>
        %dma_wait3A_141 = tpu.memref_squeeze %dma_wait3A_140 : memref<1x128xi32, #tpu.memory_space<vmem>> -> memref<128xi32, #tpu.memory_space<vmem>>
        %dma_wait3A_142 = arith.constant 0 : i32
        %dma_wait3A_143 = arith.constant 0 : i32
        %dma_wait3A_144 = tpu.memref_slice %arg2[%dma_wait3A_142, %dma_wait3A_143] : memref<10000x128xbf16, #tpu.memory_space<hbm>> -> memref<10000x128xbf16, #tpu.memory_space<hbm>>
        %dma_wait3A_145 = tpu.memref_slice %arg10[%dma_wait3A_134] : memref<5x!tpu.dma_semaphore, #tpu.memory_space<semaphore_mem>> -> memref<1x!tpu.dma_semaphore, #tpu.memory_space<semaphore_mem>>
        %dma_wait3A_146 = tpu.memref_squeeze %dma_wait3A_145 : memref<1x!tpu.dma_semaphore, #tpu.memory_space<semaphore_mem>> -> memref<!tpu.dma_semaphore, #tpu.memory_space<semaphore_mem>>
        tpu.wait_indirect_dma semaphore(%dma_wait3A_146 : memref<!tpu.dma_semaphore, #tpu.memory_space<semaphore_mem>>) src(%dma_wait3A_144 : memref<10000x128xbf16, #tpu.memory_space<hbm>>) dst(%dma_wait3A_138 : memref<128x128xbf16, #tpu.memory_space<vmem>>)
        %dma_start3A_147 = arith.constant 0 : i32
        %dma_start3A_148 = arith.constant 0 : i32
        %dma_start3A_149 = arith.constant 0 : i32
        %dma_start3A_150 = arith.constant 0 : i32
        %dma_start3A_151 = tpu.memref_slice %arg9[%dma_start3A_147, %dma_start3A_149, %dma_start3A_150] : memref<5x128x128xbf16, #tpu.memory_space<vmem>> -> memref<1x128x128xbf16, #tpu.memory_space<vmem>>
        %dma_start3A_152 = tpu.memref_squeeze %dma_start3A_151 : memref<1x128x128xbf16, #tpu.memory_space<vmem>> -> memref<128x128xbf16, #tpu.memory_space<vmem>>
        %dma_start3A_153 = arith.constant 0 : i32
        %dma_start3A_154 = tpu.memref_slice %arg8[%add3A_130, %dma_start3A_153] : memref<130x128xi32, #tpu.memory_space<vmem>> -> memref<1x128xi32, #tpu.memory_space<vmem>>
        %dma_start3A_155 = tpu.memref_squeeze %dma_start3A_154 : memref<1x128xi32, #tpu.memory_space<vmem>> -> memref<128xi32, #tpu.memory_space<vmem>>
        %dma_start3A_156 = arith.constant 0 : i32
        %dma_start3A_157 = arith.constant 0 : i32
        %dma_start3A_158 = tpu.memref_slice %arg12[%dma_start3A_156, %dma_start3A_157] : memref<10240x128xbf16, #tpu.memory_space<vmem_shared>> -> memref<10240x128xbf16, #tpu.memory_space<vmem_shared>>
        %dma_start3A_159 = tpu.memref_slice %arg11[%dma_start3A_148] : memref<5x!tpu.dma_semaphore, #tpu.memory_space<semaphore_mem>> -> memref<1x!tpu.dma_semaphore, #tpu.memory_space<semaphore_mem>>
        %dma_start3A_160 = tpu.memref_squeeze %dma_start3A_159 : memref<1x!tpu.dma_semaphore, #tpu.memory_space<semaphore_mem>> -> memref<!tpu.dma_semaphore, #tpu.memory_space<semaphore_mem>>
        tpu.enqueue_indirect_dma source(%dma_start3A_152 : memref<128x128xbf16, #tpu.memory_space<vmem>>) target(%dma_start3A_158 : memref<10240x128xbf16, #tpu.memory_space<vmem_shared>>) offsets(%dma_start3A_155 : memref<128xi32, #tpu.memory_space<vmem>>) semaphore(%dma_start3A_160 : memref<!tpu.dma_semaphore, #tpu.memory_space<semaphore_mem>>) {add = true}
        %lt3A = arith.constant 30 : i32
        %lt3A_161 = arith.cmpi slt, %add3A_132, %lt3A : i32
        %convert_element_type3A_162 = arith.extui %lt3A_161 : i1 to i32
        %cond3A_163 = arith.constant 0 : i32
        %cond3A_164 = arith.cmpi ne, %convert_element_type3A_162, %cond3A_163 : i32
        scf.if %cond3A_164 {
          %ge3A = arith.constant 5 : i32
          %ge3A_313 = arith.cmpi sge, %add3A_132, %ge3A : i32
          %convert_element_type3A_314 = arith.extui %ge3A_313 : i1 to i32
          %cond3A_315 = arith.constant 0 : i32
          %cond3A_316 = arith.cmpi ne, %convert_element_type3A_314, %cond3A_315 : i32
          scf.if %cond3A_316 {
            %dma_wait3A_331 = arith.constant 2 : i32
            %dma_wait3A_332 = arith.constant 2 : i32
            %dma_wait3A_333 = arith.constant 0 : i32
            %dma_wait3A_334 = arith.constant 0 : i32
            %dma_wait3A_335 = tpu.memref_slice %arg9[%dma_wait3A_331, %dma_wait3A_333, %dma_wait3A_334] : memref<5x128x128xbf16, #tpu.memory_space<vmem>> -> memref<1x128x128xbf16, #tpu.memory_space<vmem>>
            %dma_wait3A_336 = tpu.memref_squeeze %dma_wait3A_335 : memref<1x128x128xbf16, #tpu.memory_space<vmem>> -> memref<128x128xbf16, #tpu.memory_space<vmem>>
            %dma_wait3A_337 = arith.constant 0 : i32
            %dma_wait3A_338 = tpu.memref_slice %arg8[%add3A_132, %dma_wait3A_337] : memref<130x128xi32, #tpu.memory_space<vmem>> -> memref<1x128xi32, #tpu.memory_space<vmem>>
            %dma_wait3A_339 = tpu.memref_squeeze %dma_wait3A_338 : memref<1x128xi32, #tpu.memory_space<vmem>> -> memref<128xi32, #tpu.memory_space<vmem>>
            %dma_wait3A_340 = arith.constant 0 : i32
            %dma_wait3A_341 = arith.constant 0 : i32
            %dma_wait3A_342 = tpu.memref_slice %arg12[%dma_wait3A_340, %dma_wait3A_341] : memref<10240x128xbf16, #tpu.memory_space<vmem_shared>> -> memref<10240x128xbf16, #tpu.memory_space<vmem_shared>>
            %dma_wait3A_343 = tpu.memref_slice %arg11[%dma_wait3A_332] : memref<5x!tpu.dma_semaphore, #tpu.memory_space<semaphore_mem>> -> memref<1x!tpu.dma_semaphore, #tpu.memory_space<semaphore_mem>>
            %dma_wait3A_344 = tpu.memref_squeeze %dma_wait3A_343 : memref<1x!tpu.dma_semaphore, #tpu.memory_space<semaphore_mem>> -> memref<!tpu.dma_semaphore, #tpu.memory_space<semaphore_mem>>
            tpu.wait_indirect_dma semaphore(%dma_wait3A_344 : memref<!tpu.dma_semaphore, #tpu.memory_space<semaphore_mem>>) src(%dma_wait3A_336 : memref<128x128xbf16, #tpu.memory_space<vmem>>) dst(%dma_wait3A_342 : memref<10240x128xbf16, #tpu.memory_space<vmem_shared>>)
          } else {
          }
          %dma_start3A_317 = arith.constant 2 : i32
          %dma_start3A_318 = arith.constant 2 : i32
          %dma_start3A_319 = arith.constant 0 : i32
          %dma_start3A_320 = arith.constant 0 : i32
          %dma_start3A_321 = tpu.memref_slice %arg9[%dma_start3A_317, %dma_start3A_319, %dma_start3A_320] : memref<5x128x128xbf16, #tpu.memory_space<vmem>> -> memref<1x128x128xbf16, #tpu.memory_space<vmem>>
          %dma_start3A_322 = tpu.memref_squeeze %dma_start3A_321 : memref<1x128x128xbf16, #tpu.memory_space<vmem>> -> memref<128x128xbf16, #tpu.memory_space<vmem>>
          %dma_start3A_323 = arith.constant 0 : i32
          %dma_start3A_324 = tpu.memref_slice %arg7[%add3A_132, %dma_start3A_323] : memref<130x128xi32, #tpu.memory_space<vmem>> -> memref<1x128xi32, #tpu.memory_space<vmem>>
          %dma_start3A_325 = tpu.memref_squeeze %dma_start3A_324 : memref<1x128xi32, #tpu.memory_space<vmem>> -> memref<128xi32, #tpu.memory_space<vmem>>
          %dma_start3A_326 = arith.constant 0 : i32
          %dma_start3A_327 = arith.constant 0 : i32
          %dma_start3A_328 = tpu.memref_slice %arg2[%dma_start3A_326, %dma_start3A_327] : memref<10000x128xbf16, #tpu.memory_space<hbm>> -> memref<10000x128xbf16, #tpu.memory_space<hbm>>
          %dma_start3A_329 = tpu.memref_slice %arg10[%dma_start3A_318] : memref<5x!tpu.dma_semaphore, #tpu.memory_space<semaphore_mem>> -> memref<1x!tpu.dma_semaphore, #tpu.memory_space<semaphore_mem>>
          %dma_start3A_330 = tpu.memref_squeeze %dma_start3A_329 : memref<1x!tpu.dma_semaphore, #tpu.memory_space<semaphore_mem>> -> memref<!tpu.dma_semaphore, #tpu.memory_space<semaphore_mem>>
          tpu.enqueue_indirect_dma source(%dma_start3A_328 : memref<10000x128xbf16, #tpu.memory_space<hbm>>) target(%dma_start3A_322 : memref<128x128xbf16, #tpu.memory_space<vmem>>) offsets(%dma_start3A_325 : memref<128xi32, #tpu.memory_space<vmem>>) semaphore(%dma_start3A_330 : memref<!tpu.dma_semaphore, #tpu.memory_space<semaphore_mem>>)
        } else {
        }
        %add3A_165 = arith.constant 1 : i32
        %add3A_166 = arith.addi %mul3A_129, %add3A_165 : i32
        %add3A_167 = arith.constant 2 : i32
        %add3A_168 = arith.addi %add3A_166, %add3A_167 : i32
        %dma_wait3A_169 = arith.constant 1 : i32
        %dma_wait3A_170 = arith.constant 1 : i32
        %dma_wait3A_171 = arith.constant 0 : i32
        %dma_wait3A_172 = arith.constant 0 : i32
        %dma_wait3A_173 = tpu.memref_slice %arg9[%dma_wait3A_169, %dma_wait3A_171, %dma_wait3A_172] : memref<5x128x128xbf16, #tpu.memory_space<vmem>> -> memref<1x128x128xbf16, #tpu.memory_space<vmem>>
        %dma_wait3A_174 = tpu.memref_squeeze %dma_wait3A_173 : memref<1x128x128xbf16, #tpu.memory_space<vmem>> -> memref<128x128xbf16, #tpu.memory_space<vmem>>
        %dma_wait3A_175 = arith.constant 0 : i32
        %dma_wait3A_176 = tpu.memref_slice %arg7[%add3A_166, %dma_wait3A_175] : memref<130x128xi32, #tpu.memory_space<vmem>> -> memref<1x128xi32, #tpu.memory_space<vmem>>
        %dma_wait3A_177 = tpu.memref_squeeze %dma_wait3A_176 : memref<1x128xi32, #tpu.memory_space<vmem>> -> memref<128xi32, #tpu.memory_space<vmem>>
        %dma_wait3A_178 = arith.constant 0 : i32
        %dma_wait3A_179 = arith.constant 0 : i32
        %dma_wait3A_180 = tpu.memref_slice %arg2[%dma_wait3A_178, %dma_wait3A_179] : memref<10000x128xbf16, #tpu.memory_space<hbm>> -> memref<10000x128xbf16, #tpu.memory_space<hbm>>
        %dma_wait3A_181 = tpu.memref_slice %arg10[%dma_wait3A_170] : memref<5x!tpu.dma_semaphore, #tpu.memory_space<semaphore_mem>> -> memref<1x!tpu.dma_semaphore, #tpu.memory_space<semaphore_mem>>
        %dma_wait3A_182 = tpu.memref_squeeze %dma_wait3A_181 : memref<1x!tpu.dma_semaphore, #tpu.memory_space<semaphore_mem>> -> memref<!tpu.dma_semaphore, #tpu.memory_space<semaphore_mem>>
        tpu.wait_indirect_dma semaphore(%dma_wait3A_182 : memref<!tpu.dma_semaphore, #tpu.memory_space<semaphore_mem>>) src(%dma_wait3A_180 : memref<10000x128xbf16, #tpu.memory_space<hbm>>) dst(%dma_wait3A_174 : memref<128x128xbf16, #tpu.memory_space<vmem>>)
        %dma_start3A_183 = arith.constant 1 : i32
        %dma_start3A_184 = arith.constant 1 : i32
        %dma_start3A_185 = arith.constant 0 : i32
        %dma_start3A_186 = arith.constant 0 : i32
        %dma_start3A_187 = tpu.memref_slice %arg9[%dma_start3A_183, %dma_start3A_185, %dma_start3A_186] : memref<5x128x128xbf16, #tpu.memory_space<vmem>> -> memref<1x128x128xbf16, #tpu.memory_space<vmem>>
        %dma_start3A_188 = tpu.memref_squeeze %dma_start3A_187 : memref<1x128x128xbf16, #tpu.memory_space<vmem>> -> memref<128x128xbf16, #tpu.memory_space<vmem>>
        %dma_start3A_189 = arith.constant 0 : i32
        %dma_start3A_190 = tpu.memref_slice %arg8[%add3A_166, %dma_start3A_189] : memref<130x128xi32, #tpu.memory_space<vmem>> -> memref<1x128xi32, #tpu.memory_space<vmem>>
        %dma_start3A_191 = tpu.memref_squeeze %dma_start3A_190 : memref<1x128xi32, #tpu.memory_space<vmem>> -> memref<128xi32, #tpu.memory_space<vmem>>
        %dma_start3A_192 = arith.constant 0 : i32
        %dma_start3A_193 = arith.constant 0 : i32
        %dma_start3A_194 = tpu.memref_slice %arg12[%dma_start3A_192, %dma_start3A_193] : memref<10240x128xbf16, #tpu.memory_space<vmem_shared>> -> memref<10240x128xbf16, #tpu.memory_space<vmem_shared>>
        %dma_start3A_195 = tpu.memref_slice %arg11[%dma_start3A_184] : memref<5x!tpu.dma_semaphore, #tpu.memory_space<semaphore_mem>> -> memref<1x!tpu.dma_semaphore, #tpu.memory_space<semaphore_mem>>
        %dma_start3A_196 = tpu.memref_squeeze %dma_start3A_195 : memref<1x!tpu.dma_semaphore, #tpu.memory_space<semaphore_mem>> -> memref<!tpu.dma_semaphore, #tpu.memory_space<semaphore_mem>>
        tpu.enqueue_indirect_dma source(%dma_start3A_188 : memref<128x128xbf16, #tpu.memory_space<vmem>>) target(%dma_start3A_194 : memref<10240x128xbf16, #tpu.memory_space<vmem_shared>>) offsets(%dma_start3A_191 : memref<128xi32, #tpu.memory_space<vmem>>) semaphore(%dma_start3A_196 : memref<!tpu.dma_semaphore, #tpu.memory_space<semaphore_mem>>) {add = true}
        %lt3A_197 = arith.constant 30 : i32
        %lt3A_198 = arith.cmpi slt, %add3A_168, %lt3A_197 : i32
        %convert_element_type3A_199 = arith.extui %lt3A_198 : i1 to i32
        %cond3A_200 = arith.constant 0 : i32
        %cond3A_201 = arith.cmpi ne, %convert_element_type3A_199, %cond3A_200 : i32
        scf.if %cond3A_201 {
          %ge3A = arith.constant 5 : i32
          %ge3A_313 = arith.cmpi sge, %add3A_168, %ge3A : i32
          %convert_element_type3A_314 = arith.extui %ge3A_313 : i1 to i32
          %cond3A_315 = arith.constant 0 : i32
          %cond3A_316 = arith.cmpi ne, %convert_element_type3A_314, %cond3A_315 : i32
          scf.if %cond3A_316 {
            %dma_wait3A_331 = arith.constant 3 : i32
            %dma_wait3A_332 = arith.constant 3 : i32
            %dma_wait3A_333 = arith.constant 0 : i32
            %dma_wait3A_334 = arith.constant 0 : i32
            %dma_wait3A_335 = tpu.memref_slice %arg9[%dma_wait3A_331, %dma_wait3A_333, %dma_wait3A_334] : memref<5x128x128xbf16, #tpu.memory_space<vmem>> -> memref<1x128x128xbf16, #tpu.memory_space<vmem>>
            %dma_wait3A_336 = tpu.memref_squeeze %dma_wait3A_335 : memref<1x128x128xbf16, #tpu.memory_space<vmem>> -> memref<128x128xbf16, #tpu.memory_space<vmem>>
            %dma_wait3A_337 = arith.constant 0 : i32
            %dma_wait3A_338 = tpu.memref_slice %arg8[%add3A_168, %dma_wait3A_337] : memref<130x128xi32, #tpu.memory_space<vmem>> -> memref<1x128xi32, #tpu.memory_space<vmem>>
            %dma_wait3A_339 = tpu.memref_squeeze %dma_wait3A_338 : memref<1x128xi32, #tpu.memory_space<vmem>> -> memref<128xi32, #tpu.memory_space<vmem>>
            %dma_wait3A_340 = arith.constant 0 : i32
            %dma_wait3A_341 = arith.constant 0 : i32
            %dma_wait3A_342 = tpu.memref_slice %arg12[%dma_wait3A_340, %dma_wait3A_341] : memref<10240x128xbf16, #tpu.memory_space<vmem_shared>> -> memref<10240x128xbf16, #tpu.memory_space<vmem_shared>>
            %dma_wait3A_343 = tpu.memref_slice %arg11[%dma_wait3A_332] : memref<5x!tpu.dma_semaphore, #tpu.memory_space<semaphore_mem>> -> memref<1x!tpu.dma_semaphore, #tpu.memory_space<semaphore_mem>>
            %dma_wait3A_344 = tpu.memref_squeeze %dma_wait3A_343 : memref<1x!tpu.dma_semaphore, #tpu.memory_space<semaphore_mem>> -> memref<!tpu.dma_semaphore, #tpu.memory_space<semaphore_mem>>
            tpu.wait_indirect_dma semaphore(%dma_wait3A_344 : memref<!tpu.dma_semaphore, #tpu.memory_space<semaphore_mem>>) src(%dma_wait3A_336 : memref<128x128xbf16, #tpu.memory_space<vmem>>) dst(%dma_wait3A_342 : memref<10240x128xbf16, #tpu.memory_space<vmem_shared>>)
          } else {
          }
          %dma_start3A_317 = arith.constant 3 : i32
          %dma_start3A_318 = arith.constant 3 : i32
          %dma_start3A_319 = arith.constant 0 : i32
          %dma_start3A_320 = arith.constant 0 : i32
          %dma_start3A_321 = tpu.memref_slice %arg9[%dma_start3A_317, %dma_start3A_319, %dma_start3A_320] : memref<5x128x128xbf16, #tpu.memory_space<vmem>> -> memref<1x128x128xbf16, #tpu.memory_space<vmem>>
          %dma_start3A_322 = tpu.memref_squeeze %dma_start3A_321 : memref<1x128x128xbf16, #tpu.memory_space<vmem>> -> memref<128x128xbf16, #tpu.memory_space<vmem>>
          %dma_start3A_323 = arith.constant 0 : i32
          %dma_start3A_324 = tpu.memref_slice %arg7[%add3A_168, %dma_start3A_323] : memref<130x128xi32, #tpu.memory_space<vmem>> -> memref<1x128xi32, #tpu.memory_space<vmem>>
          %dma_start3A_325 = tpu.memref_squeeze %dma_start3A_324 : memref<1x128xi32, #tpu.memory_space<vmem>> -> memref<128xi32, #tpu.memory_space<vmem>>
          %dma_start3A_326 = arith.constant 0 : i32
          %dma_start3A_327 = arith.constant 0 : i32
          %dma_start3A_328 = tpu.memref_slice %arg2[%dma_start3A_326, %dma_start3A_327] : memref<10000x128xbf16, #tpu.memory_space<hbm>> -> memref<10000x128xbf16, #tpu.memory_space<hbm>>
          %dma_start3A_329 = tpu.memref_slice %arg10[%dma_start3A_318] : memref<5x!tpu.dma_semaphore, #tpu.memory_space<semaphore_mem>> -> memref<1x!tpu.dma_semaphore, #tpu.memory_space<semaphore_mem>>
          %dma_start3A_330 = tpu.memref_squeeze %dma_start3A_329 : memref<1x!tpu.dma_semaphore, #tpu.memory_space<semaphore_mem>> -> memref<!tpu.dma_semaphore, #tpu.memory_space<semaphore_mem>>
          tpu.enqueue_indirect_dma source(%dma_start3A_328 : memref<10000x128xbf16, #tpu.memory_space<hbm>>) target(%dma_start3A_322 : memref<128x128xbf16, #tpu.memory_space<vmem>>) offsets(%dma_start3A_325 : memref<128xi32, #tpu.memory_space<vmem>>) semaphore(%dma_start3A_330 : memref<!tpu.dma_semaphore, #tpu.memory_space<semaphore_mem>>)
        } else {
        }
        %add3A_202 = arith.constant 2 : i32
        %add3A_203 = arith.addi %mul3A_129, %add3A_202 : i32
        %add3A_204 = arith.constant 2 : i32
        %add3A_205 = arith.addi %add3A_203, %add3A_204 : i32
        %dma_wait3A_206 = arith.constant 2 : i32
        %dma_wait3A_207 = arith.constant 2 : i32
        %dma_wait3A_208 = arith.constant 0 : i32
        %dma_wait3A_209 = arith.constant 0 : i32
        %dma_wait3A_210 = tpu.memref_slice %arg9[%dma_wait3A_206, %dma_wait3A_208, %dma_wait3A_209] : memref<5x128x128xbf16, #tpu.memory_space<vmem>> -> memref<1x128x128xbf16, #tpu.memory_space<vmem>>
        %dma_wait3A_211 = tpu.memref_squeeze %dma_wait3A_210 : memref<1x128x128xbf16, #tpu.memory_space<vmem>> -> memref<128x128xbf16, #tpu.memory_space<vmem>>
        %dma_wait3A_212 = arith.constant 0 : i32
        %dma_wait3A_213 = tpu.memref_slice %arg7[%add3A_203, %dma_wait3A_212] : memref<130x128xi32, #tpu.memory_space<vmem>> -> memref<1x128xi32, #tpu.memory_space<vmem>>
        %dma_wait3A_214 = tpu.memref_squeeze %dma_wait3A_213 : memref<1x128xi32, #tpu.memory_space<vmem>> -> memref<128xi32, #tpu.memory_space<vmem>>
        %dma_wait3A_215 = arith.constant 0 : i32
        %dma_wait3A_216 = arith.constant 0 : i32
        %dma_wait3A_217 = tpu.memref_slice %arg2[%dma_wait3A_215, %dma_wait3A_216] : memref<10000x128xbf16, #tpu.memory_space<hbm>> -> memref<10000x128xbf16, #tpu.memory_space<hbm>>
        %dma_wait3A_218 = tpu.memref_slice %arg10[%dma_wait3A_207] : memref<5x!tpu.dma_semaphore, #tpu.memory_space<semaphore_mem>> -> memref<1x!tpu.dma_semaphore, #tpu.memory_space<semaphore_mem>>
        %dma_wait3A_219 = tpu.memref_squeeze %dma_wait3A_218 : memref<1x!tpu.dma_semaphore, #tpu.memory_space<semaphore_mem>> -> memref<!tpu.dma_semaphore, #tpu.memory_space<semaphore_mem>>
        tpu.wait_indirect_dma semaphore(%dma_wait3A_219 : memref<!tpu.dma_semaphore, #tpu.memory_space<semaphore_mem>>) src(%dma_wait3A_217 : memref<10000x128xbf16, #tpu.memory_space<hbm>>) dst(%dma_wait3A_211 : memref<128x128xbf16, #tpu.memory_space<vmem>>)
        %dma_start3A_220 = arith.constant 2 : i32
        %dma_start3A_221 = arith.constant 2 : i32
        %dma_start3A_222 = arith.constant 0 : i32
        %dma_start3A_223 = arith.constant 0 : i32
        %dma_start3A_224 = tpu.memref_slice %arg9[%dma_start3A_220, %dma_start3A_222, %dma_start3A_223] : memref<5x128x128xbf16, #tpu.memory_space<vmem>> -> memref<1x128x128xbf16, #tpu.memory_space<vmem>>
        %dma_start3A_225 = tpu.memref_squeeze %dma_start3A_224 : memref<1x128x128xbf16, #tpu.memory_space<vmem>> -> memref<128x128xbf16, #tpu.memory_space<vmem>>
        %dma_start3A_226 = arith.constant 0 : i32
        %dma_start3A_227 = tpu.memref_slice %arg8[%add3A_203, %dma_start3A_226] : memref<130x128xi32, #tpu.memory_space<vmem>> -> memref<1x128xi32, #tpu.memory_space<vmem>>
        %dma_start3A_228 = tpu.memref_squeeze %dma_start3A_227 : memref<1x128xi32, #tpu.memory_space<vmem>> -> memref<128xi32, #tpu.memory_space<vmem>>
        %dma_start3A_229 = arith.constant 0 : i32
        %dma_start3A_230 = arith.constant 0 : i32
        %dma_start3A_231 = tpu.memref_slice %arg12[%dma_start3A_229, %dma_start3A_230] : memref<10240x128xbf16, #tpu.memory_space<vmem_shared>> -> memref<10240x128xbf16, #tpu.memory_space<vmem_shared>>
        %dma_start3A_232 = tpu.memref_slice %arg11[%dma_start3A_221] : memref<5x!tpu.dma_semaphore, #tpu.memory_space<semaphore_mem>> -> memref<1x!tpu.dma_semaphore, #tpu.memory_space<semaphore_mem>>
        %dma_start3A_233 = tpu.memref_squeeze %dma_start3A_232 : memref<1x!tpu.dma_semaphore, #tpu.memory_space<semaphore_mem>> -> memref<!tpu.dma_semaphore, #tpu.memory_space<semaphore_mem>>
        tpu.enqueue_indirect_dma source(%dma_start3A_225 : memref<128x128xbf16, #tpu.memory_space<vmem>>) target(%dma_start3A_231 : memref<10240x128xbf16, #tpu.memory_space<vmem_shared>>) offsets(%dma_start3A_228 : memref<128xi32, #tpu.memory_space<vmem>>) semaphore(%dma_start3A_233 : memref<!tpu.dma_semaphore, #tpu.memory_space<semaphore_mem>>) {add = true}
        %lt3A_234 = arith.constant 30 : i32
        %lt3A_235 = arith.cmpi slt, %add3A_205, %lt3A_234 : i32
        %convert_element_type3A_236 = arith.extui %lt3A_235 : i1 to i32
        %cond3A_237 = arith.constant 0 : i32
        %cond3A_238 = arith.cmpi ne, %convert_element_type3A_236, %cond3A_237 : i32
        scf.if %cond3A_238 {
          %ge3A = arith.constant 5 : i32
          %ge3A_313 = arith.cmpi sge, %add3A_205, %ge3A : i32
          %convert_element_type3A_314 = arith.extui %ge3A_313 : i1 to i32
          %cond3A_315 = arith.constant 0 : i32
          %cond3A_316 = arith.cmpi ne, %convert_element_type3A_314, %cond3A_315 : i32
          scf.if %cond3A_316 {
            %dma_wait3A_331 = arith.constant 4 : i32
            %dma_wait3A_332 = arith.constant 4 : i32
            %dma_wait3A_333 = arith.constant 0 : i32
            %dma_wait3A_334 = arith.constant 0 : i32
            %dma_wait3A_335 = tpu.memref_slice %arg9[%dma_wait3A_331, %dma_wait3A_333, %dma_wait3A_334] : memref<5x128x128xbf16, #tpu.memory_space<vmem>> -> memref<1x128x128xbf16, #tpu.memory_space<vmem>>
            %dma_wait3A_336 = tpu.memref_squeeze %dma_wait3A_335 : memref<1x128x128xbf16, #tpu.memory_space<vmem>> -> memref<128x128xbf16, #tpu.memory_space<vmem>>
            %dma_wait3A_337 = arith.constant 0 : i32
            %dma_wait3A_338 = tpu.memref_slice %arg8[%add3A_205, %dma_wait3A_337] : memref<130x128xi32, #tpu.memory_space<vmem>> -> memref<1x128xi32, #tpu.memory_space<vmem>>
            %dma_wait3A_339 = tpu.memref_squeeze %dma_wait3A_338 : memref<1x128xi32, #tpu.memory_space<vmem>> -> memref<128xi32, #tpu.memory_space<vmem>>
            %dma_wait3A_340 = arith.constant 0 : i32
            %dma_wait3A_341 = arith.constant 0 : i32
            %dma_wait3A_342 = tpu.memref_slice %arg12[%dma_wait3A_340, %dma_wait3A_341] : memref<10240x128xbf16, #tpu.memory_space<vmem_shared>> -> memref<10240x128xbf16, #tpu.memory_space<vmem_shared>>
            %dma_wait3A_343 = tpu.memref_slice %arg11[%dma_wait3A_332] : memref<5x!tpu.dma_semaphore, #tpu.memory_space<semaphore_mem>> -> memref<1x!tpu.dma_semaphore, #tpu.memory_space<semaphore_mem>>
            %dma_wait3A_344 = tpu.memref_squeeze %dma_wait3A_343 : memref<1x!tpu.dma_semaphore, #tpu.memory_space<semaphore_mem>> -> memref<!tpu.dma_semaphore, #tpu.memory_space<semaphore_mem>>
            tpu.wait_indirect_dma semaphore(%dma_wait3A_344 : memref<!tpu.dma_semaphore, #tpu.memory_space<semaphore_mem>>) src(%dma_wait3A_336 : memref<128x128xbf16, #tpu.memory_space<vmem>>) dst(%dma_wait3A_342 : memref<10240x128xbf16, #tpu.memory_space<vmem_shared>>)
          } else {
          }
          %dma_start3A_317 = arith.constant 4 : i32
          %dma_start3A_318 = arith.constant 4 : i32
          %dma_start3A_319 = arith.constant 0 : i32
          %dma_start3A_320 = arith.constant 0 : i32
          %dma_start3A_321 = tpu.memref_slice %arg9[%dma_start3A_317, %dma_start3A_319, %dma_start3A_320] : memref<5x128x128xbf16, #tpu.memory_space<vmem>> -> memref<1x128x128xbf16, #tpu.memory_space<vmem>>
          %dma_start3A_322 = tpu.memref_squeeze %dma_start3A_321 : memref<1x128x128xbf16, #tpu.memory_space<vmem>> -> memref<128x128xbf16, #tpu.memory_space<vmem>>
          %dma_start3A_323 = arith.constant 0 : i32
          %dma_start3A_324 = tpu.memref_slice %arg7[%add3A_205, %dma_start3A_323] : memref<130x128xi32, #tpu.memory_space<vmem>> -> memref<1x128xi32, #tpu.memory_space<vmem>>
          %dma_start3A_325 = tpu.memref_squeeze %dma_start3A_324 : memref<1x128xi32, #tpu.memory_space<vmem>> -> memref<128xi32, #tpu.memory_space<vmem>>
          %dma_start3A_326 = arith.constant 0 : i32
          %dma_start3A_327 = arith.constant 0 : i32
          %dma_start3A_328 = tpu.memref_slice %arg2[%dma_start3A_326, %dma_start3A_327] : memref<10000x128xbf16, #tpu.memory_space<hbm>> -> memref<10000x128xbf16, #tpu.memory_space<hbm>>
          %dma_start3A_329 = tpu.memref_slice %arg10[%dma_start3A_318] : memref<5x!tpu.dma_semaphore, #tpu.memory_space<semaphore_mem>> -> memref<1x!tpu.dma_semaphore, #tpu.memory_space<semaphore_mem>>
          %dma_start3A_330 = tpu.memref_squeeze %dma_start3A_329 : memref<1x!tpu.dma_semaphore, #tpu.memory_space<semaphore_mem>> -> memref<!tpu.dma_semaphore, #tpu.memory_space<semaphore_mem>>
          tpu.enqueue_indirect_dma source(%dma_start3A_328 : memref<10000x128xbf16, #tpu.memory_space<hbm>>) target(%dma_start3A_322 : memref<128x128xbf16, #tpu.memory_space<vmem>>) offsets(%dma_start3A_325 : memref<128xi32, #tpu.memory_space<vmem>>) semaphore(%dma_start3A_330 : memref<!tpu.dma_semaphore, #tpu.memory_space<semaphore_mem>>)
        } else {
        }
        %add3A_239 = arith.constant 3 : i32
        %add3A_240 = arith.addi %mul3A_129, %add3A_239 : i32
        %add3A_241 = arith.constant 2 : i32
        %add3A_242 = arith.addi %add3A_240, %add3A_241 : i32
        %dma_wait3A_243 = arith.constant 3 : i32
        %dma_wait3A_244 = arith.constant 3 : i32
        %dma_wait3A_245 = arith.constant 0 : i32
        %dma_wait3A_246 = arith.constant 0 : i32
        %dma_wait3A_247 = tpu.memref_slice %arg9[%dma_wait3A_243, %dma_wait3A_245, %dma_wait3A_246] : memref<5x128x128xbf16, #tpu.memory_space<vmem>> -> memref<1x128x128xbf16, #tpu.memory_space<vmem>>
        %dma_wait3A_248 = tpu.memref_squeeze %dma_wait3A_247 : memref<1x128x128xbf16, #tpu.memory_space<vmem>> -> memref<128x128xbf16, #tpu.memory_space<vmem>>
        %dma_wait3A_249 = arith.constant 0 : i32
        %dma_wait3A_250 = tpu.memref_slice %arg7[%add3A_240, %dma_wait3A_249] : memref<130x128xi32, #tpu.memory_space<vmem>> -> memref<1x128xi32, #tpu.memory_space<vmem>>
        %dma_wait3A_251 = tpu.memref_squeeze %dma_wait3A_250 : memref<1x128xi32, #tpu.memory_space<vmem>> -> memref<128xi32, #tpu.memory_space<vmem>>
        %dma_wait3A_252 = arith.constant 0 : i32
        %dma_wait3A_253 = arith.constant 0 : i32
        %dma_wait3A_254 = tpu.memref_slice %arg2[%dma_wait3A_252, %dma_wait3A_253] : memref<10000x128xbf16, #tpu.memory_space<hbm>> -> memref<10000x128xbf16, #tpu.memory_space<hbm>>
        %dma_wait3A_255 = tpu.memref_slice %arg10[%dma_wait3A_244] : memref<5x!tpu.dma_semaphore, #tpu.memory_space<semaphore_mem>> -> memref<1x!tpu.dma_semaphore, #tpu.memory_space<semaphore_mem>>
        %dma_wait3A_256 = tpu.memref_squeeze %dma_wait3A_255 : memref<1x!tpu.dma_semaphore, #tpu.memory_space<semaphore_mem>> -> memref<!tpu.dma_semaphore, #tpu.memory_space<semaphore_mem>>
        tpu.wait_indirect_dma semaphore(%dma_wait3A_256 : memref<!tpu.dma_semaphore, #tpu.memory_space<semaphore_mem>>) src(%dma_wait3A_254 : memref<10000x128xbf16, #tpu.memory_space<hbm>>) dst(%dma_wait3A_248 : memref<128x128xbf16, #tpu.memory_space<vmem>>)
        %dma_start3A_257 = arith.constant 3 : i32
        %dma_start3A_258 = arith.constant 3 : i32
        %dma_start3A_259 = arith.constant 0 : i32
        %dma_start3A_260 = arith.constant 0 : i32
        %dma_start3A_261 = tpu.memref_slice %arg9[%dma_start3A_257, %dma_start3A_259, %dma_start3A_260] : memref<5x128x128xbf16, #tpu.memory_space<vmem>> -> memref<1x128x128xbf16, #tpu.memory_space<vmem>>
        %dma_start3A_262 = tpu.memref_squeeze %dma_start3A_261 : memref<1x128x128xbf16, #tpu.memory_space<vmem>> -> memref<128x128xbf16, #tpu.memory_space<vmem>>
        %dma_start3A_263 = arith.constant 0 : i32
        %dma_start3A_264 = tpu.memref_slice %arg8[%add3A_240, %dma_start3A_263] : memref<130x128xi32, #tpu.memory_space<vmem>> -> memref<1x128xi32, #tpu.memory_space<vmem>>
        %dma_start3A_265 = tpu.memref_squeeze %dma_start3A_264 : memref<1x128xi32, #tpu.memory_space<vmem>> -> memref<128xi32, #tpu.memory_space<vmem>>
        %dma_start3A_266 = arith.constant 0 : i32
        %dma_start3A_267 = arith.constant 0 : i32
        %dma_start3A_268 = tpu.memref_slice %arg12[%dma_start3A_266, %dma_start3A_267] : memref<10240x128xbf16, #tpu.memory_space<vmem_shared>> -> memref<10240x128xbf16, #tpu.memory_space<vmem_shared>>
        %dma_start3A_269 = tpu.memref_slice %arg11[%dma_start3A_258] : memref<5x!tpu.dma_semaphore, #tpu.memory_space<semaphore_mem>> -> memref<1x!tpu.dma_semaphore, #tpu.memory_space<semaphore_mem>>
        %dma_start3A_270 = tpu.memref_squeeze %dma_start3A_269 : memref<1x!tpu.dma_semaphore, #tpu.memory_space<semaphore_mem>> -> memref<!tpu.dma_semaphore, #tpu.memory_space<semaphore_mem>>
        tpu.enqueue_indirect_dma source(%dma_start3A_262 : memref<128x128xbf16, #tpu.memory_space<vmem>>) target(%dma_start3A_268 : memref<10240x128xbf16, #tpu.memory_space<vmem_shared>>) offsets(%dma_start3A_265 : memref<128xi32, #tpu.memory_space<vmem>>) semaphore(%dma_start3A_270 : memref<!tpu.dma_semaphore, #tpu.memory_space<semaphore_mem>>) {add = true}
        %lt3A_271 = arith.constant 30 : i32
        %lt3A_272 = arith.cmpi slt, %add3A_242, %lt3A_271 : i32
        %convert_element_type3A_273 = arith.extui %lt3A_272 : i1 to i32
        %cond3A_274 = arith.constant 0 : i32
        %cond3A_275 = arith.cmpi ne, %convert_element_type3A_273, %cond3A_274 : i32
        scf.if %cond3A_275 {
          %ge3A = arith.constant 5 : i32
          %ge3A_313 = arith.cmpi sge, %add3A_242, %ge3A : i32
          %convert_element_type3A_314 = arith.extui %ge3A_313 : i1 to i32
          %cond3A_315 = arith.constant 0 : i32
          %cond3A_316 = arith.cmpi ne, %convert_element_type3A_314, %cond3A_315 : i32
          scf.if %cond3A_316 {
            %dma_wait3A_331 = arith.constant 0 : i32
            %dma_wait3A_332 = arith.constant 0 : i32
            %dma_wait3A_333 = arith.constant 0 : i32
            %dma_wait3A_334 = arith.constant 0 : i32
            %dma_wait3A_335 = tpu.memref_slice %arg9[%dma_wait3A_331, %dma_wait3A_333, %dma_wait3A_334] : memref<5x128x128xbf16, #tpu.memory_space<vmem>> -> memref<1x128x128xbf16, #tpu.memory_space<vmem>>
            %dma_wait3A_336 = tpu.memref_squeeze %dma_wait3A_335 : memref<1x128x128xbf16, #tpu.memory_space<vmem>> -> memref<128x128xbf16, #tpu.memory_space<vmem>>
            %dma_wait3A_337 = arith.constant 0 : i32
            %dma_wait3A_338 = tpu.memref_slice %arg8[%add3A_242, %dma_wait3A_337] : memref<130x128xi32, #tpu.memory_space<vmem>> -> memref<1x128xi32, #tpu.memory_space<vmem>>
            %dma_wait3A_339 = tpu.memref_squeeze %dma_wait3A_338 : memref<1x128xi32, #tpu.memory_space<vmem>> -> memref<128xi32, #tpu.memory_space<vmem>>
            %dma_wait3A_340 = arith.constant 0 : i32
            %dma_wait3A_341 = arith.constant 0 : i32
            %dma_wait3A_342 = tpu.memref_slice %arg12[%dma_wait3A_340, %dma_wait3A_341] : memref<10240x128xbf16, #tpu.memory_space<vmem_shared>> -> memref<10240x128xbf16, #tpu.memory_space<vmem_shared>>
            %dma_wait3A_343 = tpu.memref_slice %arg11[%dma_wait3A_332] : memref<5x!tpu.dma_semaphore, #tpu.memory_space<semaphore_mem>> -> memref<1x!tpu.dma_semaphore, #tpu.memory_space<semaphore_mem>>
            %dma_wait3A_344 = tpu.memref_squeeze %dma_wait3A_343 : memref<1x!tpu.dma_semaphore, #tpu.memory_space<semaphore_mem>> -> memref<!tpu.dma_semaphore, #tpu.memory_space<semaphore_mem>>
            tpu.wait_indirect_dma semaphore(%dma_wait3A_344 : memref<!tpu.dma_semaphore, #tpu.memory_space<semaphore_mem>>) src(%dma_wait3A_336 : memref<128x128xbf16, #tpu.memory_space<vmem>>) dst(%dma_wait3A_342 : memref<10240x128xbf16, #tpu.memory_space<vmem_shared>>)
          } else {
          }
          %dma_start3A_317 = arith.constant 0 : i32
          %dma_start3A_318 = arith.constant 0 : i32
          %dma_start3A_319 = arith.constant 0 : i32
          %dma_start3A_320 = arith.constant 0 : i32
          %dma_start3A_321 = tpu.memref_slice %arg9[%dma_start3A_317, %dma_start3A_319, %dma_start3A_320] : memref<5x128x128xbf16, #tpu.memory_space<vmem>> -> memref<1x128x128xbf16, #tpu.memory_space<vmem>>
          %dma_start3A_322 = tpu.memref_squeeze %dma_start3A_321 : memref<1x128x128xbf16, #tpu.memory_space<vmem>> -> memref<128x128xbf16, #tpu.memory_space<vmem>>
          %dma_start3A_323 = arith.constant 0 : i32
          %dma_start3A_324 = tpu.memref_slice %arg7[%add3A_242, %dma_start3A_323] : memref<130x128xi32, #tpu.memory_space<vmem>> -> memref<1x128xi32, #tpu.memory_space<vmem>>
          %dma_start3A_325 = tpu.memref_squeeze %dma_start3A_324 : memref<1x128xi32, #tpu.memory_space<vmem>> -> memref<128xi32, #tpu.memory_space<vmem>>
          %dma_start3A_326 = arith.constant 0 : i32
          %dma_start3A_327 = arith.constant 0 : i32
          %dma_start3A_328 = tpu.memref_slice %arg2[%dma_start3A_326, %dma_start3A_327] : memref<10000x128xbf16, #tpu.memory_space<hbm>> -> memref<10000x128xbf16, #tpu.memory_space<hbm>>
          %dma_start3A_329 = tpu.memref_slice %arg10[%dma_start3A_318] : memref<5x!tpu.dma_semaphore, #tpu.memory_space<semaphore_mem>> -> memref<1x!tpu.dma_semaphore, #tpu.memory_space<semaphore_mem>>
          %dma_start3A_330 = tpu.memref_squeeze %dma_start3A_329 : memref<1x!tpu.dma_semaphore, #tpu.memory_space<semaphore_mem>> -> memref<!tpu.dma_semaphore, #tpu.memory_space<semaphore_mem>>
          tpu.enqueue_indirect_dma source(%dma_start3A_328 : memref<10000x128xbf16, #tpu.memory_space<hbm>>) target(%dma_start3A_322 : memref<128x128xbf16, #tpu.memory_space<vmem>>) offsets(%dma_start3A_325 : memref<128xi32, #tpu.memory_space<vmem>>) semaphore(%dma_start3A_330 : memref<!tpu.dma_semaphore, #tpu.memory_space<semaphore_mem>>)
        } else {
        }
        %add3A_276 = arith.constant 4 : i32
        %add3A_277 = arith.addi %mul3A_129, %add3A_276 : i32
        %add3A_278 = arith.constant 2 : i32
        %add3A_279 = arith.addi %add3A_277, %add3A_278 : i32
        %dma_wait3A_280 = arith.constant 4 : i32
        %dma_wait3A_281 = arith.constant 4 : i32
        %dma_wait3A_282 = arith.constant 0 : i32
        %dma_wait3A_283 = arith.constant 0 : i32
        %dma_wait3A_284 = tpu.memref_slice %arg9[%dma_wait3A_280, %dma_wait3A_282, %dma_wait3A_283] : memref<5x128x128xbf16, #tpu.memory_space<vmem>> -> memref<1x128x128xbf16, #tpu.memory_space<vmem>>
        %dma_wait3A_285 = tpu.memref_squeeze %dma_wait3A_284 : memref<1x128x128xbf16, #tpu.memory_space<vmem>> -> memref<128x128xbf16, #tpu.memory_space<vmem>>
        %dma_wait3A_286 = arith.constant 0 : i32
        %dma_wait3A_287 = tpu.memref_slice %arg7[%add3A_277, %dma_wait3A_286] : memref<130x128xi32, #tpu.memory_space<vmem>> -> memref<1x128xi32, #tpu.memory_space<vmem>>
        %dma_wait3A_288 = tpu.memref_squeeze %dma_wait3A_287 : memref<1x128xi32, #tpu.memory_space<vmem>> -> memref<128xi32, #tpu.memory_space<vmem>>
        %dma_wait3A_289 = arith.constant 0 : i32
        %dma_wait3A_290 = arith.constant 0 : i32
        %dma_wait3A_291 = tpu.memref_slice %arg2[%dma_wait3A_289, %dma_wait3A_290] : memref<10000x128xbf16, #tpu.memory_space<hbm>> -> memref<10000x128xbf16, #tpu.memory_space<hbm>>
        %dma_wait3A_292 = tpu.memref_slice %arg10[%dma_wait3A_281] : memref<5x!tpu.dma_semaphore, #tpu.memory_space<semaphore_mem>> -> memref<1x!tpu.dma_semaphore, #tpu.memory_space<semaphore_mem>>
        %dma_wait3A_293 = tpu.memref_squeeze %dma_wait3A_292 : memref<1x!tpu.dma_semaphore, #tpu.memory_space<semaphore_mem>> -> memref<!tpu.dma_semaphore, #tpu.memory_space<semaphore_mem>>
        tpu.wait_indirect_dma semaphore(%dma_wait3A_293 : memref<!tpu.dma_semaphore, #tpu.memory_space<semaphore_mem>>) src(%dma_wait3A_291 : memref<10000x128xbf16, #tpu.memory_space<hbm>>) dst(%dma_wait3A_285 : memref<128x128xbf16, #tpu.memory_space<vmem>>)
        %dma_start3A_294 = arith.constant 4 : i32
        %dma_start3A_295 = arith.constant 4 : i32
        %dma_start3A_296 = arith.constant 0 : i32
        %dma_start3A_297 = arith.constant 0 : i32
        %dma_start3A_298 = tpu.memref_slice %arg9[%dma_start3A_294, %dma_start3A_296, %dma_start3A_297] : memref<5x128x128xbf16, #tpu.memory_space<vmem>> -> memref<1x128x128xbf16, #tpu.memory_space<vmem>>
        %dma_start3A_299 = tpu.memref_squeeze %dma_start3A_298 : memref<1x128x128xbf16, #tpu.memory_space<vmem>> -> memref<128x128xbf16, #tpu.memory_space<vmem>>
        %dma_start3A_300 = arith.constant 0 : i32
        %dma_start3A_301 = tpu.memref_slice %arg8[%add3A_277, %dma_start3A_300] : memref<130x128xi32, #tpu.memory_space<vmem>> -> memref<1x128xi32, #tpu.memory_space<vmem>>
        %dma_start3A_302 = tpu.memref_squeeze %dma_start3A_301 : memref<1x128xi32, #tpu.memory_space<vmem>> -> memref<128xi32, #tpu.memory_space<vmem>>
        %dma_start3A_303 = arith.constant 0 : i32
        %dma_start3A_304 = arith.constant 0 : i32
        %dma_start3A_305 = tpu.memref_slice %arg12[%dma_start3A_303, %dma_start3A_304] : memref<10240x128xbf16, #tpu.memory_space<vmem_shared>> -> memref<10240x128xbf16, #tpu.memory_space<vmem_shared>>
        %dma_start3A_306 = tpu.memref_slice %arg11[%dma_start3A_295] : memref<5x!tpu.dma_semaphore, #tpu.memory_space<semaphore_mem>> -> memref<1x!tpu.dma_semaphore, #tpu.memory_space<semaphore_mem>>
        %dma_start3A_307 = tpu.memref_squeeze %dma_start3A_306 : memref<1x!tpu.dma_semaphore, #tpu.memory_space<semaphore_mem>> -> memref<!tpu.dma_semaphore, #tpu.memory_space<semaphore_mem>>
        tpu.enqueue_indirect_dma source(%dma_start3A_299 : memref<128x128xbf16, #tpu.memory_space<vmem>>) target(%dma_start3A_305 : memref<10240x128xbf16, #tpu.memory_space<vmem_shared>>) offsets(%dma_start3A_302 : memref<128xi32, #tpu.memory_space<vmem>>) semaphore(%dma_start3A_307 : memref<!tpu.dma_semaphore, #tpu.memory_space<semaphore_mem>>) {add = true}
        %lt3A_308 = arith.constant 30 : i32
        %lt3A_309 = arith.cmpi slt, %add3A_279, %lt3A_308 : i32
        %convert_element_type3A_310 = arith.extui %lt3A_309 : i1 to i32
        %cond3A_311 = arith.constant 0 : i32
        %cond3A_312 = arith.cmpi ne, %convert_element_type3A_310, %cond3A_311 : i32
        scf.if %cond3A_312 {
          %ge3A = arith.constant 5 : i32
          %ge3A_313 = arith.cmpi sge, %add3A_279, %ge3A : i32
          %convert_element_type3A_314 = arith.extui %ge3A_313 : i1 to i32
          %cond3A_315 = arith.constant 0 : i32
          %cond3A_316 = arith.cmpi ne, %convert_element_type3A_314, %cond3A_315 : i32
          scf.if %cond3A_316 {
            %dma_wait3A_331 = arith.constant 1 : i32
            %dma_wait3A_332 = arith.constant 1 : i32
            %dma_wait3A_333 = arith.constant 0 : i32
            %dma_wait3A_334 = arith.constant 0 : i32
            %dma_wait3A_335 = tpu.memref_slice %arg9[%dma_wait3A_331, %dma_wait3A_333, %dma_wait3A_334] : memref<5x128x128xbf16, #tpu.memory_space<vmem>> -> memref<1x128x128xbf16, #tpu.memory_space<vmem>>
            %dma_wait3A_336 = tpu.memref_squeeze %dma_wait3A_335 : memref<1x128x128xbf16, #tpu.memory_space<vmem>> -> memref<128x128xbf16, #tpu.memory_space<vmem>>
            %dma_wait3A_337 = arith.constant 0 : i32
            %dma_wait3A_338 = tpu.memref_slice %arg8[%add3A_279, %dma_wait3A_337] : memref<130x128xi32, #tpu.memory_space<vmem>> -> memref<1x128xi32, #tpu.memory_space<vmem>>
            %dma_wait3A_339 = tpu.memref_squeeze %dma_wait3A_338 : memref<1x128xi32, #tpu.memory_space<vmem>> -> memref<128xi32, #tpu.memory_space<vmem>>
            %dma_wait3A_340 = arith.constant 0 : i32
            %dma_wait3A_341 = arith.constant 0 : i32
            %dma_wait3A_342 = tpu.memref_slice %arg12[%dma_wait3A_340, %dma_wait3A_341] : memref<10240x128xbf16, #tpu.memory_space<vmem_shared>> -> memref<10240x128xbf16, #tpu.memory_space<vmem_shared>>
            %dma_wait3A_343 = tpu.memref_slice %arg11[%dma_wait3A_332] : memref<5x!tpu.dma_semaphore, #tpu.memory_space<semaphore_mem>> -> memref<1x!tpu.dma_semaphore, #tpu.memory_space<semaphore_mem>>
            %dma_wait3A_344 = tpu.memref_squeeze %dma_wait3A_343 : memref<1x!tpu.dma_semaphore, #tpu.memory_space<semaphore_mem>> -> memref<!tpu.dma_semaphore, #tpu.memory_space<semaphore_mem>>
            tpu.wait_indirect_dma semaphore(%dma_wait3A_344 : memref<!tpu.dma_semaphore, #tpu.memory_space<semaphore_mem>>) src(%dma_wait3A_336 : memref<128x128xbf16, #tpu.memory_space<vmem>>) dst(%dma_wait3A_342 : memref<10240x128xbf16, #tpu.memory_space<vmem_shared>>)
          } else {
          }
          %dma_start3A_317 = arith.constant 1 : i32
          %dma_start3A_318 = arith.constant 1 : i32
          %dma_start3A_319 = arith.constant 0 : i32
          %dma_start3A_320 = arith.constant 0 : i32
          %dma_start3A_321 = tpu.memref_slice %arg9[%dma_start3A_317, %dma_start3A_319, %dma_start3A_320] : memref<5x128x128xbf16, #tpu.memory_space<vmem>> -> memref<1x128x128xbf16, #tpu.memory_space<vmem>>
          %dma_start3A_322 = tpu.memref_squeeze %dma_start3A_321 : memref<1x128x128xbf16, #tpu.memory_space<vmem>> -> memref<128x128xbf16, #tpu.memory_space<vmem>>
          %dma_start3A_323 = arith.constant 0 : i32
          %dma_start3A_324 = tpu.memref_slice %arg7[%add3A_279, %dma_start3A_323] : memref<130x128xi32, #tpu.memory_space<vmem>> -> memref<1x128xi32, #tpu.memory_space<vmem>>
          %dma_start3A_325 = tpu.memref_squeeze %dma_start3A_324 : memref<1x128xi32, #tpu.memory_space<vmem>> -> memref<128xi32, #tpu.memory_space<vmem>>
          %dma_start3A_326 = arith.constant 0 : i32
          %dma_start3A_327 = arith.constant 0 : i32
          %dma_start3A_328 = tpu.memref_slice %arg2[%dma_start3A_326, %dma_start3A_327] : memref<10000x128xbf16, #tpu.memory_space<hbm>> -> memref<10000x128xbf16, #tpu.memory_space<hbm>>
          %dma_start3A_329 = tpu.memref_slice %arg10[%dma_start3A_318] : memref<5x!tpu.dma_semaphore, #tpu.memory_space<semaphore_mem>> -> memref<1x!tpu.dma_semaphore, #tpu.memory_space<semaphore_mem>>
          %dma_start3A_330 = tpu.memref_squeeze %dma_start3A_329 : memref<1x!tpu.dma_semaphore, #tpu.memory_space<semaphore_mem>> -> memref<!tpu.dma_semaphore, #tpu.memory_space<semaphore_mem>>
          tpu.enqueue_indirect_dma source(%dma_start3A_328 : memref<10000x128xbf16, #tpu.memory_space<hbm>>) target(%dma_start3A_322 : memref<128x128xbf16, #tpu.memory_space<vmem>>) offsets(%dma_start3A_325 : memref<128xi32, #tpu.memory_space<vmem>>) semaphore(%dma_start3A_330 : memref<!tpu.dma_semaphore, #tpu.memory_space<semaphore_mem>>)
        } else {
        }
      }
      %scan3A_52 = arith.constant 6 : i32
      %dma_wait3A = arith.constant 0 : i32
      %dma_wait3A_53 = arith.constant 0 : i32
      %dma_wait3A_54 = arith.constant 0 : i32
      %dma_wait3A_55 = arith.constant 0 : i32
      %dma_wait3A_56 = arith.constant 0 : i32
      %dma_wait3A_57 = tpu.memref_slice %arg9[%dma_wait3A, %dma_wait3A_55, %dma_wait3A_56] : memref<5x128x128xbf16, #tpu.memory_space<vmem>> -> memref<1x128x128xbf16, #tpu.memory_space<vmem>>
      %dma_wait3A_58 = tpu.memref_squeeze %dma_wait3A_57 : memref<1x128x128xbf16, #tpu.memory_space<vmem>> -> memref<128x128xbf16, #tpu.memory_space<vmem>>
      %dma_wait3A_59 = arith.constant 0 : i32
      %dma_wait3A_60 = tpu.memref_slice %arg8[%dma_wait3A_53, %dma_wait3A_59] : memref<130x128xi32, #tpu.memory_space<vmem>> -> memref<1x128xi32, #tpu.memory_space<vmem>>
      %dma_wait3A_61 = tpu.memref_squeeze %dma_wait3A_60 : memref<1x128xi32, #tpu.memory_space<vmem>> -> memref<128xi32, #tpu.memory_space<vmem>>
      %dma_wait3A_62 = arith.constant 0 : i32
      %dma_wait3A_63 = arith.constant 0 : i32
      %dma_wait3A_64 = tpu.memref_slice %arg12[%dma_wait3A_62, %dma_wait3A_63] : memref<10240x128xbf16, #tpu.memory_space<vmem_shared>> -> memref<10240x128xbf16, #tpu.memory_space<vmem_shared>>
      %dma_wait3A_65 = tpu.memref_slice %arg11[%dma_wait3A_54] : memref<5x!tpu.dma_semaphore, #tpu.memory_space<semaphore_mem>> -> memref<1x!tpu.dma_semaphore, #tpu.memory_space<semaphore_mem>>
      %dma_wait3A_66 = tpu.memref_squeeze %dma_wait3A_65 : memref<1x!tpu.dma_semaphore, #tpu.memory_space<semaphore_mem>> -> memref<!tpu.dma_semaphore, #tpu.memory_space<semaphore_mem>>
      tpu.wait_indirect_dma semaphore(%dma_wait3A_66 : memref<!tpu.dma_semaphore, #tpu.memory_space<semaphore_mem>>) src(%dma_wait3A_58 : memref<128x128xbf16, #tpu.memory_space<vmem>>) dst(%dma_wait3A_64 : memref<10240x128xbf16, #tpu.memory_space<vmem_shared>>)
      %dma_wait3A_67 = arith.constant 1 : i32
      %dma_wait3A_68 = arith.constant 0 : i32
      %dma_wait3A_69 = arith.constant 1 : i32
      %dma_wait3A_70 = arith.constant 0 : i32
      %dma_wait3A_71 = arith.constant 0 : i32
      %dma_wait3A_72 = tpu.memref_slice %arg9[%dma_wait3A_67, %dma_wait3A_70, %dma_wait3A_71] : memref<5x128x128xbf16, #tpu.memory_space<vmem>> -> memref<1x128x128xbf16, #tpu.memory_space<vmem>>
      %dma_wait3A_73 = tpu.memref_squeeze %dma_wait3A_72 : memref<1x128x128xbf16, #tpu.memory_space<vmem>> -> memref<128x128xbf16, #tpu.memory_space<vmem>>
      %dma_wait3A_74 = arith.constant 0 : i32
      %dma_wait3A_75 = tpu.memref_slice %arg8[%dma_wait3A_68, %dma_wait3A_74] : memref<130x128xi32, #tpu.memory_space<vmem>> -> memref<1x128xi32, #tpu.memory_space<vmem>>
      %dma_wait3A_76 = tpu.memref_squeeze %dma_wait3A_75 : memref<1x128xi32, #tpu.memory_space<vmem>> -> memref<128xi32, #tpu.memory_space<vmem>>
      %dma_wait3A_77 = arith.constant 0 : i32
      %dma_wait3A_78 = arith.constant 0 : i32
      %dma_wait3A_79 = tpu.memref_slice %arg12[%dma_wait3A_77, %dma_wait3A_78] : memref<10240x128xbf16, #tpu.memory_space<vmem_shared>> -> memref<10240x128xbf16, #tpu.memory_space<vmem_shared>>
      %dma_wait3A_80 = tpu.memref_slice %arg11[%dma_wait3A_69] : memref<5x!tpu.dma_semaphore, #tpu.memory_space<semaphore_mem>> -> memref<1x!tpu.dma_semaphore, #tpu.memory_space<semaphore_mem>>
      %dma_wait3A_81 = tpu.memref_squeeze %dma_wait3A_80 : memref<1x!tpu.dma_semaphore, #tpu.memory_space<semaphore_mem>> -> memref<!tpu.dma_semaphore, #tpu.memory_space<semaphore_mem>>
      tpu.wait_indirect_dma semaphore(%dma_wait3A_81 : memref<!tpu.dma_semaphore, #tpu.memory_space<semaphore_mem>>) src(%dma_wait3A_73 : memref<128x128xbf16, #tpu.memory_space<vmem>>) dst(%dma_wait3A_79 : memref<10240x128xbf16, #tpu.memory_space<vmem_shared>>)
      %dma_wait3A_82 = arith.constant 2 : i32
      %dma_wait3A_83 = arith.constant 0 : i32
      %dma_wait3A_84 = arith.constant 2 : i32
      %dma_wait3A_85 = arith.constant 0 : i32
      %dma_wait3A_86 = arith.constant 0 : i32
      %dma_wait3A_87 = tpu.memref_slice %arg9[%dma_wait3A_82, %dma_wait3A_85, %dma_wait3A_86] : memref<5x128x128xbf16, #tpu.memory_space<vmem>> -> memref<1x128x128xbf16, #tpu.memory_space<vmem>>
      %dma_wait3A_88 = tpu.memref_squeeze %dma_wait3A_87 : memref<1x128x128xbf16, #tpu.memory_space<vmem>> -> memref<128x128xbf16, #tpu.memory_space<vmem>>
      %dma_wait3A_89 = arith.constant 0 : i32
      %dma_wait3A_90 = tpu.memref_slice %arg8[%dma_wait3A_83, %dma_wait3A_89] : memref<130x128xi32, #tpu.memory_space<vmem>> -> memref<1x128xi32, #tpu.memory_space<vmem>>
      %dma_wait3A_91 = tpu.memref_squeeze %dma_wait3A_90 : memref<1x128xi32, #tpu.memory_space<vmem>> -> memref<128xi32, #tpu.memory_space<vmem>>
      %dma_wait3A_92 = arith.constant 0 : i32
      %dma_wait3A_93 = arith.constant 0 : i32
      %dma_wait3A_94 = tpu.memref_slice %arg12[%dma_wait3A_92, %dma_wait3A_93] : memref<10240x128xbf16, #tpu.memory_space<vmem_shared>> -> memref<10240x128xbf16, #tpu.memory_space<vmem_shared>>
      %dma_wait3A_95 = tpu.memref_slice %arg11[%dma_wait3A_84] : memref<5x!tpu.dma_semaphore, #tpu.memory_space<semaphore_mem>> -> memref<1x!tpu.dma_semaphore, #tpu.memory_space<semaphore_mem>>
      %dma_wait3A_96 = tpu.memref_squeeze %dma_wait3A_95 : memref<1x!tpu.dma_semaphore, #tpu.memory_space<semaphore_mem>> -> memref<!tpu.dma_semaphore, #tpu.memory_space<semaphore_mem>>
      tpu.wait_indirect_dma semaphore(%dma_wait3A_96 : memref<!tpu.dma_semaphore, #tpu.memory_space<semaphore_mem>>) src(%dma_wait3A_88 : memref<128x128xbf16, #tpu.memory_space<vmem>>) dst(%dma_wait3A_94 : memref<10240x128xbf16, #tpu.memory_space<vmem_shared>>)
      %dma_wait3A_97 = arith.constant 3 : i32
      %dma_wait3A_98 = arith.constant 0 : i32
      %dma_wait3A_99 = arith.constant 3 : i32
      %dma_wait3A_100 = arith.constant 0 : i32
      %dma_wait3A_101 = arith.constant 0 : i32
      %dma_wait3A_102 = tpu.memref_slice %arg9[%dma_wait3A_97, %dma_wait3A_100, %dma_wait3A_101] : memref<5x128x128xbf16, #tpu.memory_space<vmem>> -> memref<1x128x128xbf16, #tpu.memory_space<vmem>>
      %dma_wait3A_103 = tpu.memref_squeeze %dma_wait3A_102 : memref<1x128x128xbf16, #tpu.memory_space<vmem>> -> memref<128x128xbf16, #tpu.memory_space<vmem>>
      %dma_wait3A_104 = arith.constant 0 : i32
      %dma_wait3A_105 = tpu.memref_slice %arg8[%dma_wait3A_98, %dma_wait3A_104] : memref<130x128xi32, #tpu.memory_space<vmem>> -> memref<1x128xi32, #tpu.memory_space<vmem>>
      %dma_wait3A_106 = tpu.memref_squeeze %dma_wait3A_105 : memref<1x128xi32, #tpu.memory_space<vmem>> -> memref<128xi32, #tpu.memory_space<vmem>>
      %dma_wait3A_107 = arith.constant 0 : i32
      %dma_wait3A_108 = arith.constant 0 : i32
      %dma_wait3A_109 = tpu.memref_slice %arg12[%dma_wait3A_107, %dma_wait3A_108] : memref<10240x128xbf16, #tpu.memory_space<vmem_shared>> -> memref<10240x128xbf16, #tpu.memory_space<vmem_shared>>
      %dma_wait3A_110 = tpu.memref_slice %arg11[%dma_wait3A_99] : memref<5x!tpu.dma_semaphore, #tpu.memory_space<semaphore_mem>> -> memref<1x!tpu.dma_semaphore, #tpu.memory_space<semaphore_mem>>
      %dma_wait3A_111 = tpu.memref_squeeze %dma_wait3A_110 : memref<1x!tpu.dma_semaphore, #tpu.memory_space<semaphore_mem>> -> memref<!tpu.dma_semaphore, #tpu.memory_space<semaphore_mem>>
      tpu.wait_indirect_dma semaphore(%dma_wait3A_111 : memref<!tpu.dma_semaphore, #tpu.memory_space<semaphore_mem>>) src(%dma_wait3A_103 : memref<128x128xbf16, #tpu.memory_space<vmem>>) dst(%dma_wait3A_109 : memref<10240x128xbf16, #tpu.memory_space<vmem_shared>>)
      %dma_wait3A_112 = arith.constant 4 : i32
      %dma_wait3A_113 = arith.constant 0 : i32
      %dma_wait3A_114 = arith.constant 4 : i32
      %dma_wait3A_115 = arith.constant 0 : i32
      %dma_wait3A_116 = arith.constant 0 : i32
      %dma_wait3A_117 = tpu.memref_slice %arg9[%dma_wait3A_112, %dma_wait3A_115, %dma_wait3A_116] : memref<5x128x128xbf16, #tpu.memory_space<vmem>> -> memref<1x128x128xbf16, #tpu.memory_space<vmem>>
      %dma_wait3A_118 = tpu.memref_squeeze %dma_wait3A_117 : memref<1x128x128xbf16, #tpu.memory_space<vmem>> -> memref<128x128xbf16, #tpu.memory_space<vmem>>
      %dma_wait3A_119 = arith.constant 0 : i32
      %dma_wait3A_120 = tpu.memref_slice %arg8[%dma_wait3A_113, %dma_wait3A_119] : memref<130x128xi32, #tpu.memory_space<vmem>> -> memref<1x128xi32, #tpu.memory_space<vmem>>
      %dma_wait3A_121 = tpu.memref_squeeze %dma_wait3A_120 : memref<1x128xi32, #tpu.memory_space<vmem>> -> memref<128xi32, #tpu.memory_space<vmem>>
      %dma_wait3A_122 = arith.constant 0 : i32
      %dma_wait3A_123 = arith.constant 0 : i32
      %dma_wait3A_124 = tpu.memref_slice %arg12[%dma_wait3A_122, %dma_wait3A_123] : memref<10240x128xbf16, #tpu.memory_space<vmem_shared>> -> memref<10240x128xbf16, #tpu.memory_space<vmem_shared>>
      %dma_wait3A_125 = tpu.memref_slice %arg11[%dma_wait3A_114] : memref<5x!tpu.dma_semaphore, #tpu.memory_space<semaphore_mem>> -> memref<1x!tpu.dma_semaphore, #tpu.memory_space<semaphore_mem>>
      %dma_wait3A_126 = tpu.memref_squeeze %dma_wait3A_125 : memref<1x!tpu.dma_semaphore, #tpu.memory_space<semaphore_mem>> -> memref<!tpu.dma_semaphore, #tpu.memory_space<semaphore_mem>>
      tpu.wait_indirect_dma semaphore(%dma_wait3A_126 : memref<!tpu.dma_semaphore, #tpu.memory_space<semaphore_mem>>) src(%dma_wait3A_118 : memref<128x128xbf16, #tpu.memory_space<vmem>>) dst(%dma_wait3A_124 : memref<10240x128xbf16, #tpu.memory_space<vmem_shared>>)
    } else {
    }
    %barrier3A_18 = arith.constant 0 : index
    tpu.barrier barrier_id(%barrier3A_18)
    "tpu.region"() ({
      %run_scoped3A = tpu.sem_alloc : memref<!tpu.dma_semaphore, #tpu.memory_space<semaphore_mem>>
      %dma_start3A = arith.constant 0 : i32
      %dma_start3A_19 = tpu.memref_slice %arg6[%arg0, %mul3A_0, %dma_start3A] : memref<2x10240x128xbf16, #tpu.memory_space<hbm>> -> memref<1x640x128xbf16, #tpu.memory_space<hbm>>
      %dma_start3A_20 = tpu.memref_squeeze %dma_start3A_19 : memref<1x640x128xbf16, #tpu.memory_space<hbm>> -> memref<640x128xbf16, #tpu.memory_space<hbm>>
      %dma_start3A_21 = arith.constant 0 : i32
      %dma_start3A_22 = tpu.memref_slice %arg12[%mul3A_0, %dma_start3A_21] : memref<10240x128xbf16, #tpu.memory_space<vmem_shared>> -> memref<640x128xbf16, #tpu.memory_space<vmem_shared>>
      tpu.enqueue_dma source(%dma_start3A_22 : memref<640x128xbf16, #tpu.memory_space<vmem_shared>>) target(%dma_start3A_20 : memref<640x128xbf16, #tpu.memory_space<hbm>>) target_semaphore(%run_scoped3A : memref<!tpu.dma_semaphore, #tpu.memory_space<semaphore_mem>>)
      %dma_wait3A = arith.constant 0 : i32
      %dma_wait3A_23 = tpu.memref_slice %arg6[%arg0, %mul3A_0, %dma_wait3A] : memref<2x10240x128xbf16, #tpu.memory_space<hbm>> -> memref<1x640x128xbf16, #tpu.memory_space<hbm>>
      %dma_wait3A_24 = tpu.memref_squeeze %dma_wait3A_23 : memref<1x640x128xbf16, #tpu.memory_space<hbm>> -> memref<640x128xbf16, #tpu.memory_space<hbm>>
      %dma_wait3A_25 = arith.constant 0 : i32
      %dma_wait3A_26 = tpu.memref_slice %arg12[%mul3A_0, %dma_wait3A_25] : memref<10240x128xbf16, #tpu.memory_space<vmem_shared>> -> memref<640x128xbf16, #tpu.memory_space<vmem_shared>>
      tpu.wait_dma2 semaphore(%run_scoped3A : memref<!tpu.dma_semaphore, #tpu.memory_space<semaphore_mem>>) src(%dma_wait3A_26 : memref<640x128xbf16, #tpu.memory_space<vmem_shared>>) dst(%dma_wait3A_24 : memref<640x128xbf16, #tpu.memory_space<hbm>>)
      tpu.yield
    }) : () -> ()
    return
  }
}

#map = affine_map<(d0, d1) -> (0, 0)>
#map1 = affine_map<(d0, d1) -> (0, 0, 0)>
module attributes {stable_mosaic.version = 14 : i64} {
  func.func @_sc_aggregate_body(%arg0: i32, %arg1: i32, %arg2: memref<10000x128xbf16, #tpu.memory_space<hbm>>, %arg3: memref<2560x128xi32, #tpu.memory_space<hbm>>, %arg4: memref<2560x128xi32, #tpu.memory_space<hbm>>, %arg5: memref<10240x128xbf16, #tpu.memory_space<hbm>>, %arg6: memref<2x10240x128xbf16, #tpu.memory_space<hbm>>, %arg7: memref<130x128xi32, #tpu.memory_space<vmem>>, %arg8: memref<130x128xi32, #tpu.memory_space<vmem>>, %arg9: memref<5x128x128xbf16, #tpu.memory_space<vmem>>, %arg10: memref<5x!tpu.dma_semaphore, #tpu.memory_space<semaphore_mem>>, %arg11: memref<5x!tpu.dma_semaphore, #tpu.memory_space<semaphore_mem>>, %arg12: memref<10240x128xbf16, #tpu.memory_space<vmem_shared>>) attributes {dimension_semantics = [#tpu.dimension_semantics<core_parallel>, #tpu.dimension_semantics<subcore_parallel>], iteration_bounds = array<i64: 2, 16>, scalar_prefetch = 0 : i64, scratch_operands = 6 : i64, tpu.core_type = #tpu.core_type<sc_vector_subcore>, window_params = [{transform_indices = #map}, {transform_indices = #map}, {transform_indices = #map}, {transform_indices = #map}, {transform_indices = #map1}]} {
    %mul3A = arith.constant 640 : i32
    %mul3A_0 = arith.muli %arg1, %mul3A : i32
    %eq3A = arith.constant 0 : i32
    %eq3A_1 = arith.cmpi eq, %arg0, %eq3A : i32
    %convert_element_type3A = arith.extui %eq3A_1 : i1 to i32
    %cond3A = arith.constant 0 : i32
    %cond3A_2 = arith.cmpi ne, %convert_element_type3A, %cond3A : i32
    scf.if %cond3A_2 {
      %mul3A_19 = arith.constant 130 : i32
      %mul3A_20 = arith.muli %arg1, %mul3A_19 : i32
      "tpu.region"() ({
        %run_scoped3A = tpu.sem_alloc : memref<!tpu.dma_semaphore, #tpu.memory_space<semaphore_mem>>
        %dma_start3A = arith.constant 0 : i32
        %dma_start3A_23 = arith.constant 0 : i32
        %dma_start3A_24 = tpu.memref_slice %arg7[%dma_start3A, %dma_start3A_23] : memref<130x128xi32, #tpu.memory_space<vmem>> -> memref<130x128xi32, #tpu.memory_space<vmem>>
        %dma_start3A_25 = arith.constant 0 : i32
        %dma_start3A_26 = tpu.memref_slice %arg3[%mul3A_20, %dma_start3A_25] : memref<2560x128xi32, #tpu.memory_space<hbm>> -> memref<130x128xi32, #tpu.memory_space<hbm>>
        %dma_start3A_27 = arith.constant 0 : i32
        %dma_start3A_28 = arith.constant 0 : i32
        %dma_start3A_29 = tpu.memref_slice %arg7[%dma_start3A_27, %dma_start3A_28] : memref<130x128xi32, #tpu.memory_space<vmem>> -> memref<130x128xi32, #tpu.memory_space<vmem>>
        %dma_start3A_30 = arith.constant 0 : i32
        %dma_start3A_31 = tpu.memref_slice %arg3[%mul3A_20, %dma_start3A_30] : memref<2560x128xi32, #tpu.memory_space<hbm>> -> memref<130x128xi32, #tpu.memory_space<hbm>>
        tpu.enqueue_dma source(%dma_start3A_31 : memref<130x128xi32, #tpu.memory_space<hbm>>) target(%dma_start3A_29 : memref<130x128xi32, #tpu.memory_space<vmem>>) target_semaphore(%run_scoped3A : memref<!tpu.dma_semaphore, #tpu.memory_space<semaphore_mem>>)
        %dma_wait3A = arith.constant 0 : i32
        %dma_wait3A_32 = arith.constant 0 : i32
        %dma_wait3A_33 = tpu.memref_slice %arg7[%dma_wait3A, %dma_wait3A_32] : memref<130x128xi32, #tpu.memory_space<vmem>> -> memref<130x128xi32, #tpu.memory_space<vmem>>
        %dma_wait3A_34 = arith.constant 0 : i32
        %dma_wait3A_35 = tpu.memref_slice %arg3[%mul3A_20, %dma_wait3A_34] : memref<2560x128xi32, #tpu.memory_space<hbm>> -> memref<130x128xi32, #tpu.memory_space<hbm>>
        %dma_wait3A_36 = arith.constant 0 : i32
        %dma_wait3A_37 = arith.constant 0 : i32
        %dma_wait3A_38 = tpu.memref_slice %arg7[%dma_wait3A_36, %dma_wait3A_37] : memref<130x128xi32, #tpu.memory_space<vmem>> -> memref<130x128xi32, #tpu.memory_space<vmem>>
        %dma_wait3A_39 = arith.constant 0 : i32
        %dma_wait3A_40 = tpu.memref_slice %arg3[%mul3A_20, %dma_wait3A_39] : memref<2560x128xi32, #tpu.memory_space<hbm>> -> memref<130x128xi32, #tpu.memory_space<hbm>>
        tpu.wait_dma2 semaphore(%run_scoped3A : memref<!tpu.dma_semaphore, #tpu.memory_space<semaphore_mem>>) src(%dma_wait3A_40 : memref<130x128xi32, #tpu.memory_space<hbm>>) dst(%dma_wait3A_38 : memref<130x128xi32, #tpu.memory_space<vmem>>)
        tpu.yield
      }) : () -> ()
      %mul3A_21 = arith.constant 130 : i32
      %mul3A_22 = arith.muli %arg1, %mul3A_21 : i32
      "tpu.region"() ({
        %run_scoped3A = tpu.sem_alloc : memref<!tpu.dma_semaphore, #tpu.memory_space<semaphore_mem>>
        %dma_start3A = arith.constant 0 : i32
        %dma_start3A_23 = arith.constant 0 : i32
        %dma_start3A_24 = tpu.memref_slice %arg8[%dma_start3A, %dma_start3A_23] : memref<130x128xi32, #tpu.memory_space<vmem>> -> memref<130x128xi32, #tpu.memory_space<vmem>>
        %dma_start3A_25 = arith.constant 0 : i32
        %dma_start3A_26 = tpu.memref_slice %arg4[%mul3A_22, %dma_start3A_25] : memref<2560x128xi32, #tpu.memory_space<hbm>> -> memref<130x128xi32, #tpu.memory_space<hbm>>
        %dma_start3A_27 = arith.constant 0 : i32
        %dma_start3A_28 = arith.constant 0 : i32
        %dma_start3A_29 = tpu.memref_slice %arg8[%dma_start3A_27, %dma_start3A_28] : memref<130x128xi32, #tpu.memory_space<vmem>> -> memref<130x128xi32, #tpu.memory_space<vmem>>
        %dma_start3A_30 = arith.constant 0 : i32
        %dma_start3A_31 = tpu.memref_slice %arg4[%mul3A_22, %dma_start3A_30] : memref<2560x128xi32, #tpu.memory_space<hbm>> -> memref<130x128xi32, #tpu.memory_space<hbm>>
        tpu.enqueue_dma source(%dma_start3A_31 : memref<130x128xi32, #tpu.memory_space<hbm>>) target(%dma_start3A_29 : memref<130x128xi32, #tpu.memory_space<vmem>>) target_semaphore(%run_scoped3A : memref<!tpu.dma_semaphore, #tpu.memory_space<semaphore_mem>>)
        %dma_wait3A = arith.constant 0 : i32
        %dma_wait3A_32 = arith.constant 0 : i32
        %dma_wait3A_33 = tpu.memref_slice %arg8[%dma_wait3A, %dma_wait3A_32] : memref<130x128xi32, #tpu.memory_space<vmem>> -> memref<130x128xi32, #tpu.memory_space<vmem>>
        %dma_wait3A_34 = arith.constant 0 : i32
        %dma_wait3A_35 = tpu.memref_slice %arg4[%mul3A_22, %dma_wait3A_34] : memref<2560x128xi32, #tpu.memory_space<hbm>> -> memref<130x128xi32, #tpu.memory_space<hbm>>
        %dma_wait3A_36 = arith.constant 0 : i32
        %dma_wait3A_37 = arith.constant 0 : i32
        %dma_wait3A_38 = tpu.memref_slice %arg8[%dma_wait3A_36, %dma_wait3A_37] : memref<130x128xi32, #tpu.memory_space<vmem>> -> memref<130x128xi32, #tpu.memory_space<vmem>>
        %dma_wait3A_39 = arith.constant 0 : i32
        %dma_wait3A_40 = tpu.memref_slice %arg4[%mul3A_22, %dma_wait3A_39] : memref<2560x128xi32, #tpu.memory_space<hbm>> -> memref<130x128xi32, #tpu.memory_space<hbm>>
        tpu.wait_dma2 semaphore(%run_scoped3A : memref<!tpu.dma_semaphore, #tpu.memory_space<semaphore_mem>>) src(%dma_wait3A_40 : memref<130x128xi32, #tpu.memory_space<hbm>>) dst(%dma_wait3A_38 : memref<130x128xi32, #tpu.memory_space<vmem>>)
        tpu.yield
      }) : () -> ()
    } else {
    }
    %eq3A_3 = arith.constant 1 : i32
    %eq3A_4 = arith.cmpi eq, %arg0, %eq3A_3 : i32
    %convert_element_type3A_5 = arith.extui %eq3A_4 : i1 to i32
    %cond3A_6 = arith.constant 0 : i32
    %cond3A_7 = arith.cmpi ne, %convert_element_type3A_5, %cond3A_6 : i32
    scf.if %cond3A_7 {
      %mul3A_19 = arith.constant 30 : i32
      %mul3A_20 = arith.muli %arg1, %mul3A_19 : i32
      %add3A = arith.constant 2080 : i32
      %add3A_21 = arith.addi %add3A, %mul3A_20 : i32
      "tpu.region"() ({
        %run_scoped3A = tpu.sem_alloc : memref<!tpu.dma_semaphore, #tpu.memory_space<semaphore_mem>>
        %dma_start3A = arith.constant 0 : i32
        %dma_start3A_22 = arith.constant 0 : i32
        %dma_start3A_23 = tpu.memref_slice %arg7[%dma_start3A, %dma_start3A_22] : memref<130x128xi32, #tpu.memory_space<vmem>> -> memref<30x128xi32, #tpu.memory_space<vmem>>
        %dma_start3A_24 = arith.constant 0 : i32
        %dma_start3A_25 = tpu.memref_slice %arg3[%add3A_21, %dma_start3A_24] : memref<2560x128xi32, #tpu.memory_space<hbm>> -> memref<30x128xi32, #tpu.memory_space<hbm>>
        %dma_start3A_26 = arith.constant 0 : i32
        %dma_start3A_27 = arith.constant 0 : i32
        %dma_start3A_28 = tpu.memref_slice %arg7[%dma_start3A_26, %dma_start3A_27] : memref<130x128xi32, #tpu.memory_space<vmem>> -> memref<30x128xi32, #tpu.memory_space<vmem>>
        %dma_start3A_29 = arith.constant 0 : i32
        %dma_start3A_30 = tpu.memref_slice %arg3[%add3A_21, %dma_start3A_29] : memref<2560x128xi32, #tpu.memory_space<hbm>> -> memref<30x128xi32, #tpu.memory_space<hbm>>
        tpu.enqueue_dma source(%dma_start3A_30 : memref<30x128xi32, #tpu.memory_space<hbm>>) target(%dma_start3A_28 : memref<30x128xi32, #tpu.memory_space<vmem>>) target_semaphore(%run_scoped3A : memref<!tpu.dma_semaphore, #tpu.memory_space<semaphore_mem>>)
        %dma_wait3A = arith.constant 0 : i32
        %dma_wait3A_31 = arith.constant 0 : i32
        %dma_wait3A_32 = tpu.memref_slice %arg7[%dma_wait3A, %dma_wait3A_31] : memref<130x128xi32, #tpu.memory_space<vmem>> -> memref<30x128xi32, #tpu.memory_space<vmem>>
        %dma_wait3A_33 = arith.constant 0 : i32
        %dma_wait3A_34 = tpu.memref_slice %arg3[%add3A_21, %dma_wait3A_33] : memref<2560x128xi32, #tpu.memory_space<hbm>> -> memref<30x128xi32, #tpu.memory_space<hbm>>
        %dma_wait3A_35 = arith.constant 0 : i32
        %dma_wait3A_36 = arith.constant 0 : i32
        %dma_wait3A_37 = tpu.memref_slice %arg7[%dma_wait3A_35, %dma_wait3A_36] : memref<130x128xi32, #tpu.memory_space<vmem>> -> memref<30x128xi32, #tpu.memory_space<vmem>>
        %dma_wait3A_38 = arith.constant 0 : i32
        %dma_wait3A_39 = tpu.memref_slice %arg3[%add3A_21, %dma_wait3A_38] : memref<2560x128xi32, #tpu.memory_space<hbm>> -> memref<30x128xi32, #tpu.memory_space<hbm>>
        tpu.wait_dma2 semaphore(%run_scoped3A : memref<!tpu.dma_semaphore, #tpu.memory_space<semaphore_mem>>) src(%dma_wait3A_39 : memref<30x128xi32, #tpu.memory_space<hbm>>) dst(%dma_wait3A_37 : memref<30x128xi32, #tpu.memory_space<vmem>>)
        tpu.yield
      }) : () -> ()
      "tpu.region"() ({
        %run_scoped3A = tpu.sem_alloc : memref<!tpu.dma_semaphore, #tpu.memory_space<semaphore_mem>>
        %dma_start3A = arith.constant 0 : i32
        %dma_start3A_22 = arith.constant 0 : i32
        %dma_start3A_23 = tpu.memref_slice %arg8[%dma_start3A, %dma_start3A_22] : memref<130x128xi32, #tpu.memory_space<vmem>> -> memref<30x128xi32, #tpu.memory_space<vmem>>
        %dma_start3A_24 = arith.constant 0 : i32
        %dma_start3A_25 = tpu.memref_slice %arg4[%add3A_21, %dma_start3A_24] : memref<2560x128xi32, #tpu.memory_space<hbm>> -> memref<30x128xi32, #tpu.memory_space<hbm>>
        %dma_start3A_26 = arith.constant 0 : i32
        %dma_start3A_27 = arith.constant 0 : i32
        %dma_start3A_28 = tpu.memref_slice %arg8[%dma_start3A_26, %dma_start3A_27] : memref<130x128xi32, #tpu.memory_space<vmem>> -> memref<30x128xi32, #tpu.memory_space<vmem>>
        %dma_start3A_29 = arith.constant 0 : i32
        %dma_start3A_30 = tpu.memref_slice %arg4[%add3A_21, %dma_start3A_29] : memref<2560x128xi32, #tpu.memory_space<hbm>> -> memref<30x128xi32, #tpu.memory_space<hbm>>
        tpu.enqueue_dma source(%dma_start3A_30 : memref<30x128xi32, #tpu.memory_space<hbm>>) target(%dma_start3A_28 : memref<30x128xi32, #tpu.memory_space<vmem>>) target_semaphore(%run_scoped3A : memref<!tpu.dma_semaphore, #tpu.memory_space<semaphore_mem>>)
        %dma_wait3A = arith.constant 0 : i32
        %dma_wait3A_31 = arith.constant 0 : i32
        %dma_wait3A_32 = tpu.memref_slice %arg8[%dma_wait3A, %dma_wait3A_31] : memref<130x128xi32, #tpu.memory_space<vmem>> -> memref<30x128xi32, #tpu.memory_space<vmem>>
        %dma_wait3A_33 = arith.constant 0 : i32
        %dma_wait3A_34 = tpu.memref_slice %arg4[%add3A_21, %dma_wait3A_33] : memref<2560x128xi32, #tpu.memory_space<hbm>> -> memref<30x128xi32, #tpu.memory_space<hbm>>
        %dma_wait3A_35 = arith.constant 0 : i32
        %dma_wait3A_36 = arith.constant 0 : i32
        %dma_wait3A_37 = tpu.memref_slice %arg8[%dma_wait3A_35, %dma_wait3A_36] : memref<130x128xi32, #tpu.memory_space<vmem>> -> memref<30x128xi32, #tpu.memory_space<vmem>>
        %dma_wait3A_38 = arith.constant 0 : i32
        %dma_wait3A_39 = tpu.memref_slice %arg4[%add3A_21, %dma_wait3A_38] : memref<2560x128xi32, #tpu.memory_space<hbm>> -> memref<30x128xi32, #tpu.memory_space<hbm>>
        tpu.wait_dma2 semaphore(%run_scoped3A : memref<!tpu.dma_semaphore, #tpu.memory_space<semaphore_mem>>) src(%dma_wait3A_39 : memref<30x128xi32, #tpu.memory_space<hbm>>) dst(%dma_wait3A_37 : memref<30x128xi32, #tpu.memory_space<vmem>>)
        tpu.yield
      }) : () -> ()
    } else {
    }
    "tpu.region"() ({
      %run_scoped3A = tpu.sem_alloc : memref<!tpu.dma_semaphore, #tpu.memory_space<semaphore_mem>>
      %dma_start3A = arith.constant 0 : i32
      %dma_start3A_19 = tpu.memref_slice %arg12[%mul3A_0, %dma_start3A] : memref<10240x128xbf16, #tpu.memory_space<vmem_shared>> -> memref<640x128xbf16, #tpu.memory_space<vmem_shared>>
      %dma_start3A_20 = arith.constant 0 : i32
      %dma_start3A_21 = tpu.memref_slice %arg5[%mul3A_0, %dma_start3A_20] : memref<10240x128xbf16, #tpu.memory_space<hbm>> -> memref<640x128xbf16, #tpu.memory_space<hbm>>
      tpu.enqueue_dma source(%dma_start3A_21 : memref<640x128xbf16, #tpu.memory_space<hbm>>) target(%dma_start3A_19 : memref<640x128xbf16, #tpu.memory_space<vmem_shared>>) target_semaphore(%run_scoped3A : memref<!tpu.dma_semaphore, #tpu.memory_space<semaphore_mem>>)
      %dma_wait3A = arith.constant 0 : i32
      %dma_wait3A_22 = tpu.memref_slice %arg12[%mul3A_0, %dma_wait3A] : memref<10240x128xbf16, #tpu.memory_space<vmem_shared>> -> memref<640x128xbf16, #tpu.memory_space<vmem_shared>>
      %dma_wait3A_23 = arith.constant 0 : i32
      %dma_wait3A_24 = tpu.memref_slice %arg5[%mul3A_0, %dma_wait3A_23] : memref<10240x128xbf16, #tpu.memory_space<hbm>> -> memref<640x128xbf16, #tpu.memory_space<hbm>>
      tpu.wait_dma2 semaphore(%run_scoped3A : memref<!tpu.dma_semaphore, #tpu.memory_space<semaphore_mem>>) src(%dma_wait3A_24 : memref<640x128xbf16, #tpu.memory_space<hbm>>) dst(%dma_wait3A_22 : memref<640x128xbf16, #tpu.memory_space<vmem_shared>>)
      tpu.yield
    }) : () -> ()
    %barrier3A = arith.constant 0 : index
    tpu.barrier barrier_id(%barrier3A)
    %eq3A_8 = arith.constant 0 : i32
    %eq3A_9 = arith.cmpi eq, %arg0, %eq3A_8 : i32
    %convert_element_type3A_10 = arith.extui %eq3A_9 : i1 to i32
    %cond3A_11 = arith.constant 0 : i32
    %cond3A_12 = arith.cmpi ne, %convert_element_type3A_10, %cond3A_11 : i32
    scf.if %cond3A_12 {
      %dma_start3A = arith.constant 0 : i32
      %dma_start3A_19 = arith.constant 0 : i32
      %dma_start3A_20 = arith.constant 0 : i32
      %dma_start3A_21 = arith.constant 0 : i32
      %dma_start3A_22 = arith.constant 0 : i32
      %dma_start3A_23 = tpu.memref_slice %arg9[%dma_start3A_19, %dma_start3A_21, %dma_start3A_22] : memref<5x128x128xbf16, #tpu.memory_space<vmem>> -> memref<1x128x128xbf16, #tpu.memory_space<vmem>>
      %dma_start3A_24 = tpu.memref_squeeze %dma_start3A_23 : memref<1x128x128xbf16, #tpu.memory_space<vmem>> -> memref<128x128xbf16, #tpu.memory_space<vmem>>
      %dma_start3A_25 = arith.constant 0 : i32
      %dma_start3A_26 = tpu.memref_slice %arg7[%dma_start3A, %dma_start3A_25] : memref<130x128xi32, #tpu.memory_space<vmem>> -> memref<1x128xi32, #tpu.memory_space<vmem>>
      %dma_start3A_27 = tpu.memref_squeeze %dma_start3A_26 : memref<1x128xi32, #tpu.memory_space<vmem>> -> memref<128xi32, #tpu.memory_space<vmem>>
      %dma_start3A_28 = arith.constant 0 : i32
      %dma_start3A_29 = arith.constant 0 : i32
      %dma_start3A_30 = tpu.memref_slice %arg2[%dma_start3A_28, %dma_start3A_29] : memref<10000x128xbf16, #tpu.memory_space<hbm>> -> memref<10000x128xbf16, #tpu.memory_space<hbm>>
      %dma_start3A_31 = tpu.memref_slice %arg10[%dma_start3A_20] : memref<5x!tpu.dma_semaphore, #tpu.memory_space<semaphore_mem>> -> memref<1x!tpu.dma_semaphore, #tpu.memory_space<semaphore_mem>>
      %dma_start3A_32 = tpu.memref_squeeze %dma_start3A_31 : memref<1x!tpu.dma_semaphore, #tpu.memory_space<semaphore_mem>> -> memref<!tpu.dma_semaphore, #tpu.memory_space<semaphore_mem>>
      tpu.enqueue_indirect_dma source(%dma_start3A_30 : memref<10000x128xbf16, #tpu.memory_space<hbm>>) target(%dma_start3A_24 : memref<128x128xbf16, #tpu.memory_space<vmem>>) offsets(%dma_start3A_27 : memref<128xi32, #tpu.memory_space<vmem>>) semaphore(%dma_start3A_32 : memref<!tpu.dma_semaphore, #tpu.memory_space<semaphore_mem>>)
      %dma_start3A_33 = arith.constant 1 : i32
      %dma_start3A_34 = arith.constant 1 : i32
      %dma_start3A_35 = arith.constant 1 : i32
      %dma_start3A_36 = arith.constant 0 : i32
      %dma_start3A_37 = arith.constant 0 : i32
      %dma_start3A_38 = tpu.memref_slice %arg9[%dma_start3A_34, %dma_start3A_36, %dma_start3A_37] : memref<5x128x128xbf16, #tpu.memory_space<vmem>> -> memref<1x128x128xbf16, #tpu.memory_space<vmem>>
      %dma_start3A_39 = tpu.memref_squeeze %dma_start3A_38 : memref<1x128x128xbf16, #tpu.memory_space<vmem>> -> memref<128x128xbf16, #tpu.memory_space<vmem>>
      %dma_start3A_40 = arith.constant 0 : i32
      %dma_start3A_41 = tpu.memref_slice %arg7[%dma_start3A_33, %dma_start3A_40] : memref<130x128xi32, #tpu.memory_space<vmem>> -> memref<1x128xi32, #tpu.memory_space<vmem>>
      %dma_start3A_42 = tpu.memref_squeeze %dma_start3A_41 : memref<1x128xi32, #tpu.memory_space<vmem>> -> memref<128xi32, #tpu.memory_space<vmem>>
      %dma_start3A_43 = arith.constant 0 : i32
      %dma_start3A_44 = arith.constant 0 : i32
      %dma_start3A_45 = tpu.memref_slice %arg2[%dma_start3A_43, %dma_start3A_44] : memref<10000x128xbf16, #tpu.memory_space<hbm>> -> memref<10000x128xbf16, #tpu.memory_space<hbm>>
      %dma_start3A_46 = tpu.memref_slice %arg10[%dma_start3A_35] : memref<5x!tpu.dma_semaphore, #tpu.memory_space<semaphore_mem>> -> memref<1x!tpu.dma_semaphore, #tpu.memory_space<semaphore_mem>>
      %dma_start3A_47 = tpu.memref_squeeze %dma_start3A_46 : memref<1x!tpu.dma_semaphore, #tpu.memory_space<semaphore_mem>> -> memref<!tpu.dma_semaphore, #tpu.memory_space<semaphore_mem>>
      tpu.enqueue_indirect_dma source(%dma_start3A_45 : memref<10000x128xbf16, #tpu.memory_space<hbm>>) target(%dma_start3A_39 : memref<128x128xbf16, #tpu.memory_space<vmem>>) offsets(%dma_start3A_42 : memref<128xi32, #tpu.memory_space<vmem>>) semaphore(%dma_start3A_47 : memref<!tpu.dma_semaphore, #tpu.memory_space<semaphore_mem>>)
      %scan3A = arith.constant 0 : i32
      %scan3A_48 = arith.constant 0 : i32
      %scan3A_49 = arith.constant 26 : i32
      %scan3A_50 = arith.addi %scan3A_48, %scan3A_49 : i32
      %scan3A_51 = arith.constant 1 : i32
      scf.for %scan3A_127 = %scan3A_48 to %scan3A_50 step %scan3A_51  : i32 {
        %mul3A_128 = arith.constant 5 : i32
        %mul3A_129 = arith.muli %scan3A_127, %mul3A_128 : i32
        %add3A = arith.constant 0 : i32
        %add3A_130 = arith.addi %mul3A_129, %add3A : i32
        %add3A_131 = arith.constant 2 : i32
        %add3A_132 = arith.addi %add3A_130, %add3A_131 : i32
        %dma_wait3A_133 = arith.constant 0 : i32
        %dma_wait3A_134 = arith.constant 0 : i32
        %dma_wait3A_135 = arith.constant 0 : i32
        %dma_wait3A_136 = arith.constant 0 : i32
        %dma_wait3A_137 = tpu.memref_slice %arg9[%dma_wait3A_133, %dma_wait3A_135, %dma_wait3A_136] : memref<5x128x128xbf16, #tpu.memory_space<vmem>> -> memref<1x128x128xbf16, #tpu.memory_space<vmem>>
        %dma_wait3A_138 = tpu.memref_squeeze %dma_wait3A_137 : memref<1x128x128xbf16, #tpu.memory_space<vmem>> -> memref<128x128xbf16, #tpu.memory_space<vmem>>
        %dma_wait3A_139 = arith.constant 0 : i32
        %dma_wait3A_140 = tpu.memref_slice %arg7[%add3A_130, %dma_wait3A_139] : memref<130x128xi32, #tpu.memory_space<vmem>> -> memref<1x128xi32, #tpu.memory_space<vmem>>
        %dma_wait3A_141 = tpu.memref_squeeze %dma_wait3A_140 : memref<1x128xi32, #tpu.memory_space<vmem>> -> memref<128xi32, #tpu.memory_space<vmem>>
        %dma_wait3A_142 = arith.constant 0 : i32
        %dma_wait3A_143 = arith.constant 0 : i32
        %dma_wait3A_144 = tpu.memref_slice %arg2[%dma_wait3A_142, %dma_wait3A_143] : memref<10000x128xbf16, #tpu.memory_space<hbm>> -> memref<10000x128xbf16, #tpu.memory_space<hbm>>
        %dma_wait3A_145 = tpu.memref_slice %arg10[%dma_wait3A_134] : memref<5x!tpu.dma_semaphore, #tpu.memory_space<semaphore_mem>> -> memref<1x!tpu.dma_semaphore, #tpu.memory_space<semaphore_mem>>
        %dma_wait3A_146 = tpu.memref_squeeze %dma_wait3A_145 : memref<1x!tpu.dma_semaphore, #tpu.memory_space<semaphore_mem>> -> memref<!tpu.dma_semaphore, #tpu.memory_space<semaphore_mem>>
        tpu.wait_indirect_dma semaphore(%dma_wait3A_146 : memref<!tpu.dma_semaphore, #tpu.memory_space<semaphore_mem>>) src(%dma_wait3A_144 : memref<10000x128xbf16, #tpu.memory_space<hbm>>) dst(%dma_wait3A_138 : memref<128x128xbf16, #tpu.memory_space<vmem>>)
        %dma_start3A_147 = arith.constant 0 : i32
        %dma_start3A_148 = arith.constant 0 : i32
        %dma_start3A_149 = arith.constant 0 : i32
        %dma_start3A_150 = arith.constant 0 : i32
        %dma_start3A_151 = tpu.memref_slice %arg9[%dma_start3A_147, %dma_start3A_149, %dma_start3A_150] : memref<5x128x128xbf16, #tpu.memory_space<vmem>> -> memref<1x128x128xbf16, #tpu.memory_space<vmem>>
        %dma_start3A_152 = tpu.memref_squeeze %dma_start3A_151 : memref<1x128x128xbf16, #tpu.memory_space<vmem>> -> memref<128x128xbf16, #tpu.memory_space<vmem>>
        %dma_start3A_153 = arith.constant 0 : i32
        %dma_start3A_154 = tpu.memref_slice %arg8[%add3A_130, %dma_start3A_153] : memref<130x128xi32, #tpu.memory_space<vmem>> -> memref<1x128xi32, #tpu.memory_space<vmem>>
        %dma_start3A_155 = tpu.memref_squeeze %dma_start3A_154 : memref<1x128xi32, #tpu.memory_space<vmem>> -> memref<128xi32, #tpu.memory_space<vmem>>
        %dma_start3A_156 = arith.constant 0 : i32
        %dma_start3A_157 = arith.constant 0 : i32
        %dma_start3A_158 = tpu.memref_slice %arg12[%dma_start3A_156, %dma_start3A_157] : memref<10240x128xbf16, #tpu.memory_space<vmem_shared>> -> memref<10240x128xbf16, #tpu.memory_space<vmem_shared>>
        %dma_start3A_159 = tpu.memref_slice %arg11[%dma_start3A_148] : memref<5x!tpu.dma_semaphore, #tpu.memory_space<semaphore_mem>> -> memref<1x!tpu.dma_semaphore, #tpu.memory_space<semaphore_mem>>
        %dma_start3A_160 = tpu.memref_squeeze %dma_start3A_159 : memref<1x!tpu.dma_semaphore, #tpu.memory_space<semaphore_mem>> -> memref<!tpu.dma_semaphore, #tpu.memory_space<semaphore_mem>>
        tpu.enqueue_indirect_dma source(%dma_start3A_152 : memref<128x128xbf16, #tpu.memory_space<vmem>>) target(%dma_start3A_158 : memref<10240x128xbf16, #tpu.memory_space<vmem_shared>>) offsets(%dma_start3A_155 : memref<128xi32, #tpu.memory_space<vmem>>) semaphore(%dma_start3A_160 : memref<!tpu.dma_semaphore, #tpu.memory_space<semaphore_mem>>) {add = true}
        %lt3A = arith.constant 130 : i32
        %lt3A_161 = arith.cmpi slt, %add3A_132, %lt3A : i32
        %convert_element_type3A_162 = arith.extui %lt3A_161 : i1 to i32
        %cond3A_163 = arith.constant 0 : i32
        %cond3A_164 = arith.cmpi ne, %convert_element_type3A_162, %cond3A_163 : i32
        scf.if %cond3A_164 {
          %ge3A = arith.constant 5 : i32
          %ge3A_313 = arith.cmpi sge, %add3A_132, %ge3A : i32
          %convert_element_type3A_314 = arith.extui %ge3A_313 : i1 to i32
          %cond3A_315 = arith.constant 0 : i32
          %cond3A_316 = arith.cmpi ne, %convert_element_type3A_314, %cond3A_315 : i32
          scf.if %cond3A_316 {
            %dma_wait3A_331 = arith.constant 2 : i32
            %dma_wait3A_332 = arith.constant 2 : i32
            %dma_wait3A_333 = arith.constant 0 : i32
            %dma_wait3A_334 = arith.constant 0 : i32
            %dma_wait3A_335 = tpu.memref_slice %arg9[%dma_wait3A_331, %dma_wait3A_333, %dma_wait3A_334] : memref<5x128x128xbf16, #tpu.memory_space<vmem>> -> memref<1x128x128xbf16, #tpu.memory_space<vmem>>
            %dma_wait3A_336 = tpu.memref_squeeze %dma_wait3A_335 : memref<1x128x128xbf16, #tpu.memory_space<vmem>> -> memref<128x128xbf16, #tpu.memory_space<vmem>>
            %dma_wait3A_337 = arith.constant 0 : i32
            %dma_wait3A_338 = tpu.memref_slice %arg8[%add3A_132, %dma_wait3A_337] : memref<130x128xi32, #tpu.memory_space<vmem>> -> memref<1x128xi32, #tpu.memory_space<vmem>>
            %dma_wait3A_339 = tpu.memref_squeeze %dma_wait3A_338 : memref<1x128xi32, #tpu.memory_space<vmem>> -> memref<128xi32, #tpu.memory_space<vmem>>
            %dma_wait3A_340 = arith.constant 0 : i32
            %dma_wait3A_341 = arith.constant 0 : i32
            %dma_wait3A_342 = tpu.memref_slice %arg12[%dma_wait3A_340, %dma_wait3A_341] : memref<10240x128xbf16, #tpu.memory_space<vmem_shared>> -> memref<10240x128xbf16, #tpu.memory_space<vmem_shared>>
            %dma_wait3A_343 = tpu.memref_slice %arg11[%dma_wait3A_332] : memref<5x!tpu.dma_semaphore, #tpu.memory_space<semaphore_mem>> -> memref<1x!tpu.dma_semaphore, #tpu.memory_space<semaphore_mem>>
            %dma_wait3A_344 = tpu.memref_squeeze %dma_wait3A_343 : memref<1x!tpu.dma_semaphore, #tpu.memory_space<semaphore_mem>> -> memref<!tpu.dma_semaphore, #tpu.memory_space<semaphore_mem>>
            tpu.wait_indirect_dma semaphore(%dma_wait3A_344 : memref<!tpu.dma_semaphore, #tpu.memory_space<semaphore_mem>>) src(%dma_wait3A_336 : memref<128x128xbf16, #tpu.memory_space<vmem>>) dst(%dma_wait3A_342 : memref<10240x128xbf16, #tpu.memory_space<vmem_shared>>)
          } else {
          }
          %dma_start3A_317 = arith.constant 2 : i32
          %dma_start3A_318 = arith.constant 2 : i32
          %dma_start3A_319 = arith.constant 0 : i32
          %dma_start3A_320 = arith.constant 0 : i32
          %dma_start3A_321 = tpu.memref_slice %arg9[%dma_start3A_317, %dma_start3A_319, %dma_start3A_320] : memref<5x128x128xbf16, #tpu.memory_space<vmem>> -> memref<1x128x128xbf16, #tpu.memory_space<vmem>>
          %dma_start3A_322 = tpu.memref_squeeze %dma_start3A_321 : memref<1x128x128xbf16, #tpu.memory_space<vmem>> -> memref<128x128xbf16, #tpu.memory_space<vmem>>
          %dma_start3A_323 = arith.constant 0 : i32
          %dma_start3A_324 = tpu.memref_slice %arg7[%add3A_132, %dma_start3A_323] : memref<130x128xi32, #tpu.memory_space<vmem>> -> memref<1x128xi32, #tpu.memory_space<vmem>>
          %dma_start3A_325 = tpu.memref_squeeze %dma_start3A_324 : memref<1x128xi32, #tpu.memory_space<vmem>> -> memref<128xi32, #tpu.memory_space<vmem>>
          %dma_start3A_326 = arith.constant 0 : i32
          %dma_start3A_327 = arith.constant 0 : i32
          %dma_start3A_328 = tpu.memref_slice %arg2[%dma_start3A_326, %dma_start3A_327] : memref<10000x128xbf16, #tpu.memory_space<hbm>> -> memref<10000x128xbf16, #tpu.memory_space<hbm>>
          %dma_start3A_329 = tpu.memref_slice %arg10[%dma_start3A_318] : memref<5x!tpu.dma_semaphore, #tpu.memory_space<semaphore_mem>> -> memref<1x!tpu.dma_semaphore, #tpu.memory_space<semaphore_mem>>
          %dma_start3A_330 = tpu.memref_squeeze %dma_start3A_329 : memref<1x!tpu.dma_semaphore, #tpu.memory_space<semaphore_mem>> -> memref<!tpu.dma_semaphore, #tpu.memory_space<semaphore_mem>>
          tpu.enqueue_indirect_dma source(%dma_start3A_328 : memref<10000x128xbf16, #tpu.memory_space<hbm>>) target(%dma_start3A_322 : memref<128x128xbf16, #tpu.memory_space<vmem>>) offsets(%dma_start3A_325 : memref<128xi32, #tpu.memory_space<vmem>>) semaphore(%dma_start3A_330 : memref<!tpu.dma_semaphore, #tpu.memory_space<semaphore_mem>>)
        } else {
        }
        %add3A_165 = arith.constant 1 : i32
        %add3A_166 = arith.addi %mul3A_129, %add3A_165 : i32
        %add3A_167 = arith.constant 2 : i32
        %add3A_168 = arith.addi %add3A_166, %add3A_167 : i32
        %dma_wait3A_169 = arith.constant 1 : i32
        %dma_wait3A_170 = arith.constant 1 : i32
        %dma_wait3A_171 = arith.constant 0 : i32
        %dma_wait3A_172 = arith.constant 0 : i32
        %dma_wait3A_173 = tpu.memref_slice %arg9[%dma_wait3A_169, %dma_wait3A_171, %dma_wait3A_172] : memref<5x128x128xbf16, #tpu.memory_space<vmem>> -> memref<1x128x128xbf16, #tpu.memory_space<vmem>>
        %dma_wait3A_174 = tpu.memref_squeeze %dma_wait3A_173 : memref<1x128x128xbf16, #tpu.memory_space<vmem>> -> memref<128x128xbf16, #tpu.memory_space<vmem>>
        %dma_wait3A_175 = arith.constant 0 : i32
        %dma_wait3A_176 = tpu.memref_slice %arg7[%add3A_166, %dma_wait3A_175] : memref<130x128xi32, #tpu.memory_space<vmem>> -> memref<1x128xi32, #tpu.memory_space<vmem>>
        %dma_wait3A_177 = tpu.memref_squeeze %dma_wait3A_176 : memref<1x128xi32, #tpu.memory_space<vmem>> -> memref<128xi32, #tpu.memory_space<vmem>>
        %dma_wait3A_178 = arith.constant 0 : i32
        %dma_wait3A_179 = arith.constant 0 : i32
        %dma_wait3A_180 = tpu.memref_slice %arg2[%dma_wait3A_178, %dma_wait3A_179] : memref<10000x128xbf16, #tpu.memory_space<hbm>> -> memref<10000x128xbf16, #tpu.memory_space<hbm>>
        %dma_wait3A_181 = tpu.memref_slice %arg10[%dma_wait3A_170] : memref<5x!tpu.dma_semaphore, #tpu.memory_space<semaphore_mem>> -> memref<1x!tpu.dma_semaphore, #tpu.memory_space<semaphore_mem>>
        %dma_wait3A_182 = tpu.memref_squeeze %dma_wait3A_181 : memref<1x!tpu.dma_semaphore, #tpu.memory_space<semaphore_mem>> -> memref<!tpu.dma_semaphore, #tpu.memory_space<semaphore_mem>>
        tpu.wait_indirect_dma semaphore(%dma_wait3A_182 : memref<!tpu.dma_semaphore, #tpu.memory_space<semaphore_mem>>) src(%dma_wait3A_180 : memref<10000x128xbf16, #tpu.memory_space<hbm>>) dst(%dma_wait3A_174 : memref<128x128xbf16, #tpu.memory_space<vmem>>)
        %dma_start3A_183 = arith.constant 1 : i32
        %dma_start3A_184 = arith.constant 1 : i32
        %dma_start3A_185 = arith.constant 0 : i32
        %dma_start3A_186 = arith.constant 0 : i32
        %dma_start3A_187 = tpu.memref_slice %arg9[%dma_start3A_183, %dma_start3A_185, %dma_start3A_186] : memref<5x128x128xbf16, #tpu.memory_space<vmem>> -> memref<1x128x128xbf16, #tpu.memory_space<vmem>>
        %dma_start3A_188 = tpu.memref_squeeze %dma_start3A_187 : memref<1x128x128xbf16, #tpu.memory_space<vmem>> -> memref<128x128xbf16, #tpu.memory_space<vmem>>
        %dma_start3A_189 = arith.constant 0 : i32
        %dma_start3A_190 = tpu.memref_slice %arg8[%add3A_166, %dma_start3A_189] : memref<130x128xi32, #tpu.memory_space<vmem>> -> memref<1x128xi32, #tpu.memory_space<vmem>>
        %dma_start3A_191 = tpu.memref_squeeze %dma_start3A_190 : memref<1x128xi32, #tpu.memory_space<vmem>> -> memref<128xi32, #tpu.memory_space<vmem>>
        %dma_start3A_192 = arith.constant 0 : i32
        %dma_start3A_193 = arith.constant 0 : i32
        %dma_start3A_194 = tpu.memref_slice %arg12[%dma_start3A_192, %dma_start3A_193] : memref<10240x128xbf16, #tpu.memory_space<vmem_shared>> -> memref<10240x128xbf16, #tpu.memory_space<vmem_shared>>
        %dma_start3A_195 = tpu.memref_slice %arg11[%dma_start3A_184] : memref<5x!tpu.dma_semaphore, #tpu.memory_space<semaphore_mem>> -> memref<1x!tpu.dma_semaphore, #tpu.memory_space<semaphore_mem>>
        %dma_start3A_196 = tpu.memref_squeeze %dma_start3A_195 : memref<1x!tpu.dma_semaphore, #tpu.memory_space<semaphore_mem>> -> memref<!tpu.dma_semaphore, #tpu.memory_space<semaphore_mem>>
        tpu.enqueue_indirect_dma source(%dma_start3A_188 : memref<128x128xbf16, #tpu.memory_space<vmem>>) target(%dma_start3A_194 : memref<10240x128xbf16, #tpu.memory_space<vmem_shared>>) offsets(%dma_start3A_191 : memref<128xi32, #tpu.memory_space<vmem>>) semaphore(%dma_start3A_196 : memref<!tpu.dma_semaphore, #tpu.memory_space<semaphore_mem>>) {add = true}
        %lt3A_197 = arith.constant 130 : i32
        %lt3A_198 = arith.cmpi slt, %add3A_168, %lt3A_197 : i32
        %convert_element_type3A_199 = arith.extui %lt3A_198 : i1 to i32
        %cond3A_200 = arith.constant 0 : i32
        %cond3A_201 = arith.cmpi ne, %convert_element_type3A_199, %cond3A_200 : i32
        scf.if %cond3A_201 {
          %ge3A = arith.constant 5 : i32
          %ge3A_313 = arith.cmpi sge, %add3A_168, %ge3A : i32
          %convert_element_type3A_314 = arith.extui %ge3A_313 : i1 to i32
          %cond3A_315 = arith.constant 0 : i32
          %cond3A_316 = arith.cmpi ne, %convert_element_type3A_314, %cond3A_315 : i32
          scf.if %cond3A_316 {
            %dma_wait3A_331 = arith.constant 3 : i32
            %dma_wait3A_332 = arith.constant 3 : i32
            %dma_wait3A_333 = arith.constant 0 : i32
            %dma_wait3A_334 = arith.constant 0 : i32
            %dma_wait3A_335 = tpu.memref_slice %arg9[%dma_wait3A_331, %dma_wait3A_333, %dma_wait3A_334] : memref<5x128x128xbf16, #tpu.memory_space<vmem>> -> memref<1x128x128xbf16, #tpu.memory_space<vmem>>
            %dma_wait3A_336 = tpu.memref_squeeze %dma_wait3A_335 : memref<1x128x128xbf16, #tpu.memory_space<vmem>> -> memref<128x128xbf16, #tpu.memory_space<vmem>>
            %dma_wait3A_337 = arith.constant 0 : i32
            %dma_wait3A_338 = tpu.memref_slice %arg8[%add3A_168, %dma_wait3A_337] : memref<130x128xi32, #tpu.memory_space<vmem>> -> memref<1x128xi32, #tpu.memory_space<vmem>>
            %dma_wait3A_339 = tpu.memref_squeeze %dma_wait3A_338 : memref<1x128xi32, #tpu.memory_space<vmem>> -> memref<128xi32, #tpu.memory_space<vmem>>
            %dma_wait3A_340 = arith.constant 0 : i32
            %dma_wait3A_341 = arith.constant 0 : i32
            %dma_wait3A_342 = tpu.memref_slice %arg12[%dma_wait3A_340, %dma_wait3A_341] : memref<10240x128xbf16, #tpu.memory_space<vmem_shared>> -> memref<10240x128xbf16, #tpu.memory_space<vmem_shared>>
            %dma_wait3A_343 = tpu.memref_slice %arg11[%dma_wait3A_332] : memref<5x!tpu.dma_semaphore, #tpu.memory_space<semaphore_mem>> -> memref<1x!tpu.dma_semaphore, #tpu.memory_space<semaphore_mem>>
            %dma_wait3A_344 = tpu.memref_squeeze %dma_wait3A_343 : memref<1x!tpu.dma_semaphore, #tpu.memory_space<semaphore_mem>> -> memref<!tpu.dma_semaphore, #tpu.memory_space<semaphore_mem>>
            tpu.wait_indirect_dma semaphore(%dma_wait3A_344 : memref<!tpu.dma_semaphore, #tpu.memory_space<semaphore_mem>>) src(%dma_wait3A_336 : memref<128x128xbf16, #tpu.memory_space<vmem>>) dst(%dma_wait3A_342 : memref<10240x128xbf16, #tpu.memory_space<vmem_shared>>)
          } else {
          }
          %dma_start3A_317 = arith.constant 3 : i32
          %dma_start3A_318 = arith.constant 3 : i32
          %dma_start3A_319 = arith.constant 0 : i32
          %dma_start3A_320 = arith.constant 0 : i32
          %dma_start3A_321 = tpu.memref_slice %arg9[%dma_start3A_317, %dma_start3A_319, %dma_start3A_320] : memref<5x128x128xbf16, #tpu.memory_space<vmem>> -> memref<1x128x128xbf16, #tpu.memory_space<vmem>>
          %dma_start3A_322 = tpu.memref_squeeze %dma_start3A_321 : memref<1x128x128xbf16, #tpu.memory_space<vmem>> -> memref<128x128xbf16, #tpu.memory_space<vmem>>
          %dma_start3A_323 = arith.constant 0 : i32
          %dma_start3A_324 = tpu.memref_slice %arg7[%add3A_168, %dma_start3A_323] : memref<130x128xi32, #tpu.memory_space<vmem>> -> memref<1x128xi32, #tpu.memory_space<vmem>>
          %dma_start3A_325 = tpu.memref_squeeze %dma_start3A_324 : memref<1x128xi32, #tpu.memory_space<vmem>> -> memref<128xi32, #tpu.memory_space<vmem>>
          %dma_start3A_326 = arith.constant 0 : i32
          %dma_start3A_327 = arith.constant 0 : i32
          %dma_start3A_328 = tpu.memref_slice %arg2[%dma_start3A_326, %dma_start3A_327] : memref<10000x128xbf16, #tpu.memory_space<hbm>> -> memref<10000x128xbf16, #tpu.memory_space<hbm>>
          %dma_start3A_329 = tpu.memref_slice %arg10[%dma_start3A_318] : memref<5x!tpu.dma_semaphore, #tpu.memory_space<semaphore_mem>> -> memref<1x!tpu.dma_semaphore, #tpu.memory_space<semaphore_mem>>
          %dma_start3A_330 = tpu.memref_squeeze %dma_start3A_329 : memref<1x!tpu.dma_semaphore, #tpu.memory_space<semaphore_mem>> -> memref<!tpu.dma_semaphore, #tpu.memory_space<semaphore_mem>>
          tpu.enqueue_indirect_dma source(%dma_start3A_328 : memref<10000x128xbf16, #tpu.memory_space<hbm>>) target(%dma_start3A_322 : memref<128x128xbf16, #tpu.memory_space<vmem>>) offsets(%dma_start3A_325 : memref<128xi32, #tpu.memory_space<vmem>>) semaphore(%dma_start3A_330 : memref<!tpu.dma_semaphore, #tpu.memory_space<semaphore_mem>>)
        } else {
        }
        %add3A_202 = arith.constant 2 : i32
        %add3A_203 = arith.addi %mul3A_129, %add3A_202 : i32
        %add3A_204 = arith.constant 2 : i32
        %add3A_205 = arith.addi %add3A_203, %add3A_204 : i32
        %dma_wait3A_206 = arith.constant 2 : i32
        %dma_wait3A_207 = arith.constant 2 : i32
        %dma_wait3A_208 = arith.constant 0 : i32
        %dma_wait3A_209 = arith.constant 0 : i32
        %dma_wait3A_210 = tpu.memref_slice %arg9[%dma_wait3A_206, %dma_wait3A_208, %dma_wait3A_209] : memref<5x128x128xbf16, #tpu.memory_space<vmem>> -> memref<1x128x128xbf16, #tpu.memory_space<vmem>>
        %dma_wait3A_211 = tpu.memref_squeeze %dma_wait3A_210 : memref<1x128x128xbf16, #tpu.memory_space<vmem>> -> memref<128x128xbf16, #tpu.memory_space<vmem>>
        %dma_wait3A_212 = arith.constant 0 : i32
        %dma_wait3A_213 = tpu.memref_slice %arg7[%add3A_203, %dma_wait3A_212] : memref<130x128xi32, #tpu.memory_space<vmem>> -> memref<1x128xi32, #tpu.memory_space<vmem>>
        %dma_wait3A_214 = tpu.memref_squeeze %dma_wait3A_213 : memref<1x128xi32, #tpu.memory_space<vmem>> -> memref<128xi32, #tpu.memory_space<vmem>>
        %dma_wait3A_215 = arith.constant 0 : i32
        %dma_wait3A_216 = arith.constant 0 : i32
        %dma_wait3A_217 = tpu.memref_slice %arg2[%dma_wait3A_215, %dma_wait3A_216] : memref<10000x128xbf16, #tpu.memory_space<hbm>> -> memref<10000x128xbf16, #tpu.memory_space<hbm>>
        %dma_wait3A_218 = tpu.memref_slice %arg10[%dma_wait3A_207] : memref<5x!tpu.dma_semaphore, #tpu.memory_space<semaphore_mem>> -> memref<1x!tpu.dma_semaphore, #tpu.memory_space<semaphore_mem>>
        %dma_wait3A_219 = tpu.memref_squeeze %dma_wait3A_218 : memref<1x!tpu.dma_semaphore, #tpu.memory_space<semaphore_mem>> -> memref<!tpu.dma_semaphore, #tpu.memory_space<semaphore_mem>>
        tpu.wait_indirect_dma semaphore(%dma_wait3A_219 : memref<!tpu.dma_semaphore, #tpu.memory_space<semaphore_mem>>) src(%dma_wait3A_217 : memref<10000x128xbf16, #tpu.memory_space<hbm>>) dst(%dma_wait3A_211 : memref<128x128xbf16, #tpu.memory_space<vmem>>)
        %dma_start3A_220 = arith.constant 2 : i32
        %dma_start3A_221 = arith.constant 2 : i32
        %dma_start3A_222 = arith.constant 0 : i32
        %dma_start3A_223 = arith.constant 0 : i32
        %dma_start3A_224 = tpu.memref_slice %arg9[%dma_start3A_220, %dma_start3A_222, %dma_start3A_223] : memref<5x128x128xbf16, #tpu.memory_space<vmem>> -> memref<1x128x128xbf16, #tpu.memory_space<vmem>>
        %dma_start3A_225 = tpu.memref_squeeze %dma_start3A_224 : memref<1x128x128xbf16, #tpu.memory_space<vmem>> -> memref<128x128xbf16, #tpu.memory_space<vmem>>
        %dma_start3A_226 = arith.constant 0 : i32
        %dma_start3A_227 = tpu.memref_slice %arg8[%add3A_203, %dma_start3A_226] : memref<130x128xi32, #tpu.memory_space<vmem>> -> memref<1x128xi32, #tpu.memory_space<vmem>>
        %dma_start3A_228 = tpu.memref_squeeze %dma_start3A_227 : memref<1x128xi32, #tpu.memory_space<vmem>> -> memref<128xi32, #tpu.memory_space<vmem>>
        %dma_start3A_229 = arith.constant 0 : i32
        %dma_start3A_230 = arith.constant 0 : i32
        %dma_start3A_231 = tpu.memref_slice %arg12[%dma_start3A_229, %dma_start3A_230] : memref<10240x128xbf16, #tpu.memory_space<vmem_shared>> -> memref<10240x128xbf16, #tpu.memory_space<vmem_shared>>
        %dma_start3A_232 = tpu.memref_slice %arg11[%dma_start3A_221] : memref<5x!tpu.dma_semaphore, #tpu.memory_space<semaphore_mem>> -> memref<1x!tpu.dma_semaphore, #tpu.memory_space<semaphore_mem>>
        %dma_start3A_233 = tpu.memref_squeeze %dma_start3A_232 : memref<1x!tpu.dma_semaphore, #tpu.memory_space<semaphore_mem>> -> memref<!tpu.dma_semaphore, #tpu.memory_space<semaphore_mem>>
        tpu.enqueue_indirect_dma source(%dma_start3A_225 : memref<128x128xbf16, #tpu.memory_space<vmem>>) target(%dma_start3A_231 : memref<10240x128xbf16, #tpu.memory_space<vmem_shared>>) offsets(%dma_start3A_228 : memref<128xi32, #tpu.memory_space<vmem>>) semaphore(%dma_start3A_233 : memref<!tpu.dma_semaphore, #tpu.memory_space<semaphore_mem>>) {add = true}
        %lt3A_234 = arith.constant 130 : i32
        %lt3A_235 = arith.cmpi slt, %add3A_205, %lt3A_234 : i32
        %convert_element_type3A_236 = arith.extui %lt3A_235 : i1 to i32
        %cond3A_237 = arith.constant 0 : i32
        %cond3A_238 = arith.cmpi ne, %convert_element_type3A_236, %cond3A_237 : i32
        scf.if %cond3A_238 {
          %ge3A = arith.constant 5 : i32
          %ge3A_313 = arith.cmpi sge, %add3A_205, %ge3A : i32
          %convert_element_type3A_314 = arith.extui %ge3A_313 : i1 to i32
          %cond3A_315 = arith.constant 0 : i32
          %cond3A_316 = arith.cmpi ne, %convert_element_type3A_314, %cond3A_315 : i32
          scf.if %cond3A_316 {
            %dma_wait3A_331 = arith.constant 4 : i32
            %dma_wait3A_332 = arith.constant 4 : i32
            %dma_wait3A_333 = arith.constant 0 : i32
            %dma_wait3A_334 = arith.constant 0 : i32
            %dma_wait3A_335 = tpu.memref_slice %arg9[%dma_wait3A_331, %dma_wait3A_333, %dma_wait3A_334] : memref<5x128x128xbf16, #tpu.memory_space<vmem>> -> memref<1x128x128xbf16, #tpu.memory_space<vmem>>
            %dma_wait3A_336 = tpu.memref_squeeze %dma_wait3A_335 : memref<1x128x128xbf16, #tpu.memory_space<vmem>> -> memref<128x128xbf16, #tpu.memory_space<vmem>>
            %dma_wait3A_337 = arith.constant 0 : i32
            %dma_wait3A_338 = tpu.memref_slice %arg8[%add3A_205, %dma_wait3A_337] : memref<130x128xi32, #tpu.memory_space<vmem>> -> memref<1x128xi32, #tpu.memory_space<vmem>>
            %dma_wait3A_339 = tpu.memref_squeeze %dma_wait3A_338 : memref<1x128xi32, #tpu.memory_space<vmem>> -> memref<128xi32, #tpu.memory_space<vmem>>
            %dma_wait3A_340 = arith.constant 0 : i32
            %dma_wait3A_341 = arith.constant 0 : i32
            %dma_wait3A_342 = tpu.memref_slice %arg12[%dma_wait3A_340, %dma_wait3A_341] : memref<10240x128xbf16, #tpu.memory_space<vmem_shared>> -> memref<10240x128xbf16, #tpu.memory_space<vmem_shared>>
            %dma_wait3A_343 = tpu.memref_slice %arg11[%dma_wait3A_332] : memref<5x!tpu.dma_semaphore, #tpu.memory_space<semaphore_mem>> -> memref<1x!tpu.dma_semaphore, #tpu.memory_space<semaphore_mem>>
            %dma_wait3A_344 = tpu.memref_squeeze %dma_wait3A_343 : memref<1x!tpu.dma_semaphore, #tpu.memory_space<semaphore_mem>> -> memref<!tpu.dma_semaphore, #tpu.memory_space<semaphore_mem>>
            tpu.wait_indirect_dma semaphore(%dma_wait3A_344 : memref<!tpu.dma_semaphore, #tpu.memory_space<semaphore_mem>>) src(%dma_wait3A_336 : memref<128x128xbf16, #tpu.memory_space<vmem>>) dst(%dma_wait3A_342 : memref<10240x128xbf16, #tpu.memory_space<vmem_shared>>)
          } else {
          }
          %dma_start3A_317 = arith.constant 4 : i32
          %dma_start3A_318 = arith.constant 4 : i32
          %dma_start3A_319 = arith.constant 0 : i32
          %dma_start3A_320 = arith.constant 0 : i32
          %dma_start3A_321 = tpu.memref_slice %arg9[%dma_start3A_317, %dma_start3A_319, %dma_start3A_320] : memref<5x128x128xbf16, #tpu.memory_space<vmem>> -> memref<1x128x128xbf16, #tpu.memory_space<vmem>>
          %dma_start3A_322 = tpu.memref_squeeze %dma_start3A_321 : memref<1x128x128xbf16, #tpu.memory_space<vmem>> -> memref<128x128xbf16, #tpu.memory_space<vmem>>
          %dma_start3A_323 = arith.constant 0 : i32
          %dma_start3A_324 = tpu.memref_slice %arg7[%add3A_205, %dma_start3A_323] : memref<130x128xi32, #tpu.memory_space<vmem>> -> memref<1x128xi32, #tpu.memory_space<vmem>>
          %dma_start3A_325 = tpu.memref_squeeze %dma_start3A_324 : memref<1x128xi32, #tpu.memory_space<vmem>> -> memref<128xi32, #tpu.memory_space<vmem>>
          %dma_start3A_326 = arith.constant 0 : i32
          %dma_start3A_327 = arith.constant 0 : i32
          %dma_start3A_328 = tpu.memref_slice %arg2[%dma_start3A_326, %dma_start3A_327] : memref<10000x128xbf16, #tpu.memory_space<hbm>> -> memref<10000x128xbf16, #tpu.memory_space<hbm>>
          %dma_start3A_329 = tpu.memref_slice %arg10[%dma_start3A_318] : memref<5x!tpu.dma_semaphore, #tpu.memory_space<semaphore_mem>> -> memref<1x!tpu.dma_semaphore, #tpu.memory_space<semaphore_mem>>
          %dma_start3A_330 = tpu.memref_squeeze %dma_start3A_329 : memref<1x!tpu.dma_semaphore, #tpu.memory_space<semaphore_mem>> -> memref<!tpu.dma_semaphore, #tpu.memory_space<semaphore_mem>>
          tpu.enqueue_indirect_dma source(%dma_start3A_328 : memref<10000x128xbf16, #tpu.memory_space<hbm>>) target(%dma_start3A_322 : memref<128x128xbf16, #tpu.memory_space<vmem>>) offsets(%dma_start3A_325 : memref<128xi32, #tpu.memory_space<vmem>>) semaphore(%dma_start3A_330 : memref<!tpu.dma_semaphore, #tpu.memory_space<semaphore_mem>>)
        } else {
        }
        %add3A_239 = arith.constant 3 : i32
        %add3A_240 = arith.addi %mul3A_129, %add3A_239 : i32
        %add3A_241 = arith.constant 2 : i32
        %add3A_242 = arith.addi %add3A_240, %add3A_241 : i32
        %dma_wait3A_243 = arith.constant 3 : i32
        %dma_wait3A_244 = arith.constant 3 : i32
        %dma_wait3A_245 = arith.constant 0 : i32
        %dma_wait3A_246 = arith.constant 0 : i32
        %dma_wait3A_247 = tpu.memref_slice %arg9[%dma_wait3A_243, %dma_wait3A_245, %dma_wait3A_246] : memref<5x128x128xbf16, #tpu.memory_space<vmem>> -> memref<1x128x128xbf16, #tpu.memory_space<vmem>>
        %dma_wait3A_248 = tpu.memref_squeeze %dma_wait3A_247 : memref<1x128x128xbf16, #tpu.memory_space<vmem>> -> memref<128x128xbf16, #tpu.memory_space<vmem>>
        %dma_wait3A_249 = arith.constant 0 : i32
        %dma_wait3A_250 = tpu.memref_slice %arg7[%add3A_240, %dma_wait3A_249] : memref<130x128xi32, #tpu.memory_space<vmem>> -> memref<1x128xi32, #tpu.memory_space<vmem>>
        %dma_wait3A_251 = tpu.memref_squeeze %dma_wait3A_250 : memref<1x128xi32, #tpu.memory_space<vmem>> -> memref<128xi32, #tpu.memory_space<vmem>>
        %dma_wait3A_252 = arith.constant 0 : i32
        %dma_wait3A_253 = arith.constant 0 : i32
        %dma_wait3A_254 = tpu.memref_slice %arg2[%dma_wait3A_252, %dma_wait3A_253] : memref<10000x128xbf16, #tpu.memory_space<hbm>> -> memref<10000x128xbf16, #tpu.memory_space<hbm>>
        %dma_wait3A_255 = tpu.memref_slice %arg10[%dma_wait3A_244] : memref<5x!tpu.dma_semaphore, #tpu.memory_space<semaphore_mem>> -> memref<1x!tpu.dma_semaphore, #tpu.memory_space<semaphore_mem>>
        %dma_wait3A_256 = tpu.memref_squeeze %dma_wait3A_255 : memref<1x!tpu.dma_semaphore, #tpu.memory_space<semaphore_mem>> -> memref<!tpu.dma_semaphore, #tpu.memory_space<semaphore_mem>>
        tpu.wait_indirect_dma semaphore(%dma_wait3A_256 : memref<!tpu.dma_semaphore, #tpu.memory_space<semaphore_mem>>) src(%dma_wait3A_254 : memref<10000x128xbf16, #tpu.memory_space<hbm>>) dst(%dma_wait3A_248 : memref<128x128xbf16, #tpu.memory_space<vmem>>)
        %dma_start3A_257 = arith.constant 3 : i32
        %dma_start3A_258 = arith.constant 3 : i32
        %dma_start3A_259 = arith.constant 0 : i32
        %dma_start3A_260 = arith.constant 0 : i32
        %dma_start3A_261 = tpu.memref_slice %arg9[%dma_start3A_257, %dma_start3A_259, %dma_start3A_260] : memref<5x128x128xbf16, #tpu.memory_space<vmem>> -> memref<1x128x128xbf16, #tpu.memory_space<vmem>>
        %dma_start3A_262 = tpu.memref_squeeze %dma_start3A_261 : memref<1x128x128xbf16, #tpu.memory_space<vmem>> -> memref<128x128xbf16, #tpu.memory_space<vmem>>
        %dma_start3A_263 = arith.constant 0 : i32
        %dma_start3A_264 = tpu.memref_slice %arg8[%add3A_240, %dma_start3A_263] : memref<130x128xi32, #tpu.memory_space<vmem>> -> memref<1x128xi32, #tpu.memory_space<vmem>>
        %dma_start3A_265 = tpu.memref_squeeze %dma_start3A_264 : memref<1x128xi32, #tpu.memory_space<vmem>> -> memref<128xi32, #tpu.memory_space<vmem>>
        %dma_start3A_266 = arith.constant 0 : i32
        %dma_start3A_267 = arith.constant 0 : i32
        %dma_start3A_268 = tpu.memref_slice %arg12[%dma_start3A_266, %dma_start3A_267] : memref<10240x128xbf16, #tpu.memory_space<vmem_shared>> -> memref<10240x128xbf16, #tpu.memory_space<vmem_shared>>
        %dma_start3A_269 = tpu.memref_slice %arg11[%dma_start3A_258] : memref<5x!tpu.dma_semaphore, #tpu.memory_space<semaphore_mem>> -> memref<1x!tpu.dma_semaphore, #tpu.memory_space<semaphore_mem>>
        %dma_start3A_270 = tpu.memref_squeeze %dma_start3A_269 : memref<1x!tpu.dma_semaphore, #tpu.memory_space<semaphore_mem>> -> memref<!tpu.dma_semaphore, #tpu.memory_space<semaphore_mem>>
        tpu.enqueue_indirect_dma source(%dma_start3A_262 : memref<128x128xbf16, #tpu.memory_space<vmem>>) target(%dma_start3A_268 : memref<10240x128xbf16, #tpu.memory_space<vmem_shared>>) offsets(%dma_start3A_265 : memref<128xi32, #tpu.memory_space<vmem>>) semaphore(%dma_start3A_270 : memref<!tpu.dma_semaphore, #tpu.memory_space<semaphore_mem>>) {add = true}
        %lt3A_271 = arith.constant 130 : i32
        %lt3A_272 = arith.cmpi slt, %add3A_242, %lt3A_271 : i32
        %convert_element_type3A_273 = arith.extui %lt3A_272 : i1 to i32
        %cond3A_274 = arith.constant 0 : i32
        %cond3A_275 = arith.cmpi ne, %convert_element_type3A_273, %cond3A_274 : i32
        scf.if %cond3A_275 {
          %ge3A = arith.constant 5 : i32
          %ge3A_313 = arith.cmpi sge, %add3A_242, %ge3A : i32
          %convert_element_type3A_314 = arith.extui %ge3A_313 : i1 to i32
          %cond3A_315 = arith.constant 0 : i32
          %cond3A_316 = arith.cmpi ne, %convert_element_type3A_314, %cond3A_315 : i32
          scf.if %cond3A_316 {
            %dma_wait3A_331 = arith.constant 0 : i32
            %dma_wait3A_332 = arith.constant 0 : i32
            %dma_wait3A_333 = arith.constant 0 : i32
            %dma_wait3A_334 = arith.constant 0 : i32
            %dma_wait3A_335 = tpu.memref_slice %arg9[%dma_wait3A_331, %dma_wait3A_333, %dma_wait3A_334] : memref<5x128x128xbf16, #tpu.memory_space<vmem>> -> memref<1x128x128xbf16, #tpu.memory_space<vmem>>
            %dma_wait3A_336 = tpu.memref_squeeze %dma_wait3A_335 : memref<1x128x128xbf16, #tpu.memory_space<vmem>> -> memref<128x128xbf16, #tpu.memory_space<vmem>>
            %dma_wait3A_337 = arith.constant 0 : i32
            %dma_wait3A_338 = tpu.memref_slice %arg8[%add3A_242, %dma_wait3A_337] : memref<130x128xi32, #tpu.memory_space<vmem>> -> memref<1x128xi32, #tpu.memory_space<vmem>>
            %dma_wait3A_339 = tpu.memref_squeeze %dma_wait3A_338 : memref<1x128xi32, #tpu.memory_space<vmem>> -> memref<128xi32, #tpu.memory_space<vmem>>
            %dma_wait3A_340 = arith.constant 0 : i32
            %dma_wait3A_341 = arith.constant 0 : i32
            %dma_wait3A_342 = tpu.memref_slice %arg12[%dma_wait3A_340, %dma_wait3A_341] : memref<10240x128xbf16, #tpu.memory_space<vmem_shared>> -> memref<10240x128xbf16, #tpu.memory_space<vmem_shared>>
            %dma_wait3A_343 = tpu.memref_slice %arg11[%dma_wait3A_332] : memref<5x!tpu.dma_semaphore, #tpu.memory_space<semaphore_mem>> -> memref<1x!tpu.dma_semaphore, #tpu.memory_space<semaphore_mem>>
            %dma_wait3A_344 = tpu.memref_squeeze %dma_wait3A_343 : memref<1x!tpu.dma_semaphore, #tpu.memory_space<semaphore_mem>> -> memref<!tpu.dma_semaphore, #tpu.memory_space<semaphore_mem>>
            tpu.wait_indirect_dma semaphore(%dma_wait3A_344 : memref<!tpu.dma_semaphore, #tpu.memory_space<semaphore_mem>>) src(%dma_wait3A_336 : memref<128x128xbf16, #tpu.memory_space<vmem>>) dst(%dma_wait3A_342 : memref<10240x128xbf16, #tpu.memory_space<vmem_shared>>)
          } else {
          }
          %dma_start3A_317 = arith.constant 0 : i32
          %dma_start3A_318 = arith.constant 0 : i32
          %dma_start3A_319 = arith.constant 0 : i32
          %dma_start3A_320 = arith.constant 0 : i32
          %dma_start3A_321 = tpu.memref_slice %arg9[%dma_start3A_317, %dma_start3A_319, %dma_start3A_320] : memref<5x128x128xbf16, #tpu.memory_space<vmem>> -> memref<1x128x128xbf16, #tpu.memory_space<vmem>>
          %dma_start3A_322 = tpu.memref_squeeze %dma_start3A_321 : memref<1x128x128xbf16, #tpu.memory_space<vmem>> -> memref<128x128xbf16, #tpu.memory_space<vmem>>
          %dma_start3A_323 = arith.constant 0 : i32
          %dma_start3A_324 = tpu.memref_slice %arg7[%add3A_242, %dma_start3A_323] : memref<130x128xi32, #tpu.memory_space<vmem>> -> memref<1x128xi32, #tpu.memory_space<vmem>>
          %dma_start3A_325 = tpu.memref_squeeze %dma_start3A_324 : memref<1x128xi32, #tpu.memory_space<vmem>> -> memref<128xi32, #tpu.memory_space<vmem>>
          %dma_start3A_326 = arith.constant 0 : i32
          %dma_start3A_327 = arith.constant 0 : i32
          %dma_start3A_328 = tpu.memref_slice %arg2[%dma_start3A_326, %dma_start3A_327] : memref<10000x128xbf16, #tpu.memory_space<hbm>> -> memref<10000x128xbf16, #tpu.memory_space<hbm>>
          %dma_start3A_329 = tpu.memref_slice %arg10[%dma_start3A_318] : memref<5x!tpu.dma_semaphore, #tpu.memory_space<semaphore_mem>> -> memref<1x!tpu.dma_semaphore, #tpu.memory_space<semaphore_mem>>
          %dma_start3A_330 = tpu.memref_squeeze %dma_start3A_329 : memref<1x!tpu.dma_semaphore, #tpu.memory_space<semaphore_mem>> -> memref<!tpu.dma_semaphore, #tpu.memory_space<semaphore_mem>>
          tpu.enqueue_indirect_dma source(%dma_start3A_328 : memref<10000x128xbf16, #tpu.memory_space<hbm>>) target(%dma_start3A_322 : memref<128x128xbf16, #tpu.memory_space<vmem>>) offsets(%dma_start3A_325 : memref<128xi32, #tpu.memory_space<vmem>>) semaphore(%dma_start3A_330 : memref<!tpu.dma_semaphore, #tpu.memory_space<semaphore_mem>>)
        } else {
        }
        %add3A_276 = arith.constant 4 : i32
        %add3A_277 = arith.addi %mul3A_129, %add3A_276 : i32
        %add3A_278 = arith.constant 2 : i32
        %add3A_279 = arith.addi %add3A_277, %add3A_278 : i32
        %dma_wait3A_280 = arith.constant 4 : i32
        %dma_wait3A_281 = arith.constant 4 : i32
        %dma_wait3A_282 = arith.constant 0 : i32
        %dma_wait3A_283 = arith.constant 0 : i32
        %dma_wait3A_284 = tpu.memref_slice %arg9[%dma_wait3A_280, %dma_wait3A_282, %dma_wait3A_283] : memref<5x128x128xbf16, #tpu.memory_space<vmem>> -> memref<1x128x128xbf16, #tpu.memory_space<vmem>>
        %dma_wait3A_285 = tpu.memref_squeeze %dma_wait3A_284 : memref<1x128x128xbf16, #tpu.memory_space<vmem>> -> memref<128x128xbf16, #tpu.memory_space<vmem>>
        %dma_wait3A_286 = arith.constant 0 : i32
        %dma_wait3A_287 = tpu.memref_slice %arg7[%add3A_277, %dma_wait3A_286] : memref<130x128xi32, #tpu.memory_space<vmem>> -> memref<1x128xi32, #tpu.memory_space<vmem>>
        %dma_wait3A_288 = tpu.memref_squeeze %dma_wait3A_287 : memref<1x128xi32, #tpu.memory_space<vmem>> -> memref<128xi32, #tpu.memory_space<vmem>>
        %dma_wait3A_289 = arith.constant 0 : i32
        %dma_wait3A_290 = arith.constant 0 : i32
        %dma_wait3A_291 = tpu.memref_slice %arg2[%dma_wait3A_289, %dma_wait3A_290] : memref<10000x128xbf16, #tpu.memory_space<hbm>> -> memref<10000x128xbf16, #tpu.memory_space<hbm>>
        %dma_wait3A_292 = tpu.memref_slice %arg10[%dma_wait3A_281] : memref<5x!tpu.dma_semaphore, #tpu.memory_space<semaphore_mem>> -> memref<1x!tpu.dma_semaphore, #tpu.memory_space<semaphore_mem>>
        %dma_wait3A_293 = tpu.memref_squeeze %dma_wait3A_292 : memref<1x!tpu.dma_semaphore, #tpu.memory_space<semaphore_mem>> -> memref<!tpu.dma_semaphore, #tpu.memory_space<semaphore_mem>>
        tpu.wait_indirect_dma semaphore(%dma_wait3A_293 : memref<!tpu.dma_semaphore, #tpu.memory_space<semaphore_mem>>) src(%dma_wait3A_291 : memref<10000x128xbf16, #tpu.memory_space<hbm>>) dst(%dma_wait3A_285 : memref<128x128xbf16, #tpu.memory_space<vmem>>)
        %dma_start3A_294 = arith.constant 4 : i32
        %dma_start3A_295 = arith.constant 4 : i32
        %dma_start3A_296 = arith.constant 0 : i32
        %dma_start3A_297 = arith.constant 0 : i32
        %dma_start3A_298 = tpu.memref_slice %arg9[%dma_start3A_294, %dma_start3A_296, %dma_start3A_297] : memref<5x128x128xbf16, #tpu.memory_space<vmem>> -> memref<1x128x128xbf16, #tpu.memory_space<vmem>>
        %dma_start3A_299 = tpu.memref_squeeze %dma_start3A_298 : memref<1x128x128xbf16, #tpu.memory_space<vmem>> -> memref<128x128xbf16, #tpu.memory_space<vmem>>
        %dma_start3A_300 = arith.constant 0 : i32
        %dma_start3A_301 = tpu.memref_slice %arg8[%add3A_277, %dma_start3A_300] : memref<130x128xi32, #tpu.memory_space<vmem>> -> memref<1x128xi32, #tpu.memory_space<vmem>>
        %dma_start3A_302 = tpu.memref_squeeze %dma_start3A_301 : memref<1x128xi32, #tpu.memory_space<vmem>> -> memref<128xi32, #tpu.memory_space<vmem>>
        %dma_start3A_303 = arith.constant 0 : i32
        %dma_start3A_304 = arith.constant 0 : i32
        %dma_start3A_305 = tpu.memref_slice %arg12[%dma_start3A_303, %dma_start3A_304] : memref<10240x128xbf16, #tpu.memory_space<vmem_shared>> -> memref<10240x128xbf16, #tpu.memory_space<vmem_shared>>
        %dma_start3A_306 = tpu.memref_slice %arg11[%dma_start3A_295] : memref<5x!tpu.dma_semaphore, #tpu.memory_space<semaphore_mem>> -> memref<1x!tpu.dma_semaphore, #tpu.memory_space<semaphore_mem>>
        %dma_start3A_307 = tpu.memref_squeeze %dma_start3A_306 : memref<1x!tpu.dma_semaphore, #tpu.memory_space<semaphore_mem>> -> memref<!tpu.dma_semaphore, #tpu.memory_space<semaphore_mem>>
        tpu.enqueue_indirect_dma source(%dma_start3A_299 : memref<128x128xbf16, #tpu.memory_space<vmem>>) target(%dma_start3A_305 : memref<10240x128xbf16, #tpu.memory_space<vmem_shared>>) offsets(%dma_start3A_302 : memref<128xi32, #tpu.memory_space<vmem>>) semaphore(%dma_start3A_307 : memref<!tpu.dma_semaphore, #tpu.memory_space<semaphore_mem>>) {add = true}
        %lt3A_308 = arith.constant 130 : i32
        %lt3A_309 = arith.cmpi slt, %add3A_279, %lt3A_308 : i32
        %convert_element_type3A_310 = arith.extui %lt3A_309 : i1 to i32
        %cond3A_311 = arith.constant 0 : i32
        %cond3A_312 = arith.cmpi ne, %convert_element_type3A_310, %cond3A_311 : i32
        scf.if %cond3A_312 {
          %ge3A = arith.constant 5 : i32
          %ge3A_313 = arith.cmpi sge, %add3A_279, %ge3A : i32
          %convert_element_type3A_314 = arith.extui %ge3A_313 : i1 to i32
          %cond3A_315 = arith.constant 0 : i32
          %cond3A_316 = arith.cmpi ne, %convert_element_type3A_314, %cond3A_315 : i32
          scf.if %cond3A_316 {
            %dma_wait3A_331 = arith.constant 1 : i32
            %dma_wait3A_332 = arith.constant 1 : i32
            %dma_wait3A_333 = arith.constant 0 : i32
            %dma_wait3A_334 = arith.constant 0 : i32
            %dma_wait3A_335 = tpu.memref_slice %arg9[%dma_wait3A_331, %dma_wait3A_333, %dma_wait3A_334] : memref<5x128x128xbf16, #tpu.memory_space<vmem>> -> memref<1x128x128xbf16, #tpu.memory_space<vmem>>
            %dma_wait3A_336 = tpu.memref_squeeze %dma_wait3A_335 : memref<1x128x128xbf16, #tpu.memory_space<vmem>> -> memref<128x128xbf16, #tpu.memory_space<vmem>>
            %dma_wait3A_337 = arith.constant 0 : i32
            %dma_wait3A_338 = tpu.memref_slice %arg8[%add3A_279, %dma_wait3A_337] : memref<130x128xi32, #tpu.memory_space<vmem>> -> memref<1x128xi32, #tpu.memory_space<vmem>>
            %dma_wait3A_339 = tpu.memref_squeeze %dma_wait3A_338 : memref<1x128xi32, #tpu.memory_space<vmem>> -> memref<128xi32, #tpu.memory_space<vmem>>
            %dma_wait3A_340 = arith.constant 0 : i32
            %dma_wait3A_341 = arith.constant 0 : i32
            %dma_wait3A_342 = tpu.memref_slice %arg12[%dma_wait3A_340, %dma_wait3A_341] : memref<10240x128xbf16, #tpu.memory_space<vmem_shared>> -> memref<10240x128xbf16, #tpu.memory_space<vmem_shared>>
            %dma_wait3A_343 = tpu.memref_slice %arg11[%dma_wait3A_332] : memref<5x!tpu.dma_semaphore, #tpu.memory_space<semaphore_mem>> -> memref<1x!tpu.dma_semaphore, #tpu.memory_space<semaphore_mem>>
            %dma_wait3A_344 = tpu.memref_squeeze %dma_wait3A_343 : memref<1x!tpu.dma_semaphore, #tpu.memory_space<semaphore_mem>> -> memref<!tpu.dma_semaphore, #tpu.memory_space<semaphore_mem>>
            tpu.wait_indirect_dma semaphore(%dma_wait3A_344 : memref<!tpu.dma_semaphore, #tpu.memory_space<semaphore_mem>>) src(%dma_wait3A_336 : memref<128x128xbf16, #tpu.memory_space<vmem>>) dst(%dma_wait3A_342 : memref<10240x128xbf16, #tpu.memory_space<vmem_shared>>)
          } else {
          }
          %dma_start3A_317 = arith.constant 1 : i32
          %dma_start3A_318 = arith.constant 1 : i32
          %dma_start3A_319 = arith.constant 0 : i32
          %dma_start3A_320 = arith.constant 0 : i32
          %dma_start3A_321 = tpu.memref_slice %arg9[%dma_start3A_317, %dma_start3A_319, %dma_start3A_320] : memref<5x128x128xbf16, #tpu.memory_space<vmem>> -> memref<1x128x128xbf16, #tpu.memory_space<vmem>>
          %dma_start3A_322 = tpu.memref_squeeze %dma_start3A_321 : memref<1x128x128xbf16, #tpu.memory_space<vmem>> -> memref<128x128xbf16, #tpu.memory_space<vmem>>
          %dma_start3A_323 = arith.constant 0 : i32
          %dma_start3A_324 = tpu.memref_slice %arg7[%add3A_279, %dma_start3A_323] : memref<130x128xi32, #tpu.memory_space<vmem>> -> memref<1x128xi32, #tpu.memory_space<vmem>>
          %dma_start3A_325 = tpu.memref_squeeze %dma_start3A_324 : memref<1x128xi32, #tpu.memory_space<vmem>> -> memref<128xi32, #tpu.memory_space<vmem>>
          %dma_start3A_326 = arith.constant 0 : i32
          %dma_start3A_327 = arith.constant 0 : i32
          %dma_start3A_328 = tpu.memref_slice %arg2[%dma_start3A_326, %dma_start3A_327] : memref<10000x128xbf16, #tpu.memory_space<hbm>> -> memref<10000x128xbf16, #tpu.memory_space<hbm>>
          %dma_start3A_329 = tpu.memref_slice %arg10[%dma_start3A_318] : memref<5x!tpu.dma_semaphore, #tpu.memory_space<semaphore_mem>> -> memref<1x!tpu.dma_semaphore, #tpu.memory_space<semaphore_mem>>
          %dma_start3A_330 = tpu.memref_squeeze %dma_start3A_329 : memref<1x!tpu.dma_semaphore, #tpu.memory_space<semaphore_mem>> -> memref<!tpu.dma_semaphore, #tpu.memory_space<semaphore_mem>>
          tpu.enqueue_indirect_dma source(%dma_start3A_328 : memref<10000x128xbf16, #tpu.memory_space<hbm>>) target(%dma_start3A_322 : memref<128x128xbf16, #tpu.memory_space<vmem>>) offsets(%dma_start3A_325 : memref<128xi32, #tpu.memory_space<vmem>>) semaphore(%dma_start3A_330 : memref<!tpu.dma_semaphore, #tpu.memory_space<semaphore_mem>>)
        } else {
        }
      }
      %scan3A_52 = arith.constant 26 : i32
      %dma_wait3A = arith.constant 0 : i32
      %dma_wait3A_53 = arith.constant 0 : i32
      %dma_wait3A_54 = arith.constant 0 : i32
      %dma_wait3A_55 = arith.constant 0 : i32
      %dma_wait3A_56 = arith.constant 0 : i32
      %dma_wait3A_57 = tpu.memref_slice %arg9[%dma_wait3A, %dma_wait3A_55, %dma_wait3A_56] : memref<5x128x128xbf16, #tpu.memory_space<vmem>> -> memref<1x128x128xbf16, #tpu.memory_space<vmem>>
      %dma_wait3A_58 = tpu.memref_squeeze %dma_wait3A_57 : memref<1x128x128xbf16, #tpu.memory_space<vmem>> -> memref<128x128xbf16, #tpu.memory_space<vmem>>
      %dma_wait3A_59 = arith.constant 0 : i32
      %dma_wait3A_60 = tpu.memref_slice %arg8[%dma_wait3A_53, %dma_wait3A_59] : memref<130x128xi32, #tpu.memory_space<vmem>> -> memref<1x128xi32, #tpu.memory_space<vmem>>
      %dma_wait3A_61 = tpu.memref_squeeze %dma_wait3A_60 : memref<1x128xi32, #tpu.memory_space<vmem>> -> memref<128xi32, #tpu.memory_space<vmem>>
      %dma_wait3A_62 = arith.constant 0 : i32
      %dma_wait3A_63 = arith.constant 0 : i32
      %dma_wait3A_64 = tpu.memref_slice %arg12[%dma_wait3A_62, %dma_wait3A_63] : memref<10240x128xbf16, #tpu.memory_space<vmem_shared>> -> memref<10240x128xbf16, #tpu.memory_space<vmem_shared>>
      %dma_wait3A_65 = tpu.memref_slice %arg11[%dma_wait3A_54] : memref<5x!tpu.dma_semaphore, #tpu.memory_space<semaphore_mem>> -> memref<1x!tpu.dma_semaphore, #tpu.memory_space<semaphore_mem>>
      %dma_wait3A_66 = tpu.memref_squeeze %dma_wait3A_65 : memref<1x!tpu.dma_semaphore, #tpu.memory_space<semaphore_mem>> -> memref<!tpu.dma_semaphore, #tpu.memory_space<semaphore_mem>>
      tpu.wait_indirect_dma semaphore(%dma_wait3A_66 : memref<!tpu.dma_semaphore, #tpu.memory_space<semaphore_mem>>) src(%dma_wait3A_58 : memref<128x128xbf16, #tpu.memory_space<vmem>>) dst(%dma_wait3A_64 : memref<10240x128xbf16, #tpu.memory_space<vmem_shared>>)
      %dma_wait3A_67 = arith.constant 1 : i32
      %dma_wait3A_68 = arith.constant 0 : i32
      %dma_wait3A_69 = arith.constant 1 : i32
      %dma_wait3A_70 = arith.constant 0 : i32
      %dma_wait3A_71 = arith.constant 0 : i32
      %dma_wait3A_72 = tpu.memref_slice %arg9[%dma_wait3A_67, %dma_wait3A_70, %dma_wait3A_71] : memref<5x128x128xbf16, #tpu.memory_space<vmem>> -> memref<1x128x128xbf16, #tpu.memory_space<vmem>>
      %dma_wait3A_73 = tpu.memref_squeeze %dma_wait3A_72 : memref<1x128x128xbf16, #tpu.memory_space<vmem>> -> memref<128x128xbf16, #tpu.memory_space<vmem>>
      %dma_wait3A_74 = arith.constant 0 : i32
      %dma_wait3A_75 = tpu.memref_slice %arg8[%dma_wait3A_68, %dma_wait3A_74] : memref<130x128xi32, #tpu.memory_space<vmem>> -> memref<1x128xi32, #tpu.memory_space<vmem>>
      %dma_wait3A_76 = tpu.memref_squeeze %dma_wait3A_75 : memref<1x128xi32, #tpu.memory_space<vmem>> -> memref<128xi32, #tpu.memory_space<vmem>>
      %dma_wait3A_77 = arith.constant 0 : i32
      %dma_wait3A_78 = arith.constant 0 : i32
      %dma_wait3A_79 = tpu.memref_slice %arg12[%dma_wait3A_77, %dma_wait3A_78] : memref<10240x128xbf16, #tpu.memory_space<vmem_shared>> -> memref<10240x128xbf16, #tpu.memory_space<vmem_shared>>
      %dma_wait3A_80 = tpu.memref_slice %arg11[%dma_wait3A_69] : memref<5x!tpu.dma_semaphore, #tpu.memory_space<semaphore_mem>> -> memref<1x!tpu.dma_semaphore, #tpu.memory_space<semaphore_mem>>
      %dma_wait3A_81 = tpu.memref_squeeze %dma_wait3A_80 : memref<1x!tpu.dma_semaphore, #tpu.memory_space<semaphore_mem>> -> memref<!tpu.dma_semaphore, #tpu.memory_space<semaphore_mem>>
      tpu.wait_indirect_dma semaphore(%dma_wait3A_81 : memref<!tpu.dma_semaphore, #tpu.memory_space<semaphore_mem>>) src(%dma_wait3A_73 : memref<128x128xbf16, #tpu.memory_space<vmem>>) dst(%dma_wait3A_79 : memref<10240x128xbf16, #tpu.memory_space<vmem_shared>>)
      %dma_wait3A_82 = arith.constant 2 : i32
      %dma_wait3A_83 = arith.constant 0 : i32
      %dma_wait3A_84 = arith.constant 2 : i32
      %dma_wait3A_85 = arith.constant 0 : i32
      %dma_wait3A_86 = arith.constant 0 : i32
      %dma_wait3A_87 = tpu.memref_slice %arg9[%dma_wait3A_82, %dma_wait3A_85, %dma_wait3A_86] : memref<5x128x128xbf16, #tpu.memory_space<vmem>> -> memref<1x128x128xbf16, #tpu.memory_space<vmem>>
      %dma_wait3A_88 = tpu.memref_squeeze %dma_wait3A_87 : memref<1x128x128xbf16, #tpu.memory_space<vmem>> -> memref<128x128xbf16, #tpu.memory_space<vmem>>
      %dma_wait3A_89 = arith.constant 0 : i32
      %dma_wait3A_90 = tpu.memref_slice %arg8[%dma_wait3A_83, %dma_wait3A_89] : memref<130x128xi32, #tpu.memory_space<vmem>> -> memref<1x128xi32, #tpu.memory_space<vmem>>
      %dma_wait3A_91 = tpu.memref_squeeze %dma_wait3A_90 : memref<1x128xi32, #tpu.memory_space<vmem>> -> memref<128xi32, #tpu.memory_space<vmem>>
      %dma_wait3A_92 = arith.constant 0 : i32
      %dma_wait3A_93 = arith.constant 0 : i32
      %dma_wait3A_94 = tpu.memref_slice %arg12[%dma_wait3A_92, %dma_wait3A_93] : memref<10240x128xbf16, #tpu.memory_space<vmem_shared>> -> memref<10240x128xbf16, #tpu.memory_space<vmem_shared>>
      %dma_wait3A_95 = tpu.memref_slice %arg11[%dma_wait3A_84] : memref<5x!tpu.dma_semaphore, #tpu.memory_space<semaphore_mem>> -> memref<1x!tpu.dma_semaphore, #tpu.memory_space<semaphore_mem>>
      %dma_wait3A_96 = tpu.memref_squeeze %dma_wait3A_95 : memref<1x!tpu.dma_semaphore, #tpu.memory_space<semaphore_mem>> -> memref<!tpu.dma_semaphore, #tpu.memory_space<semaphore_mem>>
      tpu.wait_indirect_dma semaphore(%dma_wait3A_96 : memref<!tpu.dma_semaphore, #tpu.memory_space<semaphore_mem>>) src(%dma_wait3A_88 : memref<128x128xbf16, #tpu.memory_space<vmem>>) dst(%dma_wait3A_94 : memref<10240x128xbf16, #tpu.memory_space<vmem_shared>>)
      %dma_wait3A_97 = arith.constant 3 : i32
      %dma_wait3A_98 = arith.constant 0 : i32
      %dma_wait3A_99 = arith.constant 3 : i32
      %dma_wait3A_100 = arith.constant 0 : i32
      %dma_wait3A_101 = arith.constant 0 : i32
      %dma_wait3A_102 = tpu.memref_slice %arg9[%dma_wait3A_97, %dma_wait3A_100, %dma_wait3A_101] : memref<5x128x128xbf16, #tpu.memory_space<vmem>> -> memref<1x128x128xbf16, #tpu.memory_space<vmem>>
      %dma_wait3A_103 = tpu.memref_squeeze %dma_wait3A_102 : memref<1x128x128xbf16, #tpu.memory_space<vmem>> -> memref<128x128xbf16, #tpu.memory_space<vmem>>
      %dma_wait3A_104 = arith.constant 0 : i32
      %dma_wait3A_105 = tpu.memref_slice %arg8[%dma_wait3A_98, %dma_wait3A_104] : memref<130x128xi32, #tpu.memory_space<vmem>> -> memref<1x128xi32, #tpu.memory_space<vmem>>
      %dma_wait3A_106 = tpu.memref_squeeze %dma_wait3A_105 : memref<1x128xi32, #tpu.memory_space<vmem>> -> memref<128xi32, #tpu.memory_space<vmem>>
      %dma_wait3A_107 = arith.constant 0 : i32
      %dma_wait3A_108 = arith.constant 0 : i32
      %dma_wait3A_109 = tpu.memref_slice %arg12[%dma_wait3A_107, %dma_wait3A_108] : memref<10240x128xbf16, #tpu.memory_space<vmem_shared>> -> memref<10240x128xbf16, #tpu.memory_space<vmem_shared>>
      %dma_wait3A_110 = tpu.memref_slice %arg11[%dma_wait3A_99] : memref<5x!tpu.dma_semaphore, #tpu.memory_space<semaphore_mem>> -> memref<1x!tpu.dma_semaphore, #tpu.memory_space<semaphore_mem>>
      %dma_wait3A_111 = tpu.memref_squeeze %dma_wait3A_110 : memref<1x!tpu.dma_semaphore, #tpu.memory_space<semaphore_mem>> -> memref<!tpu.dma_semaphore, #tpu.memory_space<semaphore_mem>>
      tpu.wait_indirect_dma semaphore(%dma_wait3A_111 : memref<!tpu.dma_semaphore, #tpu.memory_space<semaphore_mem>>) src(%dma_wait3A_103 : memref<128x128xbf16, #tpu.memory_space<vmem>>) dst(%dma_wait3A_109 : memref<10240x128xbf16, #tpu.memory_space<vmem_shared>>)
      %dma_wait3A_112 = arith.constant 4 : i32
      %dma_wait3A_113 = arith.constant 0 : i32
      %dma_wait3A_114 = arith.constant 4 : i32
      %dma_wait3A_115 = arith.constant 0 : i32
      %dma_wait3A_116 = arith.constant 0 : i32
      %dma_wait3A_117 = tpu.memref_slice %arg9[%dma_wait3A_112, %dma_wait3A_115, %dma_wait3A_116] : memref<5x128x128xbf16, #tpu.memory_space<vmem>> -> memref<1x128x128xbf16, #tpu.memory_space<vmem>>
      %dma_wait3A_118 = tpu.memref_squeeze %dma_wait3A_117 : memref<1x128x128xbf16, #tpu.memory_space<vmem>> -> memref<128x128xbf16, #tpu.memory_space<vmem>>
      %dma_wait3A_119 = arith.constant 0 : i32
      %dma_wait3A_120 = tpu.memref_slice %arg8[%dma_wait3A_113, %dma_wait3A_119] : memref<130x128xi32, #tpu.memory_space<vmem>> -> memref<1x128xi32, #tpu.memory_space<vmem>>
      %dma_wait3A_121 = tpu.memref_squeeze %dma_wait3A_120 : memref<1x128xi32, #tpu.memory_space<vmem>> -> memref<128xi32, #tpu.memory_space<vmem>>
      %dma_wait3A_122 = arith.constant 0 : i32
      %dma_wait3A_123 = arith.constant 0 : i32
      %dma_wait3A_124 = tpu.memref_slice %arg12[%dma_wait3A_122, %dma_wait3A_123] : memref<10240x128xbf16, #tpu.memory_space<vmem_shared>> -> memref<10240x128xbf16, #tpu.memory_space<vmem_shared>>
      %dma_wait3A_125 = tpu.memref_slice %arg11[%dma_wait3A_114] : memref<5x!tpu.dma_semaphore, #tpu.memory_space<semaphore_mem>> -> memref<1x!tpu.dma_semaphore, #tpu.memory_space<semaphore_mem>>
      %dma_wait3A_126 = tpu.memref_squeeze %dma_wait3A_125 : memref<1x!tpu.dma_semaphore, #tpu.memory_space<semaphore_mem>> -> memref<!tpu.dma_semaphore, #tpu.memory_space<semaphore_mem>>
      tpu.wait_indirect_dma semaphore(%dma_wait3A_126 : memref<!tpu.dma_semaphore, #tpu.memory_space<semaphore_mem>>) src(%dma_wait3A_118 : memref<128x128xbf16, #tpu.memory_space<vmem>>) dst(%dma_wait3A_124 : memref<10240x128xbf16, #tpu.memory_space<vmem_shared>>)
    } else {
    }
    %eq3A_13 = arith.constant 1 : i32
    %eq3A_14 = arith.cmpi eq, %arg0, %eq3A_13 : i32
    %convert_element_type3A_15 = arith.extui %eq3A_14 : i1 to i32
    %cond3A_16 = arith.constant 0 : i32
    %cond3A_17 = arith.cmpi ne, %convert_element_type3A_15, %cond3A_16 : i32
    scf.if %cond3A_17 {
      %dma_start3A = arith.constant 0 : i32
      %dma_start3A_19 = arith.constant 0 : i32
      %dma_start3A_20 = arith.constant 0 : i32
      %dma_start3A_21 = arith.constant 0 : i32
      %dma_start3A_22 = arith.constant 0 : i32
      %dma_start3A_23 = tpu.memref_slice %arg9[%dma_start3A_19, %dma_start3A_21, %dma_start3A_22] : memref<5x128x128xbf16, #tpu.memory_space<vmem>> -> memref<1x128x128xbf16, #tpu.memory_space<vmem>>
      %dma_start3A_24 = tpu.memref_squeeze %dma_start3A_23 : memref<1x128x128xbf16, #tpu.memory_space<vmem>> -> memref<128x128xbf16, #tpu.memory_space<vmem>>
      %dma_start3A_25 = arith.constant 0 : i32
      %dma_start3A_26 = tpu.memref_slice %arg7[%dma_start3A, %dma_start3A_25] : memref<130x128xi32, #tpu.memory_space<vmem>> -> memref<1x128xi32, #tpu.memory_space<vmem>>
      %dma_start3A_27 = tpu.memref_squeeze %dma_start3A_26 : memref<1x128xi32, #tpu.memory_space<vmem>> -> memref<128xi32, #tpu.memory_space<vmem>>
      %dma_start3A_28 = arith.constant 0 : i32
      %dma_start3A_29 = arith.constant 0 : i32
      %dma_start3A_30 = tpu.memref_slice %arg2[%dma_start3A_28, %dma_start3A_29] : memref<10000x128xbf16, #tpu.memory_space<hbm>> -> memref<10000x128xbf16, #tpu.memory_space<hbm>>
      %dma_start3A_31 = tpu.memref_slice %arg10[%dma_start3A_20] : memref<5x!tpu.dma_semaphore, #tpu.memory_space<semaphore_mem>> -> memref<1x!tpu.dma_semaphore, #tpu.memory_space<semaphore_mem>>
      %dma_start3A_32 = tpu.memref_squeeze %dma_start3A_31 : memref<1x!tpu.dma_semaphore, #tpu.memory_space<semaphore_mem>> -> memref<!tpu.dma_semaphore, #tpu.memory_space<semaphore_mem>>
      tpu.enqueue_indirect_dma source(%dma_start3A_30 : memref<10000x128xbf16, #tpu.memory_space<hbm>>) target(%dma_start3A_24 : memref<128x128xbf16, #tpu.memory_space<vmem>>) offsets(%dma_start3A_27 : memref<128xi32, #tpu.memory_space<vmem>>) semaphore(%dma_start3A_32 : memref<!tpu.dma_semaphore, #tpu.memory_space<semaphore_mem>>)
      %dma_start3A_33 = arith.constant 1 : i32
      %dma_start3A_34 = arith.constant 1 : i32
      %dma_start3A_35 = arith.constant 1 : i32
      %dma_start3A_36 = arith.constant 0 : i32
      %dma_start3A_37 = arith.constant 0 : i32
      %dma_start3A_38 = tpu.memref_slice %arg9[%dma_start3A_34, %dma_start3A_36, %dma_start3A_37] : memref<5x128x128xbf16, #tpu.memory_space<vmem>> -> memref<1x128x128xbf16, #tpu.memory_space<vmem>>
      %dma_start3A_39 = tpu.memref_squeeze %dma_start3A_38 : memref<1x128x128xbf16, #tpu.memory_space<vmem>> -> memref<128x128xbf16, #tpu.memory_space<vmem>>
      %dma_start3A_40 = arith.constant 0 : i32
      %dma_start3A_41 = tpu.memref_slice %arg7[%dma_start3A_33, %dma_start3A_40] : memref<130x128xi32, #tpu.memory_space<vmem>> -> memref<1x128xi32, #tpu.memory_space<vmem>>
      %dma_start3A_42 = tpu.memref_squeeze %dma_start3A_41 : memref<1x128xi32, #tpu.memory_space<vmem>> -> memref<128xi32, #tpu.memory_space<vmem>>
      %dma_start3A_43 = arith.constant 0 : i32
      %dma_start3A_44 = arith.constant 0 : i32
      %dma_start3A_45 = tpu.memref_slice %arg2[%dma_start3A_43, %dma_start3A_44] : memref<10000x128xbf16, #tpu.memory_space<hbm>> -> memref<10000x128xbf16, #tpu.memory_space<hbm>>
      %dma_start3A_46 = tpu.memref_slice %arg10[%dma_start3A_35] : memref<5x!tpu.dma_semaphore, #tpu.memory_space<semaphore_mem>> -> memref<1x!tpu.dma_semaphore, #tpu.memory_space<semaphore_mem>>
      %dma_start3A_47 = tpu.memref_squeeze %dma_start3A_46 : memref<1x!tpu.dma_semaphore, #tpu.memory_space<semaphore_mem>> -> memref<!tpu.dma_semaphore, #tpu.memory_space<semaphore_mem>>
      tpu.enqueue_indirect_dma source(%dma_start3A_45 : memref<10000x128xbf16, #tpu.memory_space<hbm>>) target(%dma_start3A_39 : memref<128x128xbf16, #tpu.memory_space<vmem>>) offsets(%dma_start3A_42 : memref<128xi32, #tpu.memory_space<vmem>>) semaphore(%dma_start3A_47 : memref<!tpu.dma_semaphore, #tpu.memory_space<semaphore_mem>>)
      %scan3A = arith.constant 0 : i32
      %scan3A_48 = arith.constant 0 : i32
      %scan3A_49 = arith.constant 6 : i32
      %scan3A_50 = arith.addi %scan3A_48, %scan3A_49 : i32
      %scan3A_51 = arith.constant 1 : i32
      scf.for %scan3A_127 = %scan3A_48 to %scan3A_50 step %scan3A_51  : i32 {
        %mul3A_128 = arith.constant 5 : i32
        %mul3A_129 = arith.muli %scan3A_127, %mul3A_128 : i32
        %add3A = arith.constant 0 : i32
        %add3A_130 = arith.addi %mul3A_129, %add3A : i32
        %add3A_131 = arith.constant 2 : i32
        %add3A_132 = arith.addi %add3A_130, %add3A_131 : i32
        %dma_wait3A_133 = arith.constant 0 : i32
        %dma_wait3A_134 = arith.constant 0 : i32
        %dma_wait3A_135 = arith.constant 0 : i32
        %dma_wait3A_136 = arith.constant 0 : i32
        %dma_wait3A_137 = tpu.memref_slice %arg9[%dma_wait3A_133, %dma_wait3A_135, %dma_wait3A_136] : memref<5x128x128xbf16, #tpu.memory_space<vmem>> -> memref<1x128x128xbf16, #tpu.memory_space<vmem>>
        %dma_wait3A_138 = tpu.memref_squeeze %dma_wait3A_137 : memref<1x128x128xbf16, #tpu.memory_space<vmem>> -> memref<128x128xbf16, #tpu.memory_space<vmem>>
        %dma_wait3A_139 = arith.constant 0 : i32
        %dma_wait3A_140 = tpu.memref_slice %arg7[%add3A_130, %dma_wait3A_139] : memref<130x128xi32, #tpu.memory_space<vmem>> -> memref<1x128xi32, #tpu.memory_space<vmem>>
        %dma_wait3A_141 = tpu.memref_squeeze %dma_wait3A_140 : memref<1x128xi32, #tpu.memory_space<vmem>> -> memref<128xi32, #tpu.memory_space<vmem>>
        %dma_wait3A_142 = arith.constant 0 : i32
        %dma_wait3A_143 = arith.constant 0 : i32
        %dma_wait3A_144 = tpu.memref_slice %arg2[%dma_wait3A_142, %dma_wait3A_143] : memref<10000x128xbf16, #tpu.memory_space<hbm>> -> memref<10000x128xbf16, #tpu.memory_space<hbm>>
        %dma_wait3A_145 = tpu.memref_slice %arg10[%dma_wait3A_134] : memref<5x!tpu.dma_semaphore, #tpu.memory_space<semaphore_mem>> -> memref<1x!tpu.dma_semaphore, #tpu.memory_space<semaphore_mem>>
        %dma_wait3A_146 = tpu.memref_squeeze %dma_wait3A_145 : memref<1x!tpu.dma_semaphore, #tpu.memory_space<semaphore_mem>> -> memref<!tpu.dma_semaphore, #tpu.memory_space<semaphore_mem>>
        tpu.wait_indirect_dma semaphore(%dma_wait3A_146 : memref<!tpu.dma_semaphore, #tpu.memory_space<semaphore_mem>>) src(%dma_wait3A_144 : memref<10000x128xbf16, #tpu.memory_space<hbm>>) dst(%dma_wait3A_138 : memref<128x128xbf16, #tpu.memory_space<vmem>>)
        %dma_start3A_147 = arith.constant 0 : i32
        %dma_start3A_148 = arith.constant 0 : i32
        %dma_start3A_149 = arith.constant 0 : i32
        %dma_start3A_150 = arith.constant 0 : i32
        %dma_start3A_151 = tpu.memref_slice %arg9[%dma_start3A_147, %dma_start3A_149, %dma_start3A_150] : memref<5x128x128xbf16, #tpu.memory_space<vmem>> -> memref<1x128x128xbf16, #tpu.memory_space<vmem>>
        %dma_start3A_152 = tpu.memref_squeeze %dma_start3A_151 : memref<1x128x128xbf16, #tpu.memory_space<vmem>> -> memref<128x128xbf16, #tpu.memory_space<vmem>>
        %dma_start3A_153 = arith.constant 0 : i32
        %dma_start3A_154 = tpu.memref_slice %arg8[%add3A_130, %dma_start3A_153] : memref<130x128xi32, #tpu.memory_space<vmem>> -> memref<1x128xi32, #tpu.memory_space<vmem>>
        %dma_start3A_155 = tpu.memref_squeeze %dma_start3A_154 : memref<1x128xi32, #tpu.memory_space<vmem>> -> memref<128xi32, #tpu.memory_space<vmem>>
        %dma_start3A_156 = arith.constant 0 : i32
        %dma_start3A_157 = arith.constant 0 : i32
        %dma_start3A_158 = tpu.memref_slice %arg12[%dma_start3A_156, %dma_start3A_157] : memref<10240x128xbf16, #tpu.memory_space<vmem_shared>> -> memref<10240x128xbf16, #tpu.memory_space<vmem_shared>>
        %dma_start3A_159 = tpu.memref_slice %arg11[%dma_start3A_148] : memref<5x!tpu.dma_semaphore, #tpu.memory_space<semaphore_mem>> -> memref<1x!tpu.dma_semaphore, #tpu.memory_space<semaphore_mem>>
        %dma_start3A_160 = tpu.memref_squeeze %dma_start3A_159 : memref<1x!tpu.dma_semaphore, #tpu.memory_space<semaphore_mem>> -> memref<!tpu.dma_semaphore, #tpu.memory_space<semaphore_mem>>
        tpu.enqueue_indirect_dma source(%dma_start3A_152 : memref<128x128xbf16, #tpu.memory_space<vmem>>) target(%dma_start3A_158 : memref<10240x128xbf16, #tpu.memory_space<vmem_shared>>) offsets(%dma_start3A_155 : memref<128xi32, #tpu.memory_space<vmem>>) semaphore(%dma_start3A_160 : memref<!tpu.dma_semaphore, #tpu.memory_space<semaphore_mem>>) {add = true}
        %lt3A = arith.constant 30 : i32
        %lt3A_161 = arith.cmpi slt, %add3A_132, %lt3A : i32
        %convert_element_type3A_162 = arith.extui %lt3A_161 : i1 to i32
        %cond3A_163 = arith.constant 0 : i32
        %cond3A_164 = arith.cmpi ne, %convert_element_type3A_162, %cond3A_163 : i32
        scf.if %cond3A_164 {
          %ge3A = arith.constant 5 : i32
          %ge3A_313 = arith.cmpi sge, %add3A_132, %ge3A : i32
          %convert_element_type3A_314 = arith.extui %ge3A_313 : i1 to i32
          %cond3A_315 = arith.constant 0 : i32
          %cond3A_316 = arith.cmpi ne, %convert_element_type3A_314, %cond3A_315 : i32
          scf.if %cond3A_316 {
            %dma_wait3A_331 = arith.constant 2 : i32
            %dma_wait3A_332 = arith.constant 2 : i32
            %dma_wait3A_333 = arith.constant 0 : i32
            %dma_wait3A_334 = arith.constant 0 : i32
            %dma_wait3A_335 = tpu.memref_slice %arg9[%dma_wait3A_331, %dma_wait3A_333, %dma_wait3A_334] : memref<5x128x128xbf16, #tpu.memory_space<vmem>> -> memref<1x128x128xbf16, #tpu.memory_space<vmem>>
            %dma_wait3A_336 = tpu.memref_squeeze %dma_wait3A_335 : memref<1x128x128xbf16, #tpu.memory_space<vmem>> -> memref<128x128xbf16, #tpu.memory_space<vmem>>
            %dma_wait3A_337 = arith.constant 0 : i32
            %dma_wait3A_338 = tpu.memref_slice %arg8[%add3A_132, %dma_wait3A_337] : memref<130x128xi32, #tpu.memory_space<vmem>> -> memref<1x128xi32, #tpu.memory_space<vmem>>
            %dma_wait3A_339 = tpu.memref_squeeze %dma_wait3A_338 : memref<1x128xi32, #tpu.memory_space<vmem>> -> memref<128xi32, #tpu.memory_space<vmem>>
            %dma_wait3A_340 = arith.constant 0 : i32
            %dma_wait3A_341 = arith.constant 0 : i32
            %dma_wait3A_342 = tpu.memref_slice %arg12[%dma_wait3A_340, %dma_wait3A_341] : memref<10240x128xbf16, #tpu.memory_space<vmem_shared>> -> memref<10240x128xbf16, #tpu.memory_space<vmem_shared>>
            %dma_wait3A_343 = tpu.memref_slice %arg11[%dma_wait3A_332] : memref<5x!tpu.dma_semaphore, #tpu.memory_space<semaphore_mem>> -> memref<1x!tpu.dma_semaphore, #tpu.memory_space<semaphore_mem>>
            %dma_wait3A_344 = tpu.memref_squeeze %dma_wait3A_343 : memref<1x!tpu.dma_semaphore, #tpu.memory_space<semaphore_mem>> -> memref<!tpu.dma_semaphore, #tpu.memory_space<semaphore_mem>>
            tpu.wait_indirect_dma semaphore(%dma_wait3A_344 : memref<!tpu.dma_semaphore, #tpu.memory_space<semaphore_mem>>) src(%dma_wait3A_336 : memref<128x128xbf16, #tpu.memory_space<vmem>>) dst(%dma_wait3A_342 : memref<10240x128xbf16, #tpu.memory_space<vmem_shared>>)
          } else {
          }
          %dma_start3A_317 = arith.constant 2 : i32
          %dma_start3A_318 = arith.constant 2 : i32
          %dma_start3A_319 = arith.constant 0 : i32
          %dma_start3A_320 = arith.constant 0 : i32
          %dma_start3A_321 = tpu.memref_slice %arg9[%dma_start3A_317, %dma_start3A_319, %dma_start3A_320] : memref<5x128x128xbf16, #tpu.memory_space<vmem>> -> memref<1x128x128xbf16, #tpu.memory_space<vmem>>
          %dma_start3A_322 = tpu.memref_squeeze %dma_start3A_321 : memref<1x128x128xbf16, #tpu.memory_space<vmem>> -> memref<128x128xbf16, #tpu.memory_space<vmem>>
          %dma_start3A_323 = arith.constant 0 : i32
          %dma_start3A_324 = tpu.memref_slice %arg7[%add3A_132, %dma_start3A_323] : memref<130x128xi32, #tpu.memory_space<vmem>> -> memref<1x128xi32, #tpu.memory_space<vmem>>
          %dma_start3A_325 = tpu.memref_squeeze %dma_start3A_324 : memref<1x128xi32, #tpu.memory_space<vmem>> -> memref<128xi32, #tpu.memory_space<vmem>>
          %dma_start3A_326 = arith.constant 0 : i32
          %dma_start3A_327 = arith.constant 0 : i32
          %dma_start3A_328 = tpu.memref_slice %arg2[%dma_start3A_326, %dma_start3A_327] : memref<10000x128xbf16, #tpu.memory_space<hbm>> -> memref<10000x128xbf16, #tpu.memory_space<hbm>>
          %dma_start3A_329 = tpu.memref_slice %arg10[%dma_start3A_318] : memref<5x!tpu.dma_semaphore, #tpu.memory_space<semaphore_mem>> -> memref<1x!tpu.dma_semaphore, #tpu.memory_space<semaphore_mem>>
          %dma_start3A_330 = tpu.memref_squeeze %dma_start3A_329 : memref<1x!tpu.dma_semaphore, #tpu.memory_space<semaphore_mem>> -> memref<!tpu.dma_semaphore, #tpu.memory_space<semaphore_mem>>
          tpu.enqueue_indirect_dma source(%dma_start3A_328 : memref<10000x128xbf16, #tpu.memory_space<hbm>>) target(%dma_start3A_322 : memref<128x128xbf16, #tpu.memory_space<vmem>>) offsets(%dma_start3A_325 : memref<128xi32, #tpu.memory_space<vmem>>) semaphore(%dma_start3A_330 : memref<!tpu.dma_semaphore, #tpu.memory_space<semaphore_mem>>)
        } else {
        }
        %add3A_165 = arith.constant 1 : i32
        %add3A_166 = arith.addi %mul3A_129, %add3A_165 : i32
        %add3A_167 = arith.constant 2 : i32
        %add3A_168 = arith.addi %add3A_166, %add3A_167 : i32
        %dma_wait3A_169 = arith.constant 1 : i32
        %dma_wait3A_170 = arith.constant 1 : i32
        %dma_wait3A_171 = arith.constant 0 : i32
        %dma_wait3A_172 = arith.constant 0 : i32
        %dma_wait3A_173 = tpu.memref_slice %arg9[%dma_wait3A_169, %dma_wait3A_171, %dma_wait3A_172] : memref<5x128x128xbf16, #tpu.memory_space<vmem>> -> memref<1x128x128xbf16, #tpu.memory_space<vmem>>
        %dma_wait3A_174 = tpu.memref_squeeze %dma_wait3A_173 : memref<1x128x128xbf16, #tpu.memory_space<vmem>> -> memref<128x128xbf16, #tpu.memory_space<vmem>>
        %dma_wait3A_175 = arith.constant 0 : i32
        %dma_wait3A_176 = tpu.memref_slice %arg7[%add3A_166, %dma_wait3A_175] : memref<130x128xi32, #tpu.memory_space<vmem>> -> memref<1x128xi32, #tpu.memory_space<vmem>>
        %dma_wait3A_177 = tpu.memref_squeeze %dma_wait3A_176 : memref<1x128xi32, #tpu.memory_space<vmem>> -> memref<128xi32, #tpu.memory_space<vmem>>
        %dma_wait3A_178 = arith.constant 0 : i32
        %dma_wait3A_179 = arith.constant 0 : i32
        %dma_wait3A_180 = tpu.memref_slice %arg2[%dma_wait3A_178, %dma_wait3A_179] : memref<10000x128xbf16, #tpu.memory_space<hbm>> -> memref<10000x128xbf16, #tpu.memory_space<hbm>>
        %dma_wait3A_181 = tpu.memref_slice %arg10[%dma_wait3A_170] : memref<5x!tpu.dma_semaphore, #tpu.memory_space<semaphore_mem>> -> memref<1x!tpu.dma_semaphore, #tpu.memory_space<semaphore_mem>>
        %dma_wait3A_182 = tpu.memref_squeeze %dma_wait3A_181 : memref<1x!tpu.dma_semaphore, #tpu.memory_space<semaphore_mem>> -> memref<!tpu.dma_semaphore, #tpu.memory_space<semaphore_mem>>
        tpu.wait_indirect_dma semaphore(%dma_wait3A_182 : memref<!tpu.dma_semaphore, #tpu.memory_space<semaphore_mem>>) src(%dma_wait3A_180 : memref<10000x128xbf16, #tpu.memory_space<hbm>>) dst(%dma_wait3A_174 : memref<128x128xbf16, #tpu.memory_space<vmem>>)
        %dma_start3A_183 = arith.constant 1 : i32
        %dma_start3A_184 = arith.constant 1 : i32
        %dma_start3A_185 = arith.constant 0 : i32
        %dma_start3A_186 = arith.constant 0 : i32
        %dma_start3A_187 = tpu.memref_slice %arg9[%dma_start3A_183, %dma_start3A_185, %dma_start3A_186] : memref<5x128x128xbf16, #tpu.memory_space<vmem>> -> memref<1x128x128xbf16, #tpu.memory_space<vmem>>
        %dma_start3A_188 = tpu.memref_squeeze %dma_start3A_187 : memref<1x128x128xbf16, #tpu.memory_space<vmem>> -> memref<128x128xbf16, #tpu.memory_space<vmem>>
        %dma_start3A_189 = arith.constant 0 : i32
        %dma_start3A_190 = tpu.memref_slice %arg8[%add3A_166, %dma_start3A_189] : memref<130x128xi32, #tpu.memory_space<vmem>> -> memref<1x128xi32, #tpu.memory_space<vmem>>
        %dma_start3A_191 = tpu.memref_squeeze %dma_start3A_190 : memref<1x128xi32, #tpu.memory_space<vmem>> -> memref<128xi32, #tpu.memory_space<vmem>>
        %dma_start3A_192 = arith.constant 0 : i32
        %dma_start3A_193 = arith.constant 0 : i32
        %dma_start3A_194 = tpu.memref_slice %arg12[%dma_start3A_192, %dma_start3A_193] : memref<10240x128xbf16, #tpu.memory_space<vmem_shared>> -> memref<10240x128xbf16, #tpu.memory_space<vmem_shared>>
        %dma_start3A_195 = tpu.memref_slice %arg11[%dma_start3A_184] : memref<5x!tpu.dma_semaphore, #tpu.memory_space<semaphore_mem>> -> memref<1x!tpu.dma_semaphore, #tpu.memory_space<semaphore_mem>>
        %dma_start3A_196 = tpu.memref_squeeze %dma_start3A_195 : memref<1x!tpu.dma_semaphore, #tpu.memory_space<semaphore_mem>> -> memref<!tpu.dma_semaphore, #tpu.memory_space<semaphore_mem>>
        tpu.enqueue_indirect_dma source(%dma_start3A_188 : memref<128x128xbf16, #tpu.memory_space<vmem>>) target(%dma_start3A_194 : memref<10240x128xbf16, #tpu.memory_space<vmem_shared>>) offsets(%dma_start3A_191 : memref<128xi32, #tpu.memory_space<vmem>>) semaphore(%dma_start3A_196 : memref<!tpu.dma_semaphore, #tpu.memory_space<semaphore_mem>>) {add = true}
        %lt3A_197 = arith.constant 30 : i32
        %lt3A_198 = arith.cmpi slt, %add3A_168, %lt3A_197 : i32
        %convert_element_type3A_199 = arith.extui %lt3A_198 : i1 to i32
        %cond3A_200 = arith.constant 0 : i32
        %cond3A_201 = arith.cmpi ne, %convert_element_type3A_199, %cond3A_200 : i32
        scf.if %cond3A_201 {
          %ge3A = arith.constant 5 : i32
          %ge3A_313 = arith.cmpi sge, %add3A_168, %ge3A : i32
          %convert_element_type3A_314 = arith.extui %ge3A_313 : i1 to i32
          %cond3A_315 = arith.constant 0 : i32
          %cond3A_316 = arith.cmpi ne, %convert_element_type3A_314, %cond3A_315 : i32
          scf.if %cond3A_316 {
            %dma_wait3A_331 = arith.constant 3 : i32
            %dma_wait3A_332 = arith.constant 3 : i32
            %dma_wait3A_333 = arith.constant 0 : i32
            %dma_wait3A_334 = arith.constant 0 : i32
            %dma_wait3A_335 = tpu.memref_slice %arg9[%dma_wait3A_331, %dma_wait3A_333, %dma_wait3A_334] : memref<5x128x128xbf16, #tpu.memory_space<vmem>> -> memref<1x128x128xbf16, #tpu.memory_space<vmem>>
            %dma_wait3A_336 = tpu.memref_squeeze %dma_wait3A_335 : memref<1x128x128xbf16, #tpu.memory_space<vmem>> -> memref<128x128xbf16, #tpu.memory_space<vmem>>
            %dma_wait3A_337 = arith.constant 0 : i32
            %dma_wait3A_338 = tpu.memref_slice %arg8[%add3A_168, %dma_wait3A_337] : memref<130x128xi32, #tpu.memory_space<vmem>> -> memref<1x128xi32, #tpu.memory_space<vmem>>
            %dma_wait3A_339 = tpu.memref_squeeze %dma_wait3A_338 : memref<1x128xi32, #tpu.memory_space<vmem>> -> memref<128xi32, #tpu.memory_space<vmem>>
            %dma_wait3A_340 = arith.constant 0 : i32
            %dma_wait3A_341 = arith.constant 0 : i32
            %dma_wait3A_342 = tpu.memref_slice %arg12[%dma_wait3A_340, %dma_wait3A_341] : memref<10240x128xbf16, #tpu.memory_space<vmem_shared>> -> memref<10240x128xbf16, #tpu.memory_space<vmem_shared>>
            %dma_wait3A_343 = tpu.memref_slice %arg11[%dma_wait3A_332] : memref<5x!tpu.dma_semaphore, #tpu.memory_space<semaphore_mem>> -> memref<1x!tpu.dma_semaphore, #tpu.memory_space<semaphore_mem>>
            %dma_wait3A_344 = tpu.memref_squeeze %dma_wait3A_343 : memref<1x!tpu.dma_semaphore, #tpu.memory_space<semaphore_mem>> -> memref<!tpu.dma_semaphore, #tpu.memory_space<semaphore_mem>>
            tpu.wait_indirect_dma semaphore(%dma_wait3A_344 : memref<!tpu.dma_semaphore, #tpu.memory_space<semaphore_mem>>) src(%dma_wait3A_336 : memref<128x128xbf16, #tpu.memory_space<vmem>>) dst(%dma_wait3A_342 : memref<10240x128xbf16, #tpu.memory_space<vmem_shared>>)
          } else {
          }
          %dma_start3A_317 = arith.constant 3 : i32
          %dma_start3A_318 = arith.constant 3 : i32
          %dma_start3A_319 = arith.constant 0 : i32
          %dma_start3A_320 = arith.constant 0 : i32
          %dma_start3A_321 = tpu.memref_slice %arg9[%dma_start3A_317, %dma_start3A_319, %dma_start3A_320] : memref<5x128x128xbf16, #tpu.memory_space<vmem>> -> memref<1x128x128xbf16, #tpu.memory_space<vmem>>
          %dma_start3A_322 = tpu.memref_squeeze %dma_start3A_321 : memref<1x128x128xbf16, #tpu.memory_space<vmem>> -> memref<128x128xbf16, #tpu.memory_space<vmem>>
          %dma_start3A_323 = arith.constant 0 : i32
          %dma_start3A_324 = tpu.memref_slice %arg7[%add3A_168, %dma_start3A_323] : memref<130x128xi32, #tpu.memory_space<vmem>> -> memref<1x128xi32, #tpu.memory_space<vmem>>
          %dma_start3A_325 = tpu.memref_squeeze %dma_start3A_324 : memref<1x128xi32, #tpu.memory_space<vmem>> -> memref<128xi32, #tpu.memory_space<vmem>>
          %dma_start3A_326 = arith.constant 0 : i32
          %dma_start3A_327 = arith.constant 0 : i32
          %dma_start3A_328 = tpu.memref_slice %arg2[%dma_start3A_326, %dma_start3A_327] : memref<10000x128xbf16, #tpu.memory_space<hbm>> -> memref<10000x128xbf16, #tpu.memory_space<hbm>>
          %dma_start3A_329 = tpu.memref_slice %arg10[%dma_start3A_318] : memref<5x!tpu.dma_semaphore, #tpu.memory_space<semaphore_mem>> -> memref<1x!tpu.dma_semaphore, #tpu.memory_space<semaphore_mem>>
          %dma_start3A_330 = tpu.memref_squeeze %dma_start3A_329 : memref<1x!tpu.dma_semaphore, #tpu.memory_space<semaphore_mem>> -> memref<!tpu.dma_semaphore, #tpu.memory_space<semaphore_mem>>
          tpu.enqueue_indirect_dma source(%dma_start3A_328 : memref<10000x128xbf16, #tpu.memory_space<hbm>>) target(%dma_start3A_322 : memref<128x128xbf16, #tpu.memory_space<vmem>>) offsets(%dma_start3A_325 : memref<128xi32, #tpu.memory_space<vmem>>) semaphore(%dma_start3A_330 : memref<!tpu.dma_semaphore, #tpu.memory_space<semaphore_mem>>)
        } else {
        }
        %add3A_202 = arith.constant 2 : i32
        %add3A_203 = arith.addi %mul3A_129, %add3A_202 : i32
        %add3A_204 = arith.constant 2 : i32
        %add3A_205 = arith.addi %add3A_203, %add3A_204 : i32
        %dma_wait3A_206 = arith.constant 2 : i32
        %dma_wait3A_207 = arith.constant 2 : i32
        %dma_wait3A_208 = arith.constant 0 : i32
        %dma_wait3A_209 = arith.constant 0 : i32
        %dma_wait3A_210 = tpu.memref_slice %arg9[%dma_wait3A_206, %dma_wait3A_208, %dma_wait3A_209] : memref<5x128x128xbf16, #tpu.memory_space<vmem>> -> memref<1x128x128xbf16, #tpu.memory_space<vmem>>
        %dma_wait3A_211 = tpu.memref_squeeze %dma_wait3A_210 : memref<1x128x128xbf16, #tpu.memory_space<vmem>> -> memref<128x128xbf16, #tpu.memory_space<vmem>>
        %dma_wait3A_212 = arith.constant 0 : i32
        %dma_wait3A_213 = tpu.memref_slice %arg7[%add3A_203, %dma_wait3A_212] : memref<130x128xi32, #tpu.memory_space<vmem>> -> memref<1x128xi32, #tpu.memory_space<vmem>>
        %dma_wait3A_214 = tpu.memref_squeeze %dma_wait3A_213 : memref<1x128xi32, #tpu.memory_space<vmem>> -> memref<128xi32, #tpu.memory_space<vmem>>
        %dma_wait3A_215 = arith.constant 0 : i32
        %dma_wait3A_216 = arith.constant 0 : i32
        %dma_wait3A_217 = tpu.memref_slice %arg2[%dma_wait3A_215, %dma_wait3A_216] : memref<10000x128xbf16, #tpu.memory_space<hbm>> -> memref<10000x128xbf16, #tpu.memory_space<hbm>>
        %dma_wait3A_218 = tpu.memref_slice %arg10[%dma_wait3A_207] : memref<5x!tpu.dma_semaphore, #tpu.memory_space<semaphore_mem>> -> memref<1x!tpu.dma_semaphore, #tpu.memory_space<semaphore_mem>>
        %dma_wait3A_219 = tpu.memref_squeeze %dma_wait3A_218 : memref<1x!tpu.dma_semaphore, #tpu.memory_space<semaphore_mem>> -> memref<!tpu.dma_semaphore, #tpu.memory_space<semaphore_mem>>
        tpu.wait_indirect_dma semaphore(%dma_wait3A_219 : memref<!tpu.dma_semaphore, #tpu.memory_space<semaphore_mem>>) src(%dma_wait3A_217 : memref<10000x128xbf16, #tpu.memory_space<hbm>>) dst(%dma_wait3A_211 : memref<128x128xbf16, #tpu.memory_space<vmem>>)
        %dma_start3A_220 = arith.constant 2 : i32
        %dma_start3A_221 = arith.constant 2 : i32
        %dma_start3A_222 = arith.constant 0 : i32
        %dma_start3A_223 = arith.constant 0 : i32
        %dma_start3A_224 = tpu.memref_slice %arg9[%dma_start3A_220, %dma_start3A_222, %dma_start3A_223] : memref<5x128x128xbf16, #tpu.memory_space<vmem>> -> memref<1x128x128xbf16, #tpu.memory_space<vmem>>
        %dma_start3A_225 = tpu.memref_squeeze %dma_start3A_224 : memref<1x128x128xbf16, #tpu.memory_space<vmem>> -> memref<128x128xbf16, #tpu.memory_space<vmem>>
        %dma_start3A_226 = arith.constant 0 : i32
        %dma_start3A_227 = tpu.memref_slice %arg8[%add3A_203, %dma_start3A_226] : memref<130x128xi32, #tpu.memory_space<vmem>> -> memref<1x128xi32, #tpu.memory_space<vmem>>
        %dma_start3A_228 = tpu.memref_squeeze %dma_start3A_227 : memref<1x128xi32, #tpu.memory_space<vmem>> -> memref<128xi32, #tpu.memory_space<vmem>>
        %dma_start3A_229 = arith.constant 0 : i32
        %dma_start3A_230 = arith.constant 0 : i32
        %dma_start3A_231 = tpu.memref_slice %arg12[%dma_start3A_229, %dma_start3A_230] : memref<10240x128xbf16, #tpu.memory_space<vmem_shared>> -> memref<10240x128xbf16, #tpu.memory_space<vmem_shared>>
        %dma_start3A_232 = tpu.memref_slice %arg11[%dma_start3A_221] : memref<5x!tpu.dma_semaphore, #tpu.memory_space<semaphore_mem>> -> memref<1x!tpu.dma_semaphore, #tpu.memory_space<semaphore_mem>>
        %dma_start3A_233 = tpu.memref_squeeze %dma_start3A_232 : memref<1x!tpu.dma_semaphore, #tpu.memory_space<semaphore_mem>> -> memref<!tpu.dma_semaphore, #tpu.memory_space<semaphore_mem>>
        tpu.enqueue_indirect_dma source(%dma_start3A_225 : memref<128x128xbf16, #tpu.memory_space<vmem>>) target(%dma_start3A_231 : memref<10240x128xbf16, #tpu.memory_space<vmem_shared>>) offsets(%dma_start3A_228 : memref<128xi32, #tpu.memory_space<vmem>>) semaphore(%dma_start3A_233 : memref<!tpu.dma_semaphore, #tpu.memory_space<semaphore_mem>>) {add = true}
        %lt3A_234 = arith.constant 30 : i32
        %lt3A_235 = arith.cmpi slt, %add3A_205, %lt3A_234 : i32
        %convert_element_type3A_236 = arith.extui %lt3A_235 : i1 to i32
        %cond3A_237 = arith.constant 0 : i32
        %cond3A_238 = arith.cmpi ne, %convert_element_type3A_236, %cond3A_237 : i32
        scf.if %cond3A_238 {
          %ge3A = arith.constant 5 : i32
          %ge3A_313 = arith.cmpi sge, %add3A_205, %ge3A : i32
          %convert_element_type3A_314 = arith.extui %ge3A_313 : i1 to i32
          %cond3A_315 = arith.constant 0 : i32
          %cond3A_316 = arith.cmpi ne, %convert_element_type3A_314, %cond3A_315 : i32
          scf.if %cond3A_316 {
            %dma_wait3A_331 = arith.constant 4 : i32
            %dma_wait3A_332 = arith.constant 4 : i32
            %dma_wait3A_333 = arith.constant 0 : i32
            %dma_wait3A_334 = arith.constant 0 : i32
            %dma_wait3A_335 = tpu.memref_slice %arg9[%dma_wait3A_331, %dma_wait3A_333, %dma_wait3A_334] : memref<5x128x128xbf16, #tpu.memory_space<vmem>> -> memref<1x128x128xbf16, #tpu.memory_space<vmem>>
            %dma_wait3A_336 = tpu.memref_squeeze %dma_wait3A_335 : memref<1x128x128xbf16, #tpu.memory_space<vmem>> -> memref<128x128xbf16, #tpu.memory_space<vmem>>
            %dma_wait3A_337 = arith.constant 0 : i32
            %dma_wait3A_338 = tpu.memref_slice %arg8[%add3A_205, %dma_wait3A_337] : memref<130x128xi32, #tpu.memory_space<vmem>> -> memref<1x128xi32, #tpu.memory_space<vmem>>
            %dma_wait3A_339 = tpu.memref_squeeze %dma_wait3A_338 : memref<1x128xi32, #tpu.memory_space<vmem>> -> memref<128xi32, #tpu.memory_space<vmem>>
            %dma_wait3A_340 = arith.constant 0 : i32
            %dma_wait3A_341 = arith.constant 0 : i32
            %dma_wait3A_342 = tpu.memref_slice %arg12[%dma_wait3A_340, %dma_wait3A_341] : memref<10240x128xbf16, #tpu.memory_space<vmem_shared>> -> memref<10240x128xbf16, #tpu.memory_space<vmem_shared>>
            %dma_wait3A_343 = tpu.memref_slice %arg11[%dma_wait3A_332] : memref<5x!tpu.dma_semaphore, #tpu.memory_space<semaphore_mem>> -> memref<1x!tpu.dma_semaphore, #tpu.memory_space<semaphore_mem>>
            %dma_wait3A_344 = tpu.memref_squeeze %dma_wait3A_343 : memref<1x!tpu.dma_semaphore, #tpu.memory_space<semaphore_mem>> -> memref<!tpu.dma_semaphore, #tpu.memory_space<semaphore_mem>>
            tpu.wait_indirect_dma semaphore(%dma_wait3A_344 : memref<!tpu.dma_semaphore, #tpu.memory_space<semaphore_mem>>) src(%dma_wait3A_336 : memref<128x128xbf16, #tpu.memory_space<vmem>>) dst(%dma_wait3A_342 : memref<10240x128xbf16, #tpu.memory_space<vmem_shared>>)
          } else {
          }
          %dma_start3A_317 = arith.constant 4 : i32
          %dma_start3A_318 = arith.constant 4 : i32
          %dma_start3A_319 = arith.constant 0 : i32
          %dma_start3A_320 = arith.constant 0 : i32
          %dma_start3A_321 = tpu.memref_slice %arg9[%dma_start3A_317, %dma_start3A_319, %dma_start3A_320] : memref<5x128x128xbf16, #tpu.memory_space<vmem>> -> memref<1x128x128xbf16, #tpu.memory_space<vmem>>
          %dma_start3A_322 = tpu.memref_squeeze %dma_start3A_321 : memref<1x128x128xbf16, #tpu.memory_space<vmem>> -> memref<128x128xbf16, #tpu.memory_space<vmem>>
          %dma_start3A_323 = arith.constant 0 : i32
          %dma_start3A_324 = tpu.memref_slice %arg7[%add3A_205, %dma_start3A_323] : memref<130x128xi32, #tpu.memory_space<vmem>> -> memref<1x128xi32, #tpu.memory_space<vmem>>
          %dma_start3A_325 = tpu.memref_squeeze %dma_start3A_324 : memref<1x128xi32, #tpu.memory_space<vmem>> -> memref<128xi32, #tpu.memory_space<vmem>>
          %dma_start3A_326 = arith.constant 0 : i32
          %dma_start3A_327 = arith.constant 0 : i32
          %dma_start3A_328 = tpu.memref_slice %arg2[%dma_start3A_326, %dma_start3A_327] : memref<10000x128xbf16, #tpu.memory_space<hbm>> -> memref<10000x128xbf16, #tpu.memory_space<hbm>>
          %dma_start3A_329 = tpu.memref_slice %arg10[%dma_start3A_318] : memref<5x!tpu.dma_semaphore, #tpu.memory_space<semaphore_mem>> -> memref<1x!tpu.dma_semaphore, #tpu.memory_space<semaphore_mem>>
          %dma_start3A_330 = tpu.memref_squeeze %dma_start3A_329 : memref<1x!tpu.dma_semaphore, #tpu.memory_space<semaphore_mem>> -> memref<!tpu.dma_semaphore, #tpu.memory_space<semaphore_mem>>
          tpu.enqueue_indirect_dma source(%dma_start3A_328 : memref<10000x128xbf16, #tpu.memory_space<hbm>>) target(%dma_start3A_322 : memref<128x128xbf16, #tpu.memory_space<vmem>>) offsets(%dma_start3A_325 : memref<128xi32, #tpu.memory_space<vmem>>) semaphore(%dma_start3A_330 : memref<!tpu.dma_semaphore, #tpu.memory_space<semaphore_mem>>)
        } else {
        }
        %add3A_239 = arith.constant 3 : i32
        %add3A_240 = arith.addi %mul3A_129, %add3A_239 : i32
        %add3A_241 = arith.constant 2 : i32
        %add3A_242 = arith.addi %add3A_240, %add3A_241 : i32
        %dma_wait3A_243 = arith.constant 3 : i32
        %dma_wait3A_244 = arith.constant 3 : i32
        %dma_wait3A_245 = arith.constant 0 : i32
        %dma_wait3A_246 = arith.constant 0 : i32
        %dma_wait3A_247 = tpu.memref_slice %arg9[%dma_wait3A_243, %dma_wait3A_245, %dma_wait3A_246] : memref<5x128x128xbf16, #tpu.memory_space<vmem>> -> memref<1x128x128xbf16, #tpu.memory_space<vmem>>
        %dma_wait3A_248 = tpu.memref_squeeze %dma_wait3A_247 : memref<1x128x128xbf16, #tpu.memory_space<vmem>> -> memref<128x128xbf16, #tpu.memory_space<vmem>>
        %dma_wait3A_249 = arith.constant 0 : i32
        %dma_wait3A_250 = tpu.memref_slice %arg7[%add3A_240, %dma_wait3A_249] : memref<130x128xi32, #tpu.memory_space<vmem>> -> memref<1x128xi32, #tpu.memory_space<vmem>>
        %dma_wait3A_251 = tpu.memref_squeeze %dma_wait3A_250 : memref<1x128xi32, #tpu.memory_space<vmem>> -> memref<128xi32, #tpu.memory_space<vmem>>
        %dma_wait3A_252 = arith.constant 0 : i32
        %dma_wait3A_253 = arith.constant 0 : i32
        %dma_wait3A_254 = tpu.memref_slice %arg2[%dma_wait3A_252, %dma_wait3A_253] : memref<10000x128xbf16, #tpu.memory_space<hbm>> -> memref<10000x128xbf16, #tpu.memory_space<hbm>>
        %dma_wait3A_255 = tpu.memref_slice %arg10[%dma_wait3A_244] : memref<5x!tpu.dma_semaphore, #tpu.memory_space<semaphore_mem>> -> memref<1x!tpu.dma_semaphore, #tpu.memory_space<semaphore_mem>>
        %dma_wait3A_256 = tpu.memref_squeeze %dma_wait3A_255 : memref<1x!tpu.dma_semaphore, #tpu.memory_space<semaphore_mem>> -> memref<!tpu.dma_semaphore, #tpu.memory_space<semaphore_mem>>
        tpu.wait_indirect_dma semaphore(%dma_wait3A_256 : memref<!tpu.dma_semaphore, #tpu.memory_space<semaphore_mem>>) src(%dma_wait3A_254 : memref<10000x128xbf16, #tpu.memory_space<hbm>>) dst(%dma_wait3A_248 : memref<128x128xbf16, #tpu.memory_space<vmem>>)
        %dma_start3A_257 = arith.constant 3 : i32
        %dma_start3A_258 = arith.constant 3 : i32
        %dma_start3A_259 = arith.constant 0 : i32
        %dma_start3A_260 = arith.constant 0 : i32
        %dma_start3A_261 = tpu.memref_slice %arg9[%dma_start3A_257, %dma_start3A_259, %dma_start3A_260] : memref<5x128x128xbf16, #tpu.memory_space<vmem>> -> memref<1x128x128xbf16, #tpu.memory_space<vmem>>
        %dma_start3A_262 = tpu.memref_squeeze %dma_start3A_261 : memref<1x128x128xbf16, #tpu.memory_space<vmem>> -> memref<128x128xbf16, #tpu.memory_space<vmem>>
        %dma_start3A_263 = arith.constant 0 : i32
        %dma_start3A_264 = tpu.memref_slice %arg8[%add3A_240, %dma_start3A_263] : memref<130x128xi32, #tpu.memory_space<vmem>> -> memref<1x128xi32, #tpu.memory_space<vmem>>
        %dma_start3A_265 = tpu.memref_squeeze %dma_start3A_264 : memref<1x128xi32, #tpu.memory_space<vmem>> -> memref<128xi32, #tpu.memory_space<vmem>>
        %dma_start3A_266 = arith.constant 0 : i32
        %dma_start3A_267 = arith.constant 0 : i32
        %dma_start3A_268 = tpu.memref_slice %arg12[%dma_start3A_266, %dma_start3A_267] : memref<10240x128xbf16, #tpu.memory_space<vmem_shared>> -> memref<10240x128xbf16, #tpu.memory_space<vmem_shared>>
        %dma_start3A_269 = tpu.memref_slice %arg11[%dma_start3A_258] : memref<5x!tpu.dma_semaphore, #tpu.memory_space<semaphore_mem>> -> memref<1x!tpu.dma_semaphore, #tpu.memory_space<semaphore_mem>>
        %dma_start3A_270 = tpu.memref_squeeze %dma_start3A_269 : memref<1x!tpu.dma_semaphore, #tpu.memory_space<semaphore_mem>> -> memref<!tpu.dma_semaphore, #tpu.memory_space<semaphore_mem>>
        tpu.enqueue_indirect_dma source(%dma_start3A_262 : memref<128x128xbf16, #tpu.memory_space<vmem>>) target(%dma_start3A_268 : memref<10240x128xbf16, #tpu.memory_space<vmem_shared>>) offsets(%dma_start3A_265 : memref<128xi32, #tpu.memory_space<vmem>>) semaphore(%dma_start3A_270 : memref<!tpu.dma_semaphore, #tpu.memory_space<semaphore_mem>>) {add = true}
        %lt3A_271 = arith.constant 30 : i32
        %lt3A_272 = arith.cmpi slt, %add3A_242, %lt3A_271 : i32
        %convert_element_type3A_273 = arith.extui %lt3A_272 : i1 to i32
        %cond3A_274 = arith.constant 0 : i32
        %cond3A_275 = arith.cmpi ne, %convert_element_type3A_273, %cond3A_274 : i32
        scf.if %cond3A_275 {
          %ge3A = arith.constant 5 : i32
          %ge3A_313 = arith.cmpi sge, %add3A_242, %ge3A : i32
          %convert_element_type3A_314 = arith.extui %ge3A_313 : i1 to i32
          %cond3A_315 = arith.constant 0 : i32
          %cond3A_316 = arith.cmpi ne, %convert_element_type3A_314, %cond3A_315 : i32
          scf.if %cond3A_316 {
            %dma_wait3A_331 = arith.constant 0 : i32
            %dma_wait3A_332 = arith.constant 0 : i32
            %dma_wait3A_333 = arith.constant 0 : i32
            %dma_wait3A_334 = arith.constant 0 : i32
            %dma_wait3A_335 = tpu.memref_slice %arg9[%dma_wait3A_331, %dma_wait3A_333, %dma_wait3A_334] : memref<5x128x128xbf16, #tpu.memory_space<vmem>> -> memref<1x128x128xbf16, #tpu.memory_space<vmem>>
            %dma_wait3A_336 = tpu.memref_squeeze %dma_wait3A_335 : memref<1x128x128xbf16, #tpu.memory_space<vmem>> -> memref<128x128xbf16, #tpu.memory_space<vmem>>
            %dma_wait3A_337 = arith.constant 0 : i32
            %dma_wait3A_338 = tpu.memref_slice %arg8[%add3A_242, %dma_wait3A_337] : memref<130x128xi32, #tpu.memory_space<vmem>> -> memref<1x128xi32, #tpu.memory_space<vmem>>
            %dma_wait3A_339 = tpu.memref_squeeze %dma_wait3A_338 : memref<1x128xi32, #tpu.memory_space<vmem>> -> memref<128xi32, #tpu.memory_space<vmem>>
            %dma_wait3A_340 = arith.constant 0 : i32
            %dma_wait3A_341 = arith.constant 0 : i32
            %dma_wait3A_342 = tpu.memref_slice %arg12[%dma_wait3A_340, %dma_wait3A_341] : memref<10240x128xbf16, #tpu.memory_space<vmem_shared>> -> memref<10240x128xbf16, #tpu.memory_space<vmem_shared>>
            %dma_wait3A_343 = tpu.memref_slice %arg11[%dma_wait3A_332] : memref<5x!tpu.dma_semaphore, #tpu.memory_space<semaphore_mem>> -> memref<1x!tpu.dma_semaphore, #tpu.memory_space<semaphore_mem>>
            %dma_wait3A_344 = tpu.memref_squeeze %dma_wait3A_343 : memref<1x!tpu.dma_semaphore, #tpu.memory_space<semaphore_mem>> -> memref<!tpu.dma_semaphore, #tpu.memory_space<semaphore_mem>>
            tpu.wait_indirect_dma semaphore(%dma_wait3A_344 : memref<!tpu.dma_semaphore, #tpu.memory_space<semaphore_mem>>) src(%dma_wait3A_336 : memref<128x128xbf16, #tpu.memory_space<vmem>>) dst(%dma_wait3A_342 : memref<10240x128xbf16, #tpu.memory_space<vmem_shared>>)
          } else {
          }
          %dma_start3A_317 = arith.constant 0 : i32
          %dma_start3A_318 = arith.constant 0 : i32
          %dma_start3A_319 = arith.constant 0 : i32
          %dma_start3A_320 = arith.constant 0 : i32
          %dma_start3A_321 = tpu.memref_slice %arg9[%dma_start3A_317, %dma_start3A_319, %dma_start3A_320] : memref<5x128x128xbf16, #tpu.memory_space<vmem>> -> memref<1x128x128xbf16, #tpu.memory_space<vmem>>
          %dma_start3A_322 = tpu.memref_squeeze %dma_start3A_321 : memref<1x128x128xbf16, #tpu.memory_space<vmem>> -> memref<128x128xbf16, #tpu.memory_space<vmem>>
          %dma_start3A_323 = arith.constant 0 : i32
          %dma_start3A_324 = tpu.memref_slice %arg7[%add3A_242, %dma_start3A_323] : memref<130x128xi32, #tpu.memory_space<vmem>> -> memref<1x128xi32, #tpu.memory_space<vmem>>
          %dma_start3A_325 = tpu.memref_squeeze %dma_start3A_324 : memref<1x128xi32, #tpu.memory_space<vmem>> -> memref<128xi32, #tpu.memory_space<vmem>>
          %dma_start3A_326 = arith.constant 0 : i32
          %dma_start3A_327 = arith.constant 0 : i32
          %dma_start3A_328 = tpu.memref_slice %arg2[%dma_start3A_326, %dma_start3A_327] : memref<10000x128xbf16, #tpu.memory_space<hbm>> -> memref<10000x128xbf16, #tpu.memory_space<hbm>>
          %dma_start3A_329 = tpu.memref_slice %arg10[%dma_start3A_318] : memref<5x!tpu.dma_semaphore, #tpu.memory_space<semaphore_mem>> -> memref<1x!tpu.dma_semaphore, #tpu.memory_space<semaphore_mem>>
          %dma_start3A_330 = tpu.memref_squeeze %dma_start3A_329 : memref<1x!tpu.dma_semaphore, #tpu.memory_space<semaphore_mem>> -> memref<!tpu.dma_semaphore, #tpu.memory_space<semaphore_mem>>
          tpu.enqueue_indirect_dma source(%dma_start3A_328 : memref<10000x128xbf16, #tpu.memory_space<hbm>>) target(%dma_start3A_322 : memref<128x128xbf16, #tpu.memory_space<vmem>>) offsets(%dma_start3A_325 : memref<128xi32, #tpu.memory_space<vmem>>) semaphore(%dma_start3A_330 : memref<!tpu.dma_semaphore, #tpu.memory_space<semaphore_mem>>)
        } else {
        }
        %add3A_276 = arith.constant 4 : i32
        %add3A_277 = arith.addi %mul3A_129, %add3A_276 : i32
        %add3A_278 = arith.constant 2 : i32
        %add3A_279 = arith.addi %add3A_277, %add3A_278 : i32
        %dma_wait3A_280 = arith.constant 4 : i32
        %dma_wait3A_281 = arith.constant 4 : i32
        %dma_wait3A_282 = arith.constant 0 : i32
        %dma_wait3A_283 = arith.constant 0 : i32
        %dma_wait3A_284 = tpu.memref_slice %arg9[%dma_wait3A_280, %dma_wait3A_282, %dma_wait3A_283] : memref<5x128x128xbf16, #tpu.memory_space<vmem>> -> memref<1x128x128xbf16, #tpu.memory_space<vmem>>
        %dma_wait3A_285 = tpu.memref_squeeze %dma_wait3A_284 : memref<1x128x128xbf16, #tpu.memory_space<vmem>> -> memref<128x128xbf16, #tpu.memory_space<vmem>>
        %dma_wait3A_286 = arith.constant 0 : i32
        %dma_wait3A_287 = tpu.memref_slice %arg7[%add3A_277, %dma_wait3A_286] : memref<130x128xi32, #tpu.memory_space<vmem>> -> memref<1x128xi32, #tpu.memory_space<vmem>>
        %dma_wait3A_288 = tpu.memref_squeeze %dma_wait3A_287 : memref<1x128xi32, #tpu.memory_space<vmem>> -> memref<128xi32, #tpu.memory_space<vmem>>
        %dma_wait3A_289 = arith.constant 0 : i32
        %dma_wait3A_290 = arith.constant 0 : i32
        %dma_wait3A_291 = tpu.memref_slice %arg2[%dma_wait3A_289, %dma_wait3A_290] : memref<10000x128xbf16, #tpu.memory_space<hbm>> -> memref<10000x128xbf16, #tpu.memory_space<hbm>>
        %dma_wait3A_292 = tpu.memref_slice %arg10[%dma_wait3A_281] : memref<5x!tpu.dma_semaphore, #tpu.memory_space<semaphore_mem>> -> memref<1x!tpu.dma_semaphore, #tpu.memory_space<semaphore_mem>>
        %dma_wait3A_293 = tpu.memref_squeeze %dma_wait3A_292 : memref<1x!tpu.dma_semaphore, #tpu.memory_space<semaphore_mem>> -> memref<!tpu.dma_semaphore, #tpu.memory_space<semaphore_mem>>
        tpu.wait_indirect_dma semaphore(%dma_wait3A_293 : memref<!tpu.dma_semaphore, #tpu.memory_space<semaphore_mem>>) src(%dma_wait3A_291 : memref<10000x128xbf16, #tpu.memory_space<hbm>>) dst(%dma_wait3A_285 : memref<128x128xbf16, #tpu.memory_space<vmem>>)
        %dma_start3A_294 = arith.constant 4 : i32
        %dma_start3A_295 = arith.constant 4 : i32
        %dma_start3A_296 = arith.constant 0 : i32
        %dma_start3A_297 = arith.constant 0 : i32
        %dma_start3A_298 = tpu.memref_slice %arg9[%dma_start3A_294, %dma_start3A_296, %dma_start3A_297] : memref<5x128x128xbf16, #tpu.memory_space<vmem>> -> memref<1x128x128xbf16, #tpu.memory_space<vmem>>
        %dma_start3A_299 = tpu.memref_squeeze %dma_start3A_298 : memref<1x128x128xbf16, #tpu.memory_space<vmem>> -> memref<128x128xbf16, #tpu.memory_space<vmem>>
        %dma_start3A_300 = arith.constant 0 : i32
        %dma_start3A_301 = tpu.memref_slice %arg8[%add3A_277, %dma_start3A_300] : memref<130x128xi32, #tpu.memory_space<vmem>> -> memref<1x128xi32, #tpu.memory_space<vmem>>
        %dma_start3A_302 = tpu.memref_squeeze %dma_start3A_301 : memref<1x128xi32, #tpu.memory_space<vmem>> -> memref<128xi32, #tpu.memory_space<vmem>>
        %dma_start3A_303 = arith.constant 0 : i32
        %dma_start3A_304 = arith.constant 0 : i32
        %dma_start3A_305 = tpu.memref_slice %arg12[%dma_start3A_303, %dma_start3A_304] : memref<10240x128xbf16, #tpu.memory_space<vmem_shared>> -> memref<10240x128xbf16, #tpu.memory_space<vmem_shared>>
        %dma_start3A_306 = tpu.memref_slice %arg11[%dma_start3A_295] : memref<5x!tpu.dma_semaphore, #tpu.memory_space<semaphore_mem>> -> memref<1x!tpu.dma_semaphore, #tpu.memory_space<semaphore_mem>>
        %dma_start3A_307 = tpu.memref_squeeze %dma_start3A_306 : memref<1x!tpu.dma_semaphore, #tpu.memory_space<semaphore_mem>> -> memref<!tpu.dma_semaphore, #tpu.memory_space<semaphore_mem>>
        tpu.enqueue_indirect_dma source(%dma_start3A_299 : memref<128x128xbf16, #tpu.memory_space<vmem>>) target(%dma_start3A_305 : memref<10240x128xbf16, #tpu.memory_space<vmem_shared>>) offsets(%dma_start3A_302 : memref<128xi32, #tpu.memory_space<vmem>>) semaphore(%dma_start3A_307 : memref<!tpu.dma_semaphore, #tpu.memory_space<semaphore_mem>>) {add = true}
        %lt3A_308 = arith.constant 30 : i32
        %lt3A_309 = arith.cmpi slt, %add3A_279, %lt3A_308 : i32
        %convert_element_type3A_310 = arith.extui %lt3A_309 : i1 to i32
        %cond3A_311 = arith.constant 0 : i32
        %cond3A_312 = arith.cmpi ne, %convert_element_type3A_310, %cond3A_311 : i32
        scf.if %cond3A_312 {
          %ge3A = arith.constant 5 : i32
          %ge3A_313 = arith.cmpi sge, %add3A_279, %ge3A : i32
          %convert_element_type3A_314 = arith.extui %ge3A_313 : i1 to i32
          %cond3A_315 = arith.constant 0 : i32
          %cond3A_316 = arith.cmpi ne, %convert_element_type3A_314, %cond3A_315 : i32
          scf.if %cond3A_316 {
            %dma_wait3A_331 = arith.constant 1 : i32
            %dma_wait3A_332 = arith.constant 1 : i32
            %dma_wait3A_333 = arith.constant 0 : i32
            %dma_wait3A_334 = arith.constant 0 : i32
            %dma_wait3A_335 = tpu.memref_slice %arg9[%dma_wait3A_331, %dma_wait3A_333, %dma_wait3A_334] : memref<5x128x128xbf16, #tpu.memory_space<vmem>> -> memref<1x128x128xbf16, #tpu.memory_space<vmem>>
            %dma_wait3A_336 = tpu.memref_squeeze %dma_wait3A_335 : memref<1x128x128xbf16, #tpu.memory_space<vmem>> -> memref<128x128xbf16, #tpu.memory_space<vmem>>
            %dma_wait3A_337 = arith.constant 0 : i32
            %dma_wait3A_338 = tpu.memref_slice %arg8[%add3A_279, %dma_wait3A_337] : memref<130x128xi32, #tpu.memory_space<vmem>> -> memref<1x128xi32, #tpu.memory_space<vmem>>
            %dma_wait3A_339 = tpu.memref_squeeze %dma_wait3A_338 : memref<1x128xi32, #tpu.memory_space<vmem>> -> memref<128xi32, #tpu.memory_space<vmem>>
            %dma_wait3A_340 = arith.constant 0 : i32
            %dma_wait3A_341 = arith.constant 0 : i32
            %dma_wait3A_342 = tpu.memref_slice %arg12[%dma_wait3A_340, %dma_wait3A_341] : memref<10240x128xbf16, #tpu.memory_space<vmem_shared>> -> memref<10240x128xbf16, #tpu.memory_space<vmem_shared>>
            %dma_wait3A_343 = tpu.memref_slice %arg11[%dma_wait3A_332] : memref<5x!tpu.dma_semaphore, #tpu.memory_space<semaphore_mem>> -> memref<1x!tpu.dma_semaphore, #tpu.memory_space<semaphore_mem>>
            %dma_wait3A_344 = tpu.memref_squeeze %dma_wait3A_343 : memref<1x!tpu.dma_semaphore, #tpu.memory_space<semaphore_mem>> -> memref<!tpu.dma_semaphore, #tpu.memory_space<semaphore_mem>>
            tpu.wait_indirect_dma semaphore(%dma_wait3A_344 : memref<!tpu.dma_semaphore, #tpu.memory_space<semaphore_mem>>) src(%dma_wait3A_336 : memref<128x128xbf16, #tpu.memory_space<vmem>>) dst(%dma_wait3A_342 : memref<10240x128xbf16, #tpu.memory_space<vmem_shared>>)
          } else {
          }
          %dma_start3A_317 = arith.constant 1 : i32
          %dma_start3A_318 = arith.constant 1 : i32
          %dma_start3A_319 = arith.constant 0 : i32
          %dma_start3A_320 = arith.constant 0 : i32
          %dma_start3A_321 = tpu.memref_slice %arg9[%dma_start3A_317, %dma_start3A_319, %dma_start3A_320] : memref<5x128x128xbf16, #tpu.memory_space<vmem>> -> memref<1x128x128xbf16, #tpu.memory_space<vmem>>
          %dma_start3A_322 = tpu.memref_squeeze %dma_start3A_321 : memref<1x128x128xbf16, #tpu.memory_space<vmem>> -> memref<128x128xbf16, #tpu.memory_space<vmem>>
          %dma_start3A_323 = arith.constant 0 : i32
          %dma_start3A_324 = tpu.memref_slice %arg7[%add3A_279, %dma_start3A_323] : memref<130x128xi32, #tpu.memory_space<vmem>> -> memref<1x128xi32, #tpu.memory_space<vmem>>
          %dma_start3A_325 = tpu.memref_squeeze %dma_start3A_324 : memref<1x128xi32, #tpu.memory_space<vmem>> -> memref<128xi32, #tpu.memory_space<vmem>>
          %dma_start3A_326 = arith.constant 0 : i32
          %dma_start3A_327 = arith.constant 0 : i32
          %dma_start3A_328 = tpu.memref_slice %arg2[%dma_start3A_326, %dma_start3A_327] : memref<10000x128xbf16, #tpu.memory_space<hbm>> -> memref<10000x128xbf16, #tpu.memory_space<hbm>>
          %dma_start3A_329 = tpu.memref_slice %arg10[%dma_start3A_318] : memref<5x!tpu.dma_semaphore, #tpu.memory_space<semaphore_mem>> -> memref<1x!tpu.dma_semaphore, #tpu.memory_space<semaphore_mem>>
          %dma_start3A_330 = tpu.memref_squeeze %dma_start3A_329 : memref<1x!tpu.dma_semaphore, #tpu.memory_space<semaphore_mem>> -> memref<!tpu.dma_semaphore, #tpu.memory_space<semaphore_mem>>
          tpu.enqueue_indirect_dma source(%dma_start3A_328 : memref<10000x128xbf16, #tpu.memory_space<hbm>>) target(%dma_start3A_322 : memref<128x128xbf16, #tpu.memory_space<vmem>>) offsets(%dma_start3A_325 : memref<128xi32, #tpu.memory_space<vmem>>) semaphore(%dma_start3A_330 : memref<!tpu.dma_semaphore, #tpu.memory_space<semaphore_mem>>)
        } else {
        }
      }
      %scan3A_52 = arith.constant 6 : i32
      %dma_wait3A = arith.constant 0 : i32
      %dma_wait3A_53 = arith.constant 0 : i32
      %dma_wait3A_54 = arith.constant 0 : i32
      %dma_wait3A_55 = arith.constant 0 : i32
      %dma_wait3A_56 = arith.constant 0 : i32
      %dma_wait3A_57 = tpu.memref_slice %arg9[%dma_wait3A, %dma_wait3A_55, %dma_wait3A_56] : memref<5x128x128xbf16, #tpu.memory_space<vmem>> -> memref<1x128x128xbf16, #tpu.memory_space<vmem>>
      %dma_wait3A_58 = tpu.memref_squeeze %dma_wait3A_57 : memref<1x128x128xbf16, #tpu.memory_space<vmem>> -> memref<128x128xbf16, #tpu.memory_space<vmem>>
      %dma_wait3A_59 = arith.constant 0 : i32
      %dma_wait3A_60 = tpu.memref_slice %arg8[%dma_wait3A_53, %dma_wait3A_59] : memref<130x128xi32, #tpu.memory_space<vmem>> -> memref<1x128xi32, #tpu.memory_space<vmem>>
      %dma_wait3A_61 = tpu.memref_squeeze %dma_wait3A_60 : memref<1x128xi32, #tpu.memory_space<vmem>> -> memref<128xi32, #tpu.memory_space<vmem>>
      %dma_wait3A_62 = arith.constant 0 : i32
      %dma_wait3A_63 = arith.constant 0 : i32
      %dma_wait3A_64 = tpu.memref_slice %arg12[%dma_wait3A_62, %dma_wait3A_63] : memref<10240x128xbf16, #tpu.memory_space<vmem_shared>> -> memref<10240x128xbf16, #tpu.memory_space<vmem_shared>>
      %dma_wait3A_65 = tpu.memref_slice %arg11[%dma_wait3A_54] : memref<5x!tpu.dma_semaphore, #tpu.memory_space<semaphore_mem>> -> memref<1x!tpu.dma_semaphore, #tpu.memory_space<semaphore_mem>>
      %dma_wait3A_66 = tpu.memref_squeeze %dma_wait3A_65 : memref<1x!tpu.dma_semaphore, #tpu.memory_space<semaphore_mem>> -> memref<!tpu.dma_semaphore, #tpu.memory_space<semaphore_mem>>
      tpu.wait_indirect_dma semaphore(%dma_wait3A_66 : memref<!tpu.dma_semaphore, #tpu.memory_space<semaphore_mem>>) src(%dma_wait3A_58 : memref<128x128xbf16, #tpu.memory_space<vmem>>) dst(%dma_wait3A_64 : memref<10240x128xbf16, #tpu.memory_space<vmem_shared>>)
      %dma_wait3A_67 = arith.constant 1 : i32
      %dma_wait3A_68 = arith.constant 0 : i32
      %dma_wait3A_69 = arith.constant 1 : i32
      %dma_wait3A_70 = arith.constant 0 : i32
      %dma_wait3A_71 = arith.constant 0 : i32
      %dma_wait3A_72 = tpu.memref_slice %arg9[%dma_wait3A_67, %dma_wait3A_70, %dma_wait3A_71] : memref<5x128x128xbf16, #tpu.memory_space<vmem>> -> memref<1x128x128xbf16, #tpu.memory_space<vmem>>
      %dma_wait3A_73 = tpu.memref_squeeze %dma_wait3A_72 : memref<1x128x128xbf16, #tpu.memory_space<vmem>> -> memref<128x128xbf16, #tpu.memory_space<vmem>>
      %dma_wait3A_74 = arith.constant 0 : i32
      %dma_wait3A_75 = tpu.memref_slice %arg8[%dma_wait3A_68, %dma_wait3A_74] : memref<130x128xi32, #tpu.memory_space<vmem>> -> memref<1x128xi32, #tpu.memory_space<vmem>>
      %dma_wait3A_76 = tpu.memref_squeeze %dma_wait3A_75 : memref<1x128xi32, #tpu.memory_space<vmem>> -> memref<128xi32, #tpu.memory_space<vmem>>
      %dma_wait3A_77 = arith.constant 0 : i32
      %dma_wait3A_78 = arith.constant 0 : i32
      %dma_wait3A_79 = tpu.memref_slice %arg12[%dma_wait3A_77, %dma_wait3A_78] : memref<10240x128xbf16, #tpu.memory_space<vmem_shared>> -> memref<10240x128xbf16, #tpu.memory_space<vmem_shared>>
      %dma_wait3A_80 = tpu.memref_slice %arg11[%dma_wait3A_69] : memref<5x!tpu.dma_semaphore, #tpu.memory_space<semaphore_mem>> -> memref<1x!tpu.dma_semaphore, #tpu.memory_space<semaphore_mem>>
      %dma_wait3A_81 = tpu.memref_squeeze %dma_wait3A_80 : memref<1x!tpu.dma_semaphore, #tpu.memory_space<semaphore_mem>> -> memref<!tpu.dma_semaphore, #tpu.memory_space<semaphore_mem>>
      tpu.wait_indirect_dma semaphore(%dma_wait3A_81 : memref<!tpu.dma_semaphore, #tpu.memory_space<semaphore_mem>>) src(%dma_wait3A_73 : memref<128x128xbf16, #tpu.memory_space<vmem>>) dst(%dma_wait3A_79 : memref<10240x128xbf16, #tpu.memory_space<vmem_shared>>)
      %dma_wait3A_82 = arith.constant 2 : i32
      %dma_wait3A_83 = arith.constant 0 : i32
      %dma_wait3A_84 = arith.constant 2 : i32
      %dma_wait3A_85 = arith.constant 0 : i32
      %dma_wait3A_86 = arith.constant 0 : i32
      %dma_wait3A_87 = tpu.memref_slice %arg9[%dma_wait3A_82, %dma_wait3A_85, %dma_wait3A_86] : memref<5x128x128xbf16, #tpu.memory_space<vmem>> -> memref<1x128x128xbf16, #tpu.memory_space<vmem>>
      %dma_wait3A_88 = tpu.memref_squeeze %dma_wait3A_87 : memref<1x128x128xbf16, #tpu.memory_space<vmem>> -> memref<128x128xbf16, #tpu.memory_space<vmem>>
      %dma_wait3A_89 = arith.constant 0 : i32
      %dma_wait3A_90 = tpu.memref_slice %arg8[%dma_wait3A_83, %dma_wait3A_89] : memref<130x128xi32, #tpu.memory_space<vmem>> -> memref<1x128xi32, #tpu.memory_space<vmem>>
      %dma_wait3A_91 = tpu.memref_squeeze %dma_wait3A_90 : memref<1x128xi32, #tpu.memory_space<vmem>> -> memref<128xi32, #tpu.memory_space<vmem>>
      %dma_wait3A_92 = arith.constant 0 : i32
      %dma_wait3A_93 = arith.constant 0 : i32
      %dma_wait3A_94 = tpu.memref_slice %arg12[%dma_wait3A_92, %dma_wait3A_93] : memref<10240x128xbf16, #tpu.memory_space<vmem_shared>> -> memref<10240x128xbf16, #tpu.memory_space<vmem_shared>>
      %dma_wait3A_95 = tpu.memref_slice %arg11[%dma_wait3A_84] : memref<5x!tpu.dma_semaphore, #tpu.memory_space<semaphore_mem>> -> memref<1x!tpu.dma_semaphore, #tpu.memory_space<semaphore_mem>>
      %dma_wait3A_96 = tpu.memref_squeeze %dma_wait3A_95 : memref<1x!tpu.dma_semaphore, #tpu.memory_space<semaphore_mem>> -> memref<!tpu.dma_semaphore, #tpu.memory_space<semaphore_mem>>
      tpu.wait_indirect_dma semaphore(%dma_wait3A_96 : memref<!tpu.dma_semaphore, #tpu.memory_space<semaphore_mem>>) src(%dma_wait3A_88 : memref<128x128xbf16, #tpu.memory_space<vmem>>) dst(%dma_wait3A_94 : memref<10240x128xbf16, #tpu.memory_space<vmem_shared>>)
      %dma_wait3A_97 = arith.constant 3 : i32
      %dma_wait3A_98 = arith.constant 0 : i32
      %dma_wait3A_99 = arith.constant 3 : i32
      %dma_wait3A_100 = arith.constant 0 : i32
      %dma_wait3A_101 = arith.constant 0 : i32
      %dma_wait3A_102 = tpu.memref_slice %arg9[%dma_wait3A_97, %dma_wait3A_100, %dma_wait3A_101] : memref<5x128x128xbf16, #tpu.memory_space<vmem>> -> memref<1x128x128xbf16, #tpu.memory_space<vmem>>
      %dma_wait3A_103 = tpu.memref_squeeze %dma_wait3A_102 : memref<1x128x128xbf16, #tpu.memory_space<vmem>> -> memref<128x128xbf16, #tpu.memory_space<vmem>>
      %dma_wait3A_104 = arith.constant 0 : i32
      %dma_wait3A_105 = tpu.memref_slice %arg8[%dma_wait3A_98, %dma_wait3A_104] : memref<130x128xi32, #tpu.memory_space<vmem>> -> memref<1x128xi32, #tpu.memory_space<vmem>>
      %dma_wait3A_106 = tpu.memref_squeeze %dma_wait3A_105 : memref<1x128xi32, #tpu.memory_space<vmem>> -> memref<128xi32, #tpu.memory_space<vmem>>
      %dma_wait3A_107 = arith.constant 0 : i32
      %dma_wait3A_108 = arith.constant 0 : i32
      %dma_wait3A_109 = tpu.memref_slice %arg12[%dma_wait3A_107, %dma_wait3A_108] : memref<10240x128xbf16, #tpu.memory_space<vmem_shared>> -> memref<10240x128xbf16, #tpu.memory_space<vmem_shared>>
      %dma_wait3A_110 = tpu.memref_slice %arg11[%dma_wait3A_99] : memref<5x!tpu.dma_semaphore, #tpu.memory_space<semaphore_mem>> -> memref<1x!tpu.dma_semaphore, #tpu.memory_space<semaphore_mem>>
      %dma_wait3A_111 = tpu.memref_squeeze %dma_wait3A_110 : memref<1x!tpu.dma_semaphore, #tpu.memory_space<semaphore_mem>> -> memref<!tpu.dma_semaphore, #tpu.memory_space<semaphore_mem>>
      tpu.wait_indirect_dma semaphore(%dma_wait3A_111 : memref<!tpu.dma_semaphore, #tpu.memory_space<semaphore_mem>>) src(%dma_wait3A_103 : memref<128x128xbf16, #tpu.memory_space<vmem>>) dst(%dma_wait3A_109 : memref<10240x128xbf16, #tpu.memory_space<vmem_shared>>)
      %dma_wait3A_112 = arith.constant 4 : i32
      %dma_wait3A_113 = arith.constant 0 : i32
      %dma_wait3A_114 = arith.constant 4 : i32
      %dma_wait3A_115 = arith.constant 0 : i32
      %dma_wait3A_116 = arith.constant 0 : i32
      %dma_wait3A_117 = tpu.memref_slice %arg9[%dma_wait3A_112, %dma_wait3A_115, %dma_wait3A_116] : memref<5x128x128xbf16, #tpu.memory_space<vmem>> -> memref<1x128x128xbf16, #tpu.memory_space<vmem>>
      %dma_wait3A_118 = tpu.memref_squeeze %dma_wait3A_117 : memref<1x128x128xbf16, #tpu.memory_space<vmem>> -> memref<128x128xbf16, #tpu.memory_space<vmem>>
      %dma_wait3A_119 = arith.constant 0 : i32
      %dma_wait3A_120 = tpu.memref_slice %arg8[%dma_wait3A_113, %dma_wait3A_119] : memref<130x128xi32, #tpu.memory_space<vmem>> -> memref<1x128xi32, #tpu.memory_space<vmem>>
      %dma_wait3A_121 = tpu.memref_squeeze %dma_wait3A_120 : memref<1x128xi32, #tpu.memory_space<vmem>> -> memref<128xi32, #tpu.memory_space<vmem>>
      %dma_wait3A_122 = arith.constant 0 : i32
      %dma_wait3A_123 = arith.constant 0 : i32
      %dma_wait3A_124 = tpu.memref_slice %arg12[%dma_wait3A_122, %dma_wait3A_123] : memref<10240x128xbf16, #tpu.memory_space<vmem_shared>> -> memref<10240x128xbf16, #tpu.memory_space<vmem_shared>>
      %dma_wait3A_125 = tpu.memref_slice %arg11[%dma_wait3A_114] : memref<5x!tpu.dma_semaphore, #tpu.memory_space<semaphore_mem>> -> memref<1x!tpu.dma_semaphore, #tpu.memory_space<semaphore_mem>>
      %dma_wait3A_126 = tpu.memref_squeeze %dma_wait3A_125 : memref<1x!tpu.dma_semaphore, #tpu.memory_space<semaphore_mem>> -> memref<!tpu.dma_semaphore, #tpu.memory_space<semaphore_mem>>
      tpu.wait_indirect_dma semaphore(%dma_wait3A_126 : memref<!tpu.dma_semaphore, #tpu.memory_space<semaphore_mem>>) src(%dma_wait3A_118 : memref<128x128xbf16, #tpu.memory_space<vmem>>) dst(%dma_wait3A_124 : memref<10240x128xbf16, #tpu.memory_space<vmem_shared>>)
    } else {
    }
    %barrier3A_18 = arith.constant 0 : index
    tpu.barrier barrier_id(%barrier3A_18)
    "tpu.region"() ({
      %run_scoped3A = tpu.sem_alloc : memref<!tpu.dma_semaphore, #tpu.memory_space<semaphore_mem>>
      %dma_start3A = arith.constant 0 : i32
      %dma_start3A_19 = tpu.memref_slice %arg6[%arg0, %mul3A_0, %dma_start3A] : memref<2x10240x128xbf16, #tpu.memory_space<hbm>> -> memref<1x640x128xbf16, #tpu.memory_space<hbm>>
      %dma_start3A_20 = tpu.memref_squeeze %dma_start3A_19 : memref<1x640x128xbf16, #tpu.memory_space<hbm>> -> memref<640x128xbf16, #tpu.memory_space<hbm>>
      %dma_start3A_21 = arith.constant 0 : i32
      %dma_start3A_22 = tpu.memref_slice %arg12[%mul3A_0, %dma_start3A_21] : memref<10240x128xbf16, #tpu.memory_space<vmem_shared>> -> memref<640x128xbf16, #tpu.memory_space<vmem_shared>>
      tpu.enqueue_dma source(%dma_start3A_22 : memref<640x128xbf16, #tpu.memory_space<vmem_shared>>) target(%dma_start3A_20 : memref<640x128xbf16, #tpu.memory_space<hbm>>) target_semaphore(%run_scoped3A : memref<!tpu.dma_semaphore, #tpu.memory_space<semaphore_mem>>)
      %dma_wait3A = arith.constant 0 : i32
      %dma_wait3A_23 = tpu.memref_slice %arg6[%arg0, %mul3A_0, %dma_wait3A] : memref<2x10240x128xbf16, #tpu.memory_space<hbm>> -> memref<1x640x128xbf16, #tpu.memory_space<hbm>>
      %dma_wait3A_24 = tpu.memref_squeeze %dma_wait3A_23 : memref<1x640x128xbf16, #tpu.memory_space<hbm>> -> memref<640x128xbf16, #tpu.memory_space<hbm>>
      %dma_wait3A_25 = arith.constant 0 : i32
      %dma_wait3A_26 = tpu.memref_slice %arg12[%mul3A_0, %dma_wait3A_25] : memref<10240x128xbf16, #tpu.memory_space<vmem_shared>> -> memref<640x128xbf16, #tpu.memory_space<vmem_shared>>
      tpu.wait_dma2 semaphore(%run_scoped3A : memref<!tpu.dma_semaphore, #tpu.memory_space<semaphore_mem>>) src(%dma_wait3A_26 : memref<640x128xbf16, #tpu.memory_space<vmem_shared>>) dst(%dma_wait3A_24 : memref<640x128xbf16, #tpu.memory_space<hbm>>)
      tpu.yield
    }) : () -> ()
    return
  }
}

module attributes {stable_mosaic.version = 14 : i64} {
  func.func @_tc_prep_body(%arg0: i32, %arg1: memref<2000x128xf32, #tpu.memory_space<vmem>>, %arg2: memref<128x128xf32, #tpu.memory_space<vmem>>, %arg3: memref<128x128xf32, #tpu.memory_space<vmem>>, %arg4: memref<1x128xf32, #tpu.memory_space<vmem>>, %arg5: memref<2000x128xbf16, #tpu.memory_space<vmem>>, %arg6: memref<2000x128xf32, #tpu.memory_space<vmem>>) attributes {dimension_semantics = [#tpu.dimension_semantics<arbitrary>], iteration_bounds = array<i64: 5>, scalar_prefetch = 0 : i64, scratch_operands = 0 : i64, tpu.core_type = #tpu.core_type<tc>, window_params = [{transform_indices = @transform_0, window_bounds = array<i64: 2000, 128>}, {pipeline_mode = #tpu.pipeline_mode<synchronous>, transform_indices = @transform_1, window_bounds = array<i64: 128, 128>}, {pipeline_mode = #tpu.pipeline_mode<synchronous>, transform_indices = @transform_2, window_bounds = array<i64: 128, 128>}, {pipeline_mode = #tpu.pipeline_mode<synchronous>, transform_indices = @transform_3, window_bounds = array<i64: 1, 128>}, {transform_indices = @transform_4, window_bounds = array<i64: 2000, 128>}, {transform_indices = @transform_5, window_bounds = array<i64: 2000, 128>}]} {
    %get3A = arith.constant 0 : index
    %get3A_0 = arith.constant 0 : index
    %get3A_1 = vector.load %arg1[%get3A, %get3A_0] : memref<2000x128xf32, #tpu.memory_space<vmem>>, vector<2000x128xf32>
    %get3A_2 = arith.constant 0 : index
    %get3A_3 = arith.constant 0 : index
    %get3A_4 = vector.load %arg2[%get3A_2, %get3A_3] : memref<128x128xf32, #tpu.memory_space<vmem>>, vector<128x128xf32>
    %dot_general3A = arith.constant dense<0.000000e+00> : vector<2000x128xf32>
    %dot_general3A_5 = tpu.matmul %get3A_1, %get3A_4, %dot_general3A {dimension_numbers = #tpu.dot_dimension_numbers<[1], [0], [0], [1], [0, 0, 1, 1], [], []>, transpose_lhs_hint = false} : vector<2000x128xf32>, vector<128x128xf32>, vector<2000x128xf32> -> vector<2000x128xf32>
    %convert_element_type3A = arith.truncf %dot_general3A_5 : vector<2000x128xf32> to vector<2000x128xbf16>
    %swap3A = arith.constant 0 : index
    %swap3A_6 = arith.constant 0 : index
    %swap3A_7 = vector.load %arg5[%swap3A, %swap3A_6] : memref<2000x128xbf16, #tpu.memory_space<vmem>>, vector<2000x128xbf16>
    tpu.vector_store %arg5[%swap3A, %swap3A_6], %convert_element_type3A {strides = array<i32>} : memref<2000x128xbf16, #tpu.memory_space<vmem>>, vector<2000x128xbf16>,
    %get3A_8 = arith.constant 0 : index
    %get3A_9 = arith.constant 0 : index
    %get3A_10 = vector.load %arg3[%get3A_8, %get3A_9] : memref<128x128xf32, #tpu.memory_space<vmem>>, vector<128x128xf32>
    %dot_general3A_11 = arith.constant dense<0.000000e+00> : vector<2000x128xf32>
    %dot_general3A_12 = tpu.matmul %get3A_1, %get3A_10, %dot_general3A_11 {dimension_numbers = #tpu.dot_dimension_numbers<[1], [0], [0], [1], [0, 0, 1, 1], [], []>, transpose_lhs_hint = false} : vector<2000x128xf32>, vector<128x128xf32>, vector<2000x128xf32> -> vector<2000x128xf32>
    %get3A_13 = arith.constant 0 : index
    %get3A_14 = arith.constant 0 : index
    %get3A_15 = vector.load %arg4[%get3A_13, %get3A_14] : memref<1x128xf32, #tpu.memory_space<vmem>>, vector<1x128xf32>
    %add3A = vector.broadcast %get3A_15 : vector<1x128xf32> to vector<2000x128xf32>
    %add3A_16 = arith.addf %dot_general3A_12, %add3A : vector<2000x128xf32>
    %swap3A_17 = arith.constant 0 : index
    %swap3A_18 = arith.constant 0 : index
    %swap3A_19 = vector.load %arg6[%swap3A_17, %swap3A_18] : memref<2000x128xf32, #tpu.memory_space<vmem>>, vector<2000x128xf32>
    tpu.vector_store %arg6[%swap3A_17, %swap3A_18], %add3A_16 {strides = array<i32>} : memref<2000x128xf32, #tpu.memory_space<vmem>>, vector<2000x128xf32>,
    return
  }
  func.func @transform_0(%arg0: i32) -> (i32, i32) {
    %c0_i32 = arith.constant 0 : i32
    %c0_i32_0 = arith.constant 0 : i32
    return %arg0, %c0_i32 : i32, i32
  }
  func.func @transform_1(%arg0: i32) -> (i32, i32) {
    %c0_i32 = arith.constant 0 : i32
    %c0_i32_0 = arith.constant 0 : i32
    %c0_i32_1 = arith.constant 0 : i32
    return %c0_i32, %c0_i32_0 : i32, i32
  }
  func.func @transform_2(%arg0: i32) -> (i32, i32) {
    %c0_i32 = arith.constant 0 : i32
    %c0_i32_0 = arith.constant 0 : i32
    %c0_i32_1 = arith.constant 0 : i32
    return %c0_i32, %c0_i32_0 : i32, i32
  }
  func.func @transform_3(%arg0: i32) -> (i32, i32) {
    %c0_i32 = arith.constant 0 : i32
    %c0_i32_0 = arith.constant 0 : i32
    %c0_i32_1 = arith.constant 0 : i32
    return %c0_i32, %c0_i32_0 : i32, i32
  }
  func.func @transform_4(%arg0: i32) -> (i32, i32) {
    %c0_i32 = arith.constant 0 : i32
    %c0_i32_0 = arith.constant 0 : i32
    return %arg0, %c0_i32 : i32, i32
  }
  func.func @transform_5(%arg0: i32) -> (i32, i32) {
    %c0_i32 = arith.constant 0 : i32
    %c0_i32_0 = arith.constant 0 : i32
    return %arg0, %c0_i32 : i32, i32
  }
}

module attributes {stable_mosaic.version = 14 : i64} {
  func.func @_tc_combine_body(%arg0: i32, %arg1: memref<2x2000x128xbf16, #tpu.memory_space<vmem>>, %arg2: memref<2x2000x16xf32, #tpu.memory_space<vmem>>, %arg3: memref<2000x128xf32, #tpu.memory_space<vmem>>, %arg4: memref<128x128xf32, #tpu.memory_space<vmem>>, %arg5: memref<128x128xf32, #tpu.memory_space<vmem>>, %arg6: memref<1x128xf32, #tpu.memory_space<vmem>>, %arg7: memref<2000x128xbf16, #tpu.memory_space<vmem>>, %arg8: memref<2000x128xf32, #tpu.memory_space<vmem>>) attributes {dimension_semantics = [#tpu.dimension_semantics<arbitrary>], iteration_bounds = array<i64: 5>, scalar_prefetch = 0 : i64, scratch_operands = 0 : i64, tpu.core_type = #tpu.core_type<tc>, window_params = [{transform_indices = @transform_0, window_bounds = array<i64: 2, 2000, 128>}, {transform_indices = @transform_1, window_bounds = array<i64: 2, 2000, 16>}, {transform_indices = @transform_2, window_bounds = array<i64: 2000, 128>}, {pipeline_mode = #tpu.pipeline_mode<synchronous>, transform_indices = @transform_3, window_bounds = array<i64: 128, 128>}, {pipeline_mode = #tpu.pipeline_mode<synchronous>, transform_indices = @transform_4, window_bounds = array<i64: 128, 128>}, {pipeline_mode = #tpu.pipeline_mode<synchronous>, transform_indices = @transform_5, window_bounds = array<i64: 1, 128>}, {transform_indices = @transform_6, window_bounds = array<i64: 2000, 128>}, {transform_indices = @transform_7, window_bounds = array<i64: 2000, 128>}]} {
    %get3A = arith.constant 0 : index
    %get3A_0 = arith.constant 0 : index
    %get3A_1 = arith.constant 0 : index
    %get3A_2 = vector.load %arg2[%get3A, %get3A_0, %get3A_1] : memref<2x2000x16xf32, #tpu.memory_space<vmem>>, vector<1x2000x16xf32>
    %get3A_3 = vector.shape_cast %get3A_2 : vector<1x2000x16xf32> to vector<2000x16xf32>
    %get3A_4 = arith.constant 1 : index
    %get3A_5 = arith.constant 0 : index
    %get3A_6 = arith.constant 0 : index
    %get3A_7 = vector.load %arg2[%get3A_4, %get3A_5, %get3A_6] : memref<2x2000x16xf32, #tpu.memory_space<vmem>>, vector<1x2000x16xf32>
    %get3A_8 = vector.shape_cast %get3A_7 : vector<1x2000x16xf32> to vector<2000x16xf32>
    %add3A = arith.addf %get3A_3, %get3A_8 : vector<2000x16xf32>
    %slice3A = vector.extract_strided_slice %add3A {offsets = [0, 0], sizes = [2000, 1], strides = [1, 1]} : vector<2000x16xf32> to vector<2000x1xf32>
    %max3A = arith.constant 1.000000e+00 : f32
    %max3A_9 = vector.broadcast %max3A : f32 to vector<2000x1xf32>
    %max3A_10 = arith.maximumf %slice3A, %max3A_9 : vector<2000x1xf32>
    %div3A = arith.constant 1.000000e+00 : f32
    %div3A_11 = vector.broadcast %div3A : f32 to vector<2000x1xf32>
    %div3A_12 = arith.divf %div3A_11, %max3A_10 : vector<2000x1xf32>
    %get3A_13 = arith.constant 0 : index
    %get3A_14 = arith.constant 0 : index
    %get3A_15 = arith.constant 0 : index
    %get3A_16 = vector.load %arg1[%get3A_13, %get3A_14, %get3A_15] : memref<2x2000x128xbf16, #tpu.memory_space<vmem>>, vector<1x2000x128xbf16>
    %get3A_17 = vector.shape_cast %get3A_16 : vector<1x2000x128xbf16> to vector<2000x128xbf16>
    %convert_element_type3A = arith.extf %get3A_17 : vector<2000x128xbf16> to vector<2000x128xf32>
    %get3A_18 = arith.constant 1 : index
    %get3A_19 = arith.constant 0 : index
    %get3A_20 = arith.constant 0 : index
    %get3A_21 = vector.load %arg1[%get3A_18, %get3A_19, %get3A_20] : memref<2x2000x128xbf16, #tpu.memory_space<vmem>>, vector<1x2000x128xbf16>
    %get3A_22 = vector.shape_cast %get3A_21 : vector<1x2000x128xbf16> to vector<2000x128xbf16>
    %convert_element_type3A_23 = arith.extf %get3A_22 : vector<2000x128xbf16> to vector<2000x128xf32>
    %add3A_24 = arith.addf %convert_element_type3A, %convert_element_type3A_23 : vector<2000x128xf32>
    %mul3A = vector.broadcast %div3A_12 : vector<2000x1xf32> to vector<2000x128xf32>
    %mul3A_25 = arith.mulf %add3A_24, %mul3A : vector<2000x128xf32>
    %get3A_26 = arith.constant 0 : index
    %get3A_27 = arith.constant 0 : index
    %get3A_28 = vector.load %arg3[%get3A_26, %get3A_27] : memref<2000x128xf32, #tpu.memory_space<vmem>>, vector<2000x128xf32>
    %add3A_29 = arith.addf %mul3A_25, %get3A_28 : vector<2000x128xf32>
    %max3A_30 = arith.constant 0.000000e+00 : f32
    %max3A_31 = vector.broadcast %max3A_30 : f32 to vector<2000x128xf32>
    %max3A_32 = arith.maximumf %add3A_29, %max3A_31 : vector<2000x128xf32>
    %get3A_33 = arith.constant 0 : index
    %get3A_34 = arith.constant 0 : index
    %get3A_35 = vector.load %arg4[%get3A_33, %get3A_34] : memref<128x128xf32, #tpu.memory_space<vmem>>, vector<128x128xf32>
    %dot_general3A = arith.constant dense<0.000000e+00> : vector<2000x128xf32>
    %dot_general3A_36 = tpu.matmul %max3A_32, %get3A_35, %dot_general3A {dimension_numbers = #tpu.dot_dimension_numbers<[1], [0], [0], [1], [0, 0, 1, 1], [], []>, transpose_lhs_hint = false} : vector<2000x128xf32>, vector<128x128xf32>, vector<2000x128xf32> -> vector<2000x128xf32>
    %convert_element_type3A_37 = arith.truncf %dot_general3A_36 : vector<2000x128xf32> to vector<2000x128xbf16>
    %swap3A = arith.constant 0 : index
    %swap3A_38 = arith.constant 0 : index
    %swap3A_39 = vector.load %arg7[%swap3A, %swap3A_38] : memref<2000x128xbf16, #tpu.memory_space<vmem>>, vector<2000x128xbf16>
    tpu.vector_store %arg7[%swap3A, %swap3A_38], %convert_element_type3A_37 {strides = array<i32>} : memref<2000x128xbf16, #tpu.memory_space<vmem>>, vector<2000x128xbf16>,
    %get3A_40 = arith.constant 0 : index
    %get3A_41 = arith.constant 0 : index
    %get3A_42 = vector.load %arg5[%get3A_40, %get3A_41] : memref<128x128xf32, #tpu.memory_space<vmem>>, vector<128x128xf32>
    %dot_general3A_43 = arith.constant dense<0.000000e+00> : vector<2000x128xf32>
    %dot_general3A_44 = tpu.matmul %max3A_32, %get3A_42, %dot_general3A_43 {dimension_numbers = #tpu.dot_dimension_numbers<[1], [0], [0], [1], [0, 0, 1, 1], [], []>, transpose_lhs_hint = false} : vector<2000x128xf32>, vector<128x128xf32>, vector<2000x128xf32> -> vector<2000x128xf32>
    %get3A_45 = arith.constant 0 : index
    %get3A_46 = arith.constant 0 : index
    %get3A_47 = vector.load %arg6[%get3A_45, %get3A_46] : memref<1x128xf32, #tpu.memory_space<vmem>>, vector<1x128xf32>
    %add3A_48 = vector.broadcast %get3A_47 : vector<1x128xf32> to vector<2000x128xf32>
    %add3A_49 = arith.addf %dot_general3A_44, %add3A_48 : vector<2000x128xf32>
    %swap3A_50 = arith.constant 0 : index
    %swap3A_51 = arith.constant 0 : index
    %swap3A_52 = vector.load %arg8[%swap3A_50, %swap3A_51] : memref<2000x128xf32, #tpu.memory_space<vmem>>, vector<2000x128xf32>
    tpu.vector_store %arg8[%swap3A_50, %swap3A_51], %add3A_49 {strides = array<i32>} : memref<2000x128xf32, #tpu.memory_space<vmem>>, vector<2000x128xf32>,
    return
  }
  func.func @transform_0(%arg0: i32) -> (i32, i32, i32) {
    %c0_i32 = arith.constant 0 : i32
    %c0_i32_0 = arith.constant 0 : i32
    %c0_i32_1 = arith.constant 0 : i32
    return %c0_i32, %arg0, %c0_i32_0 : i32, i32, i32
  }
  func.func @transform_1(%arg0: i32) -> (i32, i32, i32) {
    %c0_i32 = arith.constant 0 : i32
    %c0_i32_0 = arith.constant 0 : i32
    %c0_i32_1 = arith.constant 0 : i32
    return %c0_i32, %arg0, %c0_i32_0 : i32, i32, i32
  }
  func.func @transform_2(%arg0: i32) -> (i32, i32) {
    %c0_i32 = arith.constant 0 : i32
    %c0_i32_0 = arith.constant 0 : i32
    return %arg0, %c0_i32 : i32, i32
  }
  func.func @transform_3(%arg0: i32) -> (i32, i32) {
    %c0_i32 = arith.constant 0 : i32
    %c0_i32_0 = arith.constant 0 : i32
    %c0_i32_1 = arith.constant 0 : i32
    return %c0_i32, %c0_i32_0 : i32, i32
  }
  func.func @transform_4(%arg0: i32) -> (i32, i32) {
    %c0_i32 = arith.constant 0 : i32
    %c0_i32_0 = arith.constant 0 : i32
    %c0_i32_1 = arith.constant 0 : i32
    return %c0_i32, %c0_i32_0 : i32, i32
  }
  func.func @transform_5(%arg0: i32) -> (i32, i32) {
    %c0_i32 = arith.constant 0 : i32
    %c0_i32_0 = arith.constant 0 : i32
    %c0_i32_1 = arith.constant 0 : i32
    return %c0_i32, %c0_i32_0 : i32, i32
  }
  func.func @transform_6(%arg0: i32) -> (i32, i32) {
    %c0_i32 = arith.constant 0 : i32
    %c0_i32_0 = arith.constant 0 : i32
    return %arg0, %c0_i32 : i32, i32
  }
  func.func @transform_7(%arg0: i32) -> (i32, i32) {
    %c0_i32 = arith.constant 0 : i32
    %c0_i32_0 = arith.constant 0 : i32
    return %arg0, %c0_i32 : i32, i32
  }
}

module attributes {stable_mosaic.version = 14 : i64} {
  func.func @_tc_final_body(%arg0: i32, %arg1: memref<2x2000x128xbf16, #tpu.memory_space<vmem>>, %arg2: memref<2x2000x16xf32, #tpu.memory_space<vmem>>, %arg3: memref<2000x128xf32, #tpu.memory_space<vmem>>, %arg4: memref<2000x128xf32, #tpu.memory_space<vmem>>) attributes {dimension_semantics = [#tpu.dimension_semantics<arbitrary>], iteration_bounds = array<i64: 5>, scalar_prefetch = 0 : i64, scratch_operands = 0 : i64, tpu.core_type = #tpu.core_type<tc>, window_params = [{transform_indices = @transform_0, window_bounds = array<i64: 2, 2000, 128>}, {transform_indices = @transform_1, window_bounds = array<i64: 2, 2000, 16>}, {transform_indices = @transform_2, window_bounds = array<i64: 2000, 128>}, {transform_indices = @transform_3, window_bounds = array<i64: 2000, 128>}]} {
    %get3A = arith.constant 0 : index
    %get3A_0 = arith.constant 0 : index
    %get3A_1 = arith.constant 0 : index
    %get3A_2 = vector.load %arg2[%get3A, %get3A_0, %get3A_1] : memref<2x2000x16xf32, #tpu.memory_space<vmem>>, vector<1x2000x16xf32>
    %get3A_3 = vector.shape_cast %get3A_2 : vector<1x2000x16xf32> to vector<2000x16xf32>
    %get3A_4 = arith.constant 1 : index
    %get3A_5 = arith.constant 0 : index
    %get3A_6 = arith.constant 0 : index
    %get3A_7 = vector.load %arg2[%get3A_4, %get3A_5, %get3A_6] : memref<2x2000x16xf32, #tpu.memory_space<vmem>>, vector<1x2000x16xf32>
    %get3A_8 = vector.shape_cast %get3A_7 : vector<1x2000x16xf32> to vector<2000x16xf32>
    %add3A = arith.addf %get3A_3, %get3A_8 : vector<2000x16xf32>
    %slice3A = vector.extract_strided_slice %add3A {offsets = [0, 0], sizes = [2000, 1], strides = [1, 1]} : vector<2000x16xf32> to vector<2000x1xf32>
    %max3A = arith.constant 1.000000e+00 : f32
    %max3A_9 = vector.broadcast %max3A : f32 to vector<2000x1xf32>
    %max3A_10 = arith.maximumf %slice3A, %max3A_9 : vector<2000x1xf32>
    %div3A = arith.constant 1.000000e+00 : f32
    %div3A_11 = vector.broadcast %div3A : f32 to vector<2000x1xf32>
    %div3A_12 = arith.divf %div3A_11, %max3A_10 : vector<2000x1xf32>
    %get3A_13 = arith.constant 0 : index
    %get3A_14 = arith.constant 0 : index
    %get3A_15 = arith.constant 0 : index
    %get3A_16 = vector.load %arg1[%get3A_13, %get3A_14, %get3A_15] : memref<2x2000x128xbf16, #tpu.memory_space<vmem>>, vector<1x2000x128xbf16>
    %get3A_17 = vector.shape_cast %get3A_16 : vector<1x2000x128xbf16> to vector<2000x128xbf16>
    %convert_element_type3A = arith.extf %get3A_17 : vector<2000x128xbf16> to vector<2000x128xf32>
    %get3A_18 = arith.constant 1 : index
    %get3A_19 = arith.constant 0 : index
    %get3A_20 = arith.constant 0 : index
    %get3A_21 = vector.load %arg1[%get3A_18, %get3A_19, %get3A_20] : memref<2x2000x128xbf16, #tpu.memory_space<vmem>>, vector<1x2000x128xbf16>
    %get3A_22 = vector.shape_cast %get3A_21 : vector<1x2000x128xbf16> to vector<2000x128xbf16>
    %convert_element_type3A_23 = arith.extf %get3A_22 : vector<2000x128xbf16> to vector<2000x128xf32>
    %add3A_24 = arith.addf %convert_element_type3A, %convert_element_type3A_23 : vector<2000x128xf32>
    %mul3A = vector.broadcast %div3A_12 : vector<2000x1xf32> to vector<2000x128xf32>
    %mul3A_25 = arith.mulf %add3A_24, %mul3A : vector<2000x128xf32>
    %get3A_26 = arith.constant 0 : index
    %get3A_27 = arith.constant 0 : index
    %get3A_28 = vector.load %arg3[%get3A_26, %get3A_27] : memref<2000x128xf32, #tpu.memory_space<vmem>>, vector<2000x128xf32>
    %add3A_29 = arith.addf %mul3A_25, %get3A_28 : vector<2000x128xf32>
    %reduce_max3A = arith.constant dense<0xFF800000> : vector<2000xf32>
    %reduce_max3A_30 = vector.multi_reduction <maximumf>, %add3A_29, %reduce_max3A [1] : vector<2000x128xf32> to vector<2000xf32>
    %broadcast_in_dim3A = vector.shape_cast %reduce_max3A_30 : vector<2000xf32> to vector<2000x1xf32>
    %sub3A = vector.broadcast %broadcast_in_dim3A : vector<2000x1xf32> to vector<2000x128xf32>
    %sub3A_31 = arith.subf %add3A_29, %sub3A : vector<2000x128xf32>
    %exp3A = math.exp %sub3A_31 : vector<2000x128xf32>
    %reduce_sum3A = arith.constant dense<0.000000e+00> : vector<2000xf32>
    %reduce_sum3A_32 = vector.multi_reduction <add>, %exp3A, %reduce_sum3A [1] : vector<2000x128xf32> to vector<2000xf32>
    %broadcast_in_dim3A_33 = vector.shape_cast %reduce_sum3A_32 : vector<2000xf32> to vector<2000x1xf32>
    %log3A = math.log %broadcast_in_dim3A_33 : vector<2000x1xf32>
    %add3A_34 = arith.addf %log3A, %broadcast_in_dim3A : vector<2000x1xf32>
    %sub3A_35 = vector.broadcast %add3A_34 : vector<2000x1xf32> to vector<2000x128xf32>
    %sub3A_36 = arith.subf %add3A_29, %sub3A_35 : vector<2000x128xf32>
    %swap3A = arith.constant 0 : index
    %swap3A_37 = arith.constant 0 : index
    %swap3A_38 = vector.load %arg4[%swap3A, %swap3A_37] : memref<2000x128xf32, #tpu.memory_space<vmem>>, vector<2000x128xf32>
    tpu.vector_store %arg4[%swap3A, %swap3A_37], %sub3A_36 {strides = array<i32>} : memref<2000x128xf32, #tpu.memory_space<vmem>>, vector<2000x128xf32>,
    return
  }
  func.func @transform_0(%arg0: i32) -> (i32, i32, i32) {
    %c0_i32 = arith.constant 0 : i32
    %c0_i32_0 = arith.constant 0 : i32
    %c0_i32_1 = arith.constant 0 : i32
    return %c0_i32, %arg0, %c0_i32_0 : i32, i32, i32
  }
  func.func @transform_1(%arg0: i32) -> (i32, i32, i32) {
    %c0_i32 = arith.constant 0 : i32
    %c0_i32_0 = arith.constant 0 : i32
    %c0_i32_1 = arith.constant 0 : i32
    return %c0_i32, %arg0, %c0_i32_0 : i32, i32, i32
  }
  func.func @transform_2(%arg0: i32) -> (i32, i32) {
    %c0_i32 = arith.constant 0 : i32
    %c0_i32_0 = arith.constant 0 : i32
    return %arg0, %c0_i32 : i32, i32
  }
  func.func @transform_3(%arg0: i32) -> (i32, i32) {
    %c0_i32 = arith.constant 0 : i32
    %c0_i32_0 = arith.constant 0 : i32
    return %arg0, %c0_i32 : i32, i32
  }
}

</mosaic_0001>

<sc_bundles>
// kernel: kernel.10.cloned.1.call-start
scs
__scs_entry_jumppad:
0x0: {  	(pc) =	sbr.rel $0x88, $3  }
0x1: {  	(tag) =	ssettag $0x0;
	lr =	simm.s32 $0x1  }
0x2: {  	[smem:$0x3F96] =	sst lr;
	_ =	strace $0xD0000000  }
0x3: {  	_ = 	snop  }
0x4: {  	_ = 	snop  }
0x5: {  	_ = 	snop  }
0x6: {  	_ = 	snop  }
0x7: {  	_ = 	snop  }
__scs_overlays_trampoline_lowered:
0x8: {  	[smem:$0x3FA5] =	sst s0  }
0x9: {  	[smem:$0x3FA6] =	sst s1  }
0xa: {  	[smem:$0x3FA7] =	sst s2  }
0xb: {  	[smem:$0x3FA8] =	sst s3  }
0xc: {  	[smem:$0x3FA9] =	sst s4  }
0xd: {  	[smem:$0x3FAA] =	sst s5  }
0xe: {  	[smem:$0x3FAB] =	sst s6  }
0xf: {  	[smem:$0x3FAC] =	sst s7  }
0x10: {  	[smem:$0x3FAD] =	sst s8  }
0x11: {  	[smem:$0x3FAE] =	sst s9;
	s0 =	simm.s32 @!p0 $0x0  }
0x12: {  	s1 =	sld [smem:$0x3F94];
	s0 =	simm.s32 @p0 $0x1  }
0x13: {  	[smem:$0x3FAF] =	sst s0;
	s0 =	simm.s32 @!p1 $0x0  }
0x14: {  	s2 =	sld [smem:$0x3F93];
	s0 =	simm.s32 @p1 $0x1  }
0x15: {  	[smem:$0x3FB0] =	sst s0;
	s0 =	simm.s32 @!p2 $0x0  }
0x16: {  	s3 =	sld [smem:$0x3FDB];
	s0 =	simm.s32 @p2 $0x1  }
0x17: {  	s4 =	simm.s32 $0x1BF5;
	[smem:$0x3FB2] =	sst s0  }
0x18: {  	s0 =	sld [smem:$0x3F95];
	_ =	swait.ge [sflag:s4], $0x0  }
0x19: {  	s7 =	sld [smem:$0x3F96]  }
0x1a: {  	s8 =	sadd.s32 $0xFFFFE003, lr  }
0x1b: {  	s9 =	sadd.s32 $0xFFFFFEF7, lr;
	s5 =	simm.s32 $0xFFFFFFFF;
	p2 =	slt.u32 s8, $0xFFFFF086  }
0x1c: {  	p1 =	slt.u32 s9, $0xF7A;
	s5 =	simm.s32 @!p2 $0x0  }
0x1d: {  	s5 =	simm.s32 @p1 $0x1;
	p0 =	seq.s32 s7, s2  }
0x1e: {  	s7 =	smul.u32 @!p0 $0xF7A, s2;
	p2 =	seq.s32 @!p0 s5, $0x0  }
0x1f: {  	s9 =	smul.u32 $0xF7A, s1;
	s8 =	simm.s32 @!p0 $0x1BF5;
	p2 =	por !p2, p0  }
0x20: {  	[sflag:s8] =	ssyncset.s32 @!p0 $0xFFFFF086;
	s6 =	sadd.s32 @!p0 s3, s7;
	s7 =	simm.s32 @!p0 $0x108  }
0x21: {  	s3 =	sadd.s32 s3, s9;
	s6 =	sadd.s32 @!p0 $0x88, s6;
	s7 =	simm.s32 @p2 $0x1082  }
0x22: {  	[simem:s7], [sflag:s8] =	dma.local @!p0 [hbm:s6], $0xF7A  }
0x23: {  	s9 =	sor.u32 $0xD0000000, s2;
	s6 =	simm.s32 $0x108;
	_ =	swait.ge @!p0 [sflag:s8], $0x0  }
0x24: {  	s3 =	sadd.s32 $0x88, s3;
	s6 =	simm.s32 @!p1 $0x1082;
	[sflag:s4] =	ssyncset.s32 $0xFFFFF086  }
0x25: {  	[simem:s6], [sflag:s4] =	dma.local [hbm:s3], $0xF7A  }
0x26: {  	[smem:$0x3F96] =	sst s1;
	(tag) =	ssettag s2;
	_ =	strace s9  }
0x27: {  	s1 =	sld [smem:$0x3FA6]  }
0x28: {  	s2 =	sld [smem:$0x3FA7]  }
0x29: {  	s4 =	sld [smem:$0x3FA9]  }
0x2a: {  	p0 =	seq.s32 s5, $0x0;
	s5 =	sld [smem:$0x3FAA]  }
0x2b: {  	s6 =	sld [smem:$0x3FAB]  }
0x2c: {  	s7 =	sld [smem:$0x3FAC]  }
0x2d: {  	s3 =	simm.s32 $0x108;
	s8 =	sld [smem:$0x3FAD]  }
0x2e: {  	s3 =	simm.s32 @!p0 $0x1082;
	s9 =	sld [smem:$0x3FAE]  }
0x2f: {  	lr =	sadd.s32 s0, s3;
	s0 =	sld [smem:$0x3FA5]  }
0x30: {  	s3 =	sld [smem:$0x3FA8]  }
0x31: {  	[smem:$0x3FB1] =	sst s10  }
0x32: {  	s10 =	sld [smem:$0x3FAF];
	_ =	sdelay $0x3  }
0x33: {  	p0 =	seq.s32 s10, $0x1;
	s10 =	sld [smem:$0x3FB1];
	_ =	sdelay $0x3  }
0x34: {  	[smem:$0x3FB1] =	sst s10  }
0x35: {  	s10 =	sld [smem:$0x3FB0];
	_ =	sdelay $0x3  }
0x36: {  	p1 =	seq.s32 s10, $0x1;
	s10 =	sld [smem:$0x3FB1];
	_ =	sdelay $0x3  }
0x37: {  	[smem:$0x3FB1] =	sst s10  }
0x38: {  	s10 =	sld [smem:$0x3FB2]  }
0x39: {  	_ = 	snop;
	(pc) =	sbr.ind lr, $3  }
0x3a: {  	_ = 	snop  }
0x3b: {  	_ = 	snop  }
0x3c: {  	p2 =	seq.s32 s10, $0x1;
	s10 =	sld [smem:$0x3FB1]  }
0x3d: {  	_ =	shalt  }
0x3e: {  	_ =	shalt  }
0x3f: {  	_ =	shalt  }
0x40: {  	_ =	shalt  }
0x41: {  	_ =	shalt  }
0x42: {  	_ =	shalt  }
0x43: {  	_ =	shalt  }
0x44: {  	_ =	shalt  }
0x45: {  	_ =	shalt  }
0x46: {  	_ =	shalt  }
0x47: {  	_ =	shalt  }
0x48: {  	_ =	shalt  }
0x49: {  	_ =	shalt  }
0x4a: {  	_ =	shalt  }
0x4b: {  	_ =	shalt  }
0x4c: {  	_ =	shalt  }
0x4d: {  	_ =	shalt  }
0x4e: {  	_ =	shalt  }
0x4f: {  	_ =	shalt  }
0x50: {  	_ =	shalt  }
0x51: {  	_ =	shalt  }
0x52: {  	_ =	shalt  }
0x53: {  	_ =	shalt  }
0x54: {  	_ =	shalt  }
0x55: {  	_ =	shalt  }
0x56: {  	_ =	shalt  }
0x57: {  	_ =	shalt  }
0x58: {  	_ =	shalt  }
0x59: {  	_ =	shalt  }
0x5a: {  	_ =	shalt  }
0x5b: {  	_ =	shalt  }
0x5c: {  	_ =	shalt  }
0x5d: {  	_ =	shalt  }
0x5e: {  	_ =	shalt  }
0x5f: {  	_ =	shalt  }
0x60: {  	_ =	shalt  }
0x61: {  	_ =	shalt  }
0x62: {  	_ =	shalt  }
0x63: {  	_ =	shalt  }
0x64: {  	_ =	shalt  }
0x65: {  	_ =	shalt  }
0x66: {  	_ =	shalt  }
0x67: {  	_ =	shalt  }
0x68: {  	_ =	shalt  }
0x69: {  	_ =	shalt  }
0x6a: {  	_ =	shalt  }
0x6b: {  	_ =	shalt  }
0x6c: {  	_ =	shalt  }
0x6d: {  	_ =	shalt  }
0x6e: {  	_ =	shalt  }
0x6f: {  	_ =	shalt  }
0x70: {  	_ =	shalt  }
0x71: {  	_ =	shalt  }
0x72: {  	_ =	shalt  }
0x73: {  	_ =	shalt  }
0x74: {  	_ =	shalt  }
0x75: {  	_ =	shalt  }
0x76: {  	_ =	shalt  }
0x77: {  	_ =	shalt  }
0x78: {  	_ =	shalt  }
0x79: {  	_ =	shalt  }
0x7a: {  	_ =	shalt  }
0x7b: {  	_ =	shalt  }
0x7c: {  	_ =	shalt  }
0x7d: {  	_ =	shalt  }
0x7e: {  	_ =	shalt  }
0x7f: {  	_ =	shalt  }
0x80: {  	_ =	shalt  }
0x81: {  	_ =	shalt  }
0x82: {  	_ =	shalt  }
0x83: {  	_ =	shalt  }
0x84: {  	_ =	shalt  }
0x85: {  	_ =	shalt  }
0x86: {  	_ =	shalt  }
0x87: {  	_ =	shalt  }
.Lfunc_end0:
.L_simem_size_0:
called_computation_lowered:
.L_overlay_start_0:
0x88: {  	s2 =	sld [smem:$0x3FD9]  }
0x89: {  	s3 =	sld [smem:$0x3FFE];
	_ =	sdelay $0x1  }
0x8a: {  	s1 =	srdreg.scid  }
0x8b: {  	s0 =	sand.u32 $0x1, s1  }
0x8c: {  	s17 =	sshll.u32 s0, $0xA;
	s2 =	sadd.s32 s3, s2  }
0x8d: {  	s2 =	sadd.s32 s2, s17  }
0x8e: {  	[smem:$0x3FBD] =	sst s2  }
0x8f: {  	_ = 	snop  }
0x90: {  	(tm) =	ssettm $0x1  }
0x91: {  	s18 =	sld [smem:$0x3FFB];
	_ =	sdelay $0x3  }
0x92: {  	_ =	strace s18  }
0x93: {  	s2 =	sld [smem:$0x3FFC];
	_ =	sdelay $0x3  }
0x94: {  	_ =	strace s2  }
0x95: {  	s2 =	sld [smem:$0x3FFD];
	_ =	sdelay $0x3  }
0x96: {  	_ =	strace s2  }
0x97: {  	_ =	strace $0x8FFFFFFF  }
0x98: {  	s19 =	sld [smem:$0x3FDB];
	_ =	sdelay $0x1  }
0x99: {  	s20 =	simm.s32 $_scs_section_size  }
0x9a: {  	s4 =	simm.s32 $_size__tile_overlayer_lowered;
	s5 =	simm.s32 $_tile_overlayer_lowered  }
0x9b: {  	s6 =	simm.s32 $0x1BFF;
	s21 =	sshll.u32 s5, $0x1;
	s3 =	sadd.s32 s20, s19  }
0x9c: {  	s22 =	simm.s32 $0x0;
	s4 =	sshll.u32 s4, $0x1;
	s5 =	sadd.s32 s21, s3  }
0x9d: {  	[timem:s22], [sflag:s6] =	dma.local [hbm:s5], s4  }
0x9e: {  	_ =	swait.ge [sflag:s6], s4  }
0x9f: {  	s4 =	ssub.s32 $0x0, s4;
	[sflag:s6] =	ssyncset.done $0x0  }
0xa0: {  	[sflag:s6] =	ssyncadd.s32 s4;
	_ =	sdelay $0x1  }
0xa1: {  	s23 =	simm.s32 $0x1B8B  }
0xa2: {  	_ =	swait.ge [sflag:s23], $0x1  }
0xa3: {  	[sflag:s23] =	ssyncset.done $0x0  }
0xa4: {  	[sflag:s23] =	ssyncadd.s32 $0xFFFFFFFF  }
0xa5: {  	s4 =	sld [smem:$0x0]  }
0xa6: {  	s5 =	sand.u32 $0xFFFFFFFE, s1  }
0xa7: {  	p0 =	sne.s32 s1, s5  }
0xa8: {  	s5 =	sshll.u32 @p0 s5, $0xE  }
0xa9: {  	s5 =	sadd.s32 @p0 $0x11B8D, s5;
	s6 =	sshll.u32 @p0 s4, $0x11  }
0xaa: {  	s5 =	sor.u32 @p0 s6, s5  }
0xab: {  	[sflag:s5] =	ssyncadd.remote.s32 @p0 $0x1;
	_ =	sdelay $0x1  }
0xac: {  	s5 =	simm.s32 @p0 $0x1B8D  }
0xad: {  	_ =	swait.eq @p0 [sflag:s5], $0x1  }
0xae: {  	[sflag:s5] =	ssyncadd.s32 @p0 $0xFFFFFFFF  }
0xaf: {  	s6 =	sshll.u32 @!p0 s1, $0xE  }
0xb0: {  	s6 =	sor.u32 @!p0 $0x4000, s6;
	s5 =	simm.s32 @!p0 $0x1B8D  }
0xb1: {  	s4 =	sshll.u32 @!p0 s4, $0x11;
	s6 =	sadd.s32 @!p0 $0x11B8D, s6;
	_ =	swait.eq @!p0 [sflag:s5], $0x1  }
0xb2: {  	s4 =	sor.u32 @!p0 s4, s6;
	[sflag:s5] =	ssyncadd.s32 @!p0 $0xFFFFFFFF  }
0xb3: {  	s25 =	simm.s32 $0x1B8E;
	s24 =	sld [smem:$0x3FFE];
	[sflag:s4] =	ssyncadd.remote.s32 @!p0 $0x1  }
0xb4: {  	s26 =	simm.s32 $execute0_lowered;
	[smem:$0x3FD2] =	sst s25  }
0xb5: {  	s5 =	sshll.u32 s26, $0x1;
	_ =	strace $0x80000049;
	[dreg:$0x1] =	wrdreg $0xFFFFFFFF  }
0xb6: {  	s28 =	simm.s32 $_size_execute0_lowered;
	s3 =	sadd.s32 s3, s5;
	[dreg:$0x0] =	wrdreg $0x0  }
0xb7: {  	s5 =	sshll.u32 s28, $0x1;
	[dreg:$0x2] =	wrdreg s3  }
0xb8: {  	[dreg:$0x3] =	wrdreg s5  }
0xb9: {  	[dreg:$0x4] =	wrdreg $0xC0  }
0xba: {  	_ =	task [dreg:s22], $0x5FFFF  }
0xbb: {  	[dreg:$0x1] =	wrdreg $0xFFFFFFFF  }
0xbc: {  	[dreg:$0x0] =	wrdreg $0x60  }
0xbd: {  	[dreg:$0x2] =	wrdreg s24  }
0xbe: {  	[dreg:$0x3] =	wrdreg $0x30000  }
0xbf: {  	[dreg:$0x4] =	wrdreg $0x9  }
0xc0: {  	_ =	task.clear_ibuf [dreg:s22], $0x5FFFF;
	_ =	strace $0x90000049  }
0xc1: {  	s29 =	simm.s32 $0x9;
	_ =	strace $0x8000004B  }
0xc2: {  	_ =	swait.ge [sflag:s29], $0x1  }
0xc3: {  	[sflag:s29] =	ssyncadd.s32 $0xFFFFFFFF  }
0xc4: {  	_ =	strace $0x9000004B  }
0xc5: {  	_ =	sfence  }
0xc6: {  	s30 =	sld [smem:$0x0];
	_ =	sdelay $0x2  }
0xc7: {  	s31 =	sshll.u32 s1, $0xD;
	s1 =	sshrl.u32 s1, $0x2  }
0xc8: {  	s4 =	sand.u32 $0x4000, s31;
	s1 =	sadd.s32 s1, s30  }
0xc9: {  	s0 =	sor.u32 s4, s0;
	s1 =	sshll.u32 s1, $0x11  }
0xca: {  	s0 =	sor.u32 s1, s0  }
0xcb: {  	s0 =	sadd.s32 $0x8F2B, s0  }
0xcc: {  	[sflag:s0] =	ssyncadd.remote.s32 $0x1  }
0xcd: {  	_ =	sfence.sel $0xFFFF  }
0xce: {  	[dreg:$0x0] =	wrdreg $0xFFFFFFFF;
	(pc) =	sbr.abs _section_cstart, $3  }
0xcf: {  	[dreg:$0x1] =	wrdreg $0xFFFFFFFF  }
0xd0: {  	_ =	task.clear_ibuf [dreg:s22], $0x2FFFF;
	_ =	strace $0x9FFFFFFF  }
0xd1: {  	(tm) =	ssettm $0x7FFFFFFF  }
tec
execute0_lowered:
.L_overlay_start_1:
0x0: {  	(tag) =	ssettag $0x1  }
0x1: {  	s1 =	srdreg.scid  }
0x2: {  	s0 =	stileid.u32;
	s5 =	rddreg [dreg:$0x0]  }
0x3: {  	s2 =	rddreg [dreg:$0x1];
	s3 =	simm.s32 $0x0;
	s12 =	simm.s32 $0x2800  }
0x4: {  	s13 =	simm.s32 $0x80;
	s14 =	simm.s32 $0x0;
	s4 =	sand.u32 $0x1, s1  }
0x5: {  	s28 =	sshll.u32 s0, $0x1;
	s7 =	smul.u32 $0x2800, s0;
	[smem:$0x7FF] =	sst s3  }
0x6: {  	s31 =	sshll.u32 s0, $0x6;
	s1 =	sor.u32 s4, s28;
	s8 =	smul.u32 $0x28000, s4  }
0x7: {  	s10 =	ssub.s32 $0x2, s4;
	s4 =	sadd.s32 $0x52E00, s5;
	s6 =	smul.u32 $0x500, s1  }
0x8: {  	s1 =	rddreg [dreg:$0x2];
	_ =	strace $0x8000004A;
	s29 =	sshrl.u32 s7, $0x3  }
0x9: {  	s11 =	sshrl.u32 s10, $0x1;
	s30 =	sadd.s32 s7, s2;
	s8 =	sadd.s32 s7, s8  }
0xa: {  	s10 =	ssub.s32 s10, s11;
	s11 =	simm.s32 $0x1;
	s8 =	sshrl.u32 s8, $0x3  }
0xb: {  	s9 =	sadd.s32 s6, s5;
	s6 =	sadd.s32 s29, s5;
	s8 =	sadd.s32 s8, s5  }
0xc: {  	s5 =	sadd.s32 $0x53000, s6;
	s6 =	sor.u32 $0x1C01, s31;
	s7 =	sadd.s32 $0x16E00, s9  }
0xd: {  	s9 =	smax.u32 s10, $0x1;
	s10 =	sshrl.u32 s30, $0x3;
	s8 =	sadd.s32 $0x58000, s8  }
.LBB2_1:
0xe: {  	[spmem:s10], [sflag:s6] =	dma.local [hbm:s5], $0x500  }
0xf: {  	_ =	swait.ge [sflag:s11], $0x500  }
0x10: {  	[sflag:s11] =	ssyncset.done $0x0  }
0x11: {  	[sflag:s11] =	ssyncadd.s32 $0xFFFFFB00  }
0x12: {  	[tilespmem:s3], [sflag:$0x1] =	stream.linear.gather [hbm4b:s7+s3], $0x2800, $0x38;
	[tilespmem:$0x5800] =	vst v63  }
0x13: {  	_ =	swait.ge [sflag:s11], $0x2800  }
0x14: {  	[sflag:s11] =	ssyncset.done $0x0  }
0x15: {  	[sflag:s11] =	ssyncadd.s32 $0xFFFFD800  }
0x16: {  	[tilespmem:s12], [sflag:$0x1] =	stream.linear.gather [hbm4b:s4+s3], $0x800, $0x38;
	[tilespmem:$0x5800] =	vst v63  }
0x17: {  	_ =	swait.ge [sflag:s11], $0x800  }
0x18: {  	[sflag:s11] =	ssyncset.done $0x0  }
0x19: {  	[sflag:s11] =	ssyncadd.s32 $0xFFFFF800  }
0x1a: {  	s15 =	simm.s32 $0x0;
	[bflag:$0x0] =	sbarrier.arrive $0xFFFF  }
0x1b: {  	[spmem:s2] =	stream.indirect.scatter.add.f32 [tilespmem:s12], [sflag:$0x1], $0x10, s15, s13, $0xb8;
	[tilespmem:$0x5800] =	vst v63  }
0x1c: {  	_ =	swait.ge [sflag:s11], $0x800  }
0x1d: {  	s15 =	simm.s32 $0x200;
	[sflag:s11] =	ssyncset.done $0x0  }
.LBB2_2:
0x1e: {  	s16 =	sshra.s32 s15, $0x2;
	[sflag:s11] =	ssyncadd.s32 $0xFFFFF800;
	p0 =	sne.s32 s15, $0x9E00  }
0x1f: {  	[spmem:s2] =	stream.indirect.scatter.add.f32 [tilespmem:s12], [sflag:$0x1], $0x10, s16, s13, $0xb8;
	[tilespmem:$0x5800] =	vst v63  }
.Ltmp0:
0x20: {  	_ = 	snop;
	(pc) =	sbr.rel @p0 .LBB2_2-.Ltmp0, $4  }
0x21: {  	_ = 	snop  }
0x22: {  	s15 =	sadd.s32 $0x200, s15  }
0x23: {  	_ =	swait.ge [sflag:s11], $0x800  }
0x24: {  	[sflag:s11] =	ssyncset.done $0x0  }
0x25: {  	s14 =	sadd.s32 $0x1, s14  }
0x26: {  	[sflag:s11] =	ssyncadd.s32 $0xFFFFF800;
	p0 =	sne.s32 s14, s9  }
.Ltmp1:
0x27: {  	[bflag:$0x0] =	sbarrier.arrive $0xFFFF;
	(pc) =	sbr.rel @p0 .LBB2_1-.Ltmp1, $4  }
0x28: {  	[hbm:s8], [sflag:s6] =	dma.local [spmem:s10], $0x500  }
0x29: {  	_ =	swait.ge [sflag:s11], $0x500  }
0x2a: {  	[sflag:s11] =	ssyncset.done $0x0  }
0x2b: {  	[sflag:s11] =	ssyncadd.s32 $0xFFFFFB00  }
0x2c: {  	_ =	sfence.sel $0x180000  }
0x2d: {  	[bflag:$0x0] =	sbarrier.arrive $0xFFFF  }
0x2e: {  	p0 =	sne.s32 s0, $0x0;
	_ =	strace $0x9000004A  }
0x2f: {  	s0 =	sadd.s32 @!p0 $0x100000, s1;
	[bflag:$0x2] =	sbarrier.arrive $0xFFFF  }
0x30: {  	[sflag:s0] =	ssyncadd.tile.s32 @!p0 $0x1;
	_ =	shalt  }
.Lfunc_end2:
_tile_overlayer_lowered:
.L_overlay_start_2:
0x31: {  	(tag) =	ssettag $0x2  }
0x32: {  	s0 =	rddreg [dreg:$0x0];
	s2 =	stileid.u32  }
0x33: {  	s1 =	rddreg [dreg:$0x1];
	p0 =	sne.s32 s2, $0x0  }
0x34: {  	s3 =	rddreg [dreg:$0x2];
	[bflag:$0x3] =	sbarrier.arrive $0xFFFF;
	s2 =	simm.s32 @!p0 $0x1C01  }
0x35: {  	[timem:s3], [sflag:s2] =	dma.local @!p0 [hbm:s0], s1  }
0x36: {  	s0 =	simm.s32 @!p0 $0x1  }
0x37: {  	_ =	swait.ge @!p0 [sflag:s0], s1  }
0x38: {  	s1 =	ssub.s32 @!p0 $0x0, s1;
	[sflag:s0] =	ssyncset.done @!p0 $0x0  }
0x39: {  	[sflag:s0] =	ssyncadd.s32 @!p0 s1  }
0x3a: {  	[bflag:$0x3] =	sbarrier.arrive $0xFFFF  }
0x3b: {  	_ =	shalt  }

// kernel: kernel.13.cloned.1.call-start
scs
__scs_entry_jumppad:
0x0: {  	(pc) =	sbr.rel $0x88, $3  }
0x1: {  	(tag) =	ssettag $0x0;
	lr =	simm.s32 $0x1  }
0x2: {  	[smem:$0x3F96] =	sst lr;
	_ =	strace $0xD0000000  }
0x3: {  	_ = 	snop  }
0x4: {  	_ = 	snop  }
0x5: {  	_ = 	snop  }
0x6: {  	_ = 	snop  }
0x7: {  	_ = 	snop  }
__scs_overlays_trampoline_lowered:
0x8: {  	[smem:$0x3FA5] =	sst s0  }
0x9: {  	[smem:$0x3FA6] =	sst s1  }
0xa: {  	[smem:$0x3FA7] =	sst s2  }
0xb: {  	[smem:$0x3FA8] =	sst s3  }
0xc: {  	[smem:$0x3FA9] =	sst s4  }
0xd: {  	[smem:$0x3FAA] =	sst s5  }
0xe: {  	[smem:$0x3FAB] =	sst s6  }
0xf: {  	[smem:$0x3FAC] =	sst s7  }
0x10: {  	[smem:$0x3FAD] =	sst s8  }
0x11: {  	[smem:$0x3FAE] =	sst s9;
	s0 =	simm.s32 @!p0 $0x0  }
0x12: {  	s1 =	sld [smem:$0x3F94];
	s0 =	simm.s32 @p0 $0x1  }
0x13: {  	[smem:$0x3FAF] =	sst s0;
	s0 =	simm.s32 @!p1 $0x0  }
0x14: {  	s2 =	sld [smem:$0x3F93];
	s0 =	simm.s32 @p1 $0x1  }
0x15: {  	[smem:$0x3FB0] =	sst s0;
	s0 =	simm.s32 @!p2 $0x0  }
0x16: {  	s3 =	sld [smem:$0x3FDB];
	s0 =	simm.s32 @p2 $0x1  }
0x17: {  	s4 =	simm.s32 $0x1BF5;
	[smem:$0x3FB2] =	sst s0  }
0x18: {  	s0 =	sld [smem:$0x3F95];
	_ =	swait.ge [sflag:s4], $0x0  }
0x19: {  	s7 =	sld [smem:$0x3F96]  }
0x1a: {  	s8 =	sadd.s32 $0xFFFFE003, lr  }
0x1b: {  	s9 =	sadd.s32 $0xFFFFFEF7, lr;
	s5 =	simm.s32 $0xFFFFFFFF;
	p2 =	slt.u32 s8, $0xFFFFF086  }
0x1c: {  	p1 =	slt.u32 s9, $0xF7A;
	s5 =	simm.s32 @!p2 $0x0  }
0x1d: {  	s5 =	simm.s32 @p1 $0x1;
	p0 =	seq.s32 s7, s2  }
0x1e: {  	s7 =	smul.u32 @!p0 $0xF7A, s2;
	p2 =	seq.s32 @!p0 s5, $0x0  }
0x1f: {  	s9 =	smul.u32 $0xF7A, s1;
	s8 =	simm.s32 @!p0 $0x1BF5;
	p2 =	por !p2, p0  }
0x20: {  	[sflag:s8] =	ssyncset.s32 @!p0 $0xFFFFF086;
	s6 =	sadd.s32 @!p0 s3, s7;
	s7 =	simm.s32 @!p0 $0x108  }
0x21: {  	s3 =	sadd.s32 s3, s9;
	s6 =	sadd.s32 @!p0 $0x88, s6;
	s7 =	simm.s32 @p2 $0x1082  }
0x22: {  	[simem:s7], [sflag:s8] =	dma.local @!p0 [hbm:s6], $0xF7A  }
0x23: {  	s9 =	sor.u32 $0xD0000000, s2;
	s6 =	simm.s32 $0x108;
	_ =	swait.ge @!p0 [sflag:s8], $0x0  }
0x24: {  	s3 =	sadd.s32 $0x88, s3;
	s6 =	simm.s32 @!p1 $0x1082;
	[sflag:s4] =	ssyncset.s32 $0xFFFFF086  }
0x25: {  	[simem:s6], [sflag:s4] =	dma.local [hbm:s3], $0xF7A  }
0x26: {  	[smem:$0x3F96] =	sst s1;
	(tag) =	ssettag s2;
	_ =	strace s9  }
0x27: {  	s1 =	sld [smem:$0x3FA6]  }
0x28: {  	s2 =	sld [smem:$0x3FA7]  }
0x29: {  	s4 =	sld [smem:$0x3FA9]  }
0x2a: {  	p0 =	seq.s32 s5, $0x0;
	s5 =	sld [smem:$0x3FAA]  }
0x2b: {  	s6 =	sld [smem:$0x3FAB]  }
0x2c: {  	s7 =	sld [smem:$0x3FAC]  }
0x2d: {  	s3 =	simm.s32 $0x108;
	s8 =	sld [smem:$0x3FAD]  }
0x2e: {  	s3 =	simm.s32 @!p0 $0x1082;
	s9 =	sld [smem:$0x3FAE]  }
0x2f: {  	lr =	sadd.s32 s0, s3;
	s0 =	sld [smem:$0x3FA5]  }
0x30: {  	s3 =	sld [smem:$0x3FA8]  }
0x31: {  	[smem:$0x3FB1] =	sst s10  }
0x32: {  	s10 =	sld [smem:$0x3FAF];
	_ =	sdelay $0x3  }
0x33: {  	p0 =	seq.s32 s10, $0x1;
	s10 =	sld [smem:$0x3FB1];
	_ =	sdelay $0x3  }
0x34: {  	[smem:$0x3FB1] =	sst s10  }
0x35: {  	s10 =	sld [smem:$0x3FB0];
	_ =	sdelay $0x3  }
0x36: {  	p1 =	seq.s32 s10, $0x1;
	s10 =	sld [smem:$0x3FB1];
	_ =	sdelay $0x3  }
0x37: {  	[smem:$0x3FB1] =	sst s10  }
0x38: {  	s10 =	sld [smem:$0x3FB2]  }
0x39: {  	_ = 	snop;
	(pc) =	sbr.ind lr, $3  }
0x3a: {  	_ = 	snop  }
0x3b: {  	_ = 	snop  }
0x3c: {  	p2 =	seq.s32 s10, $0x1;
	s10 =	sld [smem:$0x3FB1]  }
0x3d: {  	_ =	shalt  }
0x3e: {  	_ =	shalt  }
0x3f: {  	_ =	shalt  }
0x40: {  	_ =	shalt  }
0x41: {  	_ =	shalt  }
0x42: {  	_ =	shalt  }
0x43: {  	_ =	shalt  }
0x44: {  	_ =	shalt  }
0x45: {  	_ =	shalt  }
0x46: {  	_ =	shalt  }
0x47: {  	_ =	shalt  }
0x48: {  	_ =	shalt  }
0x49: {  	_ =	shalt  }
0x4a: {  	_ =	shalt  }
0x4b: {  	_ =	shalt  }
0x4c: {  	_ =	shalt  }
0x4d: {  	_ =	shalt  }
0x4e: {  	_ =	shalt  }
0x4f: {  	_ =	shalt  }
0x50: {  	_ =	shalt  }
0x51: {  	_ =	shalt  }
0x52: {  	_ =	shalt  }
0x53: {  	_ =	shalt  }
0x54: {  	_ =	shalt  }
0x55: {  	_ =	shalt  }
0x56: {  	_ =	shalt  }
0x57: {  	_ =	shalt  }
0x58: {  	_ =	shalt  }
0x59: {  	_ =	shalt  }
0x5a: {  	_ =	shalt  }
0x5b: {  	_ =	shalt  }
0x5c: {  	_ =	shalt  }
0x5d: {  	_ =	shalt  }
0x5e: {  	_ =	shalt  }
0x5f: {  	_ =	shalt  }
0x60: {  	_ =	shalt  }
0x61: {  	_ =	shalt  }
0x62: {  	_ =	shalt  }
0x63: {  	_ =	shalt  }
0x64: {  	_ =	shalt  }
0x65: {  	_ =	shalt  }
0x66: {  	_ =	shalt  }
0x67: {  	_ =	shalt  }
0x68: {  	_ =	shalt  }
0x69: {  	_ =	shalt  }
0x6a: {  	_ =	shalt  }
0x6b: {  	_ =	shalt  }
0x6c: {  	_ =	shalt  }
0x6d: {  	_ =	shalt  }
0x6e: {  	_ =	shalt  }
0x6f: {  	_ =	shalt  }
0x70: {  	_ =	shalt  }
0x71: {  	_ =	shalt  }
0x72: {  	_ =	shalt  }
0x73: {  	_ =	shalt  }
0x74: {  	_ =	shalt  }
0x75: {  	_ =	shalt  }
0x76: {  	_ =	shalt  }
0x77: {  	_ =	shalt  }
0x78: {  	_ =	shalt  }
0x79: {  	_ =	shalt  }
0x7a: {  	_ =	shalt  }
0x7b: {  	_ =	shalt  }
0x7c: {  	_ =	shalt  }
0x7d: {  	_ =	shalt  }
0x7e: {  	_ =	shalt  }
0x7f: {  	_ =	shalt  }
0x80: {  	_ =	shalt  }
0x81: {  	_ =	shalt  }
0x82: {  	_ =	shalt  }
0x83: {  	_ =	shalt  }
0x84: {  	_ =	shalt  }
0x85: {  	_ =	shalt  }
0x86: {  	_ =	shalt  }
0x87: {  	_ =	shalt  }
.Lfunc_end0:
.L_simem_size_0:
called_computation.1_lowered:
.L_overlay_start_0:
0x88: {  	s2 =	sld [smem:$0x3FD9]  }
0x89: {  	s3 =	sld [smem:$0x3FFE];
	_ =	sdelay $0x1  }
0x8a: {  	s1 =	srdreg.scid  }
0x8b: {  	s0 =	sand.u32 $0x1, s1  }
0x8c: {  	s17 =	sshll.u32 s0, $0xA;
	s2 =	sadd.s32 s3, s2  }
0x8d: {  	s2 =	sadd.s32 s2, s17  }
0x8e: {  	[smem:$0x3FBD] =	sst s2  }
0x8f: {  	_ = 	snop  }
0x90: {  	s2 =	sld [smem:$0x3FD0];
	(tm) =	ssettm $0x1  }
0x91: {  	s18 =	sld [smem:$0x3FFB];
	_ =	sdelay $0x3  }
0x92: {  	_ =	strace s18  }
0x93: {  	s3 =	sld [smem:$0x3FFC];
	_ =	sdelay $0x3  }
0x94: {  	_ =	strace s3  }
0x95: {  	s3 =	sld [smem:$0x3FFD];
	_ =	sdelay $0x3  }
0x96: {  	_ =	strace s3  }
0x97: {  	_ =	strace $0x8FFFFFFF  }
0x98: {  	s19 =	sld [smem:$0x3FDB];
	_ =	sdelay $0x1  }
0x99: {  	s4 =	simm.s32 $_scs_section_size  }
0x9a: {  	s5 =	simm.s32 $_size__tile_overlayer_lowered;
	s6 =	simm.s32 $_tile_overlayer_lowered  }
0x9b: {  	s22 =	simm.s32 $0x1BFF;
	s21 =	sshll.u32 s6, $0x1;
	s3 =	sadd.s32 s4, s19  }
0x9c: {  	s7 =	simm.s32 $0x0;
	s20 =	sshll.u32 s5, $0x1;
	s5 =	sadd.s32 s21, s3  }
0x9d: {  	[timem:s7], [sflag:s22] =	dma.local [hbm:s5], s20  }
0x9e: {  	_ =	swait.ge [sflag:s22], s20  }
0x9f: {  	s4 =	ssub.s32 $0x0, s20;
	[sflag:s22] =	ssyncset.done $0x0  }
0xa0: {  	[sflag:s22] =	ssyncadd.s32 s4;
	_ =	sdelay $0x1  }
0xa1: {  	s23 =	simm.s32 $0x1B8B  }
0xa2: {  	_ =	swait.ge [sflag:s23], $0x1  }
0xa3: {  	[sflag:s23] =	ssyncset.done $0x0  }
0xa4: {  	s25 =	simm.s32 $0x1B8E;
	s24 =	sld [smem:$0x3FFE];
	[sflag:s23] =	ssyncadd.s32 $0xFFFFFFFF  }
0xa5: {  	s26 =	simm.s32 $execute0_lowered;
	[smem:$0x3FD2] =	sst s25  }
0xa6: {  	s5 =	sshll.u32 s26, $0x1;
	_ =	strace $0x80000046;
	[dreg:$0x1] =	wrdreg $0xFFFFFFFF  }
0xa7: {  	s28 =	simm.s32 $_size_execute0_lowered;
	s3 =	sadd.s32 s3, s5;
	[dreg:$0x0] =	wrdreg $0x0  }
0xa8: {  	s5 =	sshll.u32 s28, $0x1;
	[dreg:$0x2] =	wrdreg s3  }
0xa9: {  	[dreg:$0x3] =	wrdreg s5  }
0xaa: {  	[dreg:$0x4] =	wrdreg $0xC0  }
0xab: {  	_ =	task [dreg:s7], $0x5FFFF  }
0xac: {  	[dreg:$0x1] =	wrdreg $0xFFFFFFFF  }
0xad: {  	[dreg:$0x0] =	wrdreg $0x60  }
0xae: {  	[dreg:$0x2] =	wrdreg s24  }
0xaf: {  	[dreg:$0x3] =	wrdreg s2  }
0xb0: {  	[dreg:$0x4] =	wrdreg $0x122000  }
0xb1: {  	[dreg:$0x5] =	wrdreg $0xA  }
0xb2: {  	_ =	task.clear_ibuf [dreg:s7], $0x6FFFF;
	_ =	strace $0x90000046  }
0xb3: {  	s29 =	simm.s32 $0xA;
	_ =	strace $0x80000048  }
0xb4: {  	_ =	swait.ge [sflag:s29], $0x1  }
0xb5: {  	[sflag:s29] =	ssyncadd.s32 $0xFFFFFFFF  }
0xb6: {  	_ =	strace $0x90000048  }
0xb7: {  	_ =	sfence  }
0xb8: {  	s30 =	sld [smem:$0x0];
	_ =	sdelay $0x2  }
0xb9: {  	s31 =	sshll.u32 s1, $0xD;
	s1 =	sshrl.u32 s1, $0x2  }
0xba: {  	s3 =	sand.u32 $0x4000, s31;
	s1 =	sadd.s32 s1, s30  }
0xbb: {  	s0 =	sor.u32 s3, s0;
	s1 =	sshll.u32 s1, $0x11  }
0xbc: {  	s0 =	sor.u32 s1, s0  }
0xbd: {  	s0 =	sadd.s32 $0x8F2B, s0  }
0xbe: {  	[sflag:s0] =	ssyncadd.remote.s32 $0x1  }
0xbf: {  	_ =	sfence.sel $0xFFFF  }
0xc0: {  	[dreg:$0x0] =	wrdreg $0xFFFFFFFF;
	(pc) =	sbr.abs _section_cstart, $3  }
0xc1: {  	[dreg:$0x1] =	wrdreg $0xFFFFFFFF  }
0xc2: {  	_ =	task.clear_ibuf [dreg:s7], $0x2FFFF;
	_ =	strace $0x9FFFFFFF  }
0xc3: {  	(tm) =	ssettm $0x7FFFFFFF  }
tec
execute0_lowered:
.L_overlay_start_1:
0x0: {  	(tag) =	ssettag $0x1  }
0x1: {  	s0 =	rddreg [dreg:$0x0]  }
0x2: {  	s1 =	rddreg [dreg:$0x1]  }
0x3: {  	s2 =	rddreg [dreg:$0x2];
	s3 =	srdreg.scid  }
0x4: {  	s14 =	stileid.u32;
	s4 =	simm.s32 $0x0;
	s15 =	simm.s32 $0x80  }
0x5: {  	s16 =	simm.s32 $0x8200;
	s17 =	simm.s32 $0xA200;
	s18 =	simm.s32 $0x1  }
0x6: {  	s21 =	simm.s32 $0xC200;
	s22 =	simm.s32 $0x2;
	s30 =	simm.s32 $0x10200  }
0x7: {  	s31 =	simm.s32 $0x4;
	s19 =	simm.s32 $0x5;
	s23 =	simm.s32 $0x7  }
0x8: {  	s28 =	simm.s32 $0x8;
	s29 =	simm.s32 $0x9;
	s3 =	sand.u32 $0x1, s3  }
0x9: {  	s9 =	smul.u32 $0x14000, s14;
	[smem:$0x7FF] =	sst s4;
	s4 =	sadd.s32 $0x3400, s0  }
0xa: {  	s7 =	sadd.s32 $0x20E00, s0;
	s6 =	smul.u32 $0xF00, s14;
	s8 =	sadd.s32 $0x16E00, s0  }
0xb: {  	s12 =	smul.u32 $0x820, s14;
	s26 =	sshll.u32 s14, $0x6;
	s14 =	simm.s32 $0xB  }
0xc: {  	s5 =	smul.u32 $0x140000, s3;
	_ =	strace $0x80000047;
	s10 =	ssub.s32 $0x2, s3  }
0xd: {  	p0 =	sne.s32 s3, $0x0;
	s3 =	simm.s32 $0x0;
	s11 =	sshrl.u32 s10, $0x1  }
0xe: {  	s6 =	sshrl.u32 s6, $0x3;
	s25 =	sshrl.u32 s9, $0x1;
	s5 =	sadd.s32 s9, s5  }
0xf: {  	s11 =	ssub.s32 s10, s11;
	s6 =	sadd.s32 $0x8200, s6;
	s9 =	sshrl.u32 s9, $0x4  }
0x10: {  	s13 =	sadd.s32 s25, s2;
	s25 =	simm.s32 $0xE200;
	s5 =	sshrl.u32 s5, $0x4  }
.Ltmp0:
0x11: {  	s24 =	sadd.s32 s7, s6;
	s6 =	sadd.s32 s8, s6;
	(pc) =	sbr.rel .LBB2_1-.Ltmp0, $4  }
0x12: {  	s7 =	sadd.s32 s7, s12;
	s8 =	sadd.s32 s8, s12;
	s9 =	sadd.s32 s1, s9  }
0x13: {  	s11 =	smax.u32 s11, $0x1;
	s12 =	sor.u32 $0x1C0B, s26;
	s13 =	sshrl.u32 s13, $0x3  }
0x14: {  	s26 =	simm.s32 $0x3;
	s1 =	simm.s32 $0x6;
	s0 =	sadd.s32 s5, s0  }
0x15: {  	[dreg:$0x4] =	wrdreg s24;
	s10 =	sadd.s32 $0x2AE00, s0;
	s0 =	simm.s32 $0xA  }
.LBB2_9:
0x16: {  	s20 =	sadd.s32 $0x1200, s20  }
.LBB2_10:
0x17: {  	_ =	swait.ge [sflag:s19], $0x2000  }
0x18: {  	s5 =	sshra.s32 s20, $0x2;
	[sflag:s19] =	ssyncset.done $0x0  }
0x19: {  	s5 =	sadd.s32 $0x4100, s5;
	[sflag:s19] =	ssyncadd.s32 $0xFFFFE000  }
0x1a: {  	[spmem:s2] =	stream.indirect.scatter.add.bf16 [tilespmem:s30], [sflag:$0xA], $0x40, s5, s15, $0xb8;
	[tilespmem:$0x1C200] =	vst v63  }
0x1b: {  	_ =	swait.ge [sflag:s1], $0x2000  }
0x1c: {  	[sflag:s1] =	ssyncset.done $0x0  }
0x1d: {  	[sflag:s1] =	ssyncadd.s32 $0xFFFFE000  }
0x1e: {  	_ =	swait.ge [sflag:s23], $0x2000  }
0x1f: {  	[sflag:s23] =	ssyncset.done $0x0  }
0x20: {  	[sflag:s23] =	ssyncadd.s32 $0xFFFFE000  }
0x21: {  	_ =	swait.ge [sflag:s28], $0x2000  }
0x22: {  	[sflag:s28] =	ssyncset.done $0x0  }
0x23: {  	[sflag:s28] =	ssyncadd.s32 $0xFFFFE000  }
0x24: {  	_ =	swait.ge [sflag:s29], $0x2000  }
0x25: {  	[sflag:s29] =	ssyncset.done $0x0  }
0x26: {  	[sflag:s29] =	ssyncadd.s32 $0xFFFFE000  }
0x27: {  	_ =	swait.ge [sflag:s0], $0x2000  }
0x28: {  	s3 =	sadd.s32 $0x1, s3;
	[sflag:s0] =	ssyncset.done $0x0  }
0x29: {  	p1 =	sne.s32 s3, s11;
	[sflag:s0] =	ssyncadd.s32 $0xFFFFE000  }
.Ltmp1:
0x2a: {  	[bflag:$0x0] =	sbarrier.arrive $0xFFFF;
	(pc) =	sbr.rel @!p1 .LBB2_11-.Ltmp1, $4  }
0x2b: {  	[hbm:s10], [sflag:s12] =	dma.local [spmem:s13], $0x1400  }
0x2c: {  	_ =	swait.ge [sflag:s14], $0x1400  }
0x2d: {  	[sflag:s14] =	ssyncset.done $0x0  }
0x2e: {  	[sflag:s14] =	ssyncadd.s32 $0xFFFFEC00  }
.LBB2_1:
0x2f: {  	s20 =	simm.s32 @p0 $0x0;
	s5 =	rddreg [dreg:$0x4];
	s24 =	simm.s32 @p0 $0xB  }
0x30: {  	[tilespmem:s20], [sflag:$0xB] =	stream.linear.gather @p0 [hbm4b:s5+s20], $0xF00, $0x38;
	[tilespmem:$0x1C200] =	vst v63  }
0x31: {  	_ =	swait.ge @p0 [sflag:s24], $0xF00  }
0x32: {  	[sflag:s24] =	ssyncset.done @p0 $0x0  }
0x33: {  	s5 =	simm.s32 @p0 $0x4100;
	[sflag:s24] =	ssyncadd.s32 @p0 $0xFFFFF100  }
0x34: {  	[tilespmem:s5], [sflag:$0xB] =	stream.linear.gather @p0 [hbm4b:s6+s20], $0xF00, $0x38;
	[tilespmem:$0x1C200] =	vst v63  }
0x35: {  	_ =	swait.ge @p0 [sflag:s24], $0xF00  }
0x36: {  	[sflag:s24] =	ssyncset.done @p0 $0x0  }
0x37: {  	s5 =	simm.s32 @!p0 $0x0;
	s20 =	simm.s32 @!p0 $0xB;
	[sflag:s24] =	ssyncadd.s32 @p0 $0xFFFFF100  }
0x38: {  	[tilespmem:s5], [sflag:$0xB] =	stream.linear.gather @!p0 [hbm4b:s7+s5], $0x4100, $0x38;
	[tilespmem:$0x1C200] =	vst v63  }
0x39: {  	_ =	swait.ge @!p0 [sflag:s20], $0x4100  }
0x3a: {  	[sflag:s20] =	ssyncset.done @!p0 $0x0  }
0x3b: {  	s24 =	simm.s32 @!p0 $0x4100;
	[sflag:s20] =	ssyncadd.s32 @!p0 $0xFFFFBF00  }
0x3c: {  	[tilespmem:s24], [sflag:$0xB] =	stream.linear.gather @!p0 [hbm4b:s8+s5], $0x4100, $0x38;
	[tilespmem:$0x1C200] =	vst v63  }
0x3d: {  	_ =	swait.ge @!p0 [sflag:s20], $0x4100  }
0x3e: {  	[sflag:s20] =	ssyncset.done @!p0 $0x0  }
0x3f: {  	[sflag:s20] =	ssyncadd.s32 @!p0 $0xFFFFBF00  }
0x40: {  	[spmem:s13], [sflag:s12] =	dma.local [hbm:s9], $0x1400  }
0x41: {  	_ =	swait.ge [sflag:s14], $0x1400  }
0x42: {  	[sflag:s14] =	ssyncset.done $0x0  }
0x43: {  	[sflag:s14] =	ssyncadd.s32 $0xFFFFEC00  }
0x44: {  	s20 =	simm.s32 $0x0;
	[bflag:$0x0] =	sbarrier.arrive $0xFFFF  }
0x45: {  	[tilespmem:s16], [sflag:$0x1] =	stream.indirect.gather [hbm4b:s4+s15], $0x40, s20, s15, $0xb8;
	[tilespmem:$0x1C200] =	vst v63  }
0x46: {  	_ = 	snop  }
0x47: {  	[tilespmem:s17], [sflag:$0x2] =	stream.indirect.gather [hbm4b:s4+s15], $0x40, s15, s15, $0xb8;
	[tilespmem:$0x1C200] =	vst v63  }
.Ltmp2:
0x48: {  	_ = 	snop;
	(pc) =	sbr.rel @p0 .LBB2_5-.Ltmp2, $4  }
0x49: {  	_ =	swait.ge [sflag:s18], $0x2000  }
0x4a: {  	[sflag:s18] =	ssyncset.done $0x0  }
0x4b: {  	s24 =	simm.s32 $0x4100;
	s5 =	simm.s32 $0x100;
	[sflag:s18] =	ssyncadd.s32 $0xFFFFE000  }
0x4c: {  	[spmem:s2] =	stream.indirect.scatter.add.bf16 [tilespmem:s16], [sflag:$0x6], $0x40, s24, s15, $0xb8;
	[tilespmem:$0x1C200] =	vst v63  }
0x4d: {  	[tilespmem:s21], [sflag:$0x3] =	stream.indirect.gather [hbm4b:s4+s15], $0x40, s5, s15, $0xb8;
	[tilespmem:$0x1C200] =	vst v63  }
0x4e: {  	_ =	swait.ge [sflag:s22], $0x2000  }
0x4f: {  	[sflag:s22] =	ssyncset.done $0x0  }
0x50: {  	s20 =	simm.s32 $0x4180;
	[sflag:s22] =	ssyncadd.s32 $0xFFFFE000  }
0x51: {  	[spmem:s2] =	stream.indirect.scatter.add.bf16 [tilespmem:s17], [sflag:$0x7], $0x40, s20, s15, $0xb8;
	[tilespmem:$0x1C200] =	vst v63  }
0x52: {  	s24 =	simm.s32 $0x180  }
0x53: {  	[tilespmem:s25], [sflag:$0x4] =	stream.indirect.gather [hbm4b:s4+s15], $0x40, s24, s15, $0xb8;
	[tilespmem:$0x1C200] =	vst v63  }
0x54: {  	_ =	swait.ge [sflag:s26], $0x2000  }
0x55: {  	[sflag:s26] =	ssyncset.done $0x0  }
0x56: {  	s20 =	simm.s32 $0x4200;
	[sflag:s26] =	ssyncadd.s32 $0xFFFFE000  }
0x57: {  	[spmem:s2] =	stream.indirect.scatter.add.bf16 [tilespmem:s21], [sflag:$0x8], $0x40, s20, s15, $0xb8;
	[tilespmem:$0x1C200] =	vst v63  }
0x58: {  	s24 =	simm.s32 $0x200  }
0x59: {  	[tilespmem:s30], [sflag:$0x5] =	stream.indirect.gather [hbm4b:s4+s15], $0x40, s24, s15, $0xb8;
	[tilespmem:$0x1C200] =	vst v63  }
0x5a: {  	_ =	swait.ge [sflag:s31], $0x2000  }
0x5b: {  	[sflag:s31] =	ssyncset.done $0x0  }
0x5c: {  	s20 =	simm.s32 $0x4280;
	[sflag:s31] =	ssyncadd.s32 $0xFFFFE000  }
0x5d: {  	[spmem:s2] =	stream.indirect.scatter.add.bf16 [tilespmem:s25], [sflag:$0x9], $0x40, s20, s15, $0xb8;
	[tilespmem:$0x1C200] =	vst v63  }
0x5e: {  	_ =	swait.ge [sflag:s1], $0x2000  }
0x5f: {  	[sflag:s1] =	ssyncset.done $0x0  }
0x60: {  	s24 =	simm.s32 $0x280;
	[sflag:s1] =	ssyncadd.s32 $0xFFFFE000  }
0x61: {  	[tilespmem:s16], [sflag:$0x1] =	stream.indirect.gather [hbm4b:s4+s15], $0x40, s24, s15, $0xb8;
	[tilespmem:$0x1C200] =	vst v63  }
0x62: {  	_ =	swait.ge [sflag:s19], $0x2000  }
0x63: {  	[sflag:s19] =	ssyncset.done $0x0  }
0x64: {  	s20 =	simm.s32 $0x4300;
	[sflag:s19] =	ssyncadd.s32 $0xFFFFE000  }
0x65: {  	[spmem:s2] =	stream.indirect.scatter.add.bf16 [tilespmem:s30], [sflag:$0xA], $0x40, s20, s15, $0xb8;
	[tilespmem:$0x1C200] =	vst v63  }
0x66: {  	_ =	swait.ge [sflag:s23], $0x2000  }
0x67: {  	[sflag:s23] =	ssyncset.done $0x0  }
0x68: {  	s24 =	simm.s32 $0x300;
	s20 =	simm.s32 $0x0;
	[sflag:s23] =	ssyncadd.s32 $0xFFFFE000  }
0x69: {  	[tilespmem:s17], [sflag:$0x2] =	stream.indirect.gather [hbm4b:s4+s15], $0x40, s24, s15, $0xb8;
	[tilespmem:$0x1C200] =	vst v63  }
.LBB2_3:
0x6a: {  	_ =	swait.ge [sflag:s18], $0x2000  }
0x6b: {  	s24 =	sshra.s32 s20, $0x2;
	[sflag:s18] =	ssyncset.done $0x0  }
0x6c: {  	s5 =	sadd.s32 $0x4380, s24;
	[sflag:s18] =	ssyncadd.s32 $0xFFFFE000  }
0x6d: {  	[spmem:s2] =	stream.indirect.scatter.add.bf16 [tilespmem:s16], [sflag:$0x6], $0x40, s5, s15, $0xb8;
	[tilespmem:$0x1C200] =	vst v63  }
0x6e: {  	_ =	swait.ge [sflag:s28], $0x2000  }
0x6f: {  	[sflag:s28] =	ssyncset.done $0x0  }
0x70: {  	s5 =	sadd.s32 $0x380, s24;
	[sflag:s28] =	ssyncadd.s32 $0xFFFFE000  }
0x71: {  	[tilespmem:s21], [sflag:$0x3] =	stream.indirect.gather [hbm4b:s4+s15], $0x40, s5, s15, $0xb8;
	[tilespmem:$0x1C200] =	vst v63  }
0x72: {  	_ =	swait.ge [sflag:s22], $0x2000  }
0x73: {  	[sflag:s22] =	ssyncset.done $0x0  }
0x74: {  	s5 =	sadd.s32 $0x4400, s24;
	[sflag:s22] =	ssyncadd.s32 $0xFFFFE000  }
0x75: {  	[spmem:s2] =	stream.indirect.scatter.add.bf16 [tilespmem:s17], [sflag:$0x7], $0x40, s5, s15, $0xb8;
	[tilespmem:$0x1C200] =	vst v63  }
0x76: {  	_ =	swait.ge [sflag:s29], $0x2000  }
0x77: {  	[sflag:s29] =	ssyncset.done $0x0  }
0x78: {  	s5 =	sadd.s32 $0x400, s24;
	[sflag:s29] =	ssyncadd.s32 $0xFFFFE000  }
0x79: {  	[tilespmem:s25], [sflag:$0x4] =	stream.indirect.gather [hbm4b:s4+s15], $0x40, s5, s15, $0xb8;
	[tilespmem:$0x1C200] =	vst v63  }
0x7a: {  	_ =	swait.ge [sflag:s26], $0x2000  }
0x7b: {  	[sflag:s26] =	ssyncset.done $0x0  }
0x7c: {  	s5 =	sadd.s32 $0x4480, s24;
	[sflag:s26] =	ssyncadd.s32 $0xFFFFE000  }
0x7d: {  	[spmem:s2] =	stream.indirect.scatter.add.bf16 [tilespmem:s21], [sflag:$0x8], $0x40, s5, s15, $0xb8;
	[tilespmem:$0x1C200] =	vst v63  }
0x7e: {  	_ =	swait.ge [sflag:s0], $0x2000  }
0x7f: {  	[sflag:s0] =	ssyncset.done $0x0  }
0x80: {  	p1 =	seq.s32 s20, $0xF000;
	s5 =	sadd.s32 $0x480, s24;
	[sflag:s0] =	ssyncadd.s32 $0xFFFFE000  }
0x81: {  	[tilespmem:s30], [sflag:$0x5] =	stream.indirect.gather [hbm4b:s4+s15], $0x40, s5, s15, $0xb8;
	[tilespmem:$0x1C200] =	vst v63  }
.Ltmp3:
0x82: {  	_ = 	snop;
	(pc) =	sbr.rel @p1 .LBB2_8-.Ltmp3, $4  }
0x83: {  	_ =	swait.ge [sflag:s31], $0x2000  }
0x84: {  	[sflag:s31] =	ssyncset.done $0x0  }
0x85: {  	s5 =	sadd.s32 $0x4500, s24;
	[sflag:s31] =	ssyncadd.s32 $0xFFFFE000  }
0x86: {  	[spmem:s2] =	stream.indirect.scatter.add.bf16 [tilespmem:s25], [sflag:$0x9], $0x40, s5, s15, $0xb8;
	[tilespmem:$0x1C200] =	vst v63  }
0x87: {  	_ =	swait.ge [sflag:s1], $0x2000  }
0x88: {  	[sflag:s1] =	ssyncset.done $0x0  }
0x89: {  	s5 =	sadd.s32 $0x500, s24;
	[sflag:s1] =	ssyncadd.s32 $0xFFFFE000  }
0x8a: {  	[tilespmem:s16], [sflag:$0x1] =	stream.indirect.gather [hbm4b:s4+s15], $0x40, s5, s15, $0xb8;
	[tilespmem:$0x1C200] =	vst v63  }
0x8b: {  	_ =	swait.ge [sflag:s19], $0x2000  }
0x8c: {  	[sflag:s19] =	ssyncset.done $0x0  }
0x8d: {  	s5 =	sadd.s32 $0x4580, s24;
	[sflag:s19] =	ssyncadd.s32 $0xFFFFE000  }
0x8e: {  	[spmem:s2] =	stream.indirect.scatter.add.bf16 [tilespmem:s30], [sflag:$0xA], $0x40, s5, s15, $0xb8;
	[tilespmem:$0x1C200] =	vst v63  }
.Ltmp4:
0x8f: {  	_ = 	snop;
	(pc) =	sbr.rel .LBB2_3-.Ltmp4, $4  }
0x90: {  	_ =	swait.ge [sflag:s23], $0x2000  }
0x91: {  	[sflag:s23] =	ssyncset.done $0x0  }
0x92: {  	s20 =	sadd.s32 $0xA00, s20;
	s24 =	sadd.s32 $0x580, s24;
	[sflag:s23] =	ssyncadd.s32 $0xFFFFE000  }
0x93: {  	[tilespmem:s17], [sflag:$0x2] =	stream.indirect.gather [hbm4b:s4+s15], $0x40, s24, s15, $0xb8;
	[tilespmem:$0x1C200] =	vst v63  }
.LBB2_5:
0x94: {  	[tilespmem:s21], [sflag:$0x3] =	stream.indirect.gather [hbm4b:s4+s15], $0x40, s5, s15, $0xb8;
	[tilespmem:$0x1C200] =	vst v63  }
0x95: {  	_ =	swait.ge [sflag:s22], $0x2000  }
0x96: {  	[sflag:s22] =	ssyncset.done $0x0  }
0x97: {  	s20 =	simm.s32 $0x4180;
	[sflag:s22] =	ssyncadd.s32 $0xFFFFE000  }
0x98: {  	[spmem:s2] =	stream.indirect.scatter.add.bf16 [tilespmem:s17], [sflag:$0x7], $0x40, s20, s15, $0xb8;
	[tilespmem:$0x1C200] =	vst v63  }
0x99: {  	s24 =	simm.s32 $0x180  }
0x9a: {  	[tilespmem:s25], [sflag:$0x4] =	stream.indirect.gather [hbm4b:s4+s15], $0x40, s24, s15, $0xb8;
	[tilespmem:$0x1C200] =	vst v63  }
0x9b: {  	_ =	swait.ge [sflag:s26], $0x2000  }
0x9c: {  	[sflag:s26] =	ssyncset.done $0x0  }
0x9d: {  	s20 =	simm.s32 $0x4200;
	[sflag:s26] =	ssyncadd.s32 $0xFFFFE000  }
0x9e: {  	[spmem:s2] =	stream.indirect.scatter.add.bf16 [tilespmem:s21], [sflag:$0x8], $0x40, s20, s15, $0xb8;
	[tilespmem:$0x1C200] =	vst v63  }
0x9f: {  	s24 =	simm.s32 $0x200  }
0xa0: {  	[tilespmem:s30], [sflag:$0x5] =	stream.indirect.gather [hbm4b:s4+s15], $0x40, s24, s15, $0xb8;
	[tilespmem:$0x1C200] =	vst v63  }
0xa1: {  	_ =	swait.ge [sflag:s31], $0x2000  }
0xa2: {  	[sflag:s31] =	ssyncset.done $0x0  }
0xa3: {  	s20 =	simm.s32 $0x4280;
	[sflag:s31] =	ssyncadd.s32 $0xFFFFE000  }
0xa4: {  	[spmem:s2] =	stream.indirect.scatter.add.bf16 [tilespmem:s25], [sflag:$0x9], $0x40, s20, s15, $0xb8;
	[tilespmem:$0x1C200] =	vst v63  }
0xa5: {  	_ =	swait.ge [sflag:s1], $0x2000  }
0xa6: {  	[sflag:s1] =	ssyncset.done $0x0  }
0xa7: {  	s24 =	simm.s32 $0x280;
	[sflag:s1] =	ssyncadd.s32 $0xFFFFE000  }
0xa8: {  	[tilespmem:s16], [sflag:$0x1] =	stream.indirect.gather [hbm4b:s4+s15], $0x40, s24, s15, $0xb8;
	[tilespmem:$0x1C200] =	vst v63  }
0xa9: {  	_ =	swait.ge [sflag:s19], $0x2000  }
0xaa: {  	[sflag:s19] =	ssyncset.done $0x0  }
0xab: {  	s20 =	simm.s32 $0x4300;
	[sflag:s19] =	ssyncadd.s32 $0xFFFFE000  }
0xac: {  	[spmem:s2] =	stream.indirect.scatter.add.bf16 [tilespmem:s30], [sflag:$0xA], $0x40, s20, s15, $0xb8;
	[tilespmem:$0x1C200] =	vst v63  }
0xad: {  	_ =	swait.ge [sflag:s23], $0x2000  }
0xae: {  	[sflag:s23] =	ssyncset.done $0x0  }
0xaf: {  	s24 =	simm.s32 $0x300;
	s20 =	simm.s32 $0x0;
	[sflag:s23] =	ssyncadd.s32 $0xFFFFE000  }
0xb0: {  	[tilespmem:s17], [sflag:$0x2] =	stream.indirect.gather [hbm4b:s4+s15], $0x40, s24, s15, $0xb8;
	[tilespmem:$0x1C200] =	vst v63  }
.LBB2_6:
0xb1: {  	_ =	swait.ge [sflag:s18], $0x2000  }
0xb2: {  	s24 =	sshra.s32 s20, $0x2;
	[sflag:s18] =	ssyncset.done $0x0  }
0xb3: {  	s5 =	sadd.s32 $0x4380, s24;
	[sflag:s18] =	ssyncadd.s32 $0xFFFFE000  }
0xb4: {  	[spmem:s2] =	stream.indirect.scatter.add.bf16 [tilespmem:s16], [sflag:$0x6], $0x40, s5, s15, $0xb8;
	[tilespmem:$0x1C200] =	vst v63  }
0xb5: {  	_ =	swait.ge [sflag:s28], $0x2000  }
0xb6: {  	[sflag:s28] =	ssyncset.done $0x0  }
0xb7: {  	s5 =	sadd.s32 $0x380, s24;
	[sflag:s28] =	ssyncadd.s32 $0xFFFFE000  }
0xb8: {  	[tilespmem:s21], [sflag:$0x3] =	stream.indirect.gather [hbm4b:s4+s15], $0x40, s5, s15, $0xb8;
	[tilespmem:$0x1C200] =	vst v63  }
0xb9: {  	_ =	swait.ge [sflag:s22], $0x2000  }
0xba: {  	[sflag:s22] =	ssyncset.done $0x0  }
0xbb: {  	s5 =	sadd.s32 $0x4400, s24;
	[sflag:s22] =	ssyncadd.s32 $0xFFFFE000  }
0xbc: {  	[spmem:s2] =	stream.indirect.scatter.add.bf16 [tilespmem:s17], [sflag:$0x7], $0x40, s5, s15, $0xb8;
	[tilespmem:$0x1C200] =	vst v63  }
0xbd: {  	_ =	swait.ge [sflag:s29], $0x2000  }
0xbe: {  	[sflag:s29] =	ssyncset.done $0x0  }
0xbf: {  	s5 =	sadd.s32 $0x400, s24;
	[sflag:s29] =	ssyncadd.s32 $0xFFFFE000  }
0xc0: {  	[tilespmem:s25], [sflag:$0x4] =	stream.indirect.gather [hbm4b:s4+s15], $0x40, s5, s15, $0xb8;
	[tilespmem:$0x1C200] =	vst v63  }
0xc1: {  	_ =	swait.ge [sflag:s26], $0x2000  }
0xc2: {  	[sflag:s26] =	ssyncset.done $0x0  }
0xc3: {  	s5 =	sadd.s32 $0x4480, s24;
	[sflag:s26] =	ssyncadd.s32 $0xFFFFE000  }
0xc4: {  	[spmem:s2] =	stream.indirect.scatter.add.bf16 [tilespmem:s21], [sflag:$0x8], $0x40, s5, s15, $0xb8;
	[tilespmem:$0x1C200] =	vst v63  }
0xc5: {  	_ =	swait.ge [sflag:s0], $0x2000  }
0xc6: {  	[sflag:s0] =	ssyncset.done $0x0  }
0xc7: {  	p1 =	seq.s32 s20, $0x2800;
	s5 =	sadd.s32 $0x480, s24;
	[sflag:s0] =	ssyncadd.s32 $0xFFFFE000  }
0xc8: {  	[tilespmem:s30], [sflag:$0x5] =	stream.indirect.gather [hbm4b:s4+s15], $0x40, s5, s15, $0xb8;
	[tilespmem:$0x1C200] =	vst v63  }
.Ltmp5:
0xc9: {  	_ = 	snop;
	(pc) =	sbr.rel @p1 .LBB2_9-.Ltmp5, $4  }
0xca: {  	_ =	swait.ge [sflag:s31], $0x2000  }
0xcb: {  	[sflag:s31] =	ssyncset.done $0x0  }
0xcc: {  	s5 =	sadd.s32 $0x4500, s24;
	[sflag:s31] =	ssyncadd.s32 $0xFFFFE000  }
0xcd: {  	[spmem:s2] =	stream.indirect.scatter.add.bf16 [tilespmem:s25], [sflag:$0x9], $0x40, s5, s15, $0xb8;
	[tilespmem:$0x1C200] =	vst v63  }
0xce: {  	_ =	swait.ge [sflag:s1], $0x2000  }
0xcf: {  	[sflag:s1] =	ssyncset.done $0x0  }
0xd0: {  	s5 =	sadd.s32 $0x500, s24;
	[sflag:s1] =	ssyncadd.s32 $0xFFFFE000  }
0xd1: {  	[tilespmem:s16], [sflag:$0x1] =	stream.indirect.gather [hbm4b:s4+s15], $0x40, s5, s15, $0xb8;
	[tilespmem:$0x1C200] =	vst v63  }
0xd2: {  	_ =	swait.ge [sflag:s19], $0x2000  }
0xd3: {  	[sflag:s19] =	ssyncset.done $0x0  }
0xd4: {  	s5 =	sadd.s32 $0x4580, s24;
	[sflag:s19] =	ssyncadd.s32 $0xFFFFE000  }
0xd5: {  	[spmem:s2] =	stream.indirect.scatter.add.bf16 [tilespmem:s30], [sflag:$0xA], $0x40, s5, s15, $0xb8;
	[tilespmem:$0x1C200] =	vst v63  }
.Ltmp6:
0xd6: {  	_ = 	snop;
	(pc) =	sbr.rel .LBB2_6-.Ltmp6, $4  }
0xd7: {  	_ =	swait.ge [sflag:s23], $0x2000  }
0xd8: {  	[sflag:s23] =	ssyncset.done $0x0  }
0xd9: {  	s20 =	sadd.s32 $0xA00, s20;
	s24 =	sadd.s32 $0x580, s24;
	[sflag:s23] =	ssyncadd.s32 $0xFFFFE000  }
0xda: {  	[tilespmem:s17], [sflag:$0x2] =	stream.indirect.gather [hbm4b:s4+s15], $0x40, s24, s15, $0xb8;
	[tilespmem:$0x1C200] =	vst v63  }
.LBB2_8:
.Ltmp7:
0xdb: {  	(pc) =	sbr.rel .LBB2_10-.Ltmp7, $2  }
0xdc: {  	_ =	sdelay $0x2  }
0xdd: {  	s20 =	sadd.s32 $0x1200, s20  }
.LBB2_11:
0xde: {  	_ =	sfence.sel $0x180000  }
0xdf: {  	[bflag:$0x0] =	sbarrier.arrive $0xFFFF  }
0xe0: {  	_ =	strace $0x90000047  }
0xe1: {  	s0 =	stileid.u32;
	[bflag:$0x2] =	sbarrier.arrive $0xFFFF  }
0xe2: {  	p0 =	sne.s32 s0, $0x0;
	s0 =	rddreg [dreg:$0x3]  }
0xe3: {  	s0 =	sadd.s32 @!p0 $0x100000, s0  }
0xe4: {  	[sflag:s0] =	ssyncadd.tile.s32 @!p0 $0x1;
	_ =	shalt  }
.Lfunc_end2:
_tile_overlayer_lowered:
.L_overlay_start_2:
0xe5: {  	(tag) =	ssettag $0x2  }
0xe6: {  	s0 =	rddreg [dreg:$0x0];
	s2 =	stileid.u32  }
0xe7: {  	s1 =	rddreg [dreg:$0x1];
	p0 =	sne.s32 s2, $0x0  }
0xe8: {  	s3 =	rddreg [dreg:$0x2];
	[bflag:$0x3] =	sbarrier.arrive $0xFFFF;
	s2 =	simm.s32 @!p0 $0x1C0B  }
0xe9: {  	[timem:s3], [sflag:s2] =	dma.local @!p0 [hbm:s0], s1  }
0xea: {  	s0 =	simm.s32 @!p0 $0xB  }
0xeb: {  	_ =	swait.ge @!p0 [sflag:s0], s1  }
0xec: {  	s1 =	ssub.s32 @!p0 $0x0, s1;
	[sflag:s0] =	ssyncset.done @!p0 $0x0  }
0xed: {  	[sflag:s0] =	ssyncadd.s32 @!p0 s1  }
0xee: {  	[bflag:$0x3] =	sbarrier.arrive $0xFFFF  }
0xef: {  	_ =	shalt  }

// kernel: kernel.16.cloned.1.call-start
scs
__scs_entry_jumppad:
0x0: {  	(pc) =	sbr.rel $0x88, $3  }
0x1: {  	(tag) =	ssettag $0x0;
	lr =	simm.s32 $0x1  }
0x2: {  	[smem:$0x3F96] =	sst lr;
	_ =	strace $0xD0000000  }
0x3: {  	_ = 	snop  }
0x4: {  	_ = 	snop  }
0x5: {  	_ = 	snop  }
0x6: {  	_ = 	snop  }
0x7: {  	_ = 	snop  }
__scs_overlays_trampoline_lowered:
0x8: {  	[smem:$0x3FA5] =	sst s0  }
0x9: {  	[smem:$0x3FA6] =	sst s1  }
0xa: {  	[smem:$0x3FA7] =	sst s2  }
0xb: {  	[smem:$0x3FA8] =	sst s3  }
0xc: {  	[smem:$0x3FA9] =	sst s4  }
0xd: {  	[smem:$0x3FAA] =	sst s5  }
0xe: {  	[smem:$0x3FAB] =	sst s6  }
0xf: {  	[smem:$0x3FAC] =	sst s7  }
0x10: {  	[smem:$0x3FAD] =	sst s8  }
0x11: {  	[smem:$0x3FAE] =	sst s9;
	s0 =	simm.s32 @!p0 $0x0  }
0x12: {  	s1 =	sld [smem:$0x3F94];
	s0 =	simm.s32 @p0 $0x1  }
0x13: {  	[smem:$0x3FAF] =	sst s0;
	s0 =	simm.s32 @!p1 $0x0  }
0x14: {  	s2 =	sld [smem:$0x3F93];
	s0 =	simm.s32 @p1 $0x1  }
0x15: {  	[smem:$0x3FB0] =	sst s0;
	s0 =	simm.s32 @!p2 $0x0  }
0x16: {  	s3 =	sld [smem:$0x3FDB];
	s0 =	simm.s32 @p2 $0x1  }
0x17: {  	s4 =	simm.s32 $0x1BF5;
	[smem:$0x3FB2] =	sst s0  }
0x18: {  	s0 =	sld [smem:$0x3F95];
	_ =	swait.ge [sflag:s4], $0x0  }
0x19: {  	s7 =	sld [smem:$0x3F96]  }
0x1a: {  	s8 =	sadd.s32 $0xFFFFE003, lr  }
0x1b: {  	s9 =	sadd.s32 $0xFFFFFEF7, lr;
	s5 =	simm.s32 $0xFFFFFFFF;
	p2 =	slt.u32 s8, $0xFFFFF086  }
0x1c: {  	p1 =	slt.u32 s9, $0xF7A;
	s5 =	simm.s32 @!p2 $0x0  }
0x1d: {  	s5 =	simm.s32 @p1 $0x1;
	p0 =	seq.s32 s7, s2  }
0x1e: {  	s7 =	smul.u32 @!p0 $0xF7A, s2;
	p2 =	seq.s32 @!p0 s5, $0x0  }
0x1f: {  	s9 =	smul.u32 $0xF7A, s1;
	s8 =	simm.s32 @!p0 $0x1BF5;
	p2 =	por !p2, p0  }
0x20: {  	[sflag:s8] =	ssyncset.s32 @!p0 $0xFFFFF086;
	s6 =	sadd.s32 @!p0 s3, s7;
	s7 =	simm.s32 @!p0 $0x108  }
0x21: {  	s3 =	sadd.s32 s3, s9;
	s6 =	sadd.s32 @!p0 $0x88, s6;
	s7 =	simm.s32 @p2 $0x1082  }
0x22: {  	[simem:s7], [sflag:s8] =	dma.local @!p0 [hbm:s6], $0xF7A  }
0x23: {  	s9 =	sor.u32 $0xD0000000, s2;
	s6 =	simm.s32 $0x108;
	_ =	swait.ge @!p0 [sflag:s8], $0x0  }
0x24: {  	s3 =	sadd.s32 $0x88, s3;
	s6 =	simm.s32 @!p1 $0x1082;
	[sflag:s4] =	ssyncset.s32 $0xFFFFF086  }
0x25: {  	[simem:s6], [sflag:s4] =	dma.local [hbm:s3], $0xF7A  }
0x26: {  	[smem:$0x3F96] =	sst s1;
	(tag) =	ssettag s2;
	_ =	strace s9  }
0x27: {  	s1 =	sld [smem:$0x3FA6]  }
0x28: {  	s2 =	sld [smem:$0x3FA7]  }
0x29: {  	s4 =	sld [smem:$0x3FA9]  }
0x2a: {  	p0 =	seq.s32 s5, $0x0;
	s5 =	sld [smem:$0x3FAA]  }
0x2b: {  	s6 =	sld [smem:$0x3FAB]  }
0x2c: {  	s7 =	sld [smem:$0x3FAC]  }
0x2d: {  	s3 =	simm.s32 $0x108;
	s8 =	sld [smem:$0x3FAD]  }
0x2e: {  	s3 =	simm.s32 @!p0 $0x1082;
	s9 =	sld [smem:$0x3FAE]  }
0x2f: {  	lr =	sadd.s32 s0, s3;
	s0 =	sld [smem:$0x3FA5]  }
0x30: {  	s3 =	sld [smem:$0x3FA8]  }
0x31: {  	[smem:$0x3FB1] =	sst s10  }
0x32: {  	s10 =	sld [smem:$0x3FAF];
	_ =	sdelay $0x3  }
0x33: {  	p0 =	seq.s32 s10, $0x1;
	s10 =	sld [smem:$0x3FB1];
	_ =	sdelay $0x3  }
0x34: {  	[smem:$0x3FB1] =	sst s10  }
0x35: {  	s10 =	sld [smem:$0x3FB0];
	_ =	sdelay $0x3  }
0x36: {  	p1 =	seq.s32 s10, $0x1;
	s10 =	sld [smem:$0x3FB1];
	_ =	sdelay $0x3  }
0x37: {  	[smem:$0x3FB1] =	sst s10  }
0x38: {  	s10 =	sld [smem:$0x3FB2]  }
0x39: {  	_ = 	snop;
	(pc) =	sbr.ind lr, $3  }
0x3a: {  	_ = 	snop  }
0x3b: {  	_ = 	snop  }
0x3c: {  	p2 =	seq.s32 s10, $0x1;
	s10 =	sld [smem:$0x3FB1]  }
0x3d: {  	_ =	shalt  }
0x3e: {  	_ =	shalt  }
0x3f: {  	_ =	shalt  }
0x40: {  	_ =	shalt  }
0x41: {  	_ =	shalt  }
0x42: {  	_ =	shalt  }
0x43: {  	_ =	shalt  }
0x44: {  	_ =	shalt  }
0x45: {  	_ =	shalt  }
0x46: {  	_ =	shalt  }
0x47: {  	_ =	shalt  }
0x48: {  	_ =	shalt  }
0x49: {  	_ =	shalt  }
0x4a: {  	_ =	shalt  }
0x4b: {  	_ =	shalt  }
0x4c: {  	_ =	shalt  }
0x4d: {  	_ =	shalt  }
0x4e: {  	_ =	shalt  }
0x4f: {  	_ =	shalt  }
0x50: {  	_ =	shalt  }
0x51: {  	_ =	shalt  }
0x52: {  	_ =	shalt  }
0x53: {  	_ =	shalt  }
0x54: {  	_ =	shalt  }
0x55: {  	_ =	shalt  }
0x56: {  	_ =	shalt  }
0x57: {  	_ =	shalt  }
0x58: {  	_ =	shalt  }
0x59: {  	_ =	shalt  }
0x5a: {  	_ =	shalt  }
0x5b: {  	_ =	shalt  }
0x5c: {  	_ =	shalt  }
0x5d: {  	_ =	shalt  }
0x5e: {  	_ =	shalt  }
0x5f: {  	_ =	shalt  }
0x60: {  	_ =	shalt  }
0x61: {  	_ =	shalt  }
0x62: {  	_ =	shalt  }
0x63: {  	_ =	shalt  }
0x64: {  	_ =	shalt  }
0x65: {  	_ =	shalt  }
0x66: {  	_ =	shalt  }
0x67: {  	_ =	shalt  }
0x68: {  	_ =	shalt  }
0x69: {  	_ =	shalt  }
0x6a: {  	_ =	shalt  }
0x6b: {  	_ =	shalt  }
0x6c: {  	_ =	shalt  }
0x6d: {  	_ =	shalt  }
0x6e: {  	_ =	shalt  }
0x6f: {  	_ =	shalt  }
0x70: {  	_ =	shalt  }
0x71: {  	_ =	shalt  }
0x72: {  	_ =	shalt  }
0x73: {  	_ =	shalt  }
0x74: {  	_ =	shalt  }
0x75: {  	_ =	shalt  }
0x76: {  	_ =	shalt  }
0x77: {  	_ =	shalt  }
0x78: {  	_ =	shalt  }
0x79: {  	_ =	shalt  }
0x7a: {  	_ =	shalt  }
0x7b: {  	_ =	shalt  }
0x7c: {  	_ =	shalt  }
0x7d: {  	_ =	shalt  }
0x7e: {  	_ =	shalt  }
0x7f: {  	_ =	shalt  }
0x80: {  	_ =	shalt  }
0x81: {  	_ =	shalt  }
0x82: {  	_ =	shalt  }
0x83: {  	_ =	shalt  }
0x84: {  	_ =	shalt  }
0x85: {  	_ =	shalt  }
0x86: {  	_ =	shalt  }
0x87: {  	_ =	shalt  }
.Lfunc_end0:
.L_simem_size_0:
called_computation.2_lowered:
.L_overlay_start_0:
0x88: {  	s2 =	sld [smem:$0x3FD9]  }
0x89: {  	s3 =	sld [smem:$0x3FFE];
	_ =	sdelay $0x1  }
0x8a: {  	s1 =	srdreg.scid  }
0x8b: {  	s0 =	sand.u32 $0x1, s1  }
0x8c: {  	s17 =	sshll.u32 s0, $0xA;
	s2 =	sadd.s32 s3, s2  }
0x8d: {  	s2 =	sadd.s32 s2, s17  }
0x8e: {  	[smem:$0x3FBD] =	sst s2  }
0x8f: {  	_ = 	snop  }
0x90: {  	s2 =	sld [smem:$0x3FD0];
	(tm) =	ssettm $0x1  }
0x91: {  	s18 =	sld [smem:$0x3FFB];
	_ =	sdelay $0x3  }
0x92: {  	_ =	strace s18  }
0x93: {  	s3 =	sld [smem:$0x3FFC];
	_ =	sdelay $0x3  }
0x94: {  	_ =	strace s3  }
0x95: {  	s3 =	sld [smem:$0x3FFD];
	_ =	sdelay $0x3  }
0x96: {  	_ =	strace s3  }
0x97: {  	_ =	strace $0x8FFFFFFF  }
0x98: {  	s19 =	sld [smem:$0x3FDB];
	_ =	sdelay $0x1  }
0x99: {  	s4 =	simm.s32 $_scs_section_size  }
0x9a: {  	s5 =	simm.s32 $_size__tile_overlayer_lowered;
	s6 =	simm.s32 $_tile_overlayer_lowered  }
0x9b: {  	s22 =	simm.s32 $0x1BFF;
	s21 =	sshll.u32 s6, $0x1;
	s3 =	sadd.s32 s4, s19  }
0x9c: {  	s7 =	simm.s32 $0x0;
	s20 =	sshll.u32 s5, $0x1;
	s5 =	sadd.s32 s21, s3  }
0x9d: {  	[timem:s7], [sflag:s22] =	dma.local [hbm:s5], s20  }
0x9e: {  	_ =	swait.ge [sflag:s22], s20  }
0x9f: {  	s4 =	ssub.s32 $0x0, s20;
	[sflag:s22] =	ssyncset.done $0x0  }
0xa0: {  	[sflag:s22] =	ssyncadd.s32 s4;
	_ =	sdelay $0x1  }
0xa1: {  	s23 =	simm.s32 $0x1B8B  }
0xa2: {  	_ =	swait.ge [sflag:s23], $0x1  }
0xa3: {  	[sflag:s23] =	ssyncset.done $0x0  }
0xa4: {  	s25 =	simm.s32 $0x1B8E;
	s24 =	sld [smem:$0x3FFE];
	[sflag:s23] =	ssyncadd.s32 $0xFFFFFFFF  }
0xa5: {  	s26 =	simm.s32 $execute0_lowered;
	[smem:$0x3FD2] =	sst s25  }
0xa6: {  	s5 =	sshll.u32 s26, $0x1;
	_ =	strace $0x8000004C;
	[dreg:$0x1] =	wrdreg $0xFFFFFFFF  }
0xa7: {  	s28 =	simm.s32 $_size_execute0_lowered;
	s3 =	sadd.s32 s3, s5;
	[dreg:$0x0] =	wrdreg $0x0  }
0xa8: {  	s5 =	sshll.u32 s28, $0x1;
	[dreg:$0x2] =	wrdreg s3  }
0xa9: {  	[dreg:$0x3] =	wrdreg s5  }
0xaa: {  	[dreg:$0x4] =	wrdreg $0xC0  }
0xab: {  	_ =	task [dreg:s7], $0x5FFFF  }
0xac: {  	[dreg:$0x1] =	wrdreg $0xFFFFFFFF  }
0xad: {  	[dreg:$0x0] =	wrdreg $0x60  }
0xae: {  	[dreg:$0x2] =	wrdreg s24  }
0xaf: {  	[dreg:$0x3] =	wrdreg s2  }
0xb0: {  	[dreg:$0x4] =	wrdreg $0x122000  }
0xb1: {  	[dreg:$0x5] =	wrdreg $0x9  }
0xb2: {  	_ =	task.clear_ibuf [dreg:s7], $0x6FFFF;
	_ =	strace $0x9000004C  }
0xb3: {  	s29 =	simm.s32 $0x9;
	_ =	strace $0x8000004E  }
0xb4: {  	_ =	swait.ge [sflag:s29], $0x1  }
0xb5: {  	[sflag:s29] =	ssyncadd.s32 $0xFFFFFFFF  }
0xb6: {  	_ =	strace $0x9000004E  }
0xb7: {  	_ =	sfence  }
0xb8: {  	s30 =	sld [smem:$0x0];
	_ =	sdelay $0x2  }
0xb9: {  	s31 =	sshll.u32 s1, $0xD;
	s1 =	sshrl.u32 s1, $0x2  }
0xba: {  	s3 =	sand.u32 $0x4000, s31;
	s1 =	sadd.s32 s1, s30  }
0xbb: {  	s0 =	sor.u32 s3, s0;
	s1 =	sshll.u32 s1, $0x11  }
0xbc: {  	s0 =	sor.u32 s1, s0  }
0xbd: {  	s0 =	sadd.s32 $0x8F2B, s0  }
0xbe: {  	[sflag:s0] =	ssyncadd.remote.s32 $0x1  }
0xbf: {  	_ =	sfence.sel $0xFFFF  }
0xc0: {  	[dreg:$0x0] =	wrdreg $0xFFFFFFFF;
	(pc) =	sbr.abs _section_cstart, $3  }
0xc1: {  	[dreg:$0x1] =	wrdreg $0xFFFFFFFF  }
0xc2: {  	_ =	task.clear_ibuf [dreg:s7], $0x2FFFF;
	_ =	strace $0x9FFFFFFF  }
0xc3: {  	(tm) =	ssettm $0x7FFFFFFF  }
tec
execute0_lowered:
.L_overlay_start_1:
0x0: {  	(tag) =	ssettag $0x1  }
0x1: {  	s0 =	rddreg [dreg:$0x0]  }
0x2: {  	s1 =	rddreg [dreg:$0x1]  }
0x3: {  	s2 =	rddreg [dreg:$0x2];
	s3 =	srdreg.scid  }
0x4: {  	s14 =	stileid.u32;
	s4 =	simm.s32 $0x0;
	s15 =	simm.s32 $0x80  }
0x5: {  	s16 =	simm.s32 $0x8200;
	s17 =	simm.s32 $0xA200;
	s18 =	simm.s32 $0x1  }
0x6: {  	s21 =	simm.s32 $0xC200;
	s22 =	simm.s32 $0x2;
	s30 =	simm.s32 $0x10200  }
0x7: {  	s31 =	simm.s32 $0x4;
	s19 =	simm.s32 $0x5;
	s23 =	simm.s32 $0x7  }
0x8: {  	s28 =	simm.s32 $0x8;
	s29 =	simm.s32 $0x9;
	s3 =	sand.u32 $0x1, s3  }
0x9: {  	s9 =	smul.u32 $0x14000, s14;
	[smem:$0x7FF] =	sst s4;
	s4 =	sadd.s32 $0x3400, s0  }
0xa: {  	s7 =	sadd.s32 $0x20E00, s0;
	s6 =	smul.u32 $0xF00, s14;
	s8 =	sadd.s32 $0x16E00, s0  }
0xb: {  	s12 =	smul.u32 $0x820, s14;
	s26 =	sshll.u32 s14, $0x6;
	s14 =	simm.s32 $0xB  }
0xc: {  	s5 =	smul.u32 $0x140000, s3;
	_ =	strace $0x8000004D;
	s10 =	ssub.s32 $0x2, s3  }
0xd: {  	p0 =	sne.s32 s3, $0x0;
	s3 =	simm.s32 $0x0;
	s11 =	sshrl.u32 s10, $0x1  }
0xe: {  	s6 =	sshrl.u32 s6, $0x3;
	s25 =	sshrl.u32 s9, $0x1;
	s5 =	sadd.s32 s9, s5  }
0xf: {  	s11 =	ssub.s32 s10, s11;
	s6 =	sadd.s32 $0x8200, s6;
	s9 =	sshrl.u32 s9, $0x4  }
0x10: {  	s13 =	sadd.s32 s25, s2;
	s25 =	simm.s32 $0xE200;
	s5 =	sshrl.u32 s5, $0x4  }
.Ltmp0:
0x11: {  	s24 =	sadd.s32 s7, s6;
	s6 =	sadd.s32 s8, s6;
	(pc) =	sbr.rel .LBB2_1-.Ltmp0, $4  }
0x12: {  	s7 =	sadd.s32 s7, s12;
	s8 =	sadd.s32 s8, s12;
	s9 =	sadd.s32 s1, s9  }
0x13: {  	s11 =	smax.u32 s11, $0x1;
	s12 =	sor.u32 $0x1C0B, s26;
	s13 =	sshrl.u32 s13, $0x3  }
0x14: {  	s26 =	simm.s32 $0x3;
	s1 =	simm.s32 $0x6;
	s0 =	sadd.s32 s5, s0  }
0x15: {  	[dreg:$0x4] =	wrdreg s24;
	s10 =	sadd.s32 $0x2AE00, s0;
	s0 =	simm.s32 $0xA  }
.LBB2_9:
0x16: {  	s20 =	sadd.s32 $0x1200, s20  }
.LBB2_10:
0x17: {  	_ =	swait.ge [sflag:s19], $0x2000  }
0x18: {  	s5 =	sshra.s32 s20, $0x2;
	[sflag:s19] =	ssyncset.done $0x0  }
0x19: {  	s5 =	sadd.s32 $0x4100, s5;
	[sflag:s19] =	ssyncadd.s32 $0xFFFFE000  }
0x1a: {  	[spmem:s2] =	stream.indirect.scatter.add.bf16 [tilespmem:s30], [sflag:$0xA], $0x40, s5, s15, $0xb8;
	[tilespmem:$0x1C200] =	vst v63  }
0x1b: {  	_ =	swait.ge [sflag:s1], $0x2000  }
0x1c: {  	[sflag:s1] =	ssyncset.done $0x0  }
0x1d: {  	[sflag:s1] =	ssyncadd.s32 $0xFFFFE000  }
0x1e: {  	_ =	swait.ge [sflag:s23], $0x2000  }
0x1f: {  	[sflag:s23] =	ssyncset.done $0x0  }
0x20: {  	[sflag:s23] =	ssyncadd.s32 $0xFFFFE000  }
0x21: {  	_ =	swait.ge [sflag:s28], $0x2000  }
0x22: {  	[sflag:s28] =	ssyncset.done $0x0  }
0x23: {  	[sflag:s28] =	ssyncadd.s32 $0xFFFFE000  }
0x24: {  	_ =	swait.ge [sflag:s29], $0x2000  }
0x25: {  	[sflag:s29] =	ssyncset.done $0x0  }
0x26: {  	[sflag:s29] =	ssyncadd.s32 $0xFFFFE000  }
0x27: {  	_ =	swait.ge [sflag:s0], $0x2000  }
0x28: {  	s3 =	sadd.s32 $0x1, s3;
	[sflag:s0] =	ssyncset.done $0x0  }
0x29: {  	p1 =	sne.s32 s3, s11;
	[sflag:s0] =	ssyncadd.s32 $0xFFFFE000  }
.Ltmp1:
0x2a: {  	[bflag:$0x0] =	sbarrier.arrive $0xFFFF;
	(pc) =	sbr.rel @!p1 .LBB2_11-.Ltmp1, $4  }
0x2b: {  	[hbm:s10], [sflag:s12] =	dma.local [spmem:s13], $0x1400  }
0x2c: {  	_ =	swait.ge [sflag:s14], $0x1400  }
0x2d: {  	[sflag:s14] =	ssyncset.done $0x0  }
0x2e: {  	[sflag:s14] =	ssyncadd.s32 $0xFFFFEC00  }
.LBB2_1:
0x2f: {  	s20 =	simm.s32 @p0 $0x0;
	s5 =	rddreg [dreg:$0x4];
	s24 =	simm.s32 @p0 $0xB  }
0x30: {  	[tilespmem:s20], [sflag:$0xB] =	stream.linear.gather @p0 [hbm4b:s5+s20], $0xF00, $0x38;
	[tilespmem:$0x1C200] =	vst v63  }
0x31: {  	_ =	swait.ge @p0 [sflag:s24], $0xF00  }
0x32: {  	[sflag:s24] =	ssyncset.done @p0 $0x0  }
0x33: {  	s5 =	simm.s32 @p0 $0x4100;
	[sflag:s24] =	ssyncadd.s32 @p0 $0xFFFFF100  }
0x34: {  	[tilespmem:s5], [sflag:$0xB] =	stream.linear.gather @p0 [hbm4b:s6+s20], $0xF00, $0x38;
	[tilespmem:$0x1C200] =	vst v63  }
0x35: {  	_ =	swait.ge @p0 [sflag:s24], $0xF00  }
0x36: {  	[sflag:s24] =	ssyncset.done @p0 $0x0  }
0x37: {  	s5 =	simm.s32 @!p0 $0x0;
	s20 =	simm.s32 @!p0 $0xB;
	[sflag:s24] =	ssyncadd.s32 @p0 $0xFFFFF100  }
0x38: {  	[tilespmem:s5], [sflag:$0xB] =	stream.linear.gather @!p0 [hbm4b:s7+s5], $0x4100, $0x38;
	[tilespmem:$0x1C200] =	vst v63  }
0x39: {  	_ =	swait.ge @!p0 [sflag:s20], $0x4100  }
0x3a: {  	[sflag:s20] =	ssyncset.done @!p0 $0x0  }
0x3b: {  	s24 =	simm.s32 @!p0 $0x4100;
	[sflag:s20] =	ssyncadd.s32 @!p0 $0xFFFFBF00  }
0x3c: {  	[tilespmem:s24], [sflag:$0xB] =	stream.linear.gather @!p0 [hbm4b:s8+s5], $0x4100, $0x38;
	[tilespmem:$0x1C200] =	vst v63  }
0x3d: {  	_ =	swait.ge @!p0 [sflag:s20], $0x4100  }
0x3e: {  	[sflag:s20] =	ssyncset.done @!p0 $0x0  }
0x3f: {  	[sflag:s20] =	ssyncadd.s32 @!p0 $0xFFFFBF00  }
0x40: {  	[spmem:s13], [sflag:s12] =	dma.local [hbm:s9], $0x1400  }
0x41: {  	_ =	swait.ge [sflag:s14], $0x1400  }
0x42: {  	[sflag:s14] =	ssyncset.done $0x0  }
0x43: {  	[sflag:s14] =	ssyncadd.s32 $0xFFFFEC00  }
0x44: {  	s20 =	simm.s32 $0x0;
	[bflag:$0x0] =	sbarrier.arrive $0xFFFF  }
0x45: {  	[tilespmem:s16], [sflag:$0x1] =	stream.indirect.gather [hbm4b:s4+s15], $0x40, s20, s15, $0xb8;
	[tilespmem:$0x1C200] =	vst v63  }
0x46: {  	_ = 	snop  }
0x47: {  	[tilespmem:s17], [sflag:$0x2] =	stream.indirect.gather [hbm4b:s4+s15], $0x40, s15, s15, $0xb8;
	[tilespmem:$0x1C200] =	vst v63  }
.Ltmp2:
0x48: {  	_ = 	snop;
	(pc) =	sbr.rel @p0 .LBB2_5-.Ltmp2, $4  }
0x49: {  	_ =	swait.ge [sflag:s18], $0x2000  }
0x4a: {  	[sflag:s18] =	ssyncset.done $0x0  }
0x4b: {  	s24 =	simm.s32 $0x4100;
	s5 =	simm.s32 $0x100;
	[sflag:s18] =	ssyncadd.s32 $0xFFFFE000  }
0x4c: {  	[spmem:s2] =	stream.indirect.scatter.add.bf16 [tilespmem:s16], [sflag:$0x6], $0x40, s24, s15, $0xb8;
	[tilespmem:$0x1C200] =	vst v63  }
0x4d: {  	[tilespmem:s21], [sflag:$0x3] =	stream.indirect.gather [hbm4b:s4+s15], $0x40, s5, s15, $0xb8;
	[tilespmem:$0x1C200] =	vst v63  }
0x4e: {  	_ =	swait.ge [sflag:s22], $0x2000  }
0x4f: {  	[sflag:s22] =	ssyncset.done $0x0  }
0x50: {  	s20 =	simm.s32 $0x4180;
	[sflag:s22] =	ssyncadd.s32 $0xFFFFE000  }
0x51: {  	[spmem:s2] =	stream.indirect.scatter.add.bf16 [tilespmem:s17], [sflag:$0x7], $0x40, s20, s15, $0xb8;
	[tilespmem:$0x1C200] =	vst v63  }
0x52: {  	s24 =	simm.s32 $0x180  }
0x53: {  	[tilespmem:s25], [sflag:$0x4] =	stream.indirect.gather [hbm4b:s4+s15], $0x40, s24, s15, $0xb8;
	[tilespmem:$0x1C200] =	vst v63  }
0x54: {  	_ =	swait.ge [sflag:s26], $0x2000  }
0x55: {  	[sflag:s26] =	ssyncset.done $0x0  }
0x56: {  	s20 =	simm.s32 $0x4200;
	[sflag:s26] =	ssyncadd.s32 $0xFFFFE000  }
0x57: {  	[spmem:s2] =	stream.indirect.scatter.add.bf16 [tilespmem:s21], [sflag:$0x8], $0x40, s20, s15, $0xb8;
	[tilespmem:$0x1C200] =	vst v63  }
0x58: {  	s24 =	simm.s32 $0x200  }
0x59: {  	[tilespmem:s30], [sflag:$0x5] =	stream.indirect.gather [hbm4b:s4+s15], $0x40, s24, s15, $0xb8;
	[tilespmem:$0x1C200] =	vst v63  }
0x5a: {  	_ =	swait.ge [sflag:s31], $0x2000  }
0x5b: {  	[sflag:s31] =	ssyncset.done $0x0  }
0x5c: {  	s20 =	simm.s32 $0x4280;
	[sflag:s31] =	ssyncadd.s32 $0xFFFFE000  }
0x5d: {  	[spmem:s2] =	stream.indirect.scatter.add.bf16 [tilespmem:s25], [sflag:$0x9], $0x40, s20, s15, $0xb8;
	[tilespmem:$0x1C200] =	vst v63  }
0x5e: {  	_ =	swait.ge [sflag:s1], $0x2000  }
0x5f: {  	[sflag:s1] =	ssyncset.done $0x0  }
0x60: {  	s24 =	simm.s32 $0x280;
	[sflag:s1] =	ssyncadd.s32 $0xFFFFE000  }
0x61: {  	[tilespmem:s16], [sflag:$0x1] =	stream.indirect.gather [hbm4b:s4+s15], $0x40, s24, s15, $0xb8;
	[tilespmem:$0x1C200] =	vst v63  }
0x62: {  	_ =	swait.ge [sflag:s19], $0x2000  }
0x63: {  	[sflag:s19] =	ssyncset.done $0x0  }
0x64: {  	s20 =	simm.s32 $0x4300;
	[sflag:s19] =	ssyncadd.s32 $0xFFFFE000  }
0x65: {  	[spmem:s2] =	stream.indirect.scatter.add.bf16 [tilespmem:s30], [sflag:$0xA], $0x40, s20, s15, $0xb8;
	[tilespmem:$0x1C200] =	vst v63  }
0x66: {  	_ =	swait.ge [sflag:s23], $0x2000  }
0x67: {  	[sflag:s23] =	ssyncset.done $0x0  }
0x68: {  	s24 =	simm.s32 $0x300;
	s20 =	simm.s32 $0x0;
	[sflag:s23] =	ssyncadd.s32 $0xFFFFE000  }
0x69: {  	[tilespmem:s17], [sflag:$0x2] =	stream.indirect.gather [hbm4b:s4+s15], $0x40, s24, s15, $0xb8;
	[tilespmem:$0x1C200] =	vst v63  }
.LBB2_3:
0x6a: {  	_ =	swait.ge [sflag:s18], $0x2000  }
0x6b: {  	s24 =	sshra.s32 s20, $0x2;
	[sflag:s18] =	ssyncset.done $0x0  }
0x6c: {  	s5 =	sadd.s32 $0x4380, s24;
	[sflag:s18] =	ssyncadd.s32 $0xFFFFE000  }
0x6d: {  	[spmem:s2] =	stream.indirect.scatter.add.bf16 [tilespmem:s16], [sflag:$0x6], $0x40, s5, s15, $0xb8;
	[tilespmem:$0x1C200] =	vst v63  }
0x6e: {  	_ =	swait.ge [sflag:s28], $0x2000  }
0x6f: {  	[sflag:s28] =	ssyncset.done $0x0  }
0x70: {  	s5 =	sadd.s32 $0x380, s24;
	[sflag:s28] =	ssyncadd.s32 $0xFFFFE000  }
0x71: {  	[tilespmem:s21], [sflag:$0x3] =	stream.indirect.gather [hbm4b:s4+s15], $0x40, s5, s15, $0xb8;
	[tilespmem:$0x1C200] =	vst v63  }
0x72: {  	_ =	swait.ge [sflag:s22], $0x2000  }
0x73: {  	[sflag:s22] =	ssyncset.done $0x0  }
0x74: {  	s5 =	sadd.s32 $0x4400, s24;
	[sflag:s22] =	ssyncadd.s32 $0xFFFFE000  }
0x75: {  	[spmem:s2] =	stream.indirect.scatter.add.bf16 [tilespmem:s17], [sflag:$0x7], $0x40, s5, s15, $0xb8;
	[tilespmem:$0x1C200] =	vst v63  }
0x76: {  	_ =	swait.ge [sflag:s29], $0x2000  }
0x77: {  	[sflag:s29] =	ssyncset.done $0x0  }
0x78: {  	s5 =	sadd.s32 $0x400, s24;
	[sflag:s29] =	ssyncadd.s32 $0xFFFFE000  }
0x79: {  	[tilespmem:s25], [sflag:$0x4] =	stream.indirect.gather [hbm4b:s4+s15], $0x40, s5, s15, $0xb8;
	[tilespmem:$0x1C200] =	vst v63  }
0x7a: {  	_ =	swait.ge [sflag:s26], $0x2000  }
0x7b: {  	[sflag:s26] =	ssyncset.done $0x0  }
0x7c: {  	s5 =	sadd.s32 $0x4480, s24;
	[sflag:s26] =	ssyncadd.s32 $0xFFFFE000  }
0x7d: {  	[spmem:s2] =	stream.indirect.scatter.add.bf16 [tilespmem:s21], [sflag:$0x8], $0x40, s5, s15, $0xb8;
	[tilespmem:$0x1C200] =	vst v63  }
0x7e: {  	_ =	swait.ge [sflag:s0], $0x2000  }
0x7f: {  	[sflag:s0] =	ssyncset.done $0x0  }
0x80: {  	p1 =	seq.s32 s20, $0xF000;
	s5 =	sadd.s32 $0x480, s24;
	[sflag:s0] =	ssyncadd.s32 $0xFFFFE000  }
0x81: {  	[tilespmem:s30], [sflag:$0x5] =	stream.indirect.gather [hbm4b:s4+s15], $0x40, s5, s15, $0xb8;
	[tilespmem:$0x1C200] =	vst v63  }
.Ltmp3:
0x82: {  	_ = 	snop;
	(pc) =	sbr.rel @p1 .LBB2_8-.Ltmp3, $4  }
0x83: {  	_ =	swait.ge [sflag:s31], $0x2000  }
0x84: {  	[sflag:s31] =	ssyncset.done $0x0  }
0x85: {  	s5 =	sadd.s32 $0x4500, s24;
	[sflag:s31] =	ssyncadd.s32 $0xFFFFE000  }
0x86: {  	[spmem:s2] =	stream.indirect.scatter.add.bf16 [tilespmem:s25], [sflag:$0x9], $0x40, s5, s15, $0xb8;
	[tilespmem:$0x1C200] =	vst v63  }
0x87: {  	_ =	swait.ge [sflag:s1], $0x2000  }
0x88: {  	[sflag:s1] =	ssyncset.done $0x0  }
0x89: {  	s5 =	sadd.s32 $0x500, s24;
	[sflag:s1] =	ssyncadd.s32 $0xFFFFE000  }
0x8a: {  	[tilespmem:s16], [sflag:$0x1] =	stream.indirect.gather [hbm4b:s4+s15], $0x40, s5, s15, $0xb8;
	[tilespmem:$0x1C200] =	vst v63  }
0x8b: {  	_ =	swait.ge [sflag:s19], $0x2000  }
0x8c: {  	[sflag:s19] =	ssyncset.done $0x0  }
0x8d: {  	s5 =	sadd.s32 $0x4580, s24;
	[sflag:s19] =	ssyncadd.s32 $0xFFFFE000  }
0x8e: {  	[spmem:s2] =	stream.indirect.scatter.add.bf16 [tilespmem:s30], [sflag:$0xA], $0x40, s5, s15, $0xb8;
	[tilespmem:$0x1C200] =	vst v63  }
.Ltmp4:
0x8f: {  	_ = 	snop;
	(pc) =	sbr.rel .LBB2_3-.Ltmp4, $4  }
0x90: {  	_ =	swait.ge [sflag:s23], $0x2000  }
0x91: {  	[sflag:s23] =	ssyncset.done $0x0  }
0x92: {  	s20 =	sadd.s32 $0xA00, s20;
	s24 =	sadd.s32 $0x580, s24;
	[sflag:s23] =	ssyncadd.s32 $0xFFFFE000  }
0x93: {  	[tilespmem:s17], [sflag:$0x2] =	stream.indirect.gather [hbm4b:s4+s15], $0x40, s24, s15, $0xb8;
	[tilespmem:$0x1C200] =	vst v63  }
.LBB2_5:
0x94: {  	[tilespmem:s21], [sflag:$0x3] =	stream.indirect.gather [hbm4b:s4+s15], $0x40, s5, s15, $0xb8;
	[tilespmem:$0x1C200] =	vst v63  }
0x95: {  	_ =	swait.ge [sflag:s22], $0x2000  }
0x96: {  	[sflag:s22] =	ssyncset.done $0x0  }
0x97: {  	s20 =	simm.s32 $0x4180;
	[sflag:s22] =	ssyncadd.s32 $0xFFFFE000  }
0x98: {  	[spmem:s2] =	stream.indirect.scatter.add.bf16 [tilespmem:s17], [sflag:$0x7], $0x40, s20, s15, $0xb8;
	[tilespmem:$0x1C200] =	vst v63  }
0x99: {  	s24 =	simm.s32 $0x180  }
0x9a: {  	[tilespmem:s25], [sflag:$0x4] =	stream.indirect.gather [hbm4b:s4+s15], $0x40, s24, s15, $0xb8;
	[tilespmem:$0x1C200] =	vst v63  }
0x9b: {  	_ =	swait.ge [sflag:s26], $0x2000  }
0x9c: {  	[sflag:s26] =	ssyncset.done $0x0  }
0x9d: {  	s20 =	simm.s32 $0x4200;
	[sflag:s26] =	ssyncadd.s32 $0xFFFFE000  }
0x9e: {  	[spmem:s2] =	stream.indirect.scatter.add.bf16 [tilespmem:s21], [sflag:$0x8], $0x40, s20, s15, $0xb8;
	[tilespmem:$0x1C200] =	vst v63  }
0x9f: {  	s24 =	simm.s32 $0x200  }
0xa0: {  	[tilespmem:s30], [sflag:$0x5] =	stream.indirect.gather [hbm4b:s4+s15], $0x40, s24, s15, $0xb8;
	[tilespmem:$0x1C200] =	vst v63  }
0xa1: {  	_ =	swait.ge [sflag:s31], $0x2000  }
0xa2: {  	[sflag:s31] =	ssyncset.done $0x0  }
0xa3: {  	s20 =	simm.s32 $0x4280;
	[sflag:s31] =	ssyncadd.s32 $0xFFFFE000  }
0xa4: {  	[spmem:s2] =	stream.indirect.scatter.add.bf16 [tilespmem:s25], [sflag:$0x9], $0x40, s20, s15, $0xb8;
	[tilespmem:$0x1C200] =	vst v63  }
0xa5: {  	_ =	swait.ge [sflag:s1], $0x2000  }
0xa6: {  	[sflag:s1] =	ssyncset.done $0x0  }
0xa7: {  	s24 =	simm.s32 $0x280;
	[sflag:s1] =	ssyncadd.s32 $0xFFFFE000  }
0xa8: {  	[tilespmem:s16], [sflag:$0x1] =	stream.indirect.gather [hbm4b:s4+s15], $0x40, s24, s15, $0xb8;
	[tilespmem:$0x1C200] =	vst v63  }
0xa9: {  	_ =	swait.ge [sflag:s19], $0x2000  }
0xaa: {  	[sflag:s19] =	ssyncset.done $0x0  }
0xab: {  	s20 =	simm.s32 $0x4300;
	[sflag:s19] =	ssyncadd.s32 $0xFFFFE000  }
0xac: {  	[spmem:s2] =	stream.indirect.scatter.add.bf16 [tilespmem:s30], [sflag:$0xA], $0x40, s20, s15, $0xb8;
	[tilespmem:$0x1C200] =	vst v63  }
0xad: {  	_ =	swait.ge [sflag:s23], $0x2000  }
0xae: {  	[sflag:s23] =	ssyncset.done $0x0  }
0xaf: {  	s24 =	simm.s32 $0x300;
	s20 =	simm.s32 $0x0;
	[sflag:s23] =	ssyncadd.s32 $0xFFFFE000  }
0xb0: {  	[tilespmem:s17], [sflag:$0x2] =	stream.indirect.gather [hbm4b:s4+s15], $0x40, s24, s15, $0xb8;
	[tilespmem:$0x1C200] =	vst v63  }
.LBB2_6:
0xb1: {  	_ =	swait.ge [sflag:s18], $0x2000  }
0xb2: {  	s24 =	sshra.s32 s20, $0x2;
	[sflag:s18] =	ssyncset.done $0x0  }
0xb3: {  	s5 =	sadd.s32 $0x4380, s24;
	[sflag:s18] =	ssyncadd.s32 $0xFFFFE000  }
0xb4: {  	[spmem:s2] =	stream.indirect.scatter.add.bf16 [tilespmem:s16], [sflag:$0x6], $0x40, s5, s15, $0xb8;
	[tilespmem:$0x1C200] =	vst v63  }
0xb5: {  	_ =	swait.ge [sflag:s28], $0x2000  }
0xb6: {  	[sflag:s28] =	ssyncset.done $0x0  }
0xb7: {  	s5 =	sadd.s32 $0x380, s24;
	[sflag:s28] =	ssyncadd.s32 $0xFFFFE000  }
0xb8: {  	[tilespmem:s21], [sflag:$0x3] =	stream.indirect.gather [hbm4b:s4+s15], $0x40, s5, s15, $0xb8;
	[tilespmem:$0x1C200] =	vst v63  }
0xb9: {  	_ =	swait.ge [sflag:s22], $0x2000  }
0xba: {  	[sflag:s22] =	ssyncset.done $0x0  }
0xbb: {  	s5 =	sadd.s32 $0x4400, s24;
	[sflag:s22] =	ssyncadd.s32 $0xFFFFE000  }
0xbc: {  	[spmem:s2] =	stream.indirect.scatter.add.bf16 [tilespmem:s17], [sflag:$0x7], $0x40, s5, s15, $0xb8;
	[tilespmem:$0x1C200] =	vst v63  }
0xbd: {  	_ =	swait.ge [sflag:s29], $0x2000  }
0xbe: {  	[sflag:s29] =	ssyncset.done $0x0  }
0xbf: {  	s5 =	sadd.s32 $0x400, s24;
	[sflag:s29] =	ssyncadd.s32 $0xFFFFE000  }
0xc0: {  	[tilespmem:s25], [sflag:$0x4] =	stream.indirect.gather [hbm4b:s4+s15], $0x40, s5, s15, $0xb8;
	[tilespmem:$0x1C200] =	vst v63  }
0xc1: {  	_ =	swait.ge [sflag:s26], $0x2000  }
0xc2: {  	[sflag:s26] =	ssyncset.done $0x0  }
0xc3: {  	s5 =	sadd.s32 $0x4480, s24;
	[sflag:s26] =	ssyncadd.s32 $0xFFFFE000  }
0xc4: {  	[spmem:s2] =	stream.indirect.scatter.add.bf16 [tilespmem:s21], [sflag:$0x8], $0x40, s5, s15, $0xb8;
	[tilespmem:$0x1C200] =	vst v63  }
0xc5: {  	_ =	swait.ge [sflag:s0], $0x2000  }
0xc6: {  	[sflag:s0] =	ssyncset.done $0x0  }
0xc7: {  	p1 =	seq.s32 s20, $0x2800;
	s5 =	sadd.s32 $0x480, s24;
	[sflag:s0] =	ssyncadd.s32 $0xFFFFE000  }
0xc8: {  	[tilespmem:s30], [sflag:$0x5] =	stream.indirect.gather [hbm4b:s4+s15], $0x40, s5, s15, $0xb8;
	[tilespmem:$0x1C200] =	vst v63  }
.Ltmp5:
0xc9: {  	_ = 	snop;
	(pc) =	sbr.rel @p1 .LBB2_9-.Ltmp5, $4  }
0xca: {  	_ =	swait.ge [sflag:s31], $0x2000  }
0xcb: {  	[sflag:s31] =	ssyncset.done $0x0  }
0xcc: {  	s5 =	sadd.s32 $0x4500, s24;
	[sflag:s31] =	ssyncadd.s32 $0xFFFFE000  }
0xcd: {  	[spmem:s2] =	stream.indirect.scatter.add.bf16 [tilespmem:s25], [sflag:$0x9], $0x40, s5, s15, $0xb8;
	[tilespmem:$0x1C200] =	vst v63  }
0xce: {  	_ =	swait.ge [sflag:s1], $0x2000  }
0xcf: {  	[sflag:s1] =	ssyncset.done $0x0  }
0xd0: {  	s5 =	sadd.s32 $0x500, s24;
	[sflag:s1] =	ssyncadd.s32 $0xFFFFE000  }
0xd1: {  	[tilespmem:s16], [sflag:$0x1] =	stream.indirect.gather [hbm4b:s4+s15], $0x40, s5, s15, $0xb8;
	[tilespmem:$0x1C200] =	vst v63  }
0xd2: {  	_ =	swait.ge [sflag:s19], $0x2000  }
0xd3: {  	[sflag:s19] =	ssyncset.done $0x0  }
0xd4: {  	s5 =	sadd.s32 $0x4580, s24;
	[sflag:s19] =	ssyncadd.s32 $0xFFFFE000  }
0xd5: {  	[spmem:s2] =	stream.indirect.scatter.add.bf16 [tilespmem:s30], [sflag:$0xA], $0x40, s5, s15, $0xb8;
	[tilespmem:$0x1C200] =	vst v63  }
.Ltmp6:
0xd6: {  	_ = 	snop;
	(pc) =	sbr.rel .LBB2_6-.Ltmp6, $4  }
0xd7: {  	_ =	swait.ge [sflag:s23], $0x2000  }
0xd8: {  	[sflag:s23] =	ssyncset.done $0x0  }
0xd9: {  	s20 =	sadd.s32 $0xA00, s20;
	s24 =	sadd.s32 $0x580, s24;
	[sflag:s23] =	ssyncadd.s32 $0xFFFFE000  }
0xda: {  	[tilespmem:s17], [sflag:$0x2] =	stream.indirect.gather [hbm4b:s4+s15], $0x40, s24, s15, $0xb8;
	[tilespmem:$0x1C200] =	vst v63  }
.LBB2_8:
.Ltmp7:
0xdb: {  	(pc) =	sbr.rel .LBB2_10-.Ltmp7, $2  }
0xdc: {  	_ =	sdelay $0x2  }
0xdd: {  	s20 =	sadd.s32 $0x1200, s20  }
.LBB2_11:
0xde: {  	_ =	sfence.sel $0x180000  }
0xdf: {  	[bflag:$0x0] =	sbarrier.arrive $0xFFFF  }
0xe0: {  	_ =	strace $0x9000004D  }
0xe1: {  	s0 =	stileid.u32;
	[bflag:$0x2] =	sbarrier.arrive $0xFFFF  }
0xe2: {  	p0 =	sne.s32 s0, $0x0;
	s0 =	rddreg [dreg:$0x3]  }
0xe3: {  	s0 =	sadd.s32 @!p0 $0x100000, s0  }
0xe4: {  	[sflag:s0] =	ssyncadd.tile.s32 @!p0 $0x1;
	_ =	shalt  }
.Lfunc_end2:
_tile_overlayer_lowered:
.L_overlay_start_2:
0xe5: {  	(tag) =	ssettag $0x2  }
0xe6: {  	s0 =	rddreg [dreg:$0x0];
	s2 =	stileid.u32  }
0xe7: {  	s1 =	rddreg [dreg:$0x1];
	p0 =	sne.s32 s2, $0x0  }
0xe8: {  	s3 =	rddreg [dreg:$0x2];
	[bflag:$0x3] =	sbarrier.arrive $0xFFFF;
	s2 =	simm.s32 @!p0 $0x1C0B  }
0xe9: {  	[timem:s3], [sflag:s2] =	dma.local @!p0 [hbm:s0], s1  }
0xea: {  	s0 =	simm.s32 @!p0 $0xB  }
0xeb: {  	_ =	swait.ge @!p0 [sflag:s0], s1  }
0xec: {  	s1 =	ssub.s32 @!p0 $0x0, s1;
	[sflag:s0] =	ssyncset.done @!p0 $0x0  }
0xed: {  	[sflag:s0] =	ssyncadd.s32 @!p0 s1  }
0xee: {  	[bflag:$0x3] =	sbarrier.arrive $0xFFFF  }
0xef: {  	_ =	shalt  }

// kernel: kernel.19.cloned.1.call-start
scs
__scs_entry_jumppad:
0x0: {  	(pc) =	sbr.rel $0x88, $3  }
0x1: {  	(tag) =	ssettag $0x0;
	lr =	simm.s32 $0x1  }
0x2: {  	[smem:$0x3F96] =	sst lr;
	_ =	strace $0xD0000000  }
0x3: {  	_ = 	snop  }
0x4: {  	_ = 	snop  }
0x5: {  	_ = 	snop  }
0x6: {  	_ = 	snop  }
0x7: {  	_ = 	snop  }
__scs_overlays_trampoline_lowered:
0x8: {  	[smem:$0x3FA5] =	sst s0  }
0x9: {  	[smem:$0x3FA6] =	sst s1  }
0xa: {  	[smem:$0x3FA7] =	sst s2  }
0xb: {  	[smem:$0x3FA8] =	sst s3  }
0xc: {  	[smem:$0x3FA9] =	sst s4  }
0xd: {  	[smem:$0x3FAA] =	sst s5  }
0xe: {  	[smem:$0x3FAB] =	sst s6  }
0xf: {  	[smem:$0x3FAC] =	sst s7  }
0x10: {  	[smem:$0x3FAD] =	sst s8  }
0x11: {  	[smem:$0x3FAE] =	sst s9;
	s0 =	simm.s32 @!p0 $0x0  }
0x12: {  	s1 =	sld [smem:$0x3F94];
	s0 =	simm.s32 @p0 $0x1  }
0x13: {  	[smem:$0x3FAF] =	sst s0;
	s0 =	simm.s32 @!p1 $0x0  }
0x14: {  	s2 =	sld [smem:$0x3F93];
	s0 =	simm.s32 @p1 $0x1  }
0x15: {  	[smem:$0x3FB0] =	sst s0;
	s0 =	simm.s32 @!p2 $0x0  }
0x16: {  	s3 =	sld [smem:$0x3FDB];
	s0 =	simm.s32 @p2 $0x1  }
0x17: {  	s4 =	simm.s32 $0x1BF5;
	[smem:$0x3FB2] =	sst s0  }
0x18: {  	s0 =	sld [smem:$0x3F95];
	_ =	swait.ge [sflag:s4], $0x0  }
0x19: {  	s7 =	sld [smem:$0x3F96]  }
0x1a: {  	s8 =	sadd.s32 $0xFFFFE003, lr  }
0x1b: {  	s9 =	sadd.s32 $0xFFFFFEF7, lr;
	s5 =	simm.s32 $0xFFFFFFFF;
	p2 =	slt.u32 s8, $0xFFFFF086  }
0x1c: {  	p1 =	slt.u32 s9, $0xF7A;
	s5 =	simm.s32 @!p2 $0x0  }
0x1d: {  	s5 =	simm.s32 @p1 $0x1;
	p0 =	seq.s32 s7, s2  }
0x1e: {  	s7 =	smul.u32 @!p0 $0xF7A, s2;
	p2 =	seq.s32 @!p0 s5, $0x0  }
0x1f: {  	s9 =	smul.u32 $0xF7A, s1;
	s8 =	simm.s32 @!p0 $0x1BF5;
	p2 =	por !p2, p0  }
0x20: {  	[sflag:s8] =	ssyncset.s32 @!p0 $0xFFFFF086;
	s6 =	sadd.s32 @!p0 s3, s7;
	s7 =	simm.s32 @!p0 $0x108  }
0x21: {  	s3 =	sadd.s32 s3, s9;
	s6 =	sadd.s32 @!p0 $0x88, s6;
	s7 =	simm.s32 @p2 $0x1082  }
0x22: {  	[simem:s7], [sflag:s8] =	dma.local @!p0 [hbm:s6], $0xF7A  }
0x23: {  	s9 =	sor.u32 $0xD0000000, s2;
	s6 =	simm.s32 $0x108;
	_ =	swait.ge @!p0 [sflag:s8], $0x0  }
0x24: {  	s3 =	sadd.s32 $0x88, s3;
	s6 =	simm.s32 @!p1 $0x1082;
	[sflag:s4] =	ssyncset.s32 $0xFFFFF086  }
0x25: {  	[simem:s6], [sflag:s4] =	dma.local [hbm:s3], $0xF7A  }
0x26: {  	[smem:$0x3F96] =	sst s1;
	(tag) =	ssettag s2;
	_ =	strace s9  }
0x27: {  	s1 =	sld [smem:$0x3FA6]  }
0x28: {  	s2 =	sld [smem:$0x3FA7]  }
0x29: {  	s4 =	sld [smem:$0x3FA9]  }
0x2a: {  	p0 =	seq.s32 s5, $0x0;
	s5 =	sld [smem:$0x3FAA]  }
0x2b: {  	s6 =	sld [smem:$0x3FAB]  }
0x2c: {  	s7 =	sld [smem:$0x3FAC]  }
0x2d: {  	s3 =	simm.s32 $0x108;
	s8 =	sld [smem:$0x3FAD]  }
0x2e: {  	s3 =	simm.s32 @!p0 $0x1082;
	s9 =	sld [smem:$0x3FAE]  }
0x2f: {  	lr =	sadd.s32 s0, s3;
	s0 =	sld [smem:$0x3FA5]  }
0x30: {  	s3 =	sld [smem:$0x3FA8]  }
0x31: {  	[smem:$0x3FB1] =	sst s10  }
0x32: {  	s10 =	sld [smem:$0x3FAF];
	_ =	sdelay $0x3  }
0x33: {  	p0 =	seq.s32 s10, $0x1;
	s10 =	sld [smem:$0x3FB1];
	_ =	sdelay $0x3  }
0x34: {  	[smem:$0x3FB1] =	sst s10  }
0x35: {  	s10 =	sld [smem:$0x3FB0];
	_ =	sdelay $0x3  }
0x36: {  	p1 =	seq.s32 s10, $0x1;
	s10 =	sld [smem:$0x3FB1];
	_ =	sdelay $0x3  }
0x37: {  	[smem:$0x3FB1] =	sst s10  }
0x38: {  	s10 =	sld [smem:$0x3FB2]  }
0x39: {  	_ = 	snop;
	(pc) =	sbr.ind lr, $3  }
0x3a: {  	_ = 	snop  }
0x3b: {  	_ = 	snop  }
0x3c: {  	p2 =	seq.s32 s10, $0x1;
	s10 =	sld [smem:$0x3FB1]  }
0x3d: {  	_ =	shalt  }
0x3e: {  	_ =	shalt  }
0x3f: {  	_ =	shalt  }
0x40: {  	_ =	shalt  }
0x41: {  	_ =	shalt  }
0x42: {  	_ =	shalt  }
0x43: {  	_ =	shalt  }
0x44: {  	_ =	shalt  }
0x45: {  	_ =	shalt  }
0x46: {  	_ =	shalt  }
0x47: {  	_ =	shalt  }
0x48: {  	_ =	shalt  }
0x49: {  	_ =	shalt  }
0x4a: {  	_ =	shalt  }
0x4b: {  	_ =	shalt  }
0x4c: {  	_ =	shalt  }
0x4d: {  	_ =	shalt  }
0x4e: {  	_ =	shalt  }
0x4f: {  	_ =	shalt  }
0x50: {  	_ =	shalt  }
0x51: {  	_ =	shalt  }
0x52: {  	_ =	shalt  }
0x53: {  	_ =	shalt  }
0x54: {  	_ =	shalt  }
0x55: {  	_ =	shalt  }
0x56: {  	_ =	shalt  }
0x57: {  	_ =	shalt  }
0x58: {  	_ =	shalt  }
0x59: {  	_ =	shalt  }
0x5a: {  	_ =	shalt  }
0x5b: {  	_ =	shalt  }
0x5c: {  	_ =	shalt  }
0x5d: {  	_ =	shalt  }
0x5e: {  	_ =	shalt  }
0x5f: {  	_ =	shalt  }
0x60: {  	_ =	shalt  }
0x61: {  	_ =	shalt  }
0x62: {  	_ =	shalt  }
0x63: {  	_ =	shalt  }
0x64: {  	_ =	shalt  }
0x65: {  	_ =	shalt  }
0x66: {  	_ =	shalt  }
0x67: {  	_ =	shalt  }
0x68: {  	_ =	shalt  }
0x69: {  	_ =	shalt  }
0x6a: {  	_ =	shalt  }
0x6b: {  	_ =	shalt  }
0x6c: {  	_ =	shalt  }
0x6d: {  	_ =	shalt  }
0x6e: {  	_ =	shalt  }
0x6f: {  	_ =	shalt  }
0x70: {  	_ =	shalt  }
0x71: {  	_ =	shalt  }
0x72: {  	_ =	shalt  }
0x73: {  	_ =	shalt  }
0x74: {  	_ =	shalt  }
0x75: {  	_ =	shalt  }
0x76: {  	_ =	shalt  }
0x77: {  	_ =	shalt  }
0x78: {  	_ =	shalt  }
0x79: {  	_ =	shalt  }
0x7a: {  	_ =	shalt  }
0x7b: {  	_ =	shalt  }
0x7c: {  	_ =	shalt  }
0x7d: {  	_ =	shalt  }
0x7e: {  	_ =	shalt  }
0x7f: {  	_ =	shalt  }
0x80: {  	_ =	shalt  }
0x81: {  	_ =	shalt  }
0x82: {  	_ =	shalt  }
0x83: {  	_ =	shalt  }
0x84: {  	_ =	shalt  }
0x85: {  	_ =	shalt  }
0x86: {  	_ =	shalt  }
0x87: {  	_ =	shalt  }
.Lfunc_end0:
.L_simem_size_0:
called_computation.3_lowered:
.L_overlay_start_0:
0x88: {  	s2 =	sld [smem:$0x3FD9]  }
0x89: {  	s3 =	sld [smem:$0x3FFE];
	_ =	sdelay $0x1  }
0x8a: {  	s1 =	srdreg.scid  }
0x8b: {  	s0 =	sand.u32 $0x1, s1  }
0x8c: {  	s17 =	sshll.u32 s0, $0xA;
	s2 =	sadd.s32 s3, s2  }
0x8d: {  	s2 =	sadd.s32 s2, s17  }
0x8e: {  	[smem:$0x3FBD] =	sst s2  }
0x8f: {  	_ = 	snop  }
0x90: {  	s2 =	sld [smem:$0x3FD0];
	(tm) =	ssettm $0x1  }
0x91: {  	s18 =	sld [smem:$0x3FFB];
	_ =	sdelay $0x3  }
0x92: {  	_ =	strace s18  }
0x93: {  	s3 =	sld [smem:$0x3FFC];
	_ =	sdelay $0x3  }
0x94: {  	_ =	strace s3  }
0x95: {  	s3 =	sld [smem:$0x3FFD];
	_ =	sdelay $0x3  }
0x96: {  	_ =	strace s3  }
0x97: {  	_ =	strace $0x8FFFFFFF  }
0x98: {  	s19 =	sld [smem:$0x3FDB];
	_ =	sdelay $0x1  }
0x99: {  	s4 =	simm.s32 $_scs_section_size  }
0x9a: {  	s5 =	simm.s32 $_size__tile_overlayer_lowered;
	s6 =	simm.s32 $_tile_overlayer_lowered  }
0x9b: {  	s22 =	simm.s32 $0x1BFF;
	s21 =	sshll.u32 s6, $0x1;
	s3 =	sadd.s32 s4, s19  }
0x9c: {  	s7 =	simm.s32 $0x0;
	s20 =	sshll.u32 s5, $0x1;
	s5 =	sadd.s32 s21, s3  }
0x9d: {  	[timem:s7], [sflag:s22] =	dma.local [hbm:s5], s20  }
0x9e: {  	_ =	swait.ge [sflag:s22], s20  }
0x9f: {  	s4 =	ssub.s32 $0x0, s20;
	[sflag:s22] =	ssyncset.done $0x0  }
0xa0: {  	[sflag:s22] =	ssyncadd.s32 s4;
	_ =	sdelay $0x1  }
0xa1: {  	s23 =	simm.s32 $0x1B8B  }
0xa2: {  	_ =	swait.ge [sflag:s23], $0x1  }
0xa3: {  	[sflag:s23] =	ssyncset.done $0x0  }
0xa4: {  	s25 =	simm.s32 $0x1B8E;
	s24 =	sld [smem:$0x3FFE];
	[sflag:s23] =	ssyncadd.s32 $0xFFFFFFFF  }
0xa5: {  	s26 =	simm.s32 $execute0_lowered;
	[smem:$0x3FD2] =	sst s25  }
0xa6: {  	s5 =	sshll.u32 s26, $0x1;
	_ =	strace $0x8000004F;
	[dreg:$0x1] =	wrdreg $0xFFFFFFFF  }
0xa7: {  	s28 =	simm.s32 $_size_execute0_lowered;
	s3 =	sadd.s32 s3, s5;
	[dreg:$0x0] =	wrdreg $0x0  }
0xa8: {  	s5 =	sshll.u32 s28, $0x1;
	[dreg:$0x2] =	wrdreg s3  }
0xa9: {  	[dreg:$0x3] =	wrdreg s5  }
0xaa: {  	[dreg:$0x4] =	wrdreg $0xC0  }
0xab: {  	_ =	task [dreg:s7], $0x5FFFF  }
0xac: {  	[dreg:$0x1] =	wrdreg $0xFFFFFFFF  }
0xad: {  	[dreg:$0x0] =	wrdreg $0x60  }
0xae: {  	[dreg:$0x2] =	wrdreg s24  }
0xaf: {  	[dreg:$0x3] =	wrdreg s2  }
0xb0: {  	[dreg:$0x4] =	wrdreg $0x122000  }
0xb1: {  	[dreg:$0x5] =	wrdreg $0x9  }
0xb2: {  	_ =	task.clear_ibuf [dreg:s7], $0x6FFFF;
	_ =	strace $0x9000004F  }
0xb3: {  	s29 =	simm.s32 $0x9;
	_ =	strace $0x80000051  }
0xb4: {  	_ =	swait.ge [sflag:s29], $0x1  }
0xb5: {  	[sflag:s29] =	ssyncadd.s32 $0xFFFFFFFF  }
0xb6: {  	_ =	strace $0x90000051  }
0xb7: {  	_ =	sfence  }
0xb8: {  	s30 =	sld [smem:$0x0];
	_ =	sdelay $0x2  }
0xb9: {  	s31 =	sshll.u32 s1, $0xD;
	s1 =	sshrl.u32 s1, $0x2  }
0xba: {  	s3 =	sand.u32 $0x4000, s31;
	s1 =	sadd.s32 s1, s30  }
0xbb: {  	s0 =	sor.u32 s3, s0;
	s1 =	sshll.u32 s1, $0x11  }
0xbc: {  	s0 =	sor.u32 s1, s0  }
0xbd: {  	s0 =	sadd.s32 $0x8F2B, s0  }
0xbe: {  	[sflag:s0] =	ssyncadd.remote.s32 $0x1  }
0xbf: {  	_ =	sfence.sel $0xFFFF  }
0xc0: {  	[dreg:$0x0] =	wrdreg $0xFFFFFFFF;
	(pc) =	sbr.abs _section_cstart, $3  }
0xc1: {  	[dreg:$0x1] =	wrdreg $0xFFFFFFFF  }
0xc2: {  	_ =	task.clear_ibuf [dreg:s7], $0x2FFFF;
	_ =	strace $0x9FFFFFFF  }
0xc3: {  	(tm) =	ssettm $0x7FFFFFFF  }
tec
execute0_lowered:
.L_overlay_start_1:
0x0: {  	(tag) =	ssettag $0x1  }
0x1: {  	s0 =	rddreg [dreg:$0x0]  }
0x2: {  	s1 =	rddreg [dreg:$0x1]  }
0x3: {  	s2 =	rddreg [dreg:$0x2];
	s3 =	srdreg.scid  }
0x4: {  	s14 =	stileid.u32;
	s4 =	simm.s32 $0x0;
	s15 =	simm.s32 $0x80  }
0x5: {  	s16 =	simm.s32 $0x8200;
	s17 =	simm.s32 $0xA200;
	s18 =	simm.s32 $0x1  }
0x6: {  	s21 =	simm.s32 $0xC200;
	s22 =	simm.s32 $0x2;
	s30 =	simm.s32 $0x10200  }
0x7: {  	s31 =	simm.s32 $0x4;
	s19 =	simm.s32 $0x5;
	s23 =	simm.s32 $0x7  }
0x8: {  	s28 =	simm.s32 $0x8;
	s29 =	simm.s32 $0x9;
	s3 =	sand.u32 $0x1, s3  }
0x9: {  	s9 =	smul.u32 $0x14000, s14;
	[smem:$0x7FF] =	sst s4;
	s4 =	sadd.s32 $0x3400, s0  }
0xa: {  	s7 =	sadd.s32 $0x20E00, s0;
	s6 =	smul.u32 $0xF00, s14;
	s8 =	sadd.s32 $0x16E00, s0  }
0xb: {  	s12 =	smul.u32 $0x820, s14;
	s26 =	sshll.u32 s14, $0x6;
	s14 =	simm.s32 $0xB  }
0xc: {  	s5 =	smul.u32 $0x140000, s3;
	_ =	strace $0x80000050;
	s10 =	ssub.s32 $0x2, s3  }
0xd: {  	p0 =	sne.s32 s3, $0x0;
	s3 =	simm.s32 $0x0;
	s11 =	sshrl.u32 s10, $0x1  }
0xe: {  	s6 =	sshrl.u32 s6, $0x3;
	s25 =	sshrl.u32 s9, $0x1;
	s5 =	sadd.s32 s9, s5  }
0xf: {  	s11 =	ssub.s32 s10, s11;
	s6 =	sadd.s32 $0x8200, s6;
	s9 =	sshrl.u32 s9, $0x4  }
0x10: {  	s13 =	sadd.s32 s25, s2;
	s25 =	simm.s32 $0xE200;
	s5 =	sshrl.u32 s5, $0x4  }
.Ltmp0:
0x11: {  	s24 =	sadd.s32 s7, s6;
	s6 =	sadd.s32 s8, s6;
	(pc) =	sbr.rel .LBB2_1-.Ltmp0, $4  }
0x12: {  	s7 =	sadd.s32 s7, s12;
	s8 =	sadd.s32 s8, s12;
	s9 =	sadd.s32 s1, s9  }
0x13: {  	s11 =	smax.u32 s11, $0x1;
	s12 =	sor.u32 $0x1C0B, s26;
	s13 =	sshrl.u32 s13, $0x3  }
0x14: {  	s26 =	simm.s32 $0x3;
	s1 =	simm.s32 $0x6;
	s0 =	sadd.s32 s5, s0  }
0x15: {  	[dreg:$0x4] =	wrdreg s24;
	s10 =	sadd.s32 $0x2AE00, s0;
	s0 =	simm.s32 $0xA  }
.LBB2_9:
0x16: {  	s20 =	sadd.s32 $0x1200, s20  }
.LBB2_10:
0x17: {  	_ =	swait.ge [sflag:s19], $0x2000  }
0x18: {  	s5 =	sshra.s32 s20, $0x2;
	[sflag:s19] =	ssyncset.done $0x0  }
0x19: {  	s5 =	sadd.s32 $0x4100, s5;
	[sflag:s19] =	ssyncadd.s32 $0xFFFFE000  }
0x1a: {  	[spmem:s2] =	stream.indirect.scatter.add.bf16 [tilespmem:s30], [sflag:$0xA], $0x40, s5, s15, $0xb8;
	[tilespmem:$0x1C200] =	vst v63  }
0x1b: {  	_ =	swait.ge [sflag:s1], $0x2000  }
0x1c: {  	[sflag:s1] =	ssyncset.done $0x0  }
0x1d: {  	[sflag:s1] =	ssyncadd.s32 $0xFFFFE000  }
0x1e: {  	_ =	swait.ge [sflag:s23], $0x2000  }
0x1f: {  	[sflag:s23] =	ssyncset.done $0x0  }
0x20: {  	[sflag:s23] =	ssyncadd.s32 $0xFFFFE000  }
0x21: {  	_ =	swait.ge [sflag:s28], $0x2000  }
0x22: {  	[sflag:s28] =	ssyncset.done $0x0  }
0x23: {  	[sflag:s28] =	ssyncadd.s32 $0xFFFFE000  }
0x24: {  	_ =	swait.ge [sflag:s29], $0x2000  }
0x25: {  	[sflag:s29] =	ssyncset.done $0x0  }
0x26: {  	[sflag:s29] =	ssyncadd.s32 $0xFFFFE000  }
0x27: {  	_ =	swait.ge [sflag:s0], $0x2000  }
0x28: {  	s3 =	sadd.s32 $0x1, s3;
	[sflag:s0] =	ssyncset.done $0x0  }
0x29: {  	p1 =	sne.s32 s3, s11;
	[sflag:s0] =	ssyncadd.s32 $0xFFFFE000  }
.Ltmp1:
0x2a: {  	[bflag:$0x0] =	sbarrier.arrive $0xFFFF;
	(pc) =	sbr.rel @!p1 .LBB2_11-.Ltmp1, $4  }
0x2b: {  	[hbm:s10], [sflag:s12] =	dma.local [spmem:s13], $0x1400  }
0x2c: {  	_ =	swait.ge [sflag:s14], $0x1400  }
0x2d: {  	[sflag:s14] =	ssyncset.done $0x0  }
0x2e: {  	[sflag:s14] =	ssyncadd.s32 $0xFFFFEC00  }
.LBB2_1:
0x2f: {  	s20 =	simm.s32 @p0 $0x0;
	s5 =	rddreg [dreg:$0x4];
	s24 =	simm.s32 @p0 $0xB  }
0x30: {  	[tilespmem:s20], [sflag:$0xB] =	stream.linear.gather @p0 [hbm4b:s5+s20], $0xF00, $0x38;
	[tilespmem:$0x1C200] =	vst v63  }
0x31: {  	_ =	swait.ge @p0 [sflag:s24], $0xF00  }
0x32: {  	[sflag:s24] =	ssyncset.done @p0 $0x0  }
0x33: {  	s5 =	simm.s32 @p0 $0x4100;
	[sflag:s24] =	ssyncadd.s32 @p0 $0xFFFFF100  }
0x34: {  	[tilespmem:s5], [sflag:$0xB] =	stream.linear.gather @p0 [hbm4b:s6+s20], $0xF00, $0x38;
	[tilespmem:$0x1C200] =	vst v63  }
0x35: {  	_ =	swait.ge @p0 [sflag:s24], $0xF00  }
0x36: {  	[sflag:s24] =	ssyncset.done @p0 $0x0  }
0x37: {  	s5 =	simm.s32 @!p0 $0x0;
	s20 =	simm.s32 @!p0 $0xB;
	[sflag:s24] =	ssyncadd.s32 @p0 $0xFFFFF100  }
0x38: {  	[tilespmem:s5], [sflag:$0xB] =	stream.linear.gather @!p0 [hbm4b:s7+s5], $0x4100, $0x38;
	[tilespmem:$0x1C200] =	vst v63  }
0x39: {  	_ =	swait.ge @!p0 [sflag:s20], $0x4100  }
0x3a: {  	[sflag:s20] =	ssyncset.done @!p0 $0x0  }
0x3b: {  	s24 =	simm.s32 @!p0 $0x4100;
	[sflag:s20] =	ssyncadd.s32 @!p0 $0xFFFFBF00  }
0x3c: {  	[tilespmem:s24], [sflag:$0xB] =	stream.linear.gather @!p0 [hbm4b:s8+s5], $0x4100, $0x38;
	[tilespmem:$0x1C200] =	vst v63  }
0x3d: {  	_ =	swait.ge @!p0 [sflag:s20], $0x4100  }
0x3e: {  	[sflag:s20] =	ssyncset.done @!p0 $0x0  }
0x3f: {  	[sflag:s20] =	ssyncadd.s32 @!p0 $0xFFFFBF00  }
0x40: {  	[spmem:s13], [sflag:s12] =	dma.local [hbm:s9], $0x1400  }
0x41: {  	_ =	swait.ge [sflag:s14], $0x1400  }
0x42: {  	[sflag:s14] =	ssyncset.done $0x0  }
0x43: {  	[sflag:s14] =	ssyncadd.s32 $0xFFFFEC00  }
0x44: {  	s20 =	simm.s32 $0x0;
	[bflag:$0x0] =	sbarrier.arrive $0xFFFF  }
0x45: {  	[tilespmem:s16], [sflag:$0x1] =	stream.indirect.gather [hbm4b:s4+s15], $0x40, s20, s15, $0xb8;
	[tilespmem:$0x1C200] =	vst v63  }
0x46: {  	_ = 	snop  }
0x47: {  	[tilespmem:s17], [sflag:$0x2] =	stream.indirect.gather [hbm4b:s4+s15], $0x40, s15, s15, $0xb8;
	[tilespmem:$0x1C200] =	vst v63  }
.Ltmp2:
0x48: {  	_ = 	snop;
	(pc) =	sbr.rel @p0 .LBB2_5-.Ltmp2, $4  }
0x49: {  	_ =	swait.ge [sflag:s18], $0x2000  }
0x4a: {  	[sflag:s18] =	ssyncset.done $0x0  }
0x4b: {  	s24 =	simm.s32 $0x4100;
	s5 =	simm.s32 $0x100;
	[sflag:s18] =	ssyncadd.s32 $0xFFFFE000  }
0x4c: {  	[spmem:s2] =	stream.indirect.scatter.add.bf16 [tilespmem:s16], [sflag:$0x6], $0x40, s24, s15, $0xb8;
	[tilespmem:$0x1C200] =	vst v63  }
0x4d: {  	[tilespmem:s21], [sflag:$0x3] =	stream.indirect.gather [hbm4b:s4+s15], $0x40, s5, s15, $0xb8;
	[tilespmem:$0x1C200] =	vst v63  }
0x4e: {  	_ =	swait.ge [sflag:s22], $0x2000  }
0x4f: {  	[sflag:s22] =	ssyncset.done $0x0  }
0x50: {  	s20 =	simm.s32 $0x4180;
	[sflag:s22] =	ssyncadd.s32 $0xFFFFE000  }
0x51: {  	[spmem:s2] =	stream.indirect.scatter.add.bf16 [tilespmem:s17], [sflag:$0x7], $0x40, s20, s15, $0xb8;
	[tilespmem:$0x1C200] =	vst v63  }
0x52: {  	s24 =	simm.s32 $0x180  }
0x53: {  	[tilespmem:s25], [sflag:$0x4] =	stream.indirect.gather [hbm4b:s4+s15], $0x40, s24, s15, $0xb8;
	[tilespmem:$0x1C200] =	vst v63  }
0x54: {  	_ =	swait.ge [sflag:s26], $0x2000  }
0x55: {  	[sflag:s26] =	ssyncset.done $0x0  }
0x56: {  	s20 =	simm.s32 $0x4200;
	[sflag:s26] =	ssyncadd.s32 $0xFFFFE000  }
0x57: {  	[spmem:s2] =	stream.indirect.scatter.add.bf16 [tilespmem:s21], [sflag:$0x8], $0x40, s20, s15, $0xb8;
	[tilespmem:$0x1C200] =	vst v63  }
0x58: {  	s24 =	simm.s32 $0x200  }
0x59: {  	[tilespmem:s30], [sflag:$0x5] =	stream.indirect.gather [hbm4b:s4+s15], $0x40, s24, s15, $0xb8;
	[tilespmem:$0x1C200] =	vst v63  }
0x5a: {  	_ =	swait.ge [sflag:s31], $0x2000  }
0x5b: {  	[sflag:s31] =	ssyncset.done $0x0  }
0x5c: {  	s20 =	simm.s32 $0x4280;
	[sflag:s31] =	ssyncadd.s32 $0xFFFFE000  }
0x5d: {  	[spmem:s2] =	stream.indirect.scatter.add.bf16 [tilespmem:s25], [sflag:$0x9], $0x40, s20, s15, $0xb8;
	[tilespmem:$0x1C200] =	vst v63  }
0x5e: {  	_ =	swait.ge [sflag:s1], $0x2000  }
0x5f: {  	[sflag:s1] =	ssyncset.done $0x0  }
0x60: {  	s24 =	simm.s32 $0x280;
	[sflag:s1] =	ssyncadd.s32 $0xFFFFE000  }
0x61: {  	[tilespmem:s16], [sflag:$0x1] =	stream.indirect.gather [hbm4b:s4+s15], $0x40, s24, s15, $0xb8;
	[tilespmem:$0x1C200] =	vst v63  }
0x62: {  	_ =	swait.ge [sflag:s19], $0x2000  }
0x63: {  	[sflag:s19] =	ssyncset.done $0x0  }
0x64: {  	s20 =	simm.s32 $0x4300;
	[sflag:s19] =	ssyncadd.s32 $0xFFFFE000  }
0x65: {  	[spmem:s2] =	stream.indirect.scatter.add.bf16 [tilespmem:s30], [sflag:$0xA], $0x40, s20, s15, $0xb8;
	[tilespmem:$0x1C200] =	vst v63  }
0x66: {  	_ =	swait.ge [sflag:s23], $0x2000  }
0x67: {  	[sflag:s23] =	ssyncset.done $0x0  }
0x68: {  	s24 =	simm.s32 $0x300;
	s20 =	simm.s32 $0x0;
	[sflag:s23] =	ssyncadd.s32 $0xFFFFE000  }
0x69: {  	[tilespmem:s17], [sflag:$0x2] =	stream.indirect.gather [hbm4b:s4+s15], $0x40, s24, s15, $0xb8;
	[tilespmem:$0x1C200] =	vst v63  }
.LBB2_3:
0x6a: {  	_ =	swait.ge [sflag:s18], $0x2000  }
0x6b: {  	s24 =	sshra.s32 s20, $0x2;
	[sflag:s18] =	ssyncset.done $0x0  }
0x6c: {  	s5 =	sadd.s32 $0x4380, s24;
	[sflag:s18] =	ssyncadd.s32 $0xFFFFE000  }
0x6d: {  	[spmem:s2] =	stream.indirect.scatter.add.bf16 [tilespmem:s16], [sflag:$0x6], $0x40, s5, s15, $0xb8;
	[tilespmem:$0x1C200] =	vst v63  }
0x6e: {  	_ =	swait.ge [sflag:s28], $0x2000  }
0x6f: {  	[sflag:s28] =	ssyncset.done $0x0  }
0x70: {  	s5 =	sadd.s32 $0x380, s24;
	[sflag:s28] =	ssyncadd.s32 $0xFFFFE000  }
0x71: {  	[tilespmem:s21], [sflag:$0x3] =	stream.indirect.gather [hbm4b:s4+s15], $0x40, s5, s15, $0xb8;
	[tilespmem:$0x1C200] =	vst v63  }
0x72: {  	_ =	swait.ge [sflag:s22], $0x2000  }
0x73: {  	[sflag:s22] =	ssyncset.done $0x0  }
0x74: {  	s5 =	sadd.s32 $0x4400, s24;
	[sflag:s22] =	ssyncadd.s32 $0xFFFFE000  }
0x75: {  	[spmem:s2] =	stream.indirect.scatter.add.bf16 [tilespmem:s17], [sflag:$0x7], $0x40, s5, s15, $0xb8;
	[tilespmem:$0x1C200] =	vst v63  }
0x76: {  	_ =	swait.ge [sflag:s29], $0x2000  }
0x77: {  	[sflag:s29] =	ssyncset.done $0x0  }
0x78: {  	s5 =	sadd.s32 $0x400, s24;
	[sflag:s29] =	ssyncadd.s32 $0xFFFFE000  }
0x79: {  	[tilespmem:s25], [sflag:$0x4] =	stream.indirect.gather [hbm4b:s4+s15], $0x40, s5, s15, $0xb8;
	[tilespmem:$0x1C200] =	vst v63  }
0x7a: {  	_ =	swait.ge [sflag:s26], $0x2000  }
0x7b: {  	[sflag:s26] =	ssyncset.done $0x0  }
0x7c: {  	s5 =	sadd.s32 $0x4480, s24;
	[sflag:s26] =	ssyncadd.s32 $0xFFFFE000  }
0x7d: {  	[spmem:s2] =	stream.indirect.scatter.add.bf16 [tilespmem:s21], [sflag:$0x8], $0x40, s5, s15, $0xb8;
	[tilespmem:$0x1C200] =	vst v63  }
0x7e: {  	_ =	swait.ge [sflag:s0], $0x2000  }
0x7f: {  	[sflag:s0] =	ssyncset.done $0x0  }
0x80: {  	p1 =	seq.s32 s20, $0xF000;
	s5 =	sadd.s32 $0x480, s24;
	[sflag:s0] =	ssyncadd.s32 $0xFFFFE000  }
0x81: {  	[tilespmem:s30], [sflag:$0x5] =	stream.indirect.gather [hbm4b:s4+s15], $0x40, s5, s15, $0xb8;
	[tilespmem:$0x1C200] =	vst v63  }
.Ltmp3:
0x82: {  	_ = 	snop;
	(pc) =	sbr.rel @p1 .LBB2_8-.Ltmp3, $4  }
0x83: {  	_ =	swait.ge [sflag:s31], $0x2000  }
0x84: {  	[sflag:s31] =	ssyncset.done $0x0  }
0x85: {  	s5 =	sadd.s32 $0x4500, s24;
	[sflag:s31] =	ssyncadd.s32 $0xFFFFE000  }
0x86: {  	[spmem:s2] =	stream.indirect.scatter.add.bf16 [tilespmem:s25], [sflag:$0x9], $0x40, s5, s15, $0xb8;
	[tilespmem:$0x1C200] =	vst v63  }
0x87: {  	_ =	swait.ge [sflag:s1], $0x2000  }
0x88: {  	[sflag:s1] =	ssyncset.done $0x0  }
0x89: {  	s5 =	sadd.s32 $0x500, s24;
	[sflag:s1] =	ssyncadd.s32 $0xFFFFE000  }
0x8a: {  	[tilespmem:s16], [sflag:$0x1] =	stream.indirect.gather [hbm4b:s4+s15], $0x40, s5, s15, $0xb8;
	[tilespmem:$0x1C200] =	vst v63  }
0x8b: {  	_ =	swait.ge [sflag:s19], $0x2000  }
0x8c: {  	[sflag:s19] =	ssyncset.done $0x0  }
0x8d: {  	s5 =	sadd.s32 $0x4580, s24;
	[sflag:s19] =	ssyncadd.s32 $0xFFFFE000  }
0x8e: {  	[spmem:s2] =	stream.indirect.scatter.add.bf16 [tilespmem:s30], [sflag:$0xA], $0x40, s5, s15, $0xb8;
	[tilespmem:$0x1C200] =	vst v63  }
.Ltmp4:
0x8f: {  	_ = 	snop;
	(pc) =	sbr.rel .LBB2_3-.Ltmp4, $4  }
0x90: {  	_ =	swait.ge [sflag:s23], $0x2000  }
0x91: {  	[sflag:s23] =	ssyncset.done $0x0  }
0x92: {  	s20 =	sadd.s32 $0xA00, s20;
	s24 =	sadd.s32 $0x580, s24;
	[sflag:s23] =	ssyncadd.s32 $0xFFFFE000  }
0x93: {  	[tilespmem:s17], [sflag:$0x2] =	stream.indirect.gather [hbm4b:s4+s15], $0x40, s24, s15, $0xb8;
	[tilespmem:$0x1C200] =	vst v63  }
.LBB2_5:
0x94: {  	[tilespmem:s21], [sflag:$0x3] =	stream.indirect.gather [hbm4b:s4+s15], $0x40, s5, s15, $0xb8;
	[tilespmem:$0x1C200] =	vst v63  }
0x95: {  	_ =	swait.ge [sflag:s22], $0x2000  }
0x96: {  	[sflag:s22] =	ssyncset.done $0x0  }
0x97: {  	s20 =	simm.s32 $0x4180;
	[sflag:s22] =	ssyncadd.s32 $0xFFFFE000  }
0x98: {  	[spmem:s2] =	stream.indirect.scatter.add.bf16 [tilespmem:s17], [sflag:$0x7], $0x40, s20, s15, $0xb8;
	[tilespmem:$0x1C200] =	vst v63  }
0x99: {  	s24 =	simm.s32 $0x180  }
0x9a: {  	[tilespmem:s25], [sflag:$0x4] =	stream.indirect.gather [hbm4b:s4+s15], $0x40, s24, s15, $0xb8;
	[tilespmem:$0x1C200] =	vst v63  }
0x9b: {  	_ =	swait.ge [sflag:s26], $0x2000  }
0x9c: {  	[sflag:s26] =	ssyncset.done $0x0  }
0x9d: {  	s20 =	simm.s32 $0x4200;
	[sflag:s26] =	ssyncadd.s32 $0xFFFFE000  }
0x9e: {  	[spmem:s2] =	stream.indirect.scatter.add.bf16 [tilespmem:s21], [sflag:$0x8], $0x40, s20, s15, $0xb8;
	[tilespmem:$0x1C200] =	vst v63  }
0x9f: {  	s24 =	simm.s32 $0x200  }
0xa0: {  	[tilespmem:s30], [sflag:$0x5] =	stream.indirect.gather [hbm4b:s4+s15], $0x40, s24, s15, $0xb8;
	[tilespmem:$0x1C200] =	vst v63  }
0xa1: {  	_ =	swait.ge [sflag:s31], $0x2000  }
0xa2: {  	[sflag:s31] =	ssyncset.done $0x0  }
0xa3: {  	s20 =	simm.s32 $0x4280;
	[sflag:s31] =	ssyncadd.s32 $0xFFFFE000  }
0xa4: {  	[spmem:s2] =	stream.indirect.scatter.add.bf16 [tilespmem:s25], [sflag:$0x9], $0x40, s20, s15, $0xb8;
	[tilespmem:$0x1C200] =	vst v63  }
0xa5: {  	_ =	swait.ge [sflag:s1], $0x2000  }
0xa6: {  	[sflag:s1] =	ssyncset.done $0x0  }
0xa7: {  	s24 =	simm.s32 $0x280;
	[sflag:s1] =	ssyncadd.s32 $0xFFFFE000  }
0xa8: {  	[tilespmem:s16], [sflag:$0x1] =	stream.indirect.gather [hbm4b:s4+s15], $0x40, s24, s15, $0xb8;
	[tilespmem:$0x1C200] =	vst v63  }
0xa9: {  	_ =	swait.ge [sflag:s19], $0x2000  }
0xaa: {  	[sflag:s19] =	ssyncset.done $0x0  }
0xab: {  	s20 =	simm.s32 $0x4300;
	[sflag:s19] =	ssyncadd.s32 $0xFFFFE000  }
0xac: {  	[spmem:s2] =	stream.indirect.scatter.add.bf16 [tilespmem:s30], [sflag:$0xA], $0x40, s20, s15, $0xb8;
	[tilespmem:$0x1C200] =	vst v63  }
0xad: {  	_ =	swait.ge [sflag:s23], $0x2000  }
0xae: {  	[sflag:s23] =	ssyncset.done $0x0  }
0xaf: {  	s24 =	simm.s32 $0x300;
	s20 =	simm.s32 $0x0;
	[sflag:s23] =	ssyncadd.s32 $0xFFFFE000  }
0xb0: {  	[tilespmem:s17], [sflag:$0x2] =	stream.indirect.gather [hbm4b:s4+s15], $0x40, s24, s15, $0xb8;
	[tilespmem:$0x1C200] =	vst v63  }
.LBB2_6:
0xb1: {  	_ =	swait.ge [sflag:s18], $0x2000  }
0xb2: {  	s24 =	sshra.s32 s20, $0x2;
	[sflag:s18] =	ssyncset.done $0x0  }
0xb3: {  	s5 =	sadd.s32 $0x4380, s24;
	[sflag:s18] =	ssyncadd.s32 $0xFFFFE000  }
0xb4: {  	[spmem:s2] =	stream.indirect.scatter.add.bf16 [tilespmem:s16], [sflag:$0x6], $0x40, s5, s15, $0xb8;
	[tilespmem:$0x1C200] =	vst v63  }
0xb5: {  	_ =	swait.ge [sflag:s28], $0x2000  }
0xb6: {  	[sflag:s28] =	ssyncset.done $0x0  }
0xb7: {  	s5 =	sadd.s32 $0x380, s24;
	[sflag:s28] =	ssyncadd.s32 $0xFFFFE000  }
0xb8: {  	[tilespmem:s21], [sflag:$0x3] =	stream.indirect.gather [hbm4b:s4+s15], $0x40, s5, s15, $0xb8;
	[tilespmem:$0x1C200] =	vst v63  }
0xb9: {  	_ =	swait.ge [sflag:s22], $0x2000  }
0xba: {  	[sflag:s22] =	ssyncset.done $0x0  }
0xbb: {  	s5 =	sadd.s32 $0x4400, s24;
	[sflag:s22] =	ssyncadd.s32 $0xFFFFE000  }
0xbc: {  	[spmem:s2] =	stream.indirect.scatter.add.bf16 [tilespmem:s17], [sflag:$0x7], $0x40, s5, s15, $0xb8;
	[tilespmem:$0x1C200] =	vst v63  }
0xbd: {  	_ =	swait.ge [sflag:s29], $0x2000  }
0xbe: {  	[sflag:s29] =	ssyncset.done $0x0  }
0xbf: {  	s5 =	sadd.s32 $0x400, s24;
	[sflag:s29] =	ssyncadd.s32 $0xFFFFE000  }
0xc0: {  	[tilespmem:s25], [sflag:$0x4] =	stream.indirect.gather [hbm4b:s4+s15], $0x40, s5, s15, $0xb8;
	[tilespmem:$0x1C200] =	vst v63  }
0xc1: {  	_ =	swait.ge [sflag:s26], $0x2000  }
0xc2: {  	[sflag:s26] =	ssyncset.done $0x0  }
0xc3: {  	s5 =	sadd.s32 $0x4480, s24;
	[sflag:s26] =	ssyncadd.s32 $0xFFFFE000  }
0xc4: {  	[spmem:s2] =	stream.indirect.scatter.add.bf16 [tilespmem:s21], [sflag:$0x8], $0x40, s5, s15, $0xb8;
	[tilespmem:$0x1C200] =	vst v63  }
0xc5: {  	_ =	swait.ge [sflag:s0], $0x2000  }
0xc6: {  	[sflag:s0] =	ssyncset.done $0x0  }
0xc7: {  	p1 =	seq.s32 s20, $0x2800;
	s5 =	sadd.s32 $0x480, s24;
	[sflag:s0] =	ssyncadd.s32 $0xFFFFE000  }
0xc8: {  	[tilespmem:s30], [sflag:$0x5] =	stream.indirect.gather [hbm4b:s4+s15], $0x40, s5, s15, $0xb8;
	[tilespmem:$0x1C200] =	vst v63  }
.Ltmp5:
0xc9: {  	_ = 	snop;
	(pc) =	sbr.rel @p1 .LBB2_9-.Ltmp5, $4  }
0xca: {  	_ =	swait.ge [sflag:s31], $0x2000  }
0xcb: {  	[sflag:s31] =	ssyncset.done $0x0  }
0xcc: {  	s5 =	sadd.s32 $0x4500, s24;
	[sflag:s31] =	ssyncadd.s32 $0xFFFFE000  }
0xcd: {  	[spmem:s2] =	stream.indirect.scatter.add.bf16 [tilespmem:s25], [sflag:$0x9], $0x40, s5, s15, $0xb8;
	[tilespmem:$0x1C200] =	vst v63  }
0xce: {  	_ =	swait.ge [sflag:s1], $0x2000  }
0xcf: {  	[sflag:s1] =	ssyncset.done $0x0  }
0xd0: {  	s5 =	sadd.s32 $0x500, s24;
	[sflag:s1] =	ssyncadd.s32 $0xFFFFE000  }
0xd1: {  	[tilespmem:s16], [sflag:$0x1] =	stream.indirect.gather [hbm4b:s4+s15], $0x40, s5, s15, $0xb8;
	[tilespmem:$0x1C200] =	vst v63  }
0xd2: {  	_ =	swait.ge [sflag:s19], $0x2000  }
0xd3: {  	[sflag:s19] =	ssyncset.done $0x0  }
0xd4: {  	s5 =	sadd.s32 $0x4580, s24;
	[sflag:s19] =	ssyncadd.s32 $0xFFFFE000  }
0xd5: {  	[spmem:s2] =	stream.indirect.scatter.add.bf16 [tilespmem:s30], [sflag:$0xA], $0x40, s5, s15, $0xb8;
	[tilespmem:$0x1C200] =	vst v63  }
.Ltmp6:
0xd6: {  	_ = 	snop;
	(pc) =	sbr.rel .LBB2_6-.Ltmp6, $4  }
0xd7: {  	_ =	swait.ge [sflag:s23], $0x2000  }
0xd8: {  	[sflag:s23] =	ssyncset.done $0x0  }
0xd9: {  	s20 =	sadd.s32 $0xA00, s20;
	s24 =	sadd.s32 $0x580, s24;
	[sflag:s23] =	ssyncadd.s32 $0xFFFFE000  }
0xda: {  	[tilespmem:s17], [sflag:$0x2] =	stream.indirect.gather [hbm4b:s4+s15], $0x40, s24, s15, $0xb8;
	[tilespmem:$0x1C200] =	vst v63  }
.LBB2_8:
.Ltmp7:
0xdb: {  	(pc) =	sbr.rel .LBB2_10-.Ltmp7, $2  }
0xdc: {  	_ =	sdelay $0x2  }
0xdd: {  	s20 =	sadd.s32 $0x1200, s20  }
.LBB2_11:
0xde: {  	_ =	sfence.sel $0x180000  }
0xdf: {  	[bflag:$0x0] =	sbarrier.arrive $0xFFFF  }
0xe0: {  	_ =	strace $0x90000050  }
0xe1: {  	s0 =	stileid.u32;
	[bflag:$0x2] =	sbarrier.arrive $0xFFFF  }
0xe2: {  	p0 =	sne.s32 s0, $0x0;
	s0 =	rddreg [dreg:$0x3]  }
0xe3: {  	s0 =	sadd.s32 @!p0 $0x100000, s0  }
0xe4: {  	[sflag:s0] =	ssyncadd.tile.s32 @!p0 $0x1;
	_ =	shalt  }
.Lfunc_end2:
_tile_overlayer_lowered:
.L_overlay_start_2:
0xe5: {  	(tag) =	ssettag $0x2  }
0xe6: {  	s0 =	rddreg [dreg:$0x0];
	s2 =	stileid.u32  }
0xe7: {  	s1 =	rddreg [dreg:$0x1];
	p0 =	sne.s32 s2, $0x0  }
0xe8: {  	s3 =	rddreg [dreg:$0x2];
	[bflag:$0x3] =	sbarrier.arrive $0xFFFF;
	s2 =	simm.s32 @!p0 $0x1C0B  }
0xe9: {  	[timem:s3], [sflag:s2] =	dma.local @!p0 [hbm:s0], s1  }
0xea: {  	s0 =	simm.s32 @!p0 $0xB  }
0xeb: {  	_ =	swait.ge @!p0 [sflag:s0], s1  }
0xec: {  	s1 =	ssub.s32 @!p0 $0x0, s1;
	[sflag:s0] =	ssyncset.done @!p0 $0x0  }
0xed: {  	[sflag:s0] =	ssyncadd.s32 @!p0 s1  }
0xee: {  	[bflag:$0x3] =	sbarrier.arrive $0xFFFF  }
0xef: {  	_ =	shalt  }

</sc_bundles>
